<compile_context>
chip_gen: v7x
topology: tpu7x:2x2x1
jax: 0.10.2.dev20260603
libtpu: 0.0.44.dev20260713+nightly
codegen_flags: <defaults>
</compile_context>

<pallas_src>
import functools

import jax
import jax.numpy as jnp
from jax import lax
from jax.experimental import pallas as pl
from jax.experimental.pallas import tpu as pltpu
from jax.experimental.pallas import tpu_sc as plsc

N = 4096
KNN = 16
BIG = 1e9
EPS = 1e-5
_KNN_ROWS = 512
_CONV_ROWS = 256


def _rowsq_body(x_ref, sq_ref):
    xv = x_ref[...]
    sq_ref[...] = jnp.sum(xv * xv, axis=1, keepdims=True)


def _rowsq(xfeat):
    return pl.pallas_call(
        _rowsq_body,
        out_shape=jax.ShapeDtypeStruct((N, 1), jnp.float32),
    )(xfeat)


def _knn_body(xr_ref, xT_ref, sqr_ref, sqc_ref, br_ref, bc_ref, idx_ref, *, rows):
    i = pl.program_id(0)
    prod = jnp.dot(xr_ref[...], xT_ref[...], preferred_element_type=jnp.float32)
    score = (sqr_ref[...] + sqc_ref[...]) - 2.0 * prod
    row_ids = i * rows + lax.broadcasted_iota(jnp.int32, (rows, N), 0)
    col_ids = lax.broadcasted_iota(jnp.int32, (rows, N), 1)
    score = jnp.where(br_ref[...] != bc_ref[...], BIG, score)
    score = score + jnp.where(row_ids == col_ids, BIG, 0.0)
    for t in range(KNN):
        m = jnp.min(score, axis=1, keepdims=True)
        amin = jnp.min(jnp.where(score == m, col_ids, N), axis=1, keepdims=True)
        idx_ref[:, pl.ds(t, 1)] = amin
        score = jnp.where(col_ids == amin, BIG, score)


def _knn(xfeat, sq, batch):
    d = xfeat.shape[1]
    r = _KNN_ROWS
    return pl.pallas_call(
        functools.partial(_knn_body, rows=r),
        grid=(N // r,),
        in_specs=[
            pl.BlockSpec((r, d), lambda i: (i, 0)),
            pl.BlockSpec((d, N), lambda i: (0, 0)),
            pl.BlockSpec((r, 1), lambda i: (i, 0)),
            pl.BlockSpec((1, N), lambda i: (0, 0)),
            pl.BlockSpec((r, 1), lambda i: (i, 0)),
            pl.BlockSpec((1, N), lambda i: (0, 0)),
        ],
        out_specs=pl.BlockSpec((r, KNN), lambda i: (i, 0)),
        out_shape=jax.ShapeDtypeStruct((N, KNN), jnp.int32),
    )(xfeat, xfeat.T, sq.reshape(N, 1), sq.reshape(1, N),
      batch.reshape(N, 1), batch.reshape(1, N))


def _sc_gather(table, idx_flat):
    v, d = table.shape
    b = idx_flat.shape[0]
    nc, ns = 2, 16
    bpw = b // (nc * ns)
    ch = 128
    nch = bpw // ch
    mesh = plsc.VectorSubcoreMesh(core_axis_name="c", subcore_axis_name="s")

    @functools.partial(
        pl.kernel,
        mesh=mesh,
        out_type=jax.ShapeDtypeStruct((b, d), jnp.float32),
        scratch_types=[
            pltpu.VMEM((nch, ch), jnp.int32),
            pltpu.VMEM((ch, d), jnp.float32),
            pltpu.SemaphoreType.DMA,
        ],
        compiler_params=pltpu.CompilerParams(use_tc_tiling_on_sc=False),
    )
    def k(table_hbm, idx_hbm, out_hbm, idx_v, rows_v, sem):
        wid = lax.axis_index("s") * nc + lax.axis_index("c")
        base = wid * nch
        pltpu.sync_copy(idx_hbm.at[pl.ds(base, nch)], idx_v)
        for c in range(nch):
            pltpu.async_copy(table_hbm.at[idx_v.at[c]], rows_v, sem).wait()
            pltpu.sync_copy(rows_v, out_hbm.at[pl.ds((base + c) * ch, ch)])

    return k(table, idx_flat.reshape(b // ch, ch))


def _conv1st_body(xg_ref, xi_ref, w1_ref, b1_ref, h1_ref, st_ref):
    rb = xg_ref.shape[0]
    f = xg_ref.shape[2]
    xj = xg_ref[...].reshape(rb * KNN, f)
    xi = jnp.broadcast_to(xi_ref[...], (rb, KNN, f)).reshape(rb * KNN, f)
    feat = jnp.concatenate([xi, xj - xi], axis=1)
    h = jnp.dot(feat, w1_ref[...], preferred_element_type=jnp.float32) + b1_ref[...]
    h = jnp.maximum(h, 0.0)
    part = jnp.concatenate(
        [jnp.sum(h, axis=0, keepdims=True), jnp.sum(h * h, axis=0, keepdims=True)],
        axis=0,
    )

    @pl.when(pl.program_id(0) == 0)
    def _init():
        st_ref[...] = jnp.zeros_like(st_ref)

    st_ref[...] += part
    h1_ref[...] = h


def _conv1st(xg3, xi3, w1, b1):
    f = xg3.shape[2]
    fo = w1.shape[1]
    r = _CONV_ROWS
    return pl.pallas_call(
        _conv1st_body,
        grid=(N // r,),
        in_specs=[
            pl.BlockSpec((r, KNN, f), lambda i: (i, 0, 0)),
            pl.BlockSpec((r, 1, f), lambda i: (i, 0, 0)),
            pl.BlockSpec((2 * f, fo), lambda i: (0, 0)),
            pl.BlockSpec((1, fo), lambda i: (0, 0)),
        ],
        out_specs=[
            pl.BlockSpec((r * KNN, fo), lambda i: (i, 0)),
            pl.BlockSpec((2, fo), lambda i: (0, 0)),
        ],
        out_shape=[
            jax.ShapeDtypeStruct((N * KNN, fo), jnp.float32),
            jax.ShapeDtypeStruct((2, fo), jnp.float32),
        ],
        compiler_params=pltpu.CompilerParams(dimension_semantics=("arbitrary",)),
    )(xg3, xi3, w1, b1)


def _norm(h, st, g, be, nrows):
    mu = st[0:1, :] * (1.0 / nrows)
    var = st[1:2, :] * (1.0 / nrows) - mu * mu
    return (h - mu) / jnp.sqrt(var + EPS) * g + be


def _convB_body(h1_ref, st1_ref, w2_ref, b2_ref, g1_ref, be1_ref,
                hmax_ref, hmin_ref, st2_ref, *, nk):
    rb = h1_ref.shape[0]
    f = h1_ref.shape[2]
    h1 = _norm(h1_ref[...].reshape(rb * KNN, f), st1_ref[...], g1_ref[...],
               be1_ref[...], nk)
    h2 = jnp.dot(h1, w2_ref[...], preferred_element_type=jnp.float32) + b2_ref[...]
    h2 = jnp.maximum(h2, 0.0)
    part = jnp.concatenate(
        [jnp.sum(h2, axis=0, keepdims=True), jnp.sum(h2 * h2, axis=0, keepdims=True)],
        axis=0,
    )

    @pl.when(pl.program_id(0) == 0)
    def _init():
        st2_ref[...] = jnp.zeros_like(st2_ref)

    st2_ref[...] += part
    h3 = h2.reshape(rb, KNN, h2.shape[1])
    hmax_ref[...] = jnp.max(h3, axis=1)
    hmin_ref[...] = jnp.min(h3, axis=1)


def _convB(h13, st1, w2, b2, g1, be1):
    f = h13.shape[2]
    fo = w2.shape[1]
    r = _CONV_ROWS
    return pl.pallas_call(
        functools.partial(_convB_body, nk=float(N * KNN)),
        grid=(N // r,),
        in_specs=[
            pl.BlockSpec((r, KNN, f), lambda i: (i, 0, 0)),
            pl.BlockSpec((2, f), lambda i: (0, 0)),
            pl.BlockSpec((f, fo), lambda i: (0, 0)),
            pl.BlockSpec((1, fo), lambda i: (0, 0)),
            pl.BlockSpec((1, f), lambda i: (0, 0)),
            pl.BlockSpec((1, f), lambda i: (0, 0)),
        ],
        out_specs=[
            pl.BlockSpec((r, fo), lambda i: (i, 0)),
            pl.BlockSpec((r, fo), lambda i: (i, 0)),
            pl.BlockSpec((2, fo), lambda i: (0, 0)),
        ],
        out_shape=[
            jax.ShapeDtypeStruct((N, fo), jnp.float32),
            jax.ShapeDtypeStruct((N, fo), jnp.float32),
            jax.ShapeDtypeStruct((2, fo), jnp.float32),
        ],
        compiler_params=pltpu.CompilerParams(dimension_semantics=("arbitrary",)),
    )(h13, st1, w2, b2, g1, be1)


def _fin_body(hmax_ref, hmin_ref, st_ref, g_ref, be_ref, x_ref, sq_ref, *, nk):
    g = g_ref[...]
    h = jnp.where(g >= 0.0, hmax_ref[...], hmin_ref[...])
    xv = _norm(h, st_ref[...], g, be_ref[...], nk)
    x_ref[...] = xv
    sq_ref[...] = jnp.sum(xv * xv, axis=1, keepdims=True)


def _fin(hmax, hmin, st, g, be):
    f = hmax.shape[1]
    return pl.pallas_call(
        functools.partial(_fin_body, nk=float(N * KNN)),
        out_shape=(
            jax.ShapeDtypeStruct((N, f), jnp.float32),
            jax.ShapeDtypeStruct((N, 1), jnp.float32),
        ),
    )(hmax, hmin, st, g, be)


def _lin1_body(x1_ref, x2_ref, x3_ref, w_ref, b_ref, o_ref, st_ref):
    hv = jnp.concatenate([x1_ref[...], x2_ref[...], x3_ref[...]], axis=1)
    o = jnp.dot(hv, w_ref[...], preferred_element_type=jnp.float32) + b_ref[...]
    o = jnp.maximum(o, 0.0)
    part = jnp.concatenate(
        [jnp.sum(o, axis=0, keepdims=True), jnp.sum(o * o, axis=0, keepdims=True)],
        axis=0,
    )

    @pl.when(pl.program_id(0) == 0)
    def _init():
        st_ref[...] = jnp.zeros_like(st_ref)

    st_ref[...] += part
    o_ref[...] = o


def _lin1(x1, x2, x3, w, b):
    f = x1.shape[1]
    fo = w.shape[1]
    r = 512
    return pl.pallas_call(
        _lin1_body,
        grid=(N // r,),
        in_specs=[
            pl.BlockSpec((r, f), lambda i: (i, 0)),
            pl.BlockSpec((r, f), lambda i: (i, 0)),
            pl.BlockSpec((r, f), lambda i: (i, 0)),
            pl.BlockSpec((3 * f, fo), lambda i: (0, 0)),
            pl.BlockSpec((1, fo), lambda i: (0, 0)),
        ],
        out_specs=[
            pl.BlockSpec((r, fo), lambda i: (i, 0)),
            pl.BlockSpec((2, fo), lambda i: (0, 0)),
        ],
        out_shape=[
            jax.ShapeDtypeStruct((N, fo), jnp.float32),
            jax.ShapeDtypeStruct((2, fo), jnp.float32),
        ],
        compiler_params=pltpu.CompilerParams(dimension_semantics=("arbitrary",)),
    )(x1, x2, x3, w, b)


def _mid_body(h_ref, st_ref, g_ref, be_ref, w_ref, b_ref, o_ref, st2_ref, *, nrows):
    hv = _norm(h_ref[...], st_ref[...], g_ref[...], be_ref[...], nrows)
    o = jnp.dot(hv, w_ref[...], preferred_element_type=jnp.float32) + b_ref[...]
    o = jnp.maximum(o, 0.0)
    part = jnp.concatenate(
        [jnp.sum(o, axis=0, keepdims=True), jnp.sum(o * o, axis=0, keepdims=True)],
        axis=0,
    )

    @pl.when(pl.program_id(0) == 0)
    def _init():
        st2_ref[...] = jnp.zeros_like(st2_ref)

    st2_ref[...] += part
    o_ref[...] = o


def _mid(h, st, g, be, w, b):
    f = h.shape[1]
    fo = w.shape[1]
    r = 512
    return pl.pallas_call(
        functools.partial(_mid_body, nrows=float(N)),
        grid=(N // r,),
        in_specs=[
            pl.BlockSpec((r, f), lambda i: (i, 0)),
            pl.BlockSpec((2, f), lambda i: (0, 0)),
            pl.BlockSpec((1, f), lambda i: (0, 0)),
            pl.BlockSpec((1, f), lambda i: (0, 0)),
            pl.BlockSpec((f, fo), lambda i: (0, 0)),
            pl.BlockSpec((1, fo), lambda i: (0, 0)),
        ],
        out_specs=[
            pl.BlockSpec((r, fo), lambda i: (i, 0)),
            pl.BlockSpec((2, fo), lambda i: (0, 0)),
        ],
        out_shape=[
            jax.ShapeDtypeStruct((N, fo), jnp.float32),
            jax.ShapeDtypeStruct((2, fo), jnp.float32),
        ],
        compiler_params=pltpu.CompilerParams(dimension_semantics=("arbitrary",)),
    )(h, st, g, be, w, b)


def _out_body(h_ref, st_ref, g_ref, be_ref, w_ref, b_ref, o_ref, *, nrows):
    hv = _norm(h_ref[...], st_ref[...], g_ref[...], be_ref[...], nrows)
    o = jnp.dot(hv, w_ref[...], preferred_element_type=jnp.float32) + b_ref[...]
    m = jnp.max(o, axis=1, keepdims=True)
    e = jnp.exp(o - m)
    lse = jnp.log(jnp.sum(e, axis=1, keepdims=True))
    o_ref[...] = o - m - lse


def _out(h, st, g, be, w, b):
    fo = w.shape[1]
    return pl.pallas_call(
        functools.partial(_out_body, nrows=float(N)),
        out_shape=jax.ShapeDtypeStruct((N, fo), jnp.float32),
    )(h, st, g, be, w, b)


def _conv_stage(xfeat, sq, batch, conv, cdim):
    cp = xfeat.shape[1]
    idx = _knn(xfeat, sq, batch)
    xg = _sc_gather(xfeat, idx.reshape(-1))
    w1 = conv[0]["W"]
    w1r = jnp.concatenate(
        [jnp.pad(w1[:cdim], ((0, cp - cdim), (0, 0))),
         jnp.pad(w1[cdim:], ((0, cp - cdim), (0, 0)))], axis=0)
    h1, st1 = _conv1st(xg.reshape(N, KNN, cp), xfeat.reshape(N, 1, cp),
                       w1r, conv[0]["b"].reshape(1, -1))
    fo = conv[0]["W"].shape[1]
    hmax, hmin, st2 = _convB(
        h1.reshape(N, KNN, fo), st1,
        conv[1]["W"], conv[1]["b"].reshape(1, -1),
        conv[0]["g"].reshape(1, -1), conv[0]["be"].reshape(1, -1),
    )
    return _fin(hmax, hmin, st2, conv[1]["g"].reshape(1, -1),
                conv[1]["be"].reshape(1, -1))


def kernel(x, pos, batch, params):
    batch = batch.astype(jnp.int32)
    x0 = jnp.concatenate([x, pos], axis=1)
    x0p = jnp.pad(x0, ((0, 0), (0, 64 - x0.shape[1])))
    sq0 = _rowsq(x0p)

    x1, sq1 = _conv_stage(x0p, sq0, batch, params["conv1"], x0.shape[1])
    x2, sq2 = _conv_stage(x1, sq1, batch, params["conv2"], x1.shape[1])
    x3, _ = _conv_stage(x2, sq2, batch, params["conv3"], x2.shape[1])

    l1 = params["lin1"][0]
    m1 = params["mlp1"][0]
    m2 = params["mlp2"][0]
    h, st = _lin1(x1, x2, x3, l1["W"], l1["b"].reshape(1, -1))
    h, st = _mid(h, st, l1["g"].reshape(1, -1), l1["be"].reshape(1, -1),
                 m1["W"], m1["b"].reshape(1, -1))
    h, st = _mid(h, st, m1["g"].reshape(1, -1), m1["be"].reshape(1, -1),
                 m2["W"], m2["b"].reshape(1, -1))
    return _out(h, st, m2["g"].reshape(1, -1), m2["be"].reshape(1, -1),
                params["out_W"], params["out_b"].reshape(1, -1))

# --- scband reference (transcript-rebuilt; emitter-appended) ---
"""Pipeline reference for scband-net-44710609551888 (READ-ONLY COPY).

The authoritative reference and input builder live on the scoring server;
editing this copy changes nothing except your own understanding.
"""

import jax, jax.numpy as jnp
import numpy as np

K = 16

def mlp_init(key, dims):
    layers = []
    for i in range(1, len(dims)):
        key, k1 = jax.random.split(key)
        W = jax.random.normal(k1, (dims[i - 1], dims[i]), jnp.float32) / np.sqrt(dims[i - 1])
        layers.append({"W": W,
                       "b": jnp.zeros((dims[i],), jnp.float32),
                       "g": jnp.ones((dims[i],), jnp.float32),
                       "be": jnp.zeros((dims[i],), jnp.float32)})
    return key, layers

def setup_inputs(seed: int = 0) -> dict:
    key = jax.random.key(seed)
    N, B = 4096, 4
    k1, k2, k3 = jax.random.split(key, 3)
    x = jax.random.normal(k1, (N, 3), jnp.float32)
    pos = jax.random.normal(k2, (N, 3), jnp.float32)
    batch = jnp.sort(jax.random.randint(k3, (N,), 0, B))
    pk = jax.random.key(1)
    params = {}
    pk, params["conv1"] = mlp_init(pk, [12, 64, 64])
    pk, params["conv2"] = mlp_init(pk, [128, 64, 64])
    pk, params["conv3"] = mlp_init(pk, [128, 64, 64])
    pk, params["lin1"] = mlp_init(pk, [192, 1024])
    pk, params["mlp1"] = mlp_init(pk, [1024, 256])
    pk, params["mlp2"] = mlp_init(pk, [256, 128])
    pk, kf = jax.random.split(pk)
    params["out_W"] = jax.random.normal(kf, (128, 40), jnp.float32) / np.sqrt(128.0)
    params["out_b"] = jnp.zeros((40,), jnp.float32)
    return {"x": x, "pos": pos, "batch": batch, "params": params}

def mlp_apply(layers, h):
    # PyG example MLP: Lin -> ReLU -> BatchNorm (training-mode stats over dim 0)
    for L in layers:
        h = jax.nn.relu(h @ L["W"] + L["b"])
        mu = jnp.mean(h, axis=0, keepdims=True)
        var = jnp.var(h, axis=0, keepdims=True)
        h = (h - mu) / jnp.sqrt(var + 1e-5) * L["g"] + L["be"]
    return h

def edge_conv(x, batch, layers, k):
    # DynamicEdgeConv: kNN graph rebuilt in feature space (per-cloud via batch mask),
    # message mlp([x_i, x_j - x_i]) with max aggregation.
    n = x.shape[0]
    sq = jnp.sum(x * x, axis=1)
    d = sq[:, None] + sq[None, :] - 2.0 * (x @ x.T)
    big = jnp.float32(1e9)
    d = jnp.where(batch[:, None] != batch[None, :], big, d)
    d = d + jnp.eye(n, dtype=x.dtype) * big
    idx = jax.lax.stop_gradient(jax.lax.top_k(-d, k)[1])
    xj = x[idx]
    xi = jnp.broadcast_to(x[:, None, :], xj.shape)
    feat = jnp.concatenate([xi, xj - xi], axis=-1)
    h = mlp_apply(layers, feat.reshape(n * k, -1)).reshape(n, k, -1)
    return jnp.max(h, axis=1)

def _forward(x, pos, batch, params):
    x0 = jnp.concatenate([x, pos], axis=-1)
    x1 = edge_conv(x0, batch, params["conv1"], K)
    x2 = edge_conv(x1, batch, params["conv2"], K)
    x3 = edge_conv(x2, batch, params["conv3"], K)
    out = mlp_apply(params["lin1"], jnp.concatenate([x1, x2, x3], axis=1))
    out = mlp_apply(params["mlp1"], out)
    out = mlp_apply(params["mlp2"], out)
    out = out @ params["out_W"] + params["out_b"]
    return jax.nn.log_softmax(out, axis=1)

def reference(x, pos, batch, params):
    return _forward(x, pos, batch, params)

if __name__ == "__main__":
    import jax
    _d = setup_inputs()
    print(jax.jit(kernel)(*tuple(_d.values())))

</pallas_src>

<mosaic_0001>
#map = affine_map<(d0, d1) -> (0, 0)>
module attributes {stable_mosaic.version = 14 : i64} {
  func.func @k(%arg0: i32, %arg1: i32, %arg2: memref<4096x64xf32, #tpu.memory_space<hbm>>, %arg3: memref<512x128xi32, #tpu.memory_space<hbm>>, %arg4: memref<65536x64xf32, #tpu.memory_space<hbm>>, %arg5: memref<16x128xi32, #tpu.memory_space<vmem>>, %arg6: memref<128x64xf32, #tpu.memory_space<vmem>>, %arg7: memref<!tpu.dma_semaphore, #tpu.memory_space<semaphore_mem>>) attributes {dimension_semantics = [#tpu.dimension_semantics<core_parallel>, #tpu.dimension_semantics<subcore_parallel>], iteration_bounds = array<i64: 2, 16>, scalar_prefetch = 0 : i64, scratch_operands = 3 : i64, tpu.core_type = #tpu.core_type<sc_vector_subcore>, window_params = [{transform_indices = #map}, {transform_indices = #map}, {transform_indices = #map}]} {
    %mul3A = arith.constant 2 : i32
    %mul3A_0 = arith.muli %arg1, %mul3A : i32
    %add3A = arith.addi %mul3A_0, %arg0 : i32
    %mul3A_1 = arith.constant 16 : i32
    %mul3A_2 = arith.muli %add3A, %mul3A_1 : i32
    "tpu.region"() ({
      %run_scoped3A = tpu.sem_alloc : memref<!tpu.dma_semaphore, #tpu.memory_space<semaphore_mem>>
      %dma_start3A_289 = arith.constant 0 : i32
      %dma_start3A_290 = tpu.memref_slice %arg3[%mul3A_2, %dma_start3A_289] : memref<512x128xi32, #tpu.memory_space<hbm>> -> memref<16x128xi32, #tpu.memory_space<hbm>>
      %dma_start3A_291 = arith.constant 0 : i32
      %dma_start3A_292 = tpu.memref_slice %arg3[%mul3A_2, %dma_start3A_291] : memref<512x128xi32, #tpu.memory_space<hbm>> -> memref<16x128xi32, #tpu.memory_space<hbm>>
      tpu.enqueue_dma source(%dma_start3A_292 : memref<16x128xi32, #tpu.memory_space<hbm>>) target(%arg5 : memref<16x128xi32, #tpu.memory_space<vmem>>) target_semaphore(%run_scoped3A : memref<!tpu.dma_semaphore, #tpu.memory_space<semaphore_mem>>)
      %dma_wait3A_293 = arith.constant 0 : i32
      %dma_wait3A_294 = tpu.memref_slice %arg3[%mul3A_2, %dma_wait3A_293] : memref<512x128xi32, #tpu.memory_space<hbm>> -> memref<16x128xi32, #tpu.memory_space<hbm>>
      %dma_wait3A_295 = arith.constant 0 : i32
      %dma_wait3A_296 = tpu.memref_slice %arg3[%mul3A_2, %dma_wait3A_295] : memref<512x128xi32, #tpu.memory_space<hbm>> -> memref<16x128xi32, #tpu.memory_space<hbm>>
      tpu.wait_dma2 semaphore(%run_scoped3A : memref<!tpu.dma_semaphore, #tpu.memory_space<semaphore_mem>>) src(%dma_wait3A_296 : memref<16x128xi32, #tpu.memory_space<hbm>>) dst(%arg5 : memref<16x128xi32, #tpu.memory_space<vmem>>)
      tpu.yield
    }) : () -> ()
    %dma_start3A = arith.constant 0 : i32
    %dma_start3A_3 = arith.constant 0 : i32
    %dma_start3A_4 = tpu.memref_slice %arg5[%dma_start3A, %dma_start3A_3] : memref<16x128xi32, #tpu.memory_space<vmem>> -> memref<1x128xi32, #tpu.memory_space<vmem>>
    %dma_start3A_5 = tpu.memref_squeeze %dma_start3A_4 : memref<1x128xi32, #tpu.memory_space<vmem>> -> memref<128xi32, #tpu.memory_space<vmem>>
    %dma_start3A_6 = arith.constant 0 : i32
    %dma_start3A_7 = arith.constant 0 : i32
    %dma_start3A_8 = tpu.memref_slice %arg2[%dma_start3A_6, %dma_start3A_7] : memref<4096x64xf32, #tpu.memory_space<hbm>> -> memref<4096x64xf32, #tpu.memory_space<hbm>>
    tpu.enqueue_indirect_dma source(%dma_start3A_8 : memref<4096x64xf32, #tpu.memory_space<hbm>>) target(%arg6 : memref<128x64xf32, #tpu.memory_space<vmem>>) offsets(%dma_start3A_5 : memref<128xi32, #tpu.memory_space<vmem>>) semaphore(%arg7 : memref<!tpu.dma_semaphore, #tpu.memory_space<semaphore_mem>>)
    %dma_wait3A = arith.constant 0 : i32
    %dma_wait3A_9 = arith.constant 0 : i32
    %dma_wait3A_10 = tpu.memref_slice %arg5[%dma_wait3A, %dma_wait3A_9] : memref<16x128xi32, #tpu.memory_space<vmem>> -> memref<1x128xi32, #tpu.memory_space<vmem>>
    %dma_wait3A_11 = tpu.memref_squeeze %dma_wait3A_10 : memref<1x128xi32, #tpu.memory_space<vmem>> -> memref<128xi32, #tpu.memory_space<vmem>>
    %dma_wait3A_12 = arith.constant 0 : i32
    %dma_wait3A_13 = arith.constant 0 : i32
    %dma_wait3A_14 = tpu.memref_slice %arg2[%dma_wait3A_12, %dma_wait3A_13] : memref<4096x64xf32, #tpu.memory_space<hbm>> -> memref<4096x64xf32, #tpu.memory_space<hbm>>
    tpu.wait_indirect_dma semaphore(%arg7 : memref<!tpu.dma_semaphore, #tpu.memory_space<semaphore_mem>>) src(%dma_wait3A_14 : memref<4096x64xf32, #tpu.memory_space<hbm>>) dst(%arg6 : memref<128x64xf32, #tpu.memory_space<vmem>>)
    %add3A_15 = arith.constant 0 : i32
    %add3A_16 = arith.addi %mul3A_2, %add3A_15 : i32
    %mul3A_17 = arith.constant 128 : i32
    %mul3A_18 = arith.muli %add3A_16, %mul3A_17 : i32
    "tpu.region"() ({
      %run_scoped3A = tpu.sem_alloc : memref<!tpu.dma_semaphore, #tpu.memory_space<semaphore_mem>>
      %dma_start3A_289 = arith.constant 0 : i32
      %dma_start3A_290 = tpu.memref_slice %arg4[%mul3A_18, %dma_start3A_289] : memref<65536x64xf32, #tpu.memory_space<hbm>> -> memref<128x64xf32, #tpu.memory_space<hbm>>
      %dma_start3A_291 = arith.constant 0 : i32
      %dma_start3A_292 = tpu.memref_slice %arg4[%mul3A_18, %dma_start3A_291] : memref<65536x64xf32, #tpu.memory_space<hbm>> -> memref<128x64xf32, #tpu.memory_space<hbm>>
      tpu.enqueue_dma source(%arg6 : memref<128x64xf32, #tpu.memory_space<vmem>>) target(%dma_start3A_292 : memref<128x64xf32, #tpu.memory_space<hbm>>) target_semaphore(%run_scoped3A : memref<!tpu.dma_semaphore, #tpu.memory_space<semaphore_mem>>)
      %dma_wait3A_293 = arith.constant 0 : i32
      %dma_wait3A_294 = tpu.memref_slice %arg4[%mul3A_18, %dma_wait3A_293] : memref<65536x64xf32, #tpu.memory_space<hbm>> -> memref<128x64xf32, #tpu.memory_space<hbm>>
      %dma_wait3A_295 = arith.constant 0 : i32
      %dma_wait3A_296 = tpu.memref_slice %arg4[%mul3A_18, %dma_wait3A_295] : memref<65536x64xf32, #tpu.memory_space<hbm>> -> memref<128x64xf32, #tpu.memory_space<hbm>>
      tpu.wait_dma2 semaphore(%run_scoped3A : memref<!tpu.dma_semaphore, #tpu.memory_space<semaphore_mem>>) src(%arg6 : memref<128x64xf32, #tpu.memory_space<vmem>>) dst(%dma_wait3A_296 : memref<128x64xf32, #tpu.memory_space<hbm>>)
      tpu.yield
    }) : () -> ()
    %dma_start3A_19 = arith.constant 1 : i32
    %dma_start3A_20 = arith.constant 0 : i32
    %dma_start3A_21 = tpu.memref_slice %arg5[%dma_start3A_19, %dma_start3A_20] : memref<16x128xi32, #tpu.memory_space<vmem>> -> memref<1x128xi32, #tpu.memory_space<vmem>>
    %dma_start3A_22 = tpu.memref_squeeze %dma_start3A_21 : memref<1x128xi32, #tpu.memory_space<vmem>> -> memref<128xi32, #tpu.memory_space<vmem>>
    %dma_start3A_23 = arith.constant 0 : i32
    %dma_start3A_24 = arith.constant 0 : i32
    %dma_start3A_25 = tpu.memref_slice %arg2[%dma_start3A_23, %dma_start3A_24] : memref<4096x64xf32, #tpu.memory_space<hbm>> -> memref<4096x64xf32, #tpu.memory_space<hbm>>
    tpu.enqueue_indirect_dma source(%dma_start3A_25 : memref<4096x64xf32, #tpu.memory_space<hbm>>) target(%arg6 : memref<128x64xf32, #tpu.memory_space<vmem>>) offsets(%dma_start3A_22 : memref<128xi32, #tpu.memory_space<vmem>>) semaphore(%arg7 : memref<!tpu.dma_semaphore, #tpu.memory_space<semaphore_mem>>)
    %dma_wait3A_26 = arith.constant 1 : i32
    %dma_wait3A_27 = arith.constant 0 : i32
    %dma_wait3A_28 = tpu.memref_slice %arg5[%dma_wait3A_26, %dma_wait3A_27] : memref<16x128xi32, #tpu.memory_space<vmem>> -> memref<1x128xi32, #tpu.memory_space<vmem>>
    %dma_wait3A_29 = tpu.memref_squeeze %dma_wait3A_28 : memref<1x128xi32, #tpu.memory_space<vmem>> -> memref<128xi32, #tpu.memory_space<vmem>>
    %dma_wait3A_30 = arith.constant 0 : i32
    %dma_wait3A_31 = arith.constant 0 : i32
    %dma_wait3A_32 = tpu.memref_slice %arg2[%dma_wait3A_30, %dma_wait3A_31] : memref<4096x64xf32, #tpu.memory_space<hbm>> -> memref<4096x64xf32, #tpu.memory_space<hbm>>
    tpu.wait_indirect_dma semaphore(%arg7 : memref<!tpu.dma_semaphore, #tpu.memory_space<semaphore_mem>>) src(%dma_wait3A_32 : memref<4096x64xf32, #tpu.memory_space<hbm>>) dst(%arg6 : memref<128x64xf32, #tpu.memory_space<vmem>>)
    %add3A_33 = arith.constant 1 : i32
    %add3A_34 = arith.addi %mul3A_2, %add3A_33 : i32
    %mul3A_35 = arith.constant 128 : i32
    %mul3A_36 = arith.muli %add3A_34, %mul3A_35 : i32
    "tpu.region"() ({
      %run_scoped3A = tpu.sem_alloc : memref<!tpu.dma_semaphore, #tpu.memory_space<semaphore_mem>>
      %dma_start3A_289 = arith.constant 0 : i32
      %dma_start3A_290 = tpu.memref_slice %arg4[%mul3A_36, %dma_start3A_289] : memref<65536x64xf32, #tpu.memory_space<hbm>> -> memref<128x64xf32, #tpu.memory_space<hbm>>
      %dma_start3A_291 = arith.constant 0 : i32
      %dma_start3A_292 = tpu.memref_slice %arg4[%mul3A_36, %dma_start3A_291] : memref<65536x64xf32, #tpu.memory_space<hbm>> -> memref<128x64xf32, #tpu.memory_space<hbm>>
      tpu.enqueue_dma source(%arg6 : memref<128x64xf32, #tpu.memory_space<vmem>>) target(%dma_start3A_292 : memref<128x64xf32, #tpu.memory_space<hbm>>) target_semaphore(%run_scoped3A : memref<!tpu.dma_semaphore, #tpu.memory_space<semaphore_mem>>)
      %dma_wait3A_293 = arith.constant 0 : i32
      %dma_wait3A_294 = tpu.memref_slice %arg4[%mul3A_36, %dma_wait3A_293] : memref<65536x64xf32, #tpu.memory_space<hbm>> -> memref<128x64xf32, #tpu.memory_space<hbm>>
      %dma_wait3A_295 = arith.constant 0 : i32
      %dma_wait3A_296 = tpu.memref_slice %arg4[%mul3A_36, %dma_wait3A_295] : memref<65536x64xf32, #tpu.memory_space<hbm>> -> memref<128x64xf32, #tpu.memory_space<hbm>>
      tpu.wait_dma2 semaphore(%run_scoped3A : memref<!tpu.dma_semaphore, #tpu.memory_space<semaphore_mem>>) src(%arg6 : memref<128x64xf32, #tpu.memory_space<vmem>>) dst(%dma_wait3A_296 : memref<128x64xf32, #tpu.memory_space<hbm>>)
      tpu.yield
    }) : () -> ()
    %dma_start3A_37 = arith.constant 2 : i32
    %dma_start3A_38 = arith.constant 0 : i32
    %dma_start3A_39 = tpu.memref_slice %arg5[%dma_start3A_37, %dma_start3A_38] : memref<16x128xi32, #tpu.memory_space<vmem>> -> memref<1x128xi32, #tpu.memory_space<vmem>>
    %dma_start3A_40 = tpu.memref_squeeze %dma_start3A_39 : memref<1x128xi32, #tpu.memory_space<vmem>> -> memref<128xi32, #tpu.memory_space<vmem>>
    %dma_start3A_41 = arith.constant 0 : i32
    %dma_start3A_42 = arith.constant 0 : i32
    %dma_start3A_43 = tpu.memref_slice %arg2[%dma_start3A_41, %dma_start3A_42] : memref<4096x64xf32, #tpu.memory_space<hbm>> -> memref<4096x64xf32, #tpu.memory_space<hbm>>
    tpu.enqueue_indirect_dma source(%dma_start3A_43 : memref<4096x64xf32, #tpu.memory_space<hbm>>) target(%arg6 : memref<128x64xf32, #tpu.memory_space<vmem>>) offsets(%dma_start3A_40 : memref<128xi32, #tpu.memory_space<vmem>>) semaphore(%arg7 : memref<!tpu.dma_semaphore, #tpu.memory_space<semaphore_mem>>)
    %dma_wait3A_44 = arith.constant 2 : i32
    %dma_wait3A_45 = arith.constant 0 : i32
    %dma_wait3A_46 = tpu.memref_slice %arg5[%dma_wait3A_44, %dma_wait3A_45] : memref<16x128xi32, #tpu.memory_space<vmem>> -> memref<1x128xi32, #tpu.memory_space<vmem>>
    %dma_wait3A_47 = tpu.memref_squeeze %dma_wait3A_46 : memref<1x128xi32, #tpu.memory_space<vmem>> -> memref<128xi32, #tpu.memory_space<vmem>>
    %dma_wait3A_48 = arith.constant 0 : i32
    %dma_wait3A_49 = arith.constant 0 : i32
    %dma_wait3A_50 = tpu.memref_slice %arg2[%dma_wait3A_48, %dma_wait3A_49] : memref<4096x64xf32, #tpu.memory_space<hbm>> -> memref<4096x64xf32, #tpu.memory_space<hbm>>
    tpu.wait_indirect_dma semaphore(%arg7 : memref<!tpu.dma_semaphore, #tpu.memory_space<semaphore_mem>>) src(%dma_wait3A_50 : memref<4096x64xf32, #tpu.memory_space<hbm>>) dst(%arg6 : memref<128x64xf32, #tpu.memory_space<vmem>>)
    %add3A_51 = arith.constant 2 : i32
    %add3A_52 = arith.addi %mul3A_2, %add3A_51 : i32
    %mul3A_53 = arith.constant 128 : i32
    %mul3A_54 = arith.muli %add3A_52, %mul3A_53 : i32
    "tpu.region"() ({
      %run_scoped3A = tpu.sem_alloc : memref<!tpu.dma_semaphore, #tpu.memory_space<semaphore_mem>>
      %dma_start3A_289 = arith.constant 0 : i32
      %dma_start3A_290 = tpu.memref_slice %arg4[%mul3A_54, %dma_start3A_289] : memref<65536x64xf32, #tpu.memory_space<hbm>> -> memref<128x64xf32, #tpu.memory_space<hbm>>
      %dma_start3A_291 = arith.constant 0 : i32
      %dma_start3A_292 = tpu.memref_slice %arg4[%mul3A_54, %dma_start3A_291] : memref<65536x64xf32, #tpu.memory_space<hbm>> -> memref<128x64xf32, #tpu.memory_space<hbm>>
      tpu.enqueue_dma source(%arg6 : memref<128x64xf32, #tpu.memory_space<vmem>>) target(%dma_start3A_292 : memref<128x64xf32, #tpu.memory_space<hbm>>) target_semaphore(%run_scoped3A : memref<!tpu.dma_semaphore, #tpu.memory_space<semaphore_mem>>)
      %dma_wait3A_293 = arith.constant 0 : i32
      %dma_wait3A_294 = tpu.memref_slice %arg4[%mul3A_54, %dma_wait3A_293] : memref<65536x64xf32, #tpu.memory_space<hbm>> -> memref<128x64xf32, #tpu.memory_space<hbm>>
      %dma_wait3A_295 = arith.constant 0 : i32
      %dma_wait3A_296 = tpu.memref_slice %arg4[%mul3A_54, %dma_wait3A_295] : memref<65536x64xf32, #tpu.memory_space<hbm>> -> memref<128x64xf32, #tpu.memory_space<hbm>>
      tpu.wait_dma2 semaphore(%run_scoped3A : memref<!tpu.dma_semaphore, #tpu.memory_space<semaphore_mem>>) src(%arg6 : memref<128x64xf32, #tpu.memory_space<vmem>>) dst(%dma_wait3A_296 : memref<128x64xf32, #tpu.memory_space<hbm>>)
      tpu.yield
    }) : () -> ()
    %dma_start3A_55 = arith.constant 3 : i32
    %dma_start3A_56 = arith.constant 0 : i32
    %dma_start3A_57 = tpu.memref_slice %arg5[%dma_start3A_55, %dma_start3A_56] : memref<16x128xi32, #tpu.memory_space<vmem>> -> memref<1x128xi32, #tpu.memory_space<vmem>>
    %dma_start3A_58 = tpu.memref_squeeze %dma_start3A_57 : memref<1x128xi32, #tpu.memory_space<vmem>> -> memref<128xi32, #tpu.memory_space<vmem>>
    %dma_start3A_59 = arith.constant 0 : i32
    %dma_start3A_60 = arith.constant 0 : i32
    %dma_start3A_61 = tpu.memref_slice %arg2[%dma_start3A_59, %dma_start3A_60] : memref<4096x64xf32, #tpu.memory_space<hbm>> -> memref<4096x64xf32, #tpu.memory_space<hbm>>
    tpu.enqueue_indirect_dma source(%dma_start3A_61 : memref<4096x64xf32, #tpu.memory_space<hbm>>) target(%arg6 : memref<128x64xf32, #tpu.memory_space<vmem>>) offsets(%dma_start3A_58 : memref<128xi32, #tpu.memory_space<vmem>>) semaphore(%arg7 : memref<!tpu.dma_semaphore, #tpu.memory_space<semaphore_mem>>)
    %dma_wait3A_62 = arith.constant 3 : i32
    %dma_wait3A_63 = arith.constant 0 : i32
    %dma_wait3A_64 = tpu.memref_slice %arg5[%dma_wait3A_62, %dma_wait3A_63] : memref<16x128xi32, #tpu.memory_space<vmem>> -> memref<1x128xi32, #tpu.memory_space<vmem>>
    %dma_wait3A_65 = tpu.memref_squeeze %dma_wait3A_64 : memref<1x128xi32, #tpu.memory_space<vmem>> -> memref<128xi32, #tpu.memory_space<vmem>>
    %dma_wait3A_66 = arith.constant 0 : i32
    %dma_wait3A_67 = arith.constant 0 : i32
    %dma_wait3A_68 = tpu.memref_slice %arg2[%dma_wait3A_66, %dma_wait3A_67] : memref<4096x64xf32, #tpu.memory_space<hbm>> -> memref<4096x64xf32, #tpu.memory_space<hbm>>
    tpu.wait_indirect_dma semaphore(%arg7 : memref<!tpu.dma_semaphore, #tpu.memory_space<semaphore_mem>>) src(%dma_wait3A_68 : memref<4096x64xf32, #tpu.memory_space<hbm>>) dst(%arg6 : memref<128x64xf32, #tpu.memory_space<vmem>>)
    %add3A_69 = arith.constant 3 : i32
    %add3A_70 = arith.addi %mul3A_2, %add3A_69 : i32
    %mul3A_71 = arith.constant 128 : i32
    %mul3A_72 = arith.muli %add3A_70, %mul3A_71 : i32
    "tpu.region"() ({
      %run_scoped3A = tpu.sem_alloc : memref<!tpu.dma_semaphore, #tpu.memory_space<semaphore_mem>>
      %dma_start3A_289 = arith.constant 0 : i32
      %dma_start3A_290 = tpu.memref_slice %arg4[%mul3A_72, %dma_start3A_289] : memref<65536x64xf32, #tpu.memory_space<hbm>> -> memref<128x64xf32, #tpu.memory_space<hbm>>
      %dma_start3A_291 = arith.constant 0 : i32
      %dma_start3A_292 = tpu.memref_slice %arg4[%mul3A_72, %dma_start3A_291] : memref<65536x64xf32, #tpu.memory_space<hbm>> -> memref<128x64xf32, #tpu.memory_space<hbm>>
      tpu.enqueue_dma source(%arg6 : memref<128x64xf32, #tpu.memory_space<vmem>>) target(%dma_start3A_292 : memref<128x64xf32, #tpu.memory_space<hbm>>) target_semaphore(%run_scoped3A : memref<!tpu.dma_semaphore, #tpu.memory_space<semaphore_mem>>)
      %dma_wait3A_293 = arith.constant 0 : i32
      %dma_wait3A_294 = tpu.memref_slice %arg4[%mul3A_72, %dma_wait3A_293] : memref<65536x64xf32, #tpu.memory_space<hbm>> -> memref<128x64xf32, #tpu.memory_space<hbm>>
      %dma_wait3A_295 = arith.constant 0 : i32
      %dma_wait3A_296 = tpu.memref_slice %arg4[%mul3A_72, %dma_wait3A_295] : memref<65536x64xf32, #tpu.memory_space<hbm>> -> memref<128x64xf32, #tpu.memory_space<hbm>>
      tpu.wait_dma2 semaphore(%run_scoped3A : memref<!tpu.dma_semaphore, #tpu.memory_space<semaphore_mem>>) src(%arg6 : memref<128x64xf32, #tpu.memory_space<vmem>>) dst(%dma_wait3A_296 : memref<128x64xf32, #tpu.memory_space<hbm>>)
      tpu.yield
    }) : () -> ()
    %dma_start3A_73 = arith.constant 4 : i32
    %dma_start3A_74 = arith.constant 0 : i32
    %dma_start3A_75 = tpu.memref_slice %arg5[%dma_start3A_73, %dma_start3A_74] : memref<16x128xi32, #tpu.memory_space<vmem>> -> memref<1x128xi32, #tpu.memory_space<vmem>>
    %dma_start3A_76 = tpu.memref_squeeze %dma_start3A_75 : memref<1x128xi32, #tpu.memory_space<vmem>> -> memref<128xi32, #tpu.memory_space<vmem>>
    %dma_start3A_77 = arith.constant 0 : i32
    %dma_start3A_78 = arith.constant 0 : i32
    %dma_start3A_79 = tpu.memref_slice %arg2[%dma_start3A_77, %dma_start3A_78] : memref<4096x64xf32, #tpu.memory_space<hbm>> -> memref<4096x64xf32, #tpu.memory_space<hbm>>
    tpu.enqueue_indirect_dma source(%dma_start3A_79 : memref<4096x64xf32, #tpu.memory_space<hbm>>) target(%arg6 : memref<128x64xf32, #tpu.memory_space<vmem>>) offsets(%dma_start3A_76 : memref<128xi32, #tpu.memory_space<vmem>>) semaphore(%arg7 : memref<!tpu.dma_semaphore, #tpu.memory_space<semaphore_mem>>)
    %dma_wait3A_80 = arith.constant 4 : i32
    %dma_wait3A_81 = arith.constant 0 : i32
    %dma_wait3A_82 = tpu.memref_slice %arg5[%dma_wait3A_80, %dma_wait3A_81] : memref<16x128xi32, #tpu.memory_space<vmem>> -> memref<1x128xi32, #tpu.memory_space<vmem>>
    %dma_wait3A_83 = tpu.memref_squeeze %dma_wait3A_82 : memref<1x128xi32, #tpu.memory_space<vmem>> -> memref<128xi32, #tpu.memory_space<vmem>>
    %dma_wait3A_84 = arith.constant 0 : i32
    %dma_wait3A_85 = arith.constant 0 : i32
    %dma_wait3A_86 = tpu.memref_slice %arg2[%dma_wait3A_84, %dma_wait3A_85] : memref<4096x64xf32, #tpu.memory_space<hbm>> -> memref<4096x64xf32, #tpu.memory_space<hbm>>
    tpu.wait_indirect_dma semaphore(%arg7 : memref<!tpu.dma_semaphore, #tpu.memory_space<semaphore_mem>>) src(%dma_wait3A_86 : memref<4096x64xf32, #tpu.memory_space<hbm>>) dst(%arg6 : memref<128x64xf32, #tpu.memory_space<vmem>>)
    %add3A_87 = arith.constant 4 : i32
    %add3A_88 = arith.addi %mul3A_2, %add3A_87 : i32
    %mul3A_89 = arith.constant 128 : i32
    %mul3A_90 = arith.muli %add3A_88, %mul3A_89 : i32
    "tpu.region"() ({
      %run_scoped3A = tpu.sem_alloc : memref<!tpu.dma_semaphore, #tpu.memory_space<semaphore_mem>>
      %dma_start3A_289 = arith.constant 0 : i32
      %dma_start3A_290 = tpu.memref_slice %arg4[%mul3A_90, %dma_start3A_289] : memref<65536x64xf32, #tpu.memory_space<hbm>> -> memref<128x64xf32, #tpu.memory_space<hbm>>
      %dma_start3A_291 = arith.constant 0 : i32
      %dma_start3A_292 = tpu.memref_slice %arg4[%mul3A_90, %dma_start3A_291] : memref<65536x64xf32, #tpu.memory_space<hbm>> -> memref<128x64xf32, #tpu.memory_space<hbm>>
      tpu.enqueue_dma source(%arg6 : memref<128x64xf32, #tpu.memory_space<vmem>>) target(%dma_start3A_292 : memref<128x64xf32, #tpu.memory_space<hbm>>) target_semaphore(%run_scoped3A : memref<!tpu.dma_semaphore, #tpu.memory_space<semaphore_mem>>)
      %dma_wait3A_293 = arith.constant 0 : i32
      %dma_wait3A_294 = tpu.memref_slice %arg4[%mul3A_90, %dma_wait3A_293] : memref<65536x64xf32, #tpu.memory_space<hbm>> -> memref<128x64xf32, #tpu.memory_space<hbm>>
      %dma_wait3A_295 = arith.constant 0 : i32
      %dma_wait3A_296 = tpu.memref_slice %arg4[%mul3A_90, %dma_wait3A_295] : memref<65536x64xf32, #tpu.memory_space<hbm>> -> memref<128x64xf32, #tpu.memory_space<hbm>>
      tpu.wait_dma2 semaphore(%run_scoped3A : memref<!tpu.dma_semaphore, #tpu.memory_space<semaphore_mem>>) src(%arg6 : memref<128x64xf32, #tpu.memory_space<vmem>>) dst(%dma_wait3A_296 : memref<128x64xf32, #tpu.memory_space<hbm>>)
      tpu.yield
    }) : () -> ()
    %dma_start3A_91 = arith.constant 5 : i32
    %dma_start3A_92 = arith.constant 0 : i32
    %dma_start3A_93 = tpu.memref_slice %arg5[%dma_start3A_91, %dma_start3A_92] : memref<16x128xi32, #tpu.memory_space<vmem>> -> memref<1x128xi32, #tpu.memory_space<vmem>>
    %dma_start3A_94 = tpu.memref_squeeze %dma_start3A_93 : memref<1x128xi32, #tpu.memory_space<vmem>> -> memref<128xi32, #tpu.memory_space<vmem>>
    %dma_start3A_95 = arith.constant 0 : i32
    %dma_start3A_96 = arith.constant 0 : i32
    %dma_start3A_97 = tpu.memref_slice %arg2[%dma_start3A_95, %dma_start3A_96] : memref<4096x64xf32, #tpu.memory_space<hbm>> -> memref<4096x64xf32, #tpu.memory_space<hbm>>
    tpu.enqueue_indirect_dma source(%dma_start3A_97 : memref<4096x64xf32, #tpu.memory_space<hbm>>) target(%arg6 : memref<128x64xf32, #tpu.memory_space<vmem>>) offsets(%dma_start3A_94 : memref<128xi32, #tpu.memory_space<vmem>>) semaphore(%arg7 : memref<!tpu.dma_semaphore, #tpu.memory_space<semaphore_mem>>)
    %dma_wait3A_98 = arith.constant 5 : i32
    %dma_wait3A_99 = arith.constant 0 : i32
    %dma_wait3A_100 = tpu.memref_slice %arg5[%dma_wait3A_98, %dma_wait3A_99] : memref<16x128xi32, #tpu.memory_space<vmem>> -> memref<1x128xi32, #tpu.memory_space<vmem>>
    %dma_wait3A_101 = tpu.memref_squeeze %dma_wait3A_100 : memref<1x128xi32, #tpu.memory_space<vmem>> -> memref<128xi32, #tpu.memory_space<vmem>>
    %dma_wait3A_102 = arith.constant 0 : i32
    %dma_wait3A_103 = arith.constant 0 : i32
    %dma_wait3A_104 = tpu.memref_slice %arg2[%dma_wait3A_102, %dma_wait3A_103] : memref<4096x64xf32, #tpu.memory_space<hbm>> -> memref<4096x64xf32, #tpu.memory_space<hbm>>
    tpu.wait_indirect_dma semaphore(%arg7 : memref<!tpu.dma_semaphore, #tpu.memory_space<semaphore_mem>>) src(%dma_wait3A_104 : memref<4096x64xf32, #tpu.memory_space<hbm>>) dst(%arg6 : memref<128x64xf32, #tpu.memory_space<vmem>>)
    %add3A_105 = arith.constant 5 : i32
    %add3A_106 = arith.addi %mul3A_2, %add3A_105 : i32
    %mul3A_107 = arith.constant 128 : i32
    %mul3A_108 = arith.muli %add3A_106, %mul3A_107 : i32
    "tpu.region"() ({
      %run_scoped3A = tpu.sem_alloc : memref<!tpu.dma_semaphore, #tpu.memory_space<semaphore_mem>>
      %dma_start3A_289 = arith.constant 0 : i32
      %dma_start3A_290 = tpu.memref_slice %arg4[%mul3A_108, %dma_start3A_289] : memref<65536x64xf32, #tpu.memory_space<hbm>> -> memref<128x64xf32, #tpu.memory_space<hbm>>
      %dma_start3A_291 = arith.constant 0 : i32
      %dma_start3A_292 = tpu.memref_slice %arg4[%mul3A_108, %dma_start3A_291] : memref<65536x64xf32, #tpu.memory_space<hbm>> -> memref<128x64xf32, #tpu.memory_space<hbm>>
      tpu.enqueue_dma source(%arg6 : memref<128x64xf32, #tpu.memory_space<vmem>>) target(%dma_start3A_292 : memref<128x64xf32, #tpu.memory_space<hbm>>) target_semaphore(%run_scoped3A : memref<!tpu.dma_semaphore, #tpu.memory_space<semaphore_mem>>)
      %dma_wait3A_293 = arith.constant 0 : i32
      %dma_wait3A_294 = tpu.memref_slice %arg4[%mul3A_108, %dma_wait3A_293] : memref<65536x64xf32, #tpu.memory_space<hbm>> -> memref<128x64xf32, #tpu.memory_space<hbm>>
      %dma_wait3A_295 = arith.constant 0 : i32
      %dma_wait3A_296 = tpu.memref_slice %arg4[%mul3A_108, %dma_wait3A_295] : memref<65536x64xf32, #tpu.memory_space<hbm>> -> memref<128x64xf32, #tpu.memory_space<hbm>>
      tpu.wait_dma2 semaphore(%run_scoped3A : memref<!tpu.dma_semaphore, #tpu.memory_space<semaphore_mem>>) src(%arg6 : memref<128x64xf32, #tpu.memory_space<vmem>>) dst(%dma_wait3A_296 : memref<128x64xf32, #tpu.memory_space<hbm>>)
      tpu.yield
    }) : () -> ()
    %dma_start3A_109 = arith.constant 6 : i32
    %dma_start3A_110 = arith.constant 0 : i32
    %dma_start3A_111 = tpu.memref_slice %arg5[%dma_start3A_109, %dma_start3A_110] : memref<16x128xi32, #tpu.memory_space<vmem>> -> memref<1x128xi32, #tpu.memory_space<vmem>>
    %dma_start3A_112 = tpu.memref_squeeze %dma_start3A_111 : memref<1x128xi32, #tpu.memory_space<vmem>> -> memref<128xi32, #tpu.memory_space<vmem>>
    %dma_start3A_113 = arith.constant 0 : i32
    %dma_start3A_114 = arith.constant 0 : i32
    %dma_start3A_115 = tpu.memref_slice %arg2[%dma_start3A_113, %dma_start3A_114] : memref<4096x64xf32, #tpu.memory_space<hbm>> -> memref<4096x64xf32, #tpu.memory_space<hbm>>
    tpu.enqueue_indirect_dma source(%dma_start3A_115 : memref<4096x64xf32, #tpu.memory_space<hbm>>) target(%arg6 : memref<128x64xf32, #tpu.memory_space<vmem>>) offsets(%dma_start3A_112 : memref<128xi32, #tpu.memory_space<vmem>>) semaphore(%arg7 : memref<!tpu.dma_semaphore, #tpu.memory_space<semaphore_mem>>)
    %dma_wait3A_116 = arith.constant 6 : i32
    %dma_wait3A_117 = arith.constant 0 : i32
    %dma_wait3A_118 = tpu.memref_slice %arg5[%dma_wait3A_116, %dma_wait3A_117] : memref<16x128xi32, #tpu.memory_space<vmem>> -> memref<1x128xi32, #tpu.memory_space<vmem>>
    %dma_wait3A_119 = tpu.memref_squeeze %dma_wait3A_118 : memref<1x128xi32, #tpu.memory_space<vmem>> -> memref<128xi32, #tpu.memory_space<vmem>>
    %dma_wait3A_120 = arith.constant 0 : i32
    %dma_wait3A_121 = arith.constant 0 : i32
    %dma_wait3A_122 = tpu.memref_slice %arg2[%dma_wait3A_120, %dma_wait3A_121] : memref<4096x64xf32, #tpu.memory_space<hbm>> -> memref<4096x64xf32, #tpu.memory_space<hbm>>
    tpu.wait_indirect_dma semaphore(%arg7 : memref<!tpu.dma_semaphore, #tpu.memory_space<semaphore_mem>>) src(%dma_wait3A_122 : memref<4096x64xf32, #tpu.memory_space<hbm>>) dst(%arg6 : memref<128x64xf32, #tpu.memory_space<vmem>>)
    %add3A_123 = arith.constant 6 : i32
    %add3A_124 = arith.addi %mul3A_2, %add3A_123 : i32
    %mul3A_125 = arith.constant 128 : i32
    %mul3A_126 = arith.muli %add3A_124, %mul3A_125 : i32
    "tpu.region"() ({
      %run_scoped3A = tpu.sem_alloc : memref<!tpu.dma_semaphore, #tpu.memory_space<semaphore_mem>>
      %dma_start3A_289 = arith.constant 0 : i32
      %dma_start3A_290 = tpu.memref_slice %arg4[%mul3A_126, %dma_start3A_289] : memref<65536x64xf32, #tpu.memory_space<hbm>> -> memref<128x64xf32, #tpu.memory_space<hbm>>
      %dma_start3A_291 = arith.constant 0 : i32
      %dma_start3A_292 = tpu.memref_slice %arg4[%mul3A_126, %dma_start3A_291] : memref<65536x64xf32, #tpu.memory_space<hbm>> -> memref<128x64xf32, #tpu.memory_space<hbm>>
      tpu.enqueue_dma source(%arg6 : memref<128x64xf32, #tpu.memory_space<vmem>>) target(%dma_start3A_292 : memref<128x64xf32, #tpu.memory_space<hbm>>) target_semaphore(%run_scoped3A : memref<!tpu.dma_semaphore, #tpu.memory_space<semaphore_mem>>)
      %dma_wait3A_293 = arith.constant 0 : i32
      %dma_wait3A_294 = tpu.memref_slice %arg4[%mul3A_126, %dma_wait3A_293] : memref<65536x64xf32, #tpu.memory_space<hbm>> -> memref<128x64xf32, #tpu.memory_space<hbm>>
      %dma_wait3A_295 = arith.constant 0 : i32
      %dma_wait3A_296 = tpu.memref_slice %arg4[%mul3A_126, %dma_wait3A_295] : memref<65536x64xf32, #tpu.memory_space<hbm>> -> memref<128x64xf32, #tpu.memory_space<hbm>>
      tpu.wait_dma2 semaphore(%run_scoped3A : memref<!tpu.dma_semaphore, #tpu.memory_space<semaphore_mem>>) src(%arg6 : memref<128x64xf32, #tpu.memory_space<vmem>>) dst(%dma_wait3A_296 : memref<128x64xf32, #tpu.memory_space<hbm>>)
      tpu.yield
    }) : () -> ()
    %dma_start3A_127 = arith.constant 7 : i32
    %dma_start3A_128 = arith.constant 0 : i32
    %dma_start3A_129 = tpu.memref_slice %arg5[%dma_start3A_127, %dma_start3A_128] : memref<16x128xi32, #tpu.memory_space<vmem>> -> memref<1x128xi32, #tpu.memory_space<vmem>>
    %dma_start3A_130 = tpu.memref_squeeze %dma_start3A_129 : memref<1x128xi32, #tpu.memory_space<vmem>> -> memref<128xi32, #tpu.memory_space<vmem>>
    %dma_start3A_131 = arith.constant 0 : i32
    %dma_start3A_132 = arith.constant 0 : i32
    %dma_start3A_133 = tpu.memref_slice %arg2[%dma_start3A_131, %dma_start3A_132] : memref<4096x64xf32, #tpu.memory_space<hbm>> -> memref<4096x64xf32, #tpu.memory_space<hbm>>
    tpu.enqueue_indirect_dma source(%dma_start3A_133 : memref<4096x64xf32, #tpu.memory_space<hbm>>) target(%arg6 : memref<128x64xf32, #tpu.memory_space<vmem>>) offsets(%dma_start3A_130 : memref<128xi32, #tpu.memory_space<vmem>>) semaphore(%arg7 : memref<!tpu.dma_semaphore, #tpu.memory_space<semaphore_mem>>)
    %dma_wait3A_134 = arith.constant 7 : i32
    %dma_wait3A_135 = arith.constant 0 : i32
    %dma_wait3A_136 = tpu.memref_slice %arg5[%dma_wait3A_134, %dma_wait3A_135] : memref<16x128xi32, #tpu.memory_space<vmem>> -> memref<1x128xi32, #tpu.memory_space<vmem>>
    %dma_wait3A_137 = tpu.memref_squeeze %dma_wait3A_136 : memref<1x128xi32, #tpu.memory_space<vmem>> -> memref<128xi32, #tpu.memory_space<vmem>>
    %dma_wait3A_138 = arith.constant 0 : i32
    %dma_wait3A_139 = arith.constant 0 : i32
    %dma_wait3A_140 = tpu.memref_slice %arg2[%dma_wait3A_138, %dma_wait3A_139] : memref<4096x64xf32, #tpu.memory_space<hbm>> -> memref<4096x64xf32, #tpu.memory_space<hbm>>
    tpu.wait_indirect_dma semaphore(%arg7 : memref<!tpu.dma_semaphore, #tpu.memory_space<semaphore_mem>>) src(%dma_wait3A_140 : memref<4096x64xf32, #tpu.memory_space<hbm>>) dst(%arg6 : memref<128x64xf32, #tpu.memory_space<vmem>>)
    %add3A_141 = arith.constant 7 : i32
    %add3A_142 = arith.addi %mul3A_2, %add3A_141 : i32
    %mul3A_143 = arith.constant 128 : i32
    %mul3A_144 = arith.muli %add3A_142, %mul3A_143 : i32
    "tpu.region"() ({
      %run_scoped3A = tpu.sem_alloc : memref<!tpu.dma_semaphore, #tpu.memory_space<semaphore_mem>>
      %dma_start3A_289 = arith.constant 0 : i32
      %dma_start3A_290 = tpu.memref_slice %arg4[%mul3A_144, %dma_start3A_289] : memref<65536x64xf32, #tpu.memory_space<hbm>> -> memref<128x64xf32, #tpu.memory_space<hbm>>
      %dma_start3A_291 = arith.constant 0 : i32
      %dma_start3A_292 = tpu.memref_slice %arg4[%mul3A_144, %dma_start3A_291] : memref<65536x64xf32, #tpu.memory_space<hbm>> -> memref<128x64xf32, #tpu.memory_space<hbm>>
      tpu.enqueue_dma source(%arg6 : memref<128x64xf32, #tpu.memory_space<vmem>>) target(%dma_start3A_292 : memref<128x64xf32, #tpu.memory_space<hbm>>) target_semaphore(%run_scoped3A : memref<!tpu.dma_semaphore, #tpu.memory_space<semaphore_mem>>)
      %dma_wait3A_293 = arith.constant 0 : i32
      %dma_wait3A_294 = tpu.memref_slice %arg4[%mul3A_144, %dma_wait3A_293] : memref<65536x64xf32, #tpu.memory_space<hbm>> -> memref<128x64xf32, #tpu.memory_space<hbm>>
      %dma_wait3A_295 = arith.constant 0 : i32
      %dma_wait3A_296 = tpu.memref_slice %arg4[%mul3A_144, %dma_wait3A_295] : memref<65536x64xf32, #tpu.memory_space<hbm>> -> memref<128x64xf32, #tpu.memory_space<hbm>>
      tpu.wait_dma2 semaphore(%run_scoped3A : memref<!tpu.dma_semaphore, #tpu.memory_space<semaphore_mem>>) src(%arg6 : memref<128x64xf32, #tpu.memory_space<vmem>>) dst(%dma_wait3A_296 : memref<128x64xf32, #tpu.memory_space<hbm>>)
      tpu.yield
    }) : () -> ()
    %dma_start3A_145 = arith.constant 8 : i32
    %dma_start3A_146 = arith.constant 0 : i32
    %dma_start3A_147 = tpu.memref_slice %arg5[%dma_start3A_145, %dma_start3A_146] : memref<16x128xi32, #tpu.memory_space<vmem>> -> memref<1x128xi32, #tpu.memory_space<vmem>>
    %dma_start3A_148 = tpu.memref_squeeze %dma_start3A_147 : memref<1x128xi32, #tpu.memory_space<vmem>> -> memref<128xi32, #tpu.memory_space<vmem>>
    %dma_start3A_149 = arith.constant 0 : i32
    %dma_start3A_150 = arith.constant 0 : i32
    %dma_start3A_151 = tpu.memref_slice %arg2[%dma_start3A_149, %dma_start3A_150] : memref<4096x64xf32, #tpu.memory_space<hbm>> -> memref<4096x64xf32, #tpu.memory_space<hbm>>
    tpu.enqueue_indirect_dma source(%dma_start3A_151 : memref<4096x64xf32, #tpu.memory_space<hbm>>) target(%arg6 : memref<128x64xf32, #tpu.memory_space<vmem>>) offsets(%dma_start3A_148 : memref<128xi32, #tpu.memory_space<vmem>>) semaphore(%arg7 : memref<!tpu.dma_semaphore, #tpu.memory_space<semaphore_mem>>)
    %dma_wait3A_152 = arith.constant 8 : i32
    %dma_wait3A_153 = arith.constant 0 : i32
    %dma_wait3A_154 = tpu.memref_slice %arg5[%dma_wait3A_152, %dma_wait3A_153] : memref<16x128xi32, #tpu.memory_space<vmem>> -> memref<1x128xi32, #tpu.memory_space<vmem>>
    %dma_wait3A_155 = tpu.memref_squeeze %dma_wait3A_154 : memref<1x128xi32, #tpu.memory_space<vmem>> -> memref<128xi32, #tpu.memory_space<vmem>>
    %dma_wait3A_156 = arith.constant 0 : i32
    %dma_wait3A_157 = arith.constant 0 : i32
    %dma_wait3A_158 = tpu.memref_slice %arg2[%dma_wait3A_156, %dma_wait3A_157] : memref<4096x64xf32, #tpu.memory_space<hbm>> -> memref<4096x64xf32, #tpu.memory_space<hbm>>
    tpu.wait_indirect_dma semaphore(%arg7 : memref<!tpu.dma_semaphore, #tpu.memory_space<semaphore_mem>>) src(%dma_wait3A_158 : memref<4096x64xf32, #tpu.memory_space<hbm>>) dst(%arg6 : memref<128x64xf32, #tpu.memory_space<vmem>>)
    %add3A_159 = arith.constant 8 : i32
    %add3A_160 = arith.addi %mul3A_2, %add3A_159 : i32
    %mul3A_161 = arith.constant 128 : i32
    %mul3A_162 = arith.muli %add3A_160, %mul3A_161 : i32
    "tpu.region"() ({
      %run_scoped3A = tpu.sem_alloc : memref<!tpu.dma_semaphore, #tpu.memory_space<semaphore_mem>>
      %dma_start3A_289 = arith.constant 0 : i32
      %dma_start3A_290 = tpu.memref_slice %arg4[%mul3A_162, %dma_start3A_289] : memref<65536x64xf32, #tpu.memory_space<hbm>> -> memref<128x64xf32, #tpu.memory_space<hbm>>
      %dma_start3A_291 = arith.constant 0 : i32
      %dma_start3A_292 = tpu.memref_slice %arg4[%mul3A_162, %dma_start3A_291] : memref<65536x64xf32, #tpu.memory_space<hbm>> -> memref<128x64xf32, #tpu.memory_space<hbm>>
      tpu.enqueue_dma source(%arg6 : memref<128x64xf32, #tpu.memory_space<vmem>>) target(%dma_start3A_292 : memref<128x64xf32, #tpu.memory_space<hbm>>) target_semaphore(%run_scoped3A : memref<!tpu.dma_semaphore, #tpu.memory_space<semaphore_mem>>)
      %dma_wait3A_293 = arith.constant 0 : i32
      %dma_wait3A_294 = tpu.memref_slice %arg4[%mul3A_162, %dma_wait3A_293] : memref<65536x64xf32, #tpu.memory_space<hbm>> -> memref<128x64xf32, #tpu.memory_space<hbm>>
      %dma_wait3A_295 = arith.constant 0 : i32
      %dma_wait3A_296 = tpu.memref_slice %arg4[%mul3A_162, %dma_wait3A_295] : memref<65536x64xf32, #tpu.memory_space<hbm>> -> memref<128x64xf32, #tpu.memory_space<hbm>>
      tpu.wait_dma2 semaphore(%run_scoped3A : memref<!tpu.dma_semaphore, #tpu.memory_space<semaphore_mem>>) src(%arg6 : memref<128x64xf32, #tpu.memory_space<vmem>>) dst(%dma_wait3A_296 : memref<128x64xf32, #tpu.memory_space<hbm>>)
      tpu.yield
    }) : () -> ()
    %dma_start3A_163 = arith.constant 9 : i32
    %dma_start3A_164 = arith.constant 0 : i32
    %dma_start3A_165 = tpu.memref_slice %arg5[%dma_start3A_163, %dma_start3A_164] : memref<16x128xi32, #tpu.memory_space<vmem>> -> memref<1x128xi32, #tpu.memory_space<vmem>>
    %dma_start3A_166 = tpu.memref_squeeze %dma_start3A_165 : memref<1x128xi32, #tpu.memory_space<vmem>> -> memref<128xi32, #tpu.memory_space<vmem>>
    %dma_start3A_167 = arith.constant 0 : i32
    %dma_start3A_168 = arith.constant 0 : i32
    %dma_start3A_169 = tpu.memref_slice %arg2[%dma_start3A_167, %dma_start3A_168] : memref<4096x64xf32, #tpu.memory_space<hbm>> -> memref<4096x64xf32, #tpu.memory_space<hbm>>
    tpu.enqueue_indirect_dma source(%dma_start3A_169 : memref<4096x64xf32, #tpu.memory_space<hbm>>) target(%arg6 : memref<128x64xf32, #tpu.memory_space<vmem>>) offsets(%dma_start3A_166 : memref<128xi32, #tpu.memory_space<vmem>>) semaphore(%arg7 : memref<!tpu.dma_semaphore, #tpu.memory_space<semaphore_mem>>)
    %dma_wait3A_170 = arith.constant 9 : i32
    %dma_wait3A_171 = arith.constant 0 : i32
    %dma_wait3A_172 = tpu.memref_slice %arg5[%dma_wait3A_170, %dma_wait3A_171] : memref<16x128xi32, #tpu.memory_space<vmem>> -> memref<1x128xi32, #tpu.memory_space<vmem>>
    %dma_wait3A_173 = tpu.memref_squeeze %dma_wait3A_172 : memref<1x128xi32, #tpu.memory_space<vmem>> -> memref<128xi32, #tpu.memory_space<vmem>>
    %dma_wait3A_174 = arith.constant 0 : i32
    %dma_wait3A_175 = arith.constant 0 : i32
    %dma_wait3A_176 = tpu.memref_slice %arg2[%dma_wait3A_174, %dma_wait3A_175] : memref<4096x64xf32, #tpu.memory_space<hbm>> -> memref<4096x64xf32, #tpu.memory_space<hbm>>
    tpu.wait_indirect_dma semaphore(%arg7 : memref<!tpu.dma_semaphore, #tpu.memory_space<semaphore_mem>>) src(%dma_wait3A_176 : memref<4096x64xf32, #tpu.memory_space<hbm>>) dst(%arg6 : memref<128x64xf32, #tpu.memory_space<vmem>>)
    %add3A_177 = arith.constant 9 : i32
    %add3A_178 = arith.addi %mul3A_2, %add3A_177 : i32
    %mul3A_179 = arith.constant 128 : i32
    %mul3A_180 = arith.muli %add3A_178, %mul3A_179 : i32
    "tpu.region"() ({
      %run_scoped3A = tpu.sem_alloc : memref<!tpu.dma_semaphore, #tpu.memory_space<semaphore_mem>>
      %dma_start3A_289 = arith.constant 0 : i32
      %dma_start3A_290 = tpu.memref_slice %arg4[%mul3A_180, %dma_start3A_289] : memref<65536x64xf32, #tpu.memory_space<hbm>> -> memref<128x64xf32, #tpu.memory_space<hbm>>
      %dma_start3A_291 = arith.constant 0 : i32
      %dma_start3A_292 = tpu.memref_slice %arg4[%mul3A_180, %dma_start3A_291] : memref<65536x64xf32, #tpu.memory_space<hbm>> -> memref<128x64xf32, #tpu.memory_space<hbm>>
      tpu.enqueue_dma source(%arg6 : memref<128x64xf32, #tpu.memory_space<vmem>>) target(%dma_start3A_292 : memref<128x64xf32, #tpu.memory_space<hbm>>) target_semaphore(%run_scoped3A : memref<!tpu.dma_semaphore, #tpu.memory_space<semaphore_mem>>)
      %dma_wait3A_293 = arith.constant 0 : i32
      %dma_wait3A_294 = tpu.memref_slice %arg4[%mul3A_180, %dma_wait3A_293] : memref<65536x64xf32, #tpu.memory_space<hbm>> -> memref<128x64xf32, #tpu.memory_space<hbm>>
      %dma_wait3A_295 = arith.constant 0 : i32
      %dma_wait3A_296 = tpu.memref_slice %arg4[%mul3A_180, %dma_wait3A_295] : memref<65536x64xf32, #tpu.memory_space<hbm>> -> memref<128x64xf32, #tpu.memory_space<hbm>>
      tpu.wait_dma2 semaphore(%run_scoped3A : memref<!tpu.dma_semaphore, #tpu.memory_space<semaphore_mem>>) src(%arg6 : memref<128x64xf32, #tpu.memory_space<vmem>>) dst(%dma_wait3A_296 : memref<128x64xf32, #tpu.memory_space<hbm>>)
      tpu.yield
    }) : () -> ()
    %dma_start3A_181 = arith.constant 10 : i32
    %dma_start3A_182 = arith.constant 0 : i32
    %dma_start3A_183 = tpu.memref_slice %arg5[%dma_start3A_181, %dma_start3A_182] : memref<16x128xi32, #tpu.memory_space<vmem>> -> memref<1x128xi32, #tpu.memory_space<vmem>>
    %dma_start3A_184 = tpu.memref_squeeze %dma_start3A_183 : memref<1x128xi32, #tpu.memory_space<vmem>> -> memref<128xi32, #tpu.memory_space<vmem>>
    %dma_start3A_185 = arith.constant 0 : i32
    %dma_start3A_186 = arith.constant 0 : i32
    %dma_start3A_187 = tpu.memref_slice %arg2[%dma_start3A_185, %dma_start3A_186] : memref<4096x64xf32, #tpu.memory_space<hbm>> -> memref<4096x64xf32, #tpu.memory_space<hbm>>
    tpu.enqueue_indirect_dma source(%dma_start3A_187 : memref<4096x64xf32, #tpu.memory_space<hbm>>) target(%arg6 : memref<128x64xf32, #tpu.memory_space<vmem>>) offsets(%dma_start3A_184 : memref<128xi32, #tpu.memory_space<vmem>>) semaphore(%arg7 : memref<!tpu.dma_semaphore, #tpu.memory_space<semaphore_mem>>)
    %dma_wait3A_188 = arith.constant 10 : i32
    %dma_wait3A_189 = arith.constant 0 : i32
    %dma_wait3A_190 = tpu.memref_slice %arg5[%dma_wait3A_188, %dma_wait3A_189] : memref<16x128xi32, #tpu.memory_space<vmem>> -> memref<1x128xi32, #tpu.memory_space<vmem>>
    %dma_wait3A_191 = tpu.memref_squeeze %dma_wait3A_190 : memref<1x128xi32, #tpu.memory_space<vmem>> -> memref<128xi32, #tpu.memory_space<vmem>>
    %dma_wait3A_192 = arith.constant 0 : i32
    %dma_wait3A_193 = arith.constant 0 : i32
    %dma_wait3A_194 = tpu.memref_slice %arg2[%dma_wait3A_192, %dma_wait3A_193] : memref<4096x64xf32, #tpu.memory_space<hbm>> -> memref<4096x64xf32, #tpu.memory_space<hbm>>
    tpu.wait_indirect_dma semaphore(%arg7 : memref<!tpu.dma_semaphore, #tpu.memory_space<semaphore_mem>>) src(%dma_wait3A_194 : memref<4096x64xf32, #tpu.memory_space<hbm>>) dst(%arg6 : memref<128x64xf32, #tpu.memory_space<vmem>>)
    %add3A_195 = arith.constant 10 : i32
    %add3A_196 = arith.addi %mul3A_2, %add3A_195 : i32
    %mul3A_197 = arith.constant 128 : i32
    %mul3A_198 = arith.muli %add3A_196, %mul3A_197 : i32
    "tpu.region"() ({
      %run_scoped3A = tpu.sem_alloc : memref<!tpu.dma_semaphore, #tpu.memory_space<semaphore_mem>>
      %dma_start3A_289 = arith.constant 0 : i32
      %dma_start3A_290 = tpu.memref_slice %arg4[%mul3A_198, %dma_start3A_289] : memref<65536x64xf32, #tpu.memory_space<hbm>> -> memref<128x64xf32, #tpu.memory_space<hbm>>
      %dma_start3A_291 = arith.constant 0 : i32
      %dma_start3A_292 = tpu.memref_slice %arg4[%mul3A_198, %dma_start3A_291] : memref<65536x64xf32, #tpu.memory_space<hbm>> -> memref<128x64xf32, #tpu.memory_space<hbm>>
      tpu.enqueue_dma source(%arg6 : memref<128x64xf32, #tpu.memory_space<vmem>>) target(%dma_start3A_292 : memref<128x64xf32, #tpu.memory_space<hbm>>) target_semaphore(%run_scoped3A : memref<!tpu.dma_semaphore, #tpu.memory_space<semaphore_mem>>)
      %dma_wait3A_293 = arith.constant 0 : i32
      %dma_wait3A_294 = tpu.memref_slice %arg4[%mul3A_198, %dma_wait3A_293] : memref<65536x64xf32, #tpu.memory_space<hbm>> -> memref<128x64xf32, #tpu.memory_space<hbm>>
      %dma_wait3A_295 = arith.constant 0 : i32
      %dma_wait3A_296 = tpu.memref_slice %arg4[%mul3A_198, %dma_wait3A_295] : memref<65536x64xf32, #tpu.memory_space<hbm>> -> memref<128x64xf32, #tpu.memory_space<hbm>>
      tpu.wait_dma2 semaphore(%run_scoped3A : memref<!tpu.dma_semaphore, #tpu.memory_space<semaphore_mem>>) src(%arg6 : memref<128x64xf32, #tpu.memory_space<vmem>>) dst(%dma_wait3A_296 : memref<128x64xf32, #tpu.memory_space<hbm>>)
      tpu.yield
    }) : () -> ()
    %dma_start3A_199 = arith.constant 11 : i32
    %dma_start3A_200 = arith.constant 0 : i32
    %dma_start3A_201 = tpu.memref_slice %arg5[%dma_start3A_199, %dma_start3A_200] : memref<16x128xi32, #tpu.memory_space<vmem>> -> memref<1x128xi32, #tpu.memory_space<vmem>>
    %dma_start3A_202 = tpu.memref_squeeze %dma_start3A_201 : memref<1x128xi32, #tpu.memory_space<vmem>> -> memref<128xi32, #tpu.memory_space<vmem>>
    %dma_start3A_203 = arith.constant 0 : i32
    %dma_start3A_204 = arith.constant 0 : i32
    %dma_start3A_205 = tpu.memref_slice %arg2[%dma_start3A_203, %dma_start3A_204] : memref<4096x64xf32, #tpu.memory_space<hbm>> -> memref<4096x64xf32, #tpu.memory_space<hbm>>
    tpu.enqueue_indirect_dma source(%dma_start3A_205 : memref<4096x64xf32, #tpu.memory_space<hbm>>) target(%arg6 : memref<128x64xf32, #tpu.memory_space<vmem>>) offsets(%dma_start3A_202 : memref<128xi32, #tpu.memory_space<vmem>>) semaphore(%arg7 : memref<!tpu.dma_semaphore, #tpu.memory_space<semaphore_mem>>)
    %dma_wait3A_206 = arith.constant 11 : i32
    %dma_wait3A_207 = arith.constant 0 : i32
    %dma_wait3A_208 = tpu.memref_slice %arg5[%dma_wait3A_206, %dma_wait3A_207] : memref<16x128xi32, #tpu.memory_space<vmem>> -> memref<1x128xi32, #tpu.memory_space<vmem>>
    %dma_wait3A_209 = tpu.memref_squeeze %dma_wait3A_208 : memref<1x128xi32, #tpu.memory_space<vmem>> -> memref<128xi32, #tpu.memory_space<vmem>>
    %dma_wait3A_210 = arith.constant 0 : i32
    %dma_wait3A_211 = arith.constant 0 : i32
    %dma_wait3A_212 = tpu.memref_slice %arg2[%dma_wait3A_210, %dma_wait3A_211] : memref<4096x64xf32, #tpu.memory_space<hbm>> -> memref<4096x64xf32, #tpu.memory_space<hbm>>
    tpu.wait_indirect_dma semaphore(%arg7 : memref<!tpu.dma_semaphore, #tpu.memory_space<semaphore_mem>>) src(%dma_wait3A_212 : memref<4096x64xf32, #tpu.memory_space<hbm>>) dst(%arg6 : memref<128x64xf32, #tpu.memory_space<vmem>>)
    %add3A_213 = arith.constant 11 : i32
    %add3A_214 = arith.addi %mul3A_2, %add3A_213 : i32
    %mul3A_215 = arith.constant 128 : i32
    %mul3A_216 = arith.muli %add3A_214, %mul3A_215 : i32
    "tpu.region"() ({
      %run_scoped3A = tpu.sem_alloc : memref<!tpu.dma_semaphore, #tpu.memory_space<semaphore_mem>>
      %dma_start3A_289 = arith.constant 0 : i32
      %dma_start3A_290 = tpu.memref_slice %arg4[%mul3A_216, %dma_start3A_289] : memref<65536x64xf32, #tpu.memory_space<hbm>> -> memref<128x64xf32, #tpu.memory_space<hbm>>
      %dma_start3A_291 = arith.constant 0 : i32
      %dma_start3A_292 = tpu.memref_slice %arg4[%mul3A_216, %dma_start3A_291] : memref<65536x64xf32, #tpu.memory_space<hbm>> -> memref<128x64xf32, #tpu.memory_space<hbm>>
      tpu.enqueue_dma source(%arg6 : memref<128x64xf32, #tpu.memory_space<vmem>>) target(%dma_start3A_292 : memref<128x64xf32, #tpu.memory_space<hbm>>) target_semaphore(%run_scoped3A : memref<!tpu.dma_semaphore, #tpu.memory_space<semaphore_mem>>)
      %dma_wait3A_293 = arith.constant 0 : i32
      %dma_wait3A_294 = tpu.memref_slice %arg4[%mul3A_216, %dma_wait3A_293] : memref<65536x64xf32, #tpu.memory_space<hbm>> -> memref<128x64xf32, #tpu.memory_space<hbm>>
      %dma_wait3A_295 = arith.constant 0 : i32
      %dma_wait3A_296 = tpu.memref_slice %arg4[%mul3A_216, %dma_wait3A_295] : memref<65536x64xf32, #tpu.memory_space<hbm>> -> memref<128x64xf32, #tpu.memory_space<hbm>>
      tpu.wait_dma2 semaphore(%run_scoped3A : memref<!tpu.dma_semaphore, #tpu.memory_space<semaphore_mem>>) src(%arg6 : memref<128x64xf32, #tpu.memory_space<vmem>>) dst(%dma_wait3A_296 : memref<128x64xf32, #tpu.memory_space<hbm>>)
      tpu.yield
    }) : () -> ()
    %dma_start3A_217 = arith.constant 12 : i32
    %dma_start3A_218 = arith.constant 0 : i32
    %dma_start3A_219 = tpu.memref_slice %arg5[%dma_start3A_217, %dma_start3A_218] : memref<16x128xi32, #tpu.memory_space<vmem>> -> memref<1x128xi32, #tpu.memory_space<vmem>>
    %dma_start3A_220 = tpu.memref_squeeze %dma_start3A_219 : memref<1x128xi32, #tpu.memory_space<vmem>> -> memref<128xi32, #tpu.memory_space<vmem>>
    %dma_start3A_221 = arith.constant 0 : i32
    %dma_start3A_222 = arith.constant 0 : i32
    %dma_start3A_223 = tpu.memref_slice %arg2[%dma_start3A_221, %dma_start3A_222] : memref<4096x64xf32, #tpu.memory_space<hbm>> -> memref<4096x64xf32, #tpu.memory_space<hbm>>
    tpu.enqueue_indirect_dma source(%dma_start3A_223 : memref<4096x64xf32, #tpu.memory_space<hbm>>) target(%arg6 : memref<128x64xf32, #tpu.memory_space<vmem>>) offsets(%dma_start3A_220 : memref<128xi32, #tpu.memory_space<vmem>>) semaphore(%arg7 : memref<!tpu.dma_semaphore, #tpu.memory_space<semaphore_mem>>)
    %dma_wait3A_224 = arith.constant 12 : i32
    %dma_wait3A_225 = arith.constant 0 : i32
    %dma_wait3A_226 = tpu.memref_slice %arg5[%dma_wait3A_224, %dma_wait3A_225] : memref<16x128xi32, #tpu.memory_space<vmem>> -> memref<1x128xi32, #tpu.memory_space<vmem>>
    %dma_wait3A_227 = tpu.memref_squeeze %dma_wait3A_226 : memref<1x128xi32, #tpu.memory_space<vmem>> -> memref<128xi32, #tpu.memory_space<vmem>>
    %dma_wait3A_228 = arith.constant 0 : i32
    %dma_wait3A_229 = arith.constant 0 : i32
    %dma_wait3A_230 = tpu.memref_slice %arg2[%dma_wait3A_228, %dma_wait3A_229] : memref<4096x64xf32, #tpu.memory_space<hbm>> -> memref<4096x64xf32, #tpu.memory_space<hbm>>
    tpu.wait_indirect_dma semaphore(%arg7 : memref<!tpu.dma_semaphore, #tpu.memory_space<semaphore_mem>>) src(%dma_wait3A_230 : memref<4096x64xf32, #tpu.memory_space<hbm>>) dst(%arg6 : memref<128x64xf32, #tpu.memory_space<vmem>>)
    %add3A_231 = arith.constant 12 : i32
    %add3A_232 = arith.addi %mul3A_2, %add3A_231 : i32
    %mul3A_233 = arith.constant 128 : i32
    %mul3A_234 = arith.muli %add3A_232, %mul3A_233 : i32
    "tpu.region"() ({
      %run_scoped3A = tpu.sem_alloc : memref<!tpu.dma_semaphore, #tpu.memory_space<semaphore_mem>>
      %dma_start3A_289 = arith.constant 0 : i32
      %dma_start3A_290 = tpu.memref_slice %arg4[%mul3A_234, %dma_start3A_289] : memref<65536x64xf32, #tpu.memory_space<hbm>> -> memref<128x64xf32, #tpu.memory_space<hbm>>
      %dma_start3A_291 = arith.constant 0 : i32
      %dma_start3A_292 = tpu.memref_slice %arg4[%mul3A_234, %dma_start3A_291] : memref<65536x64xf32, #tpu.memory_space<hbm>> -> memref<128x64xf32, #tpu.memory_space<hbm>>
      tpu.enqueue_dma source(%arg6 : memref<128x64xf32, #tpu.memory_space<vmem>>) target(%dma_start3A_292 : memref<128x64xf32, #tpu.memory_space<hbm>>) target_semaphore(%run_scoped3A : memref<!tpu.dma_semaphore, #tpu.memory_space<semaphore_mem>>)
      %dma_wait3A_293 = arith.constant 0 : i32
      %dma_wait3A_294 = tpu.memref_slice %arg4[%mul3A_234, %dma_wait3A_293] : memref<65536x64xf32, #tpu.memory_space<hbm>> -> memref<128x64xf32, #tpu.memory_space<hbm>>
      %dma_wait3A_295 = arith.constant 0 : i32
      %dma_wait3A_296 = tpu.memref_slice %arg4[%mul3A_234, %dma_wait3A_295] : memref<65536x64xf32, #tpu.memory_space<hbm>> -> memref<128x64xf32, #tpu.memory_space<hbm>>
      tpu.wait_dma2 semaphore(%run_scoped3A : memref<!tpu.dma_semaphore, #tpu.memory_space<semaphore_mem>>) src(%arg6 : memref<128x64xf32, #tpu.memory_space<vmem>>) dst(%dma_wait3A_296 : memref<128x64xf32, #tpu.memory_space<hbm>>)
      tpu.yield
    }) : () -> ()
    %dma_start3A_235 = arith.constant 13 : i32
    %dma_start3A_236 = arith.constant 0 : i32
    %dma_start3A_237 = tpu.memref_slice %arg5[%dma_start3A_235, %dma_start3A_236] : memref<16x128xi32, #tpu.memory_space<vmem>> -> memref<1x128xi32, #tpu.memory_space<vmem>>
    %dma_start3A_238 = tpu.memref_squeeze %dma_start3A_237 : memref<1x128xi32, #tpu.memory_space<vmem>> -> memref<128xi32, #tpu.memory_space<vmem>>
    %dma_start3A_239 = arith.constant 0 : i32
    %dma_start3A_240 = arith.constant 0 : i32
    %dma_start3A_241 = tpu.memref_slice %arg2[%dma_start3A_239, %dma_start3A_240] : memref<4096x64xf32, #tpu.memory_space<hbm>> -> memref<4096x64xf32, #tpu.memory_space<hbm>>
    tpu.enqueue_indirect_dma source(%dma_start3A_241 : memref<4096x64xf32, #tpu.memory_space<hbm>>) target(%arg6 : memref<128x64xf32, #tpu.memory_space<vmem>>) offsets(%dma_start3A_238 : memref<128xi32, #tpu.memory_space<vmem>>) semaphore(%arg7 : memref<!tpu.dma_semaphore, #tpu.memory_space<semaphore_mem>>)
    %dma_wait3A_242 = arith.constant 13 : i32
    %dma_wait3A_243 = arith.constant 0 : i32
    %dma_wait3A_244 = tpu.memref_slice %arg5[%dma_wait3A_242, %dma_wait3A_243] : memref<16x128xi32, #tpu.memory_space<vmem>> -> memref<1x128xi32, #tpu.memory_space<vmem>>
    %dma_wait3A_245 = tpu.memref_squeeze %dma_wait3A_244 : memref<1x128xi32, #tpu.memory_space<vmem>> -> memref<128xi32, #tpu.memory_space<vmem>>
    %dma_wait3A_246 = arith.constant 0 : i32
    %dma_wait3A_247 = arith.constant 0 : i32
    %dma_wait3A_248 = tpu.memref_slice %arg2[%dma_wait3A_246, %dma_wait3A_247] : memref<4096x64xf32, #tpu.memory_space<hbm>> -> memref<4096x64xf32, #tpu.memory_space<hbm>>
    tpu.wait_indirect_dma semaphore(%arg7 : memref<!tpu.dma_semaphore, #tpu.memory_space<semaphore_mem>>) src(%dma_wait3A_248 : memref<4096x64xf32, #tpu.memory_space<hbm>>) dst(%arg6 : memref<128x64xf32, #tpu.memory_space<vmem>>)
    %add3A_249 = arith.constant 13 : i32
    %add3A_250 = arith.addi %mul3A_2, %add3A_249 : i32
    %mul3A_251 = arith.constant 128 : i32
    %mul3A_252 = arith.muli %add3A_250, %mul3A_251 : i32
    "tpu.region"() ({
      %run_scoped3A = tpu.sem_alloc : memref<!tpu.dma_semaphore, #tpu.memory_space<semaphore_mem>>
      %dma_start3A_289 = arith.constant 0 : i32
      %dma_start3A_290 = tpu.memref_slice %arg4[%mul3A_252, %dma_start3A_289] : memref<65536x64xf32, #tpu.memory_space<hbm>> -> memref<128x64xf32, #tpu.memory_space<hbm>>
      %dma_start3A_291 = arith.constant 0 : i32
      %dma_start3A_292 = tpu.memref_slice %arg4[%mul3A_252, %dma_start3A_291] : memref<65536x64xf32, #tpu.memory_space<hbm>> -> memref<128x64xf32, #tpu.memory_space<hbm>>
      tpu.enqueue_dma source(%arg6 : memref<128x64xf32, #tpu.memory_space<vmem>>) target(%dma_start3A_292 : memref<128x64xf32, #tpu.memory_space<hbm>>) target_semaphore(%run_scoped3A : memref<!tpu.dma_semaphore, #tpu.memory_space<semaphore_mem>>)
      %dma_wait3A_293 = arith.constant 0 : i32
      %dma_wait3A_294 = tpu.memref_slice %arg4[%mul3A_252, %dma_wait3A_293] : memref<65536x64xf32, #tpu.memory_space<hbm>> -> memref<128x64xf32, #tpu.memory_space<hbm>>
      %dma_wait3A_295 = arith.constant 0 : i32
      %dma_wait3A_296 = tpu.memref_slice %arg4[%mul3A_252, %dma_wait3A_295] : memref<65536x64xf32, #tpu.memory_space<hbm>> -> memref<128x64xf32, #tpu.memory_space<hbm>>
      tpu.wait_dma2 semaphore(%run_scoped3A : memref<!tpu.dma_semaphore, #tpu.memory_space<semaphore_mem>>) src(%arg6 : memref<128x64xf32, #tpu.memory_space<vmem>>) dst(%dma_wait3A_296 : memref<128x64xf32, #tpu.memory_space<hbm>>)
      tpu.yield
    }) : () -> ()
    %dma_start3A_253 = arith.constant 14 : i32
    %dma_start3A_254 = arith.constant 0 : i32
    %dma_start3A_255 = tpu.memref_slice %arg5[%dma_start3A_253, %dma_start3A_254] : memref<16x128xi32, #tpu.memory_space<vmem>> -> memref<1x128xi32, #tpu.memory_space<vmem>>
    %dma_start3A_256 = tpu.memref_squeeze %dma_start3A_255 : memref<1x128xi32, #tpu.memory_space<vmem>> -> memref<128xi32, #tpu.memory_space<vmem>>
    %dma_start3A_257 = arith.constant 0 : i32
    %dma_start3A_258 = arith.constant 0 : i32
    %dma_start3A_259 = tpu.memref_slice %arg2[%dma_start3A_257, %dma_start3A_258] : memref<4096x64xf32, #tpu.memory_space<hbm>> -> memref<4096x64xf32, #tpu.memory_space<hbm>>
    tpu.enqueue_indirect_dma source(%dma_start3A_259 : memref<4096x64xf32, #tpu.memory_space<hbm>>) target(%arg6 : memref<128x64xf32, #tpu.memory_space<vmem>>) offsets(%dma_start3A_256 : memref<128xi32, #tpu.memory_space<vmem>>) semaphore(%arg7 : memref<!tpu.dma_semaphore, #tpu.memory_space<semaphore_mem>>)
    %dma_wait3A_260 = arith.constant 14 : i32
    %dma_wait3A_261 = arith.constant 0 : i32
    %dma_wait3A_262 = tpu.memref_slice %arg5[%dma_wait3A_260, %dma_wait3A_261] : memref<16x128xi32, #tpu.memory_space<vmem>> -> memref<1x128xi32, #tpu.memory_space<vmem>>
    %dma_wait3A_263 = tpu.memref_squeeze %dma_wait3A_262 : memref<1x128xi32, #tpu.memory_space<vmem>> -> memref<128xi32, #tpu.memory_space<vmem>>
    %dma_wait3A_264 = arith.constant 0 : i32
    %dma_wait3A_265 = arith.constant 0 : i32
    %dma_wait3A_266 = tpu.memref_slice %arg2[%dma_wait3A_264, %dma_wait3A_265] : memref<4096x64xf32, #tpu.memory_space<hbm>> -> memref<4096x64xf32, #tpu.memory_space<hbm>>
    tpu.wait_indirect_dma semaphore(%arg7 : memref<!tpu.dma_semaphore, #tpu.memory_space<semaphore_mem>>) src(%dma_wait3A_266 : memref<4096x64xf32, #tpu.memory_space<hbm>>) dst(%arg6 : memref<128x64xf32, #tpu.memory_space<vmem>>)
    %add3A_267 = arith.constant 14 : i32
    %add3A_268 = arith.addi %mul3A_2, %add3A_267 : i32
    %mul3A_269 = arith.constant 128 : i32
    %mul3A_270 = arith.muli %add3A_268, %mul3A_269 : i32
    "tpu.region"() ({
      %run_scoped3A = tpu.sem_alloc : memref<!tpu.dma_semaphore, #tpu.memory_space<semaphore_mem>>
      %dma_start3A_289 = arith.constant 0 : i32
      %dma_start3A_290 = tpu.memref_slice %arg4[%mul3A_270, %dma_start3A_289] : memref<65536x64xf32, #tpu.memory_space<hbm>> -> memref<128x64xf32, #tpu.memory_space<hbm>>
      %dma_start3A_291 = arith.constant 0 : i32
      %dma_start3A_292 = tpu.memref_slice %arg4[%mul3A_270, %dma_start3A_291] : memref<65536x64xf32, #tpu.memory_space<hbm>> -> memref<128x64xf32, #tpu.memory_space<hbm>>
      tpu.enqueue_dma source(%arg6 : memref<128x64xf32, #tpu.memory_space<vmem>>) target(%dma_start3A_292 : memref<128x64xf32, #tpu.memory_space<hbm>>) target_semaphore(%run_scoped3A : memref<!tpu.dma_semaphore, #tpu.memory_space<semaphore_mem>>)
      %dma_wait3A_293 = arith.constant 0 : i32
      %dma_wait3A_294 = tpu.memref_slice %arg4[%mul3A_270, %dma_wait3A_293] : memref<65536x64xf32, #tpu.memory_space<hbm>> -> memref<128x64xf32, #tpu.memory_space<hbm>>
      %dma_wait3A_295 = arith.constant 0 : i32
      %dma_wait3A_296 = tpu.memref_slice %arg4[%mul3A_270, %dma_wait3A_295] : memref<65536x64xf32, #tpu.memory_space<hbm>> -> memref<128x64xf32, #tpu.memory_space<hbm>>
      tpu.wait_dma2 semaphore(%run_scoped3A : memref<!tpu.dma_semaphore, #tpu.memory_space<semaphore_mem>>) src(%arg6 : memref<128x64xf32, #tpu.memory_space<vmem>>) dst(%dma_wait3A_296 : memref<128x64xf32, #tpu.memory_space<hbm>>)
      tpu.yield
    }) : () -> ()
    %dma_start3A_271 = arith.constant 15 : i32
    %dma_start3A_272 = arith.constant 0 : i32
    %dma_start3A_273 = tpu.memref_slice %arg5[%dma_start3A_271, %dma_start3A_272] : memref<16x128xi32, #tpu.memory_space<vmem>> -> memref<1x128xi32, #tpu.memory_space<vmem>>
    %dma_start3A_274 = tpu.memref_squeeze %dma_start3A_273 : memref<1x128xi32, #tpu.memory_space<vmem>> -> memref<128xi32, #tpu.memory_space<vmem>>
    %dma_start3A_275 = arith.constant 0 : i32
    %dma_start3A_276 = arith.constant 0 : i32
    %dma_start3A_277 = tpu.memref_slice %arg2[%dma_start3A_275, %dma_start3A_276] : memref<4096x64xf32, #tpu.memory_space<hbm>> -> memref<4096x64xf32, #tpu.memory_space<hbm>>
    tpu.enqueue_indirect_dma source(%dma_start3A_277 : memref<4096x64xf32, #tpu.memory_space<hbm>>) target(%arg6 : memref<128x64xf32, #tpu.memory_space<vmem>>) offsets(%dma_start3A_274 : memref<128xi32, #tpu.memory_space<vmem>>) semaphore(%arg7 : memref<!tpu.dma_semaphore, #tpu.memory_space<semaphore_mem>>)
    %dma_wait3A_278 = arith.constant 15 : i32
    %dma_wait3A_279 = arith.constant 0 : i32
    %dma_wait3A_280 = tpu.memref_slice %arg5[%dma_wait3A_278, %dma_wait3A_279] : memref<16x128xi32, #tpu.memory_space<vmem>> -> memref<1x128xi32, #tpu.memory_space<vmem>>
    %dma_wait3A_281 = tpu.memref_squeeze %dma_wait3A_280 : memref<1x128xi32, #tpu.memory_space<vmem>> -> memref<128xi32, #tpu.memory_space<vmem>>
    %dma_wait3A_282 = arith.constant 0 : i32
    %dma_wait3A_283 = arith.constant 0 : i32
    %dma_wait3A_284 = tpu.memref_slice %arg2[%dma_wait3A_282, %dma_wait3A_283] : memref<4096x64xf32, #tpu.memory_space<hbm>> -> memref<4096x64xf32, #tpu.memory_space<hbm>>
    tpu.wait_indirect_dma semaphore(%arg7 : memref<!tpu.dma_semaphore, #tpu.memory_space<semaphore_mem>>) src(%dma_wait3A_284 : memref<4096x64xf32, #tpu.memory_space<hbm>>) dst(%arg6 : memref<128x64xf32, #tpu.memory_space<vmem>>)
    %add3A_285 = arith.constant 15 : i32
    %add3A_286 = arith.addi %mul3A_2, %add3A_285 : i32
    %mul3A_287 = arith.constant 128 : i32
    %mul3A_288 = arith.muli %add3A_286, %mul3A_287 : i32
    "tpu.region"() ({
      %run_scoped3A = tpu.sem_alloc : memref<!tpu.dma_semaphore, #tpu.memory_space<semaphore_mem>>
      %dma_start3A_289 = arith.constant 0 : i32
      %dma_start3A_290 = tpu.memref_slice %arg4[%mul3A_288, %dma_start3A_289] : memref<65536x64xf32, #tpu.memory_space<hbm>> -> memref<128x64xf32, #tpu.memory_space<hbm>>
      %dma_start3A_291 = arith.constant 0 : i32
      %dma_start3A_292 = tpu.memref_slice %arg4[%mul3A_288, %dma_start3A_291] : memref<65536x64xf32, #tpu.memory_space<hbm>> -> memref<128x64xf32, #tpu.memory_space<hbm>>
      tpu.enqueue_dma source(%arg6 : memref<128x64xf32, #tpu.memory_space<vmem>>) target(%dma_start3A_292 : memref<128x64xf32, #tpu.memory_space<hbm>>) target_semaphore(%run_scoped3A : memref<!tpu.dma_semaphore, #tpu.memory_space<semaphore_mem>>)
      %dma_wait3A_293 = arith.constant 0 : i32
      %dma_wait3A_294 = tpu.memref_slice %arg4[%mul3A_288, %dma_wait3A_293] : memref<65536x64xf32, #tpu.memory_space<hbm>> -> memref<128x64xf32, #tpu.memory_space<hbm>>
      %dma_wait3A_295 = arith.constant 0 : i32
      %dma_wait3A_296 = tpu.memref_slice %arg4[%mul3A_288, %dma_wait3A_295] : memref<65536x64xf32, #tpu.memory_space<hbm>> -> memref<128x64xf32, #tpu.memory_space<hbm>>
      tpu.wait_dma2 semaphore(%run_scoped3A : memref<!tpu.dma_semaphore, #tpu.memory_space<semaphore_mem>>) src(%arg6 : memref<128x64xf32, #tpu.memory_space<vmem>>) dst(%dma_wait3A_296 : memref<128x64xf32, #tpu.memory_space<hbm>>)
      tpu.yield
    }) : () -> ()
    return
  }
}

#map = affine_map<(d0, d1) -> (0, 0)>
module attributes {stable_mosaic.version = 14 : i64} {
  func.func @k(%arg0: i32, %arg1: i32, %arg2: memref<4096x64xf32, #tpu.memory_space<hbm>>, %arg3: memref<512x128xi32, #tpu.memory_space<hbm>>, %arg4: memref<65536x64xf32, #tpu.memory_space<hbm>>, %arg5: memref<16x128xi32, #tpu.memory_space<vmem>>, %arg6: memref<128x64xf32, #tpu.memory_space<vmem>>, %arg7: memref<!tpu.dma_semaphore, #tpu.memory_space<semaphore_mem>>) attributes {dimension_semantics = [#tpu.dimension_semantics<core_parallel>, #tpu.dimension_semantics<subcore_parallel>], iteration_bounds = array<i64: 2, 16>, scalar_prefetch = 0 : i64, scratch_operands = 3 : i64, tpu.core_type = #tpu.core_type<sc_vector_subcore>, window_params = [{transform_indices = #map}, {transform_indices = #map}, {transform_indices = #map}]} {
    %mul3A = arith.constant 2 : i32
    %mul3A_0 = arith.muli %arg1, %mul3A : i32
    %add3A = arith.addi %mul3A_0, %arg0 : i32
    %mul3A_1 = arith.constant 16 : i32
    %mul3A_2 = arith.muli %add3A, %mul3A_1 : i32
    "tpu.region"() ({
      %run_scoped3A = tpu.sem_alloc : memref<!tpu.dma_semaphore, #tpu.memory_space<semaphore_mem>>
      %dma_start3A_289 = arith.constant 0 : i32
      %dma_start3A_290 = tpu.memref_slice %arg3[%mul3A_2, %dma_start3A_289] : memref<512x128xi32, #tpu.memory_space<hbm>> -> memref<16x128xi32, #tpu.memory_space<hbm>>
      %dma_start3A_291 = arith.constant 0 : i32
      %dma_start3A_292 = tpu.memref_slice %arg3[%mul3A_2, %dma_start3A_291] : memref<512x128xi32, #tpu.memory_space<hbm>> -> memref<16x128xi32, #tpu.memory_space<hbm>>
      tpu.enqueue_dma source(%dma_start3A_292 : memref<16x128xi32, #tpu.memory_space<hbm>>) target(%arg5 : memref<16x128xi32, #tpu.memory_space<vmem>>) target_semaphore(%run_scoped3A : memref<!tpu.dma_semaphore, #tpu.memory_space<semaphore_mem>>)
      %dma_wait3A_293 = arith.constant 0 : i32
      %dma_wait3A_294 = tpu.memref_slice %arg3[%mul3A_2, %dma_wait3A_293] : memref<512x128xi32, #tpu.memory_space<hbm>> -> memref<16x128xi32, #tpu.memory_space<hbm>>
      %dma_wait3A_295 = arith.constant 0 : i32
      %dma_wait3A_296 = tpu.memref_slice %arg3[%mul3A_2, %dma_wait3A_295] : memref<512x128xi32, #tpu.memory_space<hbm>> -> memref<16x128xi32, #tpu.memory_space<hbm>>
      tpu.wait_dma2 semaphore(%run_scoped3A : memref<!tpu.dma_semaphore, #tpu.memory_space<semaphore_mem>>) src(%dma_wait3A_296 : memref<16x128xi32, #tpu.memory_space<hbm>>) dst(%arg5 : memref<16x128xi32, #tpu.memory_space<vmem>>)
      tpu.yield
    }) : () -> ()
    %dma_start3A = arith.constant 0 : i32
    %dma_start3A_3 = arith.constant 0 : i32
    %dma_start3A_4 = tpu.memref_slice %arg5[%dma_start3A, %dma_start3A_3] : memref<16x128xi32, #tpu.memory_space<vmem>> -> memref<1x128xi32, #tpu.memory_space<vmem>>
    %dma_start3A_5 = tpu.memref_squeeze %dma_start3A_4 : memref<1x128xi32, #tpu.memory_space<vmem>> -> memref<128xi32, #tpu.memory_space<vmem>>
    %dma_start3A_6 = arith.constant 0 : i32
    %dma_start3A_7 = arith.constant 0 : i32
    %dma_start3A_8 = tpu.memref_slice %arg2[%dma_start3A_6, %dma_start3A_7] : memref<4096x64xf32, #tpu.memory_space<hbm>> -> memref<4096x64xf32, #tpu.memory_space<hbm>>
    tpu.enqueue_indirect_dma source(%dma_start3A_8 : memref<4096x64xf32, #tpu.memory_space<hbm>>) target(%arg6 : memref<128x64xf32, #tpu.memory_space<vmem>>) offsets(%dma_start3A_5 : memref<128xi32, #tpu.memory_space<vmem>>) semaphore(%arg7 : memref<!tpu.dma_semaphore, #tpu.memory_space<semaphore_mem>>)
    %dma_wait3A = arith.constant 0 : i32
    %dma_wait3A_9 = arith.constant 0 : i32
    %dma_wait3A_10 = tpu.memref_slice %arg5[%dma_wait3A, %dma_wait3A_9] : memref<16x128xi32, #tpu.memory_space<vmem>> -> memref<1x128xi32, #tpu.memory_space<vmem>>
    %dma_wait3A_11 = tpu.memref_squeeze %dma_wait3A_10 : memref<1x128xi32, #tpu.memory_space<vmem>> -> memref<128xi32, #tpu.memory_space<vmem>>
    %dma_wait3A_12 = arith.constant 0 : i32
    %dma_wait3A_13 = arith.constant 0 : i32
    %dma_wait3A_14 = tpu.memref_slice %arg2[%dma_wait3A_12, %dma_wait3A_13] : memref<4096x64xf32, #tpu.memory_space<hbm>> -> memref<4096x64xf32, #tpu.memory_space<hbm>>
    tpu.wait_indirect_dma semaphore(%arg7 : memref<!tpu.dma_semaphore, #tpu.memory_space<semaphore_mem>>) src(%dma_wait3A_14 : memref<4096x64xf32, #tpu.memory_space<hbm>>) dst(%arg6 : memref<128x64xf32, #tpu.memory_space<vmem>>)
    %add3A_15 = arith.constant 0 : i32
    %add3A_16 = arith.addi %mul3A_2, %add3A_15 : i32
    %mul3A_17 = arith.constant 128 : i32
    %mul3A_18 = arith.muli %add3A_16, %mul3A_17 : i32
    "tpu.region"() ({
      %run_scoped3A = tpu.sem_alloc : memref<!tpu.dma_semaphore, #tpu.memory_space<semaphore_mem>>
      %dma_start3A_289 = arith.constant 0 : i32
      %dma_start3A_290 = tpu.memref_slice %arg4[%mul3A_18, %dma_start3A_289] : memref<65536x64xf32, #tpu.memory_space<hbm>> -> memref<128x64xf32, #tpu.memory_space<hbm>>
      %dma_start3A_291 = arith.constant 0 : i32
      %dma_start3A_292 = tpu.memref_slice %arg4[%mul3A_18, %dma_start3A_291] : memref<65536x64xf32, #tpu.memory_space<hbm>> -> memref<128x64xf32, #tpu.memory_space<hbm>>
      tpu.enqueue_dma source(%arg6 : memref<128x64xf32, #tpu.memory_space<vmem>>) target(%dma_start3A_292 : memref<128x64xf32, #tpu.memory_space<hbm>>) target_semaphore(%run_scoped3A : memref<!tpu.dma_semaphore, #tpu.memory_space<semaphore_mem>>)
      %dma_wait3A_293 = arith.constant 0 : i32
      %dma_wait3A_294 = tpu.memref_slice %arg4[%mul3A_18, %dma_wait3A_293] : memref<65536x64xf32, #tpu.memory_space<hbm>> -> memref<128x64xf32, #tpu.memory_space<hbm>>
      %dma_wait3A_295 = arith.constant 0 : i32
      %dma_wait3A_296 = tpu.memref_slice %arg4[%mul3A_18, %dma_wait3A_295] : memref<65536x64xf32, #tpu.memory_space<hbm>> -> memref<128x64xf32, #tpu.memory_space<hbm>>
      tpu.wait_dma2 semaphore(%run_scoped3A : memref<!tpu.dma_semaphore, #tpu.memory_space<semaphore_mem>>) src(%arg6 : memref<128x64xf32, #tpu.memory_space<vmem>>) dst(%dma_wait3A_296 : memref<128x64xf32, #tpu.memory_space<hbm>>)
      tpu.yield
    }) : () -> ()
    %dma_start3A_19 = arith.constant 1 : i32
    %dma_start3A_20 = arith.constant 0 : i32
    %dma_start3A_21 = tpu.memref_slice %arg5[%dma_start3A_19, %dma_start3A_20] : memref<16x128xi32, #tpu.memory_space<vmem>> -> memref<1x128xi32, #tpu.memory_space<vmem>>
    %dma_start3A_22 = tpu.memref_squeeze %dma_start3A_21 : memref<1x128xi32, #tpu.memory_space<vmem>> -> memref<128xi32, #tpu.memory_space<vmem>>
    %dma_start3A_23 = arith.constant 0 : i32
    %dma_start3A_24 = arith.constant 0 : i32
    %dma_start3A_25 = tpu.memref_slice %arg2[%dma_start3A_23, %dma_start3A_24] : memref<4096x64xf32, #tpu.memory_space<hbm>> -> memref<4096x64xf32, #tpu.memory_space<hbm>>
    tpu.enqueue_indirect_dma source(%dma_start3A_25 : memref<4096x64xf32, #tpu.memory_space<hbm>>) target(%arg6 : memref<128x64xf32, #tpu.memory_space<vmem>>) offsets(%dma_start3A_22 : memref<128xi32, #tpu.memory_space<vmem>>) semaphore(%arg7 : memref<!tpu.dma_semaphore, #tpu.memory_space<semaphore_mem>>)
    %dma_wait3A_26 = arith.constant 1 : i32
    %dma_wait3A_27 = arith.constant 0 : i32
    %dma_wait3A_28 = tpu.memref_slice %arg5[%dma_wait3A_26, %dma_wait3A_27] : memref<16x128xi32, #tpu.memory_space<vmem>> -> memref<1x128xi32, #tpu.memory_space<vmem>>
    %dma_wait3A_29 = tpu.memref_squeeze %dma_wait3A_28 : memref<1x128xi32, #tpu.memory_space<vmem>> -> memref<128xi32, #tpu.memory_space<vmem>>
    %dma_wait3A_30 = arith.constant 0 : i32
    %dma_wait3A_31 = arith.constant 0 : i32
    %dma_wait3A_32 = tpu.memref_slice %arg2[%dma_wait3A_30, %dma_wait3A_31] : memref<4096x64xf32, #tpu.memory_space<hbm>> -> memref<4096x64xf32, #tpu.memory_space<hbm>>
    tpu.wait_indirect_dma semaphore(%arg7 : memref<!tpu.dma_semaphore, #tpu.memory_space<semaphore_mem>>) src(%dma_wait3A_32 : memref<4096x64xf32, #tpu.memory_space<hbm>>) dst(%arg6 : memref<128x64xf32, #tpu.memory_space<vmem>>)
    %add3A_33 = arith.constant 1 : i32
    %add3A_34 = arith.addi %mul3A_2, %add3A_33 : i32
    %mul3A_35 = arith.constant 128 : i32
    %mul3A_36 = arith.muli %add3A_34, %mul3A_35 : i32
    "tpu.region"() ({
      %run_scoped3A = tpu.sem_alloc : memref<!tpu.dma_semaphore, #tpu.memory_space<semaphore_mem>>
      %dma_start3A_289 = arith.constant 0 : i32
      %dma_start3A_290 = tpu.memref_slice %arg4[%mul3A_36, %dma_start3A_289] : memref<65536x64xf32, #tpu.memory_space<hbm>> -> memref<128x64xf32, #tpu.memory_space<hbm>>
      %dma_start3A_291 = arith.constant 0 : i32
      %dma_start3A_292 = tpu.memref_slice %arg4[%mul3A_36, %dma_start3A_291] : memref<65536x64xf32, #tpu.memory_space<hbm>> -> memref<128x64xf32, #tpu.memory_space<hbm>>
      tpu.enqueue_dma source(%arg6 : memref<128x64xf32, #tpu.memory_space<vmem>>) target(%dma_start3A_292 : memref<128x64xf32, #tpu.memory_space<hbm>>) target_semaphore(%run_scoped3A : memref<!tpu.dma_semaphore, #tpu.memory_space<semaphore_mem>>)
      %dma_wait3A_293 = arith.constant 0 : i32
      %dma_wait3A_294 = tpu.memref_slice %arg4[%mul3A_36, %dma_wait3A_293] : memref<65536x64xf32, #tpu.memory_space<hbm>> -> memref<128x64xf32, #tpu.memory_space<hbm>>
      %dma_wait3A_295 = arith.constant 0 : i32
      %dma_wait3A_296 = tpu.memref_slice %arg4[%mul3A_36, %dma_wait3A_295] : memref<65536x64xf32, #tpu.memory_space<hbm>> -> memref<128x64xf32, #tpu.memory_space<hbm>>
      tpu.wait_dma2 semaphore(%run_scoped3A : memref<!tpu.dma_semaphore, #tpu.memory_space<semaphore_mem>>) src(%arg6 : memref<128x64xf32, #tpu.memory_space<vmem>>) dst(%dma_wait3A_296 : memref<128x64xf32, #tpu.memory_space<hbm>>)
      tpu.yield
    }) : () -> ()
    %dma_start3A_37 = arith.constant 2 : i32
    %dma_start3A_38 = arith.constant 0 : i32
    %dma_start3A_39 = tpu.memref_slice %arg5[%dma_start3A_37, %dma_start3A_38] : memref<16x128xi32, #tpu.memory_space<vmem>> -> memref<1x128xi32, #tpu.memory_space<vmem>>
    %dma_start3A_40 = tpu.memref_squeeze %dma_start3A_39 : memref<1x128xi32, #tpu.memory_space<vmem>> -> memref<128xi32, #tpu.memory_space<vmem>>
    %dma_start3A_41 = arith.constant 0 : i32
    %dma_start3A_42 = arith.constant 0 : i32
    %dma_start3A_43 = tpu.memref_slice %arg2[%dma_start3A_41, %dma_start3A_42] : memref<4096x64xf32, #tpu.memory_space<hbm>> -> memref<4096x64xf32, #tpu.memory_space<hbm>>
    tpu.enqueue_indirect_dma source(%dma_start3A_43 : memref<4096x64xf32, #tpu.memory_space<hbm>>) target(%arg6 : memref<128x64xf32, #tpu.memory_space<vmem>>) offsets(%dma_start3A_40 : memref<128xi32, #tpu.memory_space<vmem>>) semaphore(%arg7 : memref<!tpu.dma_semaphore, #tpu.memory_space<semaphore_mem>>)
    %dma_wait3A_44 = arith.constant 2 : i32
    %dma_wait3A_45 = arith.constant 0 : i32
    %dma_wait3A_46 = tpu.memref_slice %arg5[%dma_wait3A_44, %dma_wait3A_45] : memref<16x128xi32, #tpu.memory_space<vmem>> -> memref<1x128xi32, #tpu.memory_space<vmem>>
    %dma_wait3A_47 = tpu.memref_squeeze %dma_wait3A_46 : memref<1x128xi32, #tpu.memory_space<vmem>> -> memref<128xi32, #tpu.memory_space<vmem>>
    %dma_wait3A_48 = arith.constant 0 : i32
    %dma_wait3A_49 = arith.constant 0 : i32
    %dma_wait3A_50 = tpu.memref_slice %arg2[%dma_wait3A_48, %dma_wait3A_49] : memref<4096x64xf32, #tpu.memory_space<hbm>> -> memref<4096x64xf32, #tpu.memory_space<hbm>>
    tpu.wait_indirect_dma semaphore(%arg7 : memref<!tpu.dma_semaphore, #tpu.memory_space<semaphore_mem>>) src(%dma_wait3A_50 : memref<4096x64xf32, #tpu.memory_space<hbm>>) dst(%arg6 : memref<128x64xf32, #tpu.memory_space<vmem>>)
    %add3A_51 = arith.constant 2 : i32
    %add3A_52 = arith.addi %mul3A_2, %add3A_51 : i32
    %mul3A_53 = arith.constant 128 : i32
    %mul3A_54 = arith.muli %add3A_52, %mul3A_53 : i32
    "tpu.region"() ({
      %run_scoped3A = tpu.sem_alloc : memref<!tpu.dma_semaphore, #tpu.memory_space<semaphore_mem>>
      %dma_start3A_289 = arith.constant 0 : i32
      %dma_start3A_290 = tpu.memref_slice %arg4[%mul3A_54, %dma_start3A_289] : memref<65536x64xf32, #tpu.memory_space<hbm>> -> memref<128x64xf32, #tpu.memory_space<hbm>>
      %dma_start3A_291 = arith.constant 0 : i32
      %dma_start3A_292 = tpu.memref_slice %arg4[%mul3A_54, %dma_start3A_291] : memref<65536x64xf32, #tpu.memory_space<hbm>> -> memref<128x64xf32, #tpu.memory_space<hbm>>
      tpu.enqueue_dma source(%arg6 : memref<128x64xf32, #tpu.memory_space<vmem>>) target(%dma_start3A_292 : memref<128x64xf32, #tpu.memory_space<hbm>>) target_semaphore(%run_scoped3A : memref<!tpu.dma_semaphore, #tpu.memory_space<semaphore_mem>>)
      %dma_wait3A_293 = arith.constant 0 : i32
      %dma_wait3A_294 = tpu.memref_slice %arg4[%mul3A_54, %dma_wait3A_293] : memref<65536x64xf32, #tpu.memory_space<hbm>> -> memref<128x64xf32, #tpu.memory_space<hbm>>
      %dma_wait3A_295 = arith.constant 0 : i32
      %dma_wait3A_296 = tpu.memref_slice %arg4[%mul3A_54, %dma_wait3A_295] : memref<65536x64xf32, #tpu.memory_space<hbm>> -> memref<128x64xf32, #tpu.memory_space<hbm>>
      tpu.wait_dma2 semaphore(%run_scoped3A : memref<!tpu.dma_semaphore, #tpu.memory_space<semaphore_mem>>) src(%arg6 : memref<128x64xf32, #tpu.memory_space<vmem>>) dst(%dma_wait3A_296 : memref<128x64xf32, #tpu.memory_space<hbm>>)
      tpu.yield
    }) : () -> ()
    %dma_start3A_55 = arith.constant 3 : i32
    %dma_start3A_56 = arith.constant 0 : i32
    %dma_start3A_57 = tpu.memref_slice %arg5[%dma_start3A_55, %dma_start3A_56] : memref<16x128xi32, #tpu.memory_space<vmem>> -> memref<1x128xi32, #tpu.memory_space<vmem>>
    %dma_start3A_58 = tpu.memref_squeeze %dma_start3A_57 : memref<1x128xi32, #tpu.memory_space<vmem>> -> memref<128xi32, #tpu.memory_space<vmem>>
    %dma_start3A_59 = arith.constant 0 : i32
    %dma_start3A_60 = arith.constant 0 : i32
    %dma_start3A_61 = tpu.memref_slice %arg2[%dma_start3A_59, %dma_start3A_60] : memref<4096x64xf32, #tpu.memory_space<hbm>> -> memref<4096x64xf32, #tpu.memory_space<hbm>>
    tpu.enqueue_indirect_dma source(%dma_start3A_61 : memref<4096x64xf32, #tpu.memory_space<hbm>>) target(%arg6 : memref<128x64xf32, #tpu.memory_space<vmem>>) offsets(%dma_start3A_58 : memref<128xi32, #tpu.memory_space<vmem>>) semaphore(%arg7 : memref<!tpu.dma_semaphore, #tpu.memory_space<semaphore_mem>>)
    %dma_wait3A_62 = arith.constant 3 : i32
    %dma_wait3A_63 = arith.constant 0 : i32
    %dma_wait3A_64 = tpu.memref_slice %arg5[%dma_wait3A_62, %dma_wait3A_63] : memref<16x128xi32, #tpu.memory_space<vmem>> -> memref<1x128xi32, #tpu.memory_space<vmem>>
    %dma_wait3A_65 = tpu.memref_squeeze %dma_wait3A_64 : memref<1x128xi32, #tpu.memory_space<vmem>> -> memref<128xi32, #tpu.memory_space<vmem>>
    %dma_wait3A_66 = arith.constant 0 : i32
    %dma_wait3A_67 = arith.constant 0 : i32
    %dma_wait3A_68 = tpu.memref_slice %arg2[%dma_wait3A_66, %dma_wait3A_67] : memref<4096x64xf32, #tpu.memory_space<hbm>> -> memref<4096x64xf32, #tpu.memory_space<hbm>>
    tpu.wait_indirect_dma semaphore(%arg7 : memref<!tpu.dma_semaphore, #tpu.memory_space<semaphore_mem>>) src(%dma_wait3A_68 : memref<4096x64xf32, #tpu.memory_space<hbm>>) dst(%arg6 : memref<128x64xf32, #tpu.memory_space<vmem>>)
    %add3A_69 = arith.constant 3 : i32
    %add3A_70 = arith.addi %mul3A_2, %add3A_69 : i32
    %mul3A_71 = arith.constant 128 : i32
    %mul3A_72 = arith.muli %add3A_70, %mul3A_71 : i32
    "tpu.region"() ({
      %run_scoped3A = tpu.sem_alloc : memref<!tpu.dma_semaphore, #tpu.memory_space<semaphore_mem>>
      %dma_start3A_289 = arith.constant 0 : i32
      %dma_start3A_290 = tpu.memref_slice %arg4[%mul3A_72, %dma_start3A_289] : memref<65536x64xf32, #tpu.memory_space<hbm>> -> memref<128x64xf32, #tpu.memory_space<hbm>>
      %dma_start3A_291 = arith.constant 0 : i32
      %dma_start3A_292 = tpu.memref_slice %arg4[%mul3A_72, %dma_start3A_291] : memref<65536x64xf32, #tpu.memory_space<hbm>> -> memref<128x64xf32, #tpu.memory_space<hbm>>
      tpu.enqueue_dma source(%arg6 : memref<128x64xf32, #tpu.memory_space<vmem>>) target(%dma_start3A_292 : memref<128x64xf32, #tpu.memory_space<hbm>>) target_semaphore(%run_scoped3A : memref<!tpu.dma_semaphore, #tpu.memory_space<semaphore_mem>>)
      %dma_wait3A_293 = arith.constant 0 : i32
      %dma_wait3A_294 = tpu.memref_slice %arg4[%mul3A_72, %dma_wait3A_293] : memref<65536x64xf32, #tpu.memory_space<hbm>> -> memref<128x64xf32, #tpu.memory_space<hbm>>
      %dma_wait3A_295 = arith.constant 0 : i32
      %dma_wait3A_296 = tpu.memref_slice %arg4[%mul3A_72, %dma_wait3A_295] : memref<65536x64xf32, #tpu.memory_space<hbm>> -> memref<128x64xf32, #tpu.memory_space<hbm>>
      tpu.wait_dma2 semaphore(%run_scoped3A : memref<!tpu.dma_semaphore, #tpu.memory_space<semaphore_mem>>) src(%arg6 : memref<128x64xf32, #tpu.memory_space<vmem>>) dst(%dma_wait3A_296 : memref<128x64xf32, #tpu.memory_space<hbm>>)
      tpu.yield
    }) : () -> ()
    %dma_start3A_73 = arith.constant 4 : i32
    %dma_start3A_74 = arith.constant 0 : i32
    %dma_start3A_75 = tpu.memref_slice %arg5[%dma_start3A_73, %dma_start3A_74] : memref<16x128xi32, #tpu.memory_space<vmem>> -> memref<1x128xi32, #tpu.memory_space<vmem>>
    %dma_start3A_76 = tpu.memref_squeeze %dma_start3A_75 : memref<1x128xi32, #tpu.memory_space<vmem>> -> memref<128xi32, #tpu.memory_space<vmem>>
    %dma_start3A_77 = arith.constant 0 : i32
    %dma_start3A_78 = arith.constant 0 : i32
    %dma_start3A_79 = tpu.memref_slice %arg2[%dma_start3A_77, %dma_start3A_78] : memref<4096x64xf32, #tpu.memory_space<hbm>> -> memref<4096x64xf32, #tpu.memory_space<hbm>>
    tpu.enqueue_indirect_dma source(%dma_start3A_79 : memref<4096x64xf32, #tpu.memory_space<hbm>>) target(%arg6 : memref<128x64xf32, #tpu.memory_space<vmem>>) offsets(%dma_start3A_76 : memref<128xi32, #tpu.memory_space<vmem>>) semaphore(%arg7 : memref<!tpu.dma_semaphore, #tpu.memory_space<semaphore_mem>>)
    %dma_wait3A_80 = arith.constant 4 : i32
    %dma_wait3A_81 = arith.constant 0 : i32
    %dma_wait3A_82 = tpu.memref_slice %arg5[%dma_wait3A_80, %dma_wait3A_81] : memref<16x128xi32, #tpu.memory_space<vmem>> -> memref<1x128xi32, #tpu.memory_space<vmem>>
    %dma_wait3A_83 = tpu.memref_squeeze %dma_wait3A_82 : memref<1x128xi32, #tpu.memory_space<vmem>> -> memref<128xi32, #tpu.memory_space<vmem>>
    %dma_wait3A_84 = arith.constant 0 : i32
    %dma_wait3A_85 = arith.constant 0 : i32
    %dma_wait3A_86 = tpu.memref_slice %arg2[%dma_wait3A_84, %dma_wait3A_85] : memref<4096x64xf32, #tpu.memory_space<hbm>> -> memref<4096x64xf32, #tpu.memory_space<hbm>>
    tpu.wait_indirect_dma semaphore(%arg7 : memref<!tpu.dma_semaphore, #tpu.memory_space<semaphore_mem>>) src(%dma_wait3A_86 : memref<4096x64xf32, #tpu.memory_space<hbm>>) dst(%arg6 : memref<128x64xf32, #tpu.memory_space<vmem>>)
    %add3A_87 = arith.constant 4 : i32
    %add3A_88 = arith.addi %mul3A_2, %add3A_87 : i32
    %mul3A_89 = arith.constant 128 : i32
    %mul3A_90 = arith.muli %add3A_88, %mul3A_89 : i32
    "tpu.region"() ({
      %run_scoped3A = tpu.sem_alloc : memref<!tpu.dma_semaphore, #tpu.memory_space<semaphore_mem>>
      %dma_start3A_289 = arith.constant 0 : i32
      %dma_start3A_290 = tpu.memref_slice %arg4[%mul3A_90, %dma_start3A_289] : memref<65536x64xf32, #tpu.memory_space<hbm>> -> memref<128x64xf32, #tpu.memory_space<hbm>>
      %dma_start3A_291 = arith.constant 0 : i32
      %dma_start3A_292 = tpu.memref_slice %arg4[%mul3A_90, %dma_start3A_291] : memref<65536x64xf32, #tpu.memory_space<hbm>> -> memref<128x64xf32, #tpu.memory_space<hbm>>
      tpu.enqueue_dma source(%arg6 : memref<128x64xf32, #tpu.memory_space<vmem>>) target(%dma_start3A_292 : memref<128x64xf32, #tpu.memory_space<hbm>>) target_semaphore(%run_scoped3A : memref<!tpu.dma_semaphore, #tpu.memory_space<semaphore_mem>>)
      %dma_wait3A_293 = arith.constant 0 : i32
      %dma_wait3A_294 = tpu.memref_slice %arg4[%mul3A_90, %dma_wait3A_293] : memref<65536x64xf32, #tpu.memory_space<hbm>> -> memref<128x64xf32, #tpu.memory_space<hbm>>
      %dma_wait3A_295 = arith.constant 0 : i32
      %dma_wait3A_296 = tpu.memref_slice %arg4[%mul3A_90, %dma_wait3A_295] : memref<65536x64xf32, #tpu.memory_space<hbm>> -> memref<128x64xf32, #tpu.memory_space<hbm>>
      tpu.wait_dma2 semaphore(%run_scoped3A : memref<!tpu.dma_semaphore, #tpu.memory_space<semaphore_mem>>) src(%arg6 : memref<128x64xf32, #tpu.memory_space<vmem>>) dst(%dma_wait3A_296 : memref<128x64xf32, #tpu.memory_space<hbm>>)
      tpu.yield
    }) : () -> ()
    %dma_start3A_91 = arith.constant 5 : i32
    %dma_start3A_92 = arith.constant 0 : i32
    %dma_start3A_93 = tpu.memref_slice %arg5[%dma_start3A_91, %dma_start3A_92] : memref<16x128xi32, #tpu.memory_space<vmem>> -> memref<1x128xi32, #tpu.memory_space<vmem>>
    %dma_start3A_94 = tpu.memref_squeeze %dma_start3A_93 : memref<1x128xi32, #tpu.memory_space<vmem>> -> memref<128xi32, #tpu.memory_space<vmem>>
    %dma_start3A_95 = arith.constant 0 : i32
    %dma_start3A_96 = arith.constant 0 : i32
    %dma_start3A_97 = tpu.memref_slice %arg2[%dma_start3A_95, %dma_start3A_96] : memref<4096x64xf32, #tpu.memory_space<hbm>> -> memref<4096x64xf32, #tpu.memory_space<hbm>>
    tpu.enqueue_indirect_dma source(%dma_start3A_97 : memref<4096x64xf32, #tpu.memory_space<hbm>>) target(%arg6 : memref<128x64xf32, #tpu.memory_space<vmem>>) offsets(%dma_start3A_94 : memref<128xi32, #tpu.memory_space<vmem>>) semaphore(%arg7 : memref<!tpu.dma_semaphore, #tpu.memory_space<semaphore_mem>>)
    %dma_wait3A_98 = arith.constant 5 : i32
    %dma_wait3A_99 = arith.constant 0 : i32
    %dma_wait3A_100 = tpu.memref_slice %arg5[%dma_wait3A_98, %dma_wait3A_99] : memref<16x128xi32, #tpu.memory_space<vmem>> -> memref<1x128xi32, #tpu.memory_space<vmem>>
    %dma_wait3A_101 = tpu.memref_squeeze %dma_wait3A_100 : memref<1x128xi32, #tpu.memory_space<vmem>> -> memref<128xi32, #tpu.memory_space<vmem>>
    %dma_wait3A_102 = arith.constant 0 : i32
    %dma_wait3A_103 = arith.constant 0 : i32
    %dma_wait3A_104 = tpu.memref_slice %arg2[%dma_wait3A_102, %dma_wait3A_103] : memref<4096x64xf32, #tpu.memory_space<hbm>> -> memref<4096x64xf32, #tpu.memory_space<hbm>>
    tpu.wait_indirect_dma semaphore(%arg7 : memref<!tpu.dma_semaphore, #tpu.memory_space<semaphore_mem>>) src(%dma_wait3A_104 : memref<4096x64xf32, #tpu.memory_space<hbm>>) dst(%arg6 : memref<128x64xf32, #tpu.memory_space<vmem>>)
    %add3A_105 = arith.constant 5 : i32
    %add3A_106 = arith.addi %mul3A_2, %add3A_105 : i32
    %mul3A_107 = arith.constant 128 : i32
    %mul3A_108 = arith.muli %add3A_106, %mul3A_107 : i32
    "tpu.region"() ({
      %run_scoped3A = tpu.sem_alloc : memref<!tpu.dma_semaphore, #tpu.memory_space<semaphore_mem>>
      %dma_start3A_289 = arith.constant 0 : i32
      %dma_start3A_290 = tpu.memref_slice %arg4[%mul3A_108, %dma_start3A_289] : memref<65536x64xf32, #tpu.memory_space<hbm>> -> memref<128x64xf32, #tpu.memory_space<hbm>>
      %dma_start3A_291 = arith.constant 0 : i32
      %dma_start3A_292 = tpu.memref_slice %arg4[%mul3A_108, %dma_start3A_291] : memref<65536x64xf32, #tpu.memory_space<hbm>> -> memref<128x64xf32, #tpu.memory_space<hbm>>
      tpu.enqueue_dma source(%arg6 : memref<128x64xf32, #tpu.memory_space<vmem>>) target(%dma_start3A_292 : memref<128x64xf32, #tpu.memory_space<hbm>>) target_semaphore(%run_scoped3A : memref<!tpu.dma_semaphore, #tpu.memory_space<semaphore_mem>>)
      %dma_wait3A_293 = arith.constant 0 : i32
      %dma_wait3A_294 = tpu.memref_slice %arg4[%mul3A_108, %dma_wait3A_293] : memref<65536x64xf32, #tpu.memory_space<hbm>> -> memref<128x64xf32, #tpu.memory_space<hbm>>
      %dma_wait3A_295 = arith.constant 0 : i32
      %dma_wait3A_296 = tpu.memref_slice %arg4[%mul3A_108, %dma_wait3A_295] : memref<65536x64xf32, #tpu.memory_space<hbm>> -> memref<128x64xf32, #tpu.memory_space<hbm>>
      tpu.wait_dma2 semaphore(%run_scoped3A : memref<!tpu.dma_semaphore, #tpu.memory_space<semaphore_mem>>) src(%arg6 : memref<128x64xf32, #tpu.memory_space<vmem>>) dst(%dma_wait3A_296 : memref<128x64xf32, #tpu.memory_space<hbm>>)
      tpu.yield
    }) : () -> ()
    %dma_start3A_109 = arith.constant 6 : i32
    %dma_start3A_110 = arith.constant 0 : i32
    %dma_start3A_111 = tpu.memref_slice %arg5[%dma_start3A_109, %dma_start3A_110] : memref<16x128xi32, #tpu.memory_space<vmem>> -> memref<1x128xi32, #tpu.memory_space<vmem>>
    %dma_start3A_112 = tpu.memref_squeeze %dma_start3A_111 : memref<1x128xi32, #tpu.memory_space<vmem>> -> memref<128xi32, #tpu.memory_space<vmem>>
    %dma_start3A_113 = arith.constant 0 : i32
    %dma_start3A_114 = arith.constant 0 : i32
    %dma_start3A_115 = tpu.memref_slice %arg2[%dma_start3A_113, %dma_start3A_114] : memref<4096x64xf32, #tpu.memory_space<hbm>> -> memref<4096x64xf32, #tpu.memory_space<hbm>>
    tpu.enqueue_indirect_dma source(%dma_start3A_115 : memref<4096x64xf32, #tpu.memory_space<hbm>>) target(%arg6 : memref<128x64xf32, #tpu.memory_space<vmem>>) offsets(%dma_start3A_112 : memref<128xi32, #tpu.memory_space<vmem>>) semaphore(%arg7 : memref<!tpu.dma_semaphore, #tpu.memory_space<semaphore_mem>>)
    %dma_wait3A_116 = arith.constant 6 : i32
    %dma_wait3A_117 = arith.constant 0 : i32
    %dma_wait3A_118 = tpu.memref_slice %arg5[%dma_wait3A_116, %dma_wait3A_117] : memref<16x128xi32, #tpu.memory_space<vmem>> -> memref<1x128xi32, #tpu.memory_space<vmem>>
    %dma_wait3A_119 = tpu.memref_squeeze %dma_wait3A_118 : memref<1x128xi32, #tpu.memory_space<vmem>> -> memref<128xi32, #tpu.memory_space<vmem>>
    %dma_wait3A_120 = arith.constant 0 : i32
    %dma_wait3A_121 = arith.constant 0 : i32
    %dma_wait3A_122 = tpu.memref_slice %arg2[%dma_wait3A_120, %dma_wait3A_121] : memref<4096x64xf32, #tpu.memory_space<hbm>> -> memref<4096x64xf32, #tpu.memory_space<hbm>>
    tpu.wait_indirect_dma semaphore(%arg7 : memref<!tpu.dma_semaphore, #tpu.memory_space<semaphore_mem>>) src(%dma_wait3A_122 : memref<4096x64xf32, #tpu.memory_space<hbm>>) dst(%arg6 : memref<128x64xf32, #tpu.memory_space<vmem>>)
    %add3A_123 = arith.constant 6 : i32
    %add3A_124 = arith.addi %mul3A_2, %add3A_123 : i32
    %mul3A_125 = arith.constant 128 : i32
    %mul3A_126 = arith.muli %add3A_124, %mul3A_125 : i32
    "tpu.region"() ({
      %run_scoped3A = tpu.sem_alloc : memref<!tpu.dma_semaphore, #tpu.memory_space<semaphore_mem>>
      %dma_start3A_289 = arith.constant 0 : i32
      %dma_start3A_290 = tpu.memref_slice %arg4[%mul3A_126, %dma_start3A_289] : memref<65536x64xf32, #tpu.memory_space<hbm>> -> memref<128x64xf32, #tpu.memory_space<hbm>>
      %dma_start3A_291 = arith.constant 0 : i32
      %dma_start3A_292 = tpu.memref_slice %arg4[%mul3A_126, %dma_start3A_291] : memref<65536x64xf32, #tpu.memory_space<hbm>> -> memref<128x64xf32, #tpu.memory_space<hbm>>
      tpu.enqueue_dma source(%arg6 : memref<128x64xf32, #tpu.memory_space<vmem>>) target(%dma_start3A_292 : memref<128x64xf32, #tpu.memory_space<hbm>>) target_semaphore(%run_scoped3A : memref<!tpu.dma_semaphore, #tpu.memory_space<semaphore_mem>>)
      %dma_wait3A_293 = arith.constant 0 : i32
      %dma_wait3A_294 = tpu.memref_slice %arg4[%mul3A_126, %dma_wait3A_293] : memref<65536x64xf32, #tpu.memory_space<hbm>> -> memref<128x64xf32, #tpu.memory_space<hbm>>
      %dma_wait3A_295 = arith.constant 0 : i32
      %dma_wait3A_296 = tpu.memref_slice %arg4[%mul3A_126, %dma_wait3A_295] : memref<65536x64xf32, #tpu.memory_space<hbm>> -> memref<128x64xf32, #tpu.memory_space<hbm>>
      tpu.wait_dma2 semaphore(%run_scoped3A : memref<!tpu.dma_semaphore, #tpu.memory_space<semaphore_mem>>) src(%arg6 : memref<128x64xf32, #tpu.memory_space<vmem>>) dst(%dma_wait3A_296 : memref<128x64xf32, #tpu.memory_space<hbm>>)
      tpu.yield
    }) : () -> ()
    %dma_start3A_127 = arith.constant 7 : i32
    %dma_start3A_128 = arith.constant 0 : i32
    %dma_start3A_129 = tpu.memref_slice %arg5[%dma_start3A_127, %dma_start3A_128] : memref<16x128xi32, #tpu.memory_space<vmem>> -> memref<1x128xi32, #tpu.memory_space<vmem>>
    %dma_start3A_130 = tpu.memref_squeeze %dma_start3A_129 : memref<1x128xi32, #tpu.memory_space<vmem>> -> memref<128xi32, #tpu.memory_space<vmem>>
    %dma_start3A_131 = arith.constant 0 : i32
    %dma_start3A_132 = arith.constant 0 : i32
    %dma_start3A_133 = tpu.memref_slice %arg2[%dma_start3A_131, %dma_start3A_132] : memref<4096x64xf32, #tpu.memory_space<hbm>> -> memref<4096x64xf32, #tpu.memory_space<hbm>>
    tpu.enqueue_indirect_dma source(%dma_start3A_133 : memref<4096x64xf32, #tpu.memory_space<hbm>>) target(%arg6 : memref<128x64xf32, #tpu.memory_space<vmem>>) offsets(%dma_start3A_130 : memref<128xi32, #tpu.memory_space<vmem>>) semaphore(%arg7 : memref<!tpu.dma_semaphore, #tpu.memory_space<semaphore_mem>>)
    %dma_wait3A_134 = arith.constant 7 : i32
    %dma_wait3A_135 = arith.constant 0 : i32
    %dma_wait3A_136 = tpu.memref_slice %arg5[%dma_wait3A_134, %dma_wait3A_135] : memref<16x128xi32, #tpu.memory_space<vmem>> -> memref<1x128xi32, #tpu.memory_space<vmem>>
    %dma_wait3A_137 = tpu.memref_squeeze %dma_wait3A_136 : memref<1x128xi32, #tpu.memory_space<vmem>> -> memref<128xi32, #tpu.memory_space<vmem>>
    %dma_wait3A_138 = arith.constant 0 : i32
    %dma_wait3A_139 = arith.constant 0 : i32
    %dma_wait3A_140 = tpu.memref_slice %arg2[%dma_wait3A_138, %dma_wait3A_139] : memref<4096x64xf32, #tpu.memory_space<hbm>> -> memref<4096x64xf32, #tpu.memory_space<hbm>>
    tpu.wait_indirect_dma semaphore(%arg7 : memref<!tpu.dma_semaphore, #tpu.memory_space<semaphore_mem>>) src(%dma_wait3A_140 : memref<4096x64xf32, #tpu.memory_space<hbm>>) dst(%arg6 : memref<128x64xf32, #tpu.memory_space<vmem>>)
    %add3A_141 = arith.constant 7 : i32
    %add3A_142 = arith.addi %mul3A_2, %add3A_141 : i32
    %mul3A_143 = arith.constant 128 : i32
    %mul3A_144 = arith.muli %add3A_142, %mul3A_143 : i32
    "tpu.region"() ({
      %run_scoped3A = tpu.sem_alloc : memref<!tpu.dma_semaphore, #tpu.memory_space<semaphore_mem>>
      %dma_start3A_289 = arith.constant 0 : i32
      %dma_start3A_290 = tpu.memref_slice %arg4[%mul3A_144, %dma_start3A_289] : memref<65536x64xf32, #tpu.memory_space<hbm>> -> memref<128x64xf32, #tpu.memory_space<hbm>>
      %dma_start3A_291 = arith.constant 0 : i32
      %dma_start3A_292 = tpu.memref_slice %arg4[%mul3A_144, %dma_start3A_291] : memref<65536x64xf32, #tpu.memory_space<hbm>> -> memref<128x64xf32, #tpu.memory_space<hbm>>
      tpu.enqueue_dma source(%arg6 : memref<128x64xf32, #tpu.memory_space<vmem>>) target(%dma_start3A_292 : memref<128x64xf32, #tpu.memory_space<hbm>>) target_semaphore(%run_scoped3A : memref<!tpu.dma_semaphore, #tpu.memory_space<semaphore_mem>>)
      %dma_wait3A_293 = arith.constant 0 : i32
      %dma_wait3A_294 = tpu.memref_slice %arg4[%mul3A_144, %dma_wait3A_293] : memref<65536x64xf32, #tpu.memory_space<hbm>> -> memref<128x64xf32, #tpu.memory_space<hbm>>
      %dma_wait3A_295 = arith.constant 0 : i32
      %dma_wait3A_296 = tpu.memref_slice %arg4[%mul3A_144, %dma_wait3A_295] : memref<65536x64xf32, #tpu.memory_space<hbm>> -> memref<128x64xf32, #tpu.memory_space<hbm>>
      tpu.wait_dma2 semaphore(%run_scoped3A : memref<!tpu.dma_semaphore, #tpu.memory_space<semaphore_mem>>) src(%arg6 : memref<128x64xf32, #tpu.memory_space<vmem>>) dst(%dma_wait3A_296 : memref<128x64xf32, #tpu.memory_space<hbm>>)
      tpu.yield
    }) : () -> ()
    %dma_start3A_145 = arith.constant 8 : i32
    %dma_start3A_146 = arith.constant 0 : i32
    %dma_start3A_147 = tpu.memref_slice %arg5[%dma_start3A_145, %dma_start3A_146] : memref<16x128xi32, #tpu.memory_space<vmem>> -> memref<1x128xi32, #tpu.memory_space<vmem>>
    %dma_start3A_148 = tpu.memref_squeeze %dma_start3A_147 : memref<1x128xi32, #tpu.memory_space<vmem>> -> memref<128xi32, #tpu.memory_space<vmem>>
    %dma_start3A_149 = arith.constant 0 : i32
    %dma_start3A_150 = arith.constant 0 : i32
    %dma_start3A_151 = tpu.memref_slice %arg2[%dma_start3A_149, %dma_start3A_150] : memref<4096x64xf32, #tpu.memory_space<hbm>> -> memref<4096x64xf32, #tpu.memory_space<hbm>>
    tpu.enqueue_indirect_dma source(%dma_start3A_151 : memref<4096x64xf32, #tpu.memory_space<hbm>>) target(%arg6 : memref<128x64xf32, #tpu.memory_space<vmem>>) offsets(%dma_start3A_148 : memref<128xi32, #tpu.memory_space<vmem>>) semaphore(%arg7 : memref<!tpu.dma_semaphore, #tpu.memory_space<semaphore_mem>>)
    %dma_wait3A_152 = arith.constant 8 : i32
    %dma_wait3A_153 = arith.constant 0 : i32
    %dma_wait3A_154 = tpu.memref_slice %arg5[%dma_wait3A_152, %dma_wait3A_153] : memref<16x128xi32, #tpu.memory_space<vmem>> -> memref<1x128xi32, #tpu.memory_space<vmem>>
    %dma_wait3A_155 = tpu.memref_squeeze %dma_wait3A_154 : memref<1x128xi32, #tpu.memory_space<vmem>> -> memref<128xi32, #tpu.memory_space<vmem>>
    %dma_wait3A_156 = arith.constant 0 : i32
    %dma_wait3A_157 = arith.constant 0 : i32
    %dma_wait3A_158 = tpu.memref_slice %arg2[%dma_wait3A_156, %dma_wait3A_157] : memref<4096x64xf32, #tpu.memory_space<hbm>> -> memref<4096x64xf32, #tpu.memory_space<hbm>>
    tpu.wait_indirect_dma semaphore(%arg7 : memref<!tpu.dma_semaphore, #tpu.memory_space<semaphore_mem>>) src(%dma_wait3A_158 : memref<4096x64xf32, #tpu.memory_space<hbm>>) dst(%arg6 : memref<128x64xf32, #tpu.memory_space<vmem>>)
    %add3A_159 = arith.constant 8 : i32
    %add3A_160 = arith.addi %mul3A_2, %add3A_159 : i32
    %mul3A_161 = arith.constant 128 : i32
    %mul3A_162 = arith.muli %add3A_160, %mul3A_161 : i32
    "tpu.region"() ({
      %run_scoped3A = tpu.sem_alloc : memref<!tpu.dma_semaphore, #tpu.memory_space<semaphore_mem>>
      %dma_start3A_289 = arith.constant 0 : i32
      %dma_start3A_290 = tpu.memref_slice %arg4[%mul3A_162, %dma_start3A_289] : memref<65536x64xf32, #tpu.memory_space<hbm>> -> memref<128x64xf32, #tpu.memory_space<hbm>>
      %dma_start3A_291 = arith.constant 0 : i32
      %dma_start3A_292 = tpu.memref_slice %arg4[%mul3A_162, %dma_start3A_291] : memref<65536x64xf32, #tpu.memory_space<hbm>> -> memref<128x64xf32, #tpu.memory_space<hbm>>
      tpu.enqueue_dma source(%arg6 : memref<128x64xf32, #tpu.memory_space<vmem>>) target(%dma_start3A_292 : memref<128x64xf32, #tpu.memory_space<hbm>>) target_semaphore(%run_scoped3A : memref<!tpu.dma_semaphore, #tpu.memory_space<semaphore_mem>>)
      %dma_wait3A_293 = arith.constant 0 : i32
      %dma_wait3A_294 = tpu.memref_slice %arg4[%mul3A_162, %dma_wait3A_293] : memref<65536x64xf32, #tpu.memory_space<hbm>> -> memref<128x64xf32, #tpu.memory_space<hbm>>
      %dma_wait3A_295 = arith.constant 0 : i32
      %dma_wait3A_296 = tpu.memref_slice %arg4[%mul3A_162, %dma_wait3A_295] : memref<65536x64xf32, #tpu.memory_space<hbm>> -> memref<128x64xf32, #tpu.memory_space<hbm>>
      tpu.wait_dma2 semaphore(%run_scoped3A : memref<!tpu.dma_semaphore, #tpu.memory_space<semaphore_mem>>) src(%arg6 : memref<128x64xf32, #tpu.memory_space<vmem>>) dst(%dma_wait3A_296 : memref<128x64xf32, #tpu.memory_space<hbm>>)
      tpu.yield
    }) : () -> ()
    %dma_start3A_163 = arith.constant 9 : i32
    %dma_start3A_164 = arith.constant 0 : i32
    %dma_start3A_165 = tpu.memref_slice %arg5[%dma_start3A_163, %dma_start3A_164] : memref<16x128xi32, #tpu.memory_space<vmem>> -> memref<1x128xi32, #tpu.memory_space<vmem>>
    %dma_start3A_166 = tpu.memref_squeeze %dma_start3A_165 : memref<1x128xi32, #tpu.memory_space<vmem>> -> memref<128xi32, #tpu.memory_space<vmem>>
    %dma_start3A_167 = arith.constant 0 : i32
    %dma_start3A_168 = arith.constant 0 : i32
    %dma_start3A_169 = tpu.memref_slice %arg2[%dma_start3A_167, %dma_start3A_168] : memref<4096x64xf32, #tpu.memory_space<hbm>> -> memref<4096x64xf32, #tpu.memory_space<hbm>>
    tpu.enqueue_indirect_dma source(%dma_start3A_169 : memref<4096x64xf32, #tpu.memory_space<hbm>>) target(%arg6 : memref<128x64xf32, #tpu.memory_space<vmem>>) offsets(%dma_start3A_166 : memref<128xi32, #tpu.memory_space<vmem>>) semaphore(%arg7 : memref<!tpu.dma_semaphore, #tpu.memory_space<semaphore_mem>>)
    %dma_wait3A_170 = arith.constant 9 : i32
    %dma_wait3A_171 = arith.constant 0 : i32
    %dma_wait3A_172 = tpu.memref_slice %arg5[%dma_wait3A_170, %dma_wait3A_171] : memref<16x128xi32, #tpu.memory_space<vmem>> -> memref<1x128xi32, #tpu.memory_space<vmem>>
    %dma_wait3A_173 = tpu.memref_squeeze %dma_wait3A_172 : memref<1x128xi32, #tpu.memory_space<vmem>> -> memref<128xi32, #tpu.memory_space<vmem>>
    %dma_wait3A_174 = arith.constant 0 : i32
    %dma_wait3A_175 = arith.constant 0 : i32
    %dma_wait3A_176 = tpu.memref_slice %arg2[%dma_wait3A_174, %dma_wait3A_175] : memref<4096x64xf32, #tpu.memory_space<hbm>> -> memref<4096x64xf32, #tpu.memory_space<hbm>>
    tpu.wait_indirect_dma semaphore(%arg7 : memref<!tpu.dma_semaphore, #tpu.memory_space<semaphore_mem>>) src(%dma_wait3A_176 : memref<4096x64xf32, #tpu.memory_space<hbm>>) dst(%arg6 : memref<128x64xf32, #tpu.memory_space<vmem>>)
    %add3A_177 = arith.constant 9 : i32
    %add3A_178 = arith.addi %mul3A_2, %add3A_177 : i32
    %mul3A_179 = arith.constant 128 : i32
    %mul3A_180 = arith.muli %add3A_178, %mul3A_179 : i32
    "tpu.region"() ({
      %run_scoped3A = tpu.sem_alloc : memref<!tpu.dma_semaphore, #tpu.memory_space<semaphore_mem>>
      %dma_start3A_289 = arith.constant 0 : i32
      %dma_start3A_290 = tpu.memref_slice %arg4[%mul3A_180, %dma_start3A_289] : memref<65536x64xf32, #tpu.memory_space<hbm>> -> memref<128x64xf32, #tpu.memory_space<hbm>>
      %dma_start3A_291 = arith.constant 0 : i32
      %dma_start3A_292 = tpu.memref_slice %arg4[%mul3A_180, %dma_start3A_291] : memref<65536x64xf32, #tpu.memory_space<hbm>> -> memref<128x64xf32, #tpu.memory_space<hbm>>
      tpu.enqueue_dma source(%arg6 : memref<128x64xf32, #tpu.memory_space<vmem>>) target(%dma_start3A_292 : memref<128x64xf32, #tpu.memory_space<hbm>>) target_semaphore(%run_scoped3A : memref<!tpu.dma_semaphore, #tpu.memory_space<semaphore_mem>>)
      %dma_wait3A_293 = arith.constant 0 : i32
      %dma_wait3A_294 = tpu.memref_slice %arg4[%mul3A_180, %dma_wait3A_293] : memref<65536x64xf32, #tpu.memory_space<hbm>> -> memref<128x64xf32, #tpu.memory_space<hbm>>
      %dma_wait3A_295 = arith.constant 0 : i32
      %dma_wait3A_296 = tpu.memref_slice %arg4[%mul3A_180, %dma_wait3A_295] : memref<65536x64xf32, #tpu.memory_space<hbm>> -> memref<128x64xf32, #tpu.memory_space<hbm>>
      tpu.wait_dma2 semaphore(%run_scoped3A : memref<!tpu.dma_semaphore, #tpu.memory_space<semaphore_mem>>) src(%arg6 : memref<128x64xf32, #tpu.memory_space<vmem>>) dst(%dma_wait3A_296 : memref<128x64xf32, #tpu.memory_space<hbm>>)
      tpu.yield
    }) : () -> ()
    %dma_start3A_181 = arith.constant 10 : i32
    %dma_start3A_182 = arith.constant 0 : i32
    %dma_start3A_183 = tpu.memref_slice %arg5[%dma_start3A_181, %dma_start3A_182] : memref<16x128xi32, #tpu.memory_space<vmem>> -> memref<1x128xi32, #tpu.memory_space<vmem>>
    %dma_start3A_184 = tpu.memref_squeeze %dma_start3A_183 : memref<1x128xi32, #tpu.memory_space<vmem>> -> memref<128xi32, #tpu.memory_space<vmem>>
    %dma_start3A_185 = arith.constant 0 : i32
    %dma_start3A_186 = arith.constant 0 : i32
    %dma_start3A_187 = tpu.memref_slice %arg2[%dma_start3A_185, %dma_start3A_186] : memref<4096x64xf32, #tpu.memory_space<hbm>> -> memref<4096x64xf32, #tpu.memory_space<hbm>>
    tpu.enqueue_indirect_dma source(%dma_start3A_187 : memref<4096x64xf32, #tpu.memory_space<hbm>>) target(%arg6 : memref<128x64xf32, #tpu.memory_space<vmem>>) offsets(%dma_start3A_184 : memref<128xi32, #tpu.memory_space<vmem>>) semaphore(%arg7 : memref<!tpu.dma_semaphore, #tpu.memory_space<semaphore_mem>>)
    %dma_wait3A_188 = arith.constant 10 : i32
    %dma_wait3A_189 = arith.constant 0 : i32
    %dma_wait3A_190 = tpu.memref_slice %arg5[%dma_wait3A_188, %dma_wait3A_189] : memref<16x128xi32, #tpu.memory_space<vmem>> -> memref<1x128xi32, #tpu.memory_space<vmem>>
    %dma_wait3A_191 = tpu.memref_squeeze %dma_wait3A_190 : memref<1x128xi32, #tpu.memory_space<vmem>> -> memref<128xi32, #tpu.memory_space<vmem>>
    %dma_wait3A_192 = arith.constant 0 : i32
    %dma_wait3A_193 = arith.constant 0 : i32
    %dma_wait3A_194 = tpu.memref_slice %arg2[%dma_wait3A_192, %dma_wait3A_193] : memref<4096x64xf32, #tpu.memory_space<hbm>> -> memref<4096x64xf32, #tpu.memory_space<hbm>>
    tpu.wait_indirect_dma semaphore(%arg7 : memref<!tpu.dma_semaphore, #tpu.memory_space<semaphore_mem>>) src(%dma_wait3A_194 : memref<4096x64xf32, #tpu.memory_space<hbm>>) dst(%arg6 : memref<128x64xf32, #tpu.memory_space<vmem>>)
    %add3A_195 = arith.constant 10 : i32
    %add3A_196 = arith.addi %mul3A_2, %add3A_195 : i32
    %mul3A_197 = arith.constant 128 : i32
    %mul3A_198 = arith.muli %add3A_196, %mul3A_197 : i32
    "tpu.region"() ({
      %run_scoped3A = tpu.sem_alloc : memref<!tpu.dma_semaphore, #tpu.memory_space<semaphore_mem>>
      %dma_start3A_289 = arith.constant 0 : i32
      %dma_start3A_290 = tpu.memref_slice %arg4[%mul3A_198, %dma_start3A_289] : memref<65536x64xf32, #tpu.memory_space<hbm>> -> memref<128x64xf32, #tpu.memory_space<hbm>>
      %dma_start3A_291 = arith.constant 0 : i32
      %dma_start3A_292 = tpu.memref_slice %arg4[%mul3A_198, %dma_start3A_291] : memref<65536x64xf32, #tpu.memory_space<hbm>> -> memref<128x64xf32, #tpu.memory_space<hbm>>
      tpu.enqueue_dma source(%arg6 : memref<128x64xf32, #tpu.memory_space<vmem>>) target(%dma_start3A_292 : memref<128x64xf32, #tpu.memory_space<hbm>>) target_semaphore(%run_scoped3A : memref<!tpu.dma_semaphore, #tpu.memory_space<semaphore_mem>>)
      %dma_wait3A_293 = arith.constant 0 : i32
      %dma_wait3A_294 = tpu.memref_slice %arg4[%mul3A_198, %dma_wait3A_293] : memref<65536x64xf32, #tpu.memory_space<hbm>> -> memref<128x64xf32, #tpu.memory_space<hbm>>
      %dma_wait3A_295 = arith.constant 0 : i32
      %dma_wait3A_296 = tpu.memref_slice %arg4[%mul3A_198, %dma_wait3A_295] : memref<65536x64xf32, #tpu.memory_space<hbm>> -> memref<128x64xf32, #tpu.memory_space<hbm>>
      tpu.wait_dma2 semaphore(%run_scoped3A : memref<!tpu.dma_semaphore, #tpu.memory_space<semaphore_mem>>) src(%arg6 : memref<128x64xf32, #tpu.memory_space<vmem>>) dst(%dma_wait3A_296 : memref<128x64xf32, #tpu.memory_space<hbm>>)
      tpu.yield
    }) : () -> ()
    %dma_start3A_199 = arith.constant 11 : i32
    %dma_start3A_200 = arith.constant 0 : i32
    %dma_start3A_201 = tpu.memref_slice %arg5[%dma_start3A_199, %dma_start3A_200] : memref<16x128xi32, #tpu.memory_space<vmem>> -> memref<1x128xi32, #tpu.memory_space<vmem>>
    %dma_start3A_202 = tpu.memref_squeeze %dma_start3A_201 : memref<1x128xi32, #tpu.memory_space<vmem>> -> memref<128xi32, #tpu.memory_space<vmem>>
    %dma_start3A_203 = arith.constant 0 : i32
    %dma_start3A_204 = arith.constant 0 : i32
    %dma_start3A_205 = tpu.memref_slice %arg2[%dma_start3A_203, %dma_start3A_204] : memref<4096x64xf32, #tpu.memory_space<hbm>> -> memref<4096x64xf32, #tpu.memory_space<hbm>>
    tpu.enqueue_indirect_dma source(%dma_start3A_205 : memref<4096x64xf32, #tpu.memory_space<hbm>>) target(%arg6 : memref<128x64xf32, #tpu.memory_space<vmem>>) offsets(%dma_start3A_202 : memref<128xi32, #tpu.memory_space<vmem>>) semaphore(%arg7 : memref<!tpu.dma_semaphore, #tpu.memory_space<semaphore_mem>>)
    %dma_wait3A_206 = arith.constant 11 : i32
    %dma_wait3A_207 = arith.constant 0 : i32
    %dma_wait3A_208 = tpu.memref_slice %arg5[%dma_wait3A_206, %dma_wait3A_207] : memref<16x128xi32, #tpu.memory_space<vmem>> -> memref<1x128xi32, #tpu.memory_space<vmem>>
    %dma_wait3A_209 = tpu.memref_squeeze %dma_wait3A_208 : memref<1x128xi32, #tpu.memory_space<vmem>> -> memref<128xi32, #tpu.memory_space<vmem>>
    %dma_wait3A_210 = arith.constant 0 : i32
    %dma_wait3A_211 = arith.constant 0 : i32
    %dma_wait3A_212 = tpu.memref_slice %arg2[%dma_wait3A_210, %dma_wait3A_211] : memref<4096x64xf32, #tpu.memory_space<hbm>> -> memref<4096x64xf32, #tpu.memory_space<hbm>>
    tpu.wait_indirect_dma semaphore(%arg7 : memref<!tpu.dma_semaphore, #tpu.memory_space<semaphore_mem>>) src(%dma_wait3A_212 : memref<4096x64xf32, #tpu.memory_space<hbm>>) dst(%arg6 : memref<128x64xf32, #tpu.memory_space<vmem>>)
    %add3A_213 = arith.constant 11 : i32
    %add3A_214 = arith.addi %mul3A_2, %add3A_213 : i32
    %mul3A_215 = arith.constant 128 : i32
    %mul3A_216 = arith.muli %add3A_214, %mul3A_215 : i32
    "tpu.region"() ({
      %run_scoped3A = tpu.sem_alloc : memref<!tpu.dma_semaphore, #tpu.memory_space<semaphore_mem>>
      %dma_start3A_289 = arith.constant 0 : i32
      %dma_start3A_290 = tpu.memref_slice %arg4[%mul3A_216, %dma_start3A_289] : memref<65536x64xf32, #tpu.memory_space<hbm>> -> memref<128x64xf32, #tpu.memory_space<hbm>>
      %dma_start3A_291 = arith.constant 0 : i32
      %dma_start3A_292 = tpu.memref_slice %arg4[%mul3A_216, %dma_start3A_291] : memref<65536x64xf32, #tpu.memory_space<hbm>> -> memref<128x64xf32, #tpu.memory_space<hbm>>
      tpu.enqueue_dma source(%arg6 : memref<128x64xf32, #tpu.memory_space<vmem>>) target(%dma_start3A_292 : memref<128x64xf32, #tpu.memory_space<hbm>>) target_semaphore(%run_scoped3A : memref<!tpu.dma_semaphore, #tpu.memory_space<semaphore_mem>>)
      %dma_wait3A_293 = arith.constant 0 : i32
      %dma_wait3A_294 = tpu.memref_slice %arg4[%mul3A_216, %dma_wait3A_293] : memref<65536x64xf32, #tpu.memory_space<hbm>> -> memref<128x64xf32, #tpu.memory_space<hbm>>
      %dma_wait3A_295 = arith.constant 0 : i32
      %dma_wait3A_296 = tpu.memref_slice %arg4[%mul3A_216, %dma_wait3A_295] : memref<65536x64xf32, #tpu.memory_space<hbm>> -> memref<128x64xf32, #tpu.memory_space<hbm>>
      tpu.wait_dma2 semaphore(%run_scoped3A : memref<!tpu.dma_semaphore, #tpu.memory_space<semaphore_mem>>) src(%arg6 : memref<128x64xf32, #tpu.memory_space<vmem>>) dst(%dma_wait3A_296 : memref<128x64xf32, #tpu.memory_space<hbm>>)
      tpu.yield
    }) : () -> ()
    %dma_start3A_217 = arith.constant 12 : i32
    %dma_start3A_218 = arith.constant 0 : i32
    %dma_start3A_219 = tpu.memref_slice %arg5[%dma_start3A_217, %dma_start3A_218] : memref<16x128xi32, #tpu.memory_space<vmem>> -> memref<1x128xi32, #tpu.memory_space<vmem>>
    %dma_start3A_220 = tpu.memref_squeeze %dma_start3A_219 : memref<1x128xi32, #tpu.memory_space<vmem>> -> memref<128xi32, #tpu.memory_space<vmem>>
    %dma_start3A_221 = arith.constant 0 : i32
    %dma_start3A_222 = arith.constant 0 : i32
    %dma_start3A_223 = tpu.memref_slice %arg2[%dma_start3A_221, %dma_start3A_222] : memref<4096x64xf32, #tpu.memory_space<hbm>> -> memref<4096x64xf32, #tpu.memory_space<hbm>>
    tpu.enqueue_indirect_dma source(%dma_start3A_223 : memref<4096x64xf32, #tpu.memory_space<hbm>>) target(%arg6 : memref<128x64xf32, #tpu.memory_space<vmem>>) offsets(%dma_start3A_220 : memref<128xi32, #tpu.memory_space<vmem>>) semaphore(%arg7 : memref<!tpu.dma_semaphore, #tpu.memory_space<semaphore_mem>>)
    %dma_wait3A_224 = arith.constant 12 : i32
    %dma_wait3A_225 = arith.constant 0 : i32
    %dma_wait3A_226 = tpu.memref_slice %arg5[%dma_wait3A_224, %dma_wait3A_225] : memref<16x128xi32, #tpu.memory_space<vmem>> -> memref<1x128xi32, #tpu.memory_space<vmem>>
    %dma_wait3A_227 = tpu.memref_squeeze %dma_wait3A_226 : memref<1x128xi32, #tpu.memory_space<vmem>> -> memref<128xi32, #tpu.memory_space<vmem>>
    %dma_wait3A_228 = arith.constant 0 : i32
    %dma_wait3A_229 = arith.constant 0 : i32
    %dma_wait3A_230 = tpu.memref_slice %arg2[%dma_wait3A_228, %dma_wait3A_229] : memref<4096x64xf32, #tpu.memory_space<hbm>> -> memref<4096x64xf32, #tpu.memory_space<hbm>>
    tpu.wait_indirect_dma semaphore(%arg7 : memref<!tpu.dma_semaphore, #tpu.memory_space<semaphore_mem>>) src(%dma_wait3A_230 : memref<4096x64xf32, #tpu.memory_space<hbm>>) dst(%arg6 : memref<128x64xf32, #tpu.memory_space<vmem>>)
    %add3A_231 = arith.constant 12 : i32
    %add3A_232 = arith.addi %mul3A_2, %add3A_231 : i32
    %mul3A_233 = arith.constant 128 : i32
    %mul3A_234 = arith.muli %add3A_232, %mul3A_233 : i32
    "tpu.region"() ({
      %run_scoped3A = tpu.sem_alloc : memref<!tpu.dma_semaphore, #tpu.memory_space<semaphore_mem>>
      %dma_start3A_289 = arith.constant 0 : i32
      %dma_start3A_290 = tpu.memref_slice %arg4[%mul3A_234, %dma_start3A_289] : memref<65536x64xf32, #tpu.memory_space<hbm>> -> memref<128x64xf32, #tpu.memory_space<hbm>>
      %dma_start3A_291 = arith.constant 0 : i32
      %dma_start3A_292 = tpu.memref_slice %arg4[%mul3A_234, %dma_start3A_291] : memref<65536x64xf32, #tpu.memory_space<hbm>> -> memref<128x64xf32, #tpu.memory_space<hbm>>
      tpu.enqueue_dma source(%arg6 : memref<128x64xf32, #tpu.memory_space<vmem>>) target(%dma_start3A_292 : memref<128x64xf32, #tpu.memory_space<hbm>>) target_semaphore(%run_scoped3A : memref<!tpu.dma_semaphore, #tpu.memory_space<semaphore_mem>>)
      %dma_wait3A_293 = arith.constant 0 : i32
      %dma_wait3A_294 = tpu.memref_slice %arg4[%mul3A_234, %dma_wait3A_293] : memref<65536x64xf32, #tpu.memory_space<hbm>> -> memref<128x64xf32, #tpu.memory_space<hbm>>
      %dma_wait3A_295 = arith.constant 0 : i32
      %dma_wait3A_296 = tpu.memref_slice %arg4[%mul3A_234, %dma_wait3A_295] : memref<65536x64xf32, #tpu.memory_space<hbm>> -> memref<128x64xf32, #tpu.memory_space<hbm>>
      tpu.wait_dma2 semaphore(%run_scoped3A : memref<!tpu.dma_semaphore, #tpu.memory_space<semaphore_mem>>) src(%arg6 : memref<128x64xf32, #tpu.memory_space<vmem>>) dst(%dma_wait3A_296 : memref<128x64xf32, #tpu.memory_space<hbm>>)
      tpu.yield
    }) : () -> ()
    %dma_start3A_235 = arith.constant 13 : i32
    %dma_start3A_236 = arith.constant 0 : i32
    %dma_start3A_237 = tpu.memref_slice %arg5[%dma_start3A_235, %dma_start3A_236] : memref<16x128xi32, #tpu.memory_space<vmem>> -> memref<1x128xi32, #tpu.memory_space<vmem>>
    %dma_start3A_238 = tpu.memref_squeeze %dma_start3A_237 : memref<1x128xi32, #tpu.memory_space<vmem>> -> memref<128xi32, #tpu.memory_space<vmem>>
    %dma_start3A_239 = arith.constant 0 : i32
    %dma_start3A_240 = arith.constant 0 : i32
    %dma_start3A_241 = tpu.memref_slice %arg2[%dma_start3A_239, %dma_start3A_240] : memref<4096x64xf32, #tpu.memory_space<hbm>> -> memref<4096x64xf32, #tpu.memory_space<hbm>>
    tpu.enqueue_indirect_dma source(%dma_start3A_241 : memref<4096x64xf32, #tpu.memory_space<hbm>>) target(%arg6 : memref<128x64xf32, #tpu.memory_space<vmem>>) offsets(%dma_start3A_238 : memref<128xi32, #tpu.memory_space<vmem>>) semaphore(%arg7 : memref<!tpu.dma_semaphore, #tpu.memory_space<semaphore_mem>>)
    %dma_wait3A_242 = arith.constant 13 : i32
    %dma_wait3A_243 = arith.constant 0 : i32
    %dma_wait3A_244 = tpu.memref_slice %arg5[%dma_wait3A_242, %dma_wait3A_243] : memref<16x128xi32, #tpu.memory_space<vmem>> -> memref<1x128xi32, #tpu.memory_space<vmem>>
    %dma_wait3A_245 = tpu.memref_squeeze %dma_wait3A_244 : memref<1x128xi32, #tpu.memory_space<vmem>> -> memref<128xi32, #tpu.memory_space<vmem>>
    %dma_wait3A_246 = arith.constant 0 : i32
    %dma_wait3A_247 = arith.constant 0 : i32
    %dma_wait3A_248 = tpu.memref_slice %arg2[%dma_wait3A_246, %dma_wait3A_247] : memref<4096x64xf32, #tpu.memory_space<hbm>> -> memref<4096x64xf32, #tpu.memory_space<hbm>>
    tpu.wait_indirect_dma semaphore(%arg7 : memref<!tpu.dma_semaphore, #tpu.memory_space<semaphore_mem>>) src(%dma_wait3A_248 : memref<4096x64xf32, #tpu.memory_space<hbm>>) dst(%arg6 : memref<128x64xf32, #tpu.memory_space<vmem>>)
    %add3A_249 = arith.constant 13 : i32
    %add3A_250 = arith.addi %mul3A_2, %add3A_249 : i32
    %mul3A_251 = arith.constant 128 : i32
    %mul3A_252 = arith.muli %add3A_250, %mul3A_251 : i32
    "tpu.region"() ({
      %run_scoped3A = tpu.sem_alloc : memref<!tpu.dma_semaphore, #tpu.memory_space<semaphore_mem>>
      %dma_start3A_289 = arith.constant 0 : i32
      %dma_start3A_290 = tpu.memref_slice %arg4[%mul3A_252, %dma_start3A_289] : memref<65536x64xf32, #tpu.memory_space<hbm>> -> memref<128x64xf32, #tpu.memory_space<hbm>>
      %dma_start3A_291 = arith.constant 0 : i32
      %dma_start3A_292 = tpu.memref_slice %arg4[%mul3A_252, %dma_start3A_291] : memref<65536x64xf32, #tpu.memory_space<hbm>> -> memref<128x64xf32, #tpu.memory_space<hbm>>
      tpu.enqueue_dma source(%arg6 : memref<128x64xf32, #tpu.memory_space<vmem>>) target(%dma_start3A_292 : memref<128x64xf32, #tpu.memory_space<hbm>>) target_semaphore(%run_scoped3A : memref<!tpu.dma_semaphore, #tpu.memory_space<semaphore_mem>>)
      %dma_wait3A_293 = arith.constant 0 : i32
      %dma_wait3A_294 = tpu.memref_slice %arg4[%mul3A_252, %dma_wait3A_293] : memref<65536x64xf32, #tpu.memory_space<hbm>> -> memref<128x64xf32, #tpu.memory_space<hbm>>
      %dma_wait3A_295 = arith.constant 0 : i32
      %dma_wait3A_296 = tpu.memref_slice %arg4[%mul3A_252, %dma_wait3A_295] : memref<65536x64xf32, #tpu.memory_space<hbm>> -> memref<128x64xf32, #tpu.memory_space<hbm>>
      tpu.wait_dma2 semaphore(%run_scoped3A : memref<!tpu.dma_semaphore, #tpu.memory_space<semaphore_mem>>) src(%arg6 : memref<128x64xf32, #tpu.memory_space<vmem>>) dst(%dma_wait3A_296 : memref<128x64xf32, #tpu.memory_space<hbm>>)
      tpu.yield
    }) : () -> ()
    %dma_start3A_253 = arith.constant 14 : i32
    %dma_start3A_254 = arith.constant 0 : i32
    %dma_start3A_255 = tpu.memref_slice %arg5[%dma_start3A_253, %dma_start3A_254] : memref<16x128xi32, #tpu.memory_space<vmem>> -> memref<1x128xi32, #tpu.memory_space<vmem>>
    %dma_start3A_256 = tpu.memref_squeeze %dma_start3A_255 : memref<1x128xi32, #tpu.memory_space<vmem>> -> memref<128xi32, #tpu.memory_space<vmem>>
    %dma_start3A_257 = arith.constant 0 : i32
    %dma_start3A_258 = arith.constant 0 : i32
    %dma_start3A_259 = tpu.memref_slice %arg2[%dma_start3A_257, %dma_start3A_258] : memref<4096x64xf32, #tpu.memory_space<hbm>> -> memref<4096x64xf32, #tpu.memory_space<hbm>>
    tpu.enqueue_indirect_dma source(%dma_start3A_259 : memref<4096x64xf32, #tpu.memory_space<hbm>>) target(%arg6 : memref<128x64xf32, #tpu.memory_space<vmem>>) offsets(%dma_start3A_256 : memref<128xi32, #tpu.memory_space<vmem>>) semaphore(%arg7 : memref<!tpu.dma_semaphore, #tpu.memory_space<semaphore_mem>>)
    %dma_wait3A_260 = arith.constant 14 : i32
    %dma_wait3A_261 = arith.constant 0 : i32
    %dma_wait3A_262 = tpu.memref_slice %arg5[%dma_wait3A_260, %dma_wait3A_261] : memref<16x128xi32, #tpu.memory_space<vmem>> -> memref<1x128xi32, #tpu.memory_space<vmem>>
    %dma_wait3A_263 = tpu.memref_squeeze %dma_wait3A_262 : memref<1x128xi32, #tpu.memory_space<vmem>> -> memref<128xi32, #tpu.memory_space<vmem>>
    %dma_wait3A_264 = arith.constant 0 : i32
    %dma_wait3A_265 = arith.constant 0 : i32
    %dma_wait3A_266 = tpu.memref_slice %arg2[%dma_wait3A_264, %dma_wait3A_265] : memref<4096x64xf32, #tpu.memory_space<hbm>> -> memref<4096x64xf32, #tpu.memory_space<hbm>>
    tpu.wait_indirect_dma semaphore(%arg7 : memref<!tpu.dma_semaphore, #tpu.memory_space<semaphore_mem>>) src(%dma_wait3A_266 : memref<4096x64xf32, #tpu.memory_space<hbm>>) dst(%arg6 : memref<128x64xf32, #tpu.memory_space<vmem>>)
    %add3A_267 = arith.constant 14 : i32
    %add3A_268 = arith.addi %mul3A_2, %add3A_267 : i32
    %mul3A_269 = arith.constant 128 : i32
    %mul3A_270 = arith.muli %add3A_268, %mul3A_269 : i32
    "tpu.region"() ({
      %run_scoped3A = tpu.sem_alloc : memref<!tpu.dma_semaphore, #tpu.memory_space<semaphore_mem>>
      %dma_start3A_289 = arith.constant 0 : i32
      %dma_start3A_290 = tpu.memref_slice %arg4[%mul3A_270, %dma_start3A_289] : memref<65536x64xf32, #tpu.memory_space<hbm>> -> memref<128x64xf32, #tpu.memory_space<hbm>>
      %dma_start3A_291 = arith.constant 0 : i32
      %dma_start3A_292 = tpu.memref_slice %arg4[%mul3A_270, %dma_start3A_291] : memref<65536x64xf32, #tpu.memory_space<hbm>> -> memref<128x64xf32, #tpu.memory_space<hbm>>
      tpu.enqueue_dma source(%arg6 : memref<128x64xf32, #tpu.memory_space<vmem>>) target(%dma_start3A_292 : memref<128x64xf32, #tpu.memory_space<hbm>>) target_semaphore(%run_scoped3A : memref<!tpu.dma_semaphore, #tpu.memory_space<semaphore_mem>>)
      %dma_wait3A_293 = arith.constant 0 : i32
      %dma_wait3A_294 = tpu.memref_slice %arg4[%mul3A_270, %dma_wait3A_293] : memref<65536x64xf32, #tpu.memory_space<hbm>> -> memref<128x64xf32, #tpu.memory_space<hbm>>
      %dma_wait3A_295 = arith.constant 0 : i32
      %dma_wait3A_296 = tpu.memref_slice %arg4[%mul3A_270, %dma_wait3A_295] : memref<65536x64xf32, #tpu.memory_space<hbm>> -> memref<128x64xf32, #tpu.memory_space<hbm>>
      tpu.wait_dma2 semaphore(%run_scoped3A : memref<!tpu.dma_semaphore, #tpu.memory_space<semaphore_mem>>) src(%arg6 : memref<128x64xf32, #tpu.memory_space<vmem>>) dst(%dma_wait3A_296 : memref<128x64xf32, #tpu.memory_space<hbm>>)
      tpu.yield
    }) : () -> ()
    %dma_start3A_271 = arith.constant 15 : i32
    %dma_start3A_272 = arith.constant 0 : i32
    %dma_start3A_273 = tpu.memref_slice %arg5[%dma_start3A_271, %dma_start3A_272] : memref<16x128xi32, #tpu.memory_space<vmem>> -> memref<1x128xi32, #tpu.memory_space<vmem>>
    %dma_start3A_274 = tpu.memref_squeeze %dma_start3A_273 : memref<1x128xi32, #tpu.memory_space<vmem>> -> memref<128xi32, #tpu.memory_space<vmem>>
    %dma_start3A_275 = arith.constant 0 : i32
    %dma_start3A_276 = arith.constant 0 : i32
    %dma_start3A_277 = tpu.memref_slice %arg2[%dma_start3A_275, %dma_start3A_276] : memref<4096x64xf32, #tpu.memory_space<hbm>> -> memref<4096x64xf32, #tpu.memory_space<hbm>>
    tpu.enqueue_indirect_dma source(%dma_start3A_277 : memref<4096x64xf32, #tpu.memory_space<hbm>>) target(%arg6 : memref<128x64xf32, #tpu.memory_space<vmem>>) offsets(%dma_start3A_274 : memref<128xi32, #tpu.memory_space<vmem>>) semaphore(%arg7 : memref<!tpu.dma_semaphore, #tpu.memory_space<semaphore_mem>>)
    %dma_wait3A_278 = arith.constant 15 : i32
    %dma_wait3A_279 = arith.constant 0 : i32
    %dma_wait3A_280 = tpu.memref_slice %arg5[%dma_wait3A_278, %dma_wait3A_279] : memref<16x128xi32, #tpu.memory_space<vmem>> -> memref<1x128xi32, #tpu.memory_space<vmem>>
    %dma_wait3A_281 = tpu.memref_squeeze %dma_wait3A_280 : memref<1x128xi32, #tpu.memory_space<vmem>> -> memref<128xi32, #tpu.memory_space<vmem>>
    %dma_wait3A_282 = arith.constant 0 : i32
    %dma_wait3A_283 = arith.constant 0 : i32
    %dma_wait3A_284 = tpu.memref_slice %arg2[%dma_wait3A_282, %dma_wait3A_283] : memref<4096x64xf32, #tpu.memory_space<hbm>> -> memref<4096x64xf32, #tpu.memory_space<hbm>>
    tpu.wait_indirect_dma semaphore(%arg7 : memref<!tpu.dma_semaphore, #tpu.memory_space<semaphore_mem>>) src(%dma_wait3A_284 : memref<4096x64xf32, #tpu.memory_space<hbm>>) dst(%arg6 : memref<128x64xf32, #tpu.memory_space<vmem>>)
    %add3A_285 = arith.constant 15 : i32
    %add3A_286 = arith.addi %mul3A_2, %add3A_285 : i32
    %mul3A_287 = arith.constant 128 : i32
    %mul3A_288 = arith.muli %add3A_286, %mul3A_287 : i32
    "tpu.region"() ({
      %run_scoped3A = tpu.sem_alloc : memref<!tpu.dma_semaphore, #tpu.memory_space<semaphore_mem>>
      %dma_start3A_289 = arith.constant 0 : i32
      %dma_start3A_290 = tpu.memref_slice %arg4[%mul3A_288, %dma_start3A_289] : memref<65536x64xf32, #tpu.memory_space<hbm>> -> memref<128x64xf32, #tpu.memory_space<hbm>>
      %dma_start3A_291 = arith.constant 0 : i32
      %dma_start3A_292 = tpu.memref_slice %arg4[%mul3A_288, %dma_start3A_291] : memref<65536x64xf32, #tpu.memory_space<hbm>> -> memref<128x64xf32, #tpu.memory_space<hbm>>
      tpu.enqueue_dma source(%arg6 : memref<128x64xf32, #tpu.memory_space<vmem>>) target(%dma_start3A_292 : memref<128x64xf32, #tpu.memory_space<hbm>>) target_semaphore(%run_scoped3A : memref<!tpu.dma_semaphore, #tpu.memory_space<semaphore_mem>>)
      %dma_wait3A_293 = arith.constant 0 : i32
      %dma_wait3A_294 = tpu.memref_slice %arg4[%mul3A_288, %dma_wait3A_293] : memref<65536x64xf32, #tpu.memory_space<hbm>> -> memref<128x64xf32, #tpu.memory_space<hbm>>
      %dma_wait3A_295 = arith.constant 0 : i32
      %dma_wait3A_296 = tpu.memref_slice %arg4[%mul3A_288, %dma_wait3A_295] : memref<65536x64xf32, #tpu.memory_space<hbm>> -> memref<128x64xf32, #tpu.memory_space<hbm>>
      tpu.wait_dma2 semaphore(%run_scoped3A : memref<!tpu.dma_semaphore, #tpu.memory_space<semaphore_mem>>) src(%arg6 : memref<128x64xf32, #tpu.memory_space<vmem>>) dst(%dma_wait3A_296 : memref<128x64xf32, #tpu.memory_space<hbm>>)
      tpu.yield
    }) : () -> ()
    return
  }
}

#map = affine_map<(d0, d1) -> (0, 0)>
module attributes {stable_mosaic.version = 14 : i64} {
  func.func @k(%arg0: i32, %arg1: i32, %arg2: memref<4096x64xf32, #tpu.memory_space<hbm>>, %arg3: memref<512x128xi32, #tpu.memory_space<hbm>>, %arg4: memref<65536x64xf32, #tpu.memory_space<hbm>>, %arg5: memref<16x128xi32, #tpu.memory_space<vmem>>, %arg6: memref<128x64xf32, #tpu.memory_space<vmem>>, %arg7: memref<!tpu.dma_semaphore, #tpu.memory_space<semaphore_mem>>) attributes {dimension_semantics = [#tpu.dimension_semantics<core_parallel>, #tpu.dimension_semantics<subcore_parallel>], iteration_bounds = array<i64: 2, 16>, scalar_prefetch = 0 : i64, scratch_operands = 3 : i64, tpu.core_type = #tpu.core_type<sc_vector_subcore>, window_params = [{transform_indices = #map}, {transform_indices = #map}, {transform_indices = #map}]} {
    %mul3A = arith.constant 2 : i32
    %mul3A_0 = arith.muli %arg1, %mul3A : i32
    %add3A = arith.addi %mul3A_0, %arg0 : i32
    %mul3A_1 = arith.constant 16 : i32
    %mul3A_2 = arith.muli %add3A, %mul3A_1 : i32
    "tpu.region"() ({
      %run_scoped3A = tpu.sem_alloc : memref<!tpu.dma_semaphore, #tpu.memory_space<semaphore_mem>>
      %dma_start3A_289 = arith.constant 0 : i32
      %dma_start3A_290 = tpu.memref_slice %arg3[%mul3A_2, %dma_start3A_289] : memref<512x128xi32, #tpu.memory_space<hbm>> -> memref<16x128xi32, #tpu.memory_space<hbm>>
      %dma_start3A_291 = arith.constant 0 : i32
      %dma_start3A_292 = tpu.memref_slice %arg3[%mul3A_2, %dma_start3A_291] : memref<512x128xi32, #tpu.memory_space<hbm>> -> memref<16x128xi32, #tpu.memory_space<hbm>>
      tpu.enqueue_dma source(%dma_start3A_292 : memref<16x128xi32, #tpu.memory_space<hbm>>) target(%arg5 : memref<16x128xi32, #tpu.memory_space<vmem>>) target_semaphore(%run_scoped3A : memref<!tpu.dma_semaphore, #tpu.memory_space<semaphore_mem>>)
      %dma_wait3A_293 = arith.constant 0 : i32
      %dma_wait3A_294 = tpu.memref_slice %arg3[%mul3A_2, %dma_wait3A_293] : memref<512x128xi32, #tpu.memory_space<hbm>> -> memref<16x128xi32, #tpu.memory_space<hbm>>
      %dma_wait3A_295 = arith.constant 0 : i32
      %dma_wait3A_296 = tpu.memref_slice %arg3[%mul3A_2, %dma_wait3A_295] : memref<512x128xi32, #tpu.memory_space<hbm>> -> memref<16x128xi32, #tpu.memory_space<hbm>>
      tpu.wait_dma2 semaphore(%run_scoped3A : memref<!tpu.dma_semaphore, #tpu.memory_space<semaphore_mem>>) src(%dma_wait3A_296 : memref<16x128xi32, #tpu.memory_space<hbm>>) dst(%arg5 : memref<16x128xi32, #tpu.memory_space<vmem>>)
      tpu.yield
    }) : () -> ()
    %dma_start3A = arith.constant 0 : i32
    %dma_start3A_3 = arith.constant 0 : i32
    %dma_start3A_4 = tpu.memref_slice %arg5[%dma_start3A, %dma_start3A_3] : memref<16x128xi32, #tpu.memory_space<vmem>> -> memref<1x128xi32, #tpu.memory_space<vmem>>
    %dma_start3A_5 = tpu.memref_squeeze %dma_start3A_4 : memref<1x128xi32, #tpu.memory_space<vmem>> -> memref<128xi32, #tpu.memory_space<vmem>>
    %dma_start3A_6 = arith.constant 0 : i32
    %dma_start3A_7 = arith.constant 0 : i32
    %dma_start3A_8 = tpu.memref_slice %arg2[%dma_start3A_6, %dma_start3A_7] : memref<4096x64xf32, #tpu.memory_space<hbm>> -> memref<4096x64xf32, #tpu.memory_space<hbm>>
    tpu.enqueue_indirect_dma source(%dma_start3A_8 : memref<4096x64xf32, #tpu.memory_space<hbm>>) target(%arg6 : memref<128x64xf32, #tpu.memory_space<vmem>>) offsets(%dma_start3A_5 : memref<128xi32, #tpu.memory_space<vmem>>) semaphore(%arg7 : memref<!tpu.dma_semaphore, #tpu.memory_space<semaphore_mem>>)
    %dma_wait3A = arith.constant 0 : i32
    %dma_wait3A_9 = arith.constant 0 : i32
    %dma_wait3A_10 = tpu.memref_slice %arg5[%dma_wait3A, %dma_wait3A_9] : memref<16x128xi32, #tpu.memory_space<vmem>> -> memref<1x128xi32, #tpu.memory_space<vmem>>
    %dma_wait3A_11 = tpu.memref_squeeze %dma_wait3A_10 : memref<1x128xi32, #tpu.memory_space<vmem>> -> memref<128xi32, #tpu.memory_space<vmem>>
    %dma_wait3A_12 = arith.constant 0 : i32
    %dma_wait3A_13 = arith.constant 0 : i32
    %dma_wait3A_14 = tpu.memref_slice %arg2[%dma_wait3A_12, %dma_wait3A_13] : memref<4096x64xf32, #tpu.memory_space<hbm>> -> memref<4096x64xf32, #tpu.memory_space<hbm>>
    tpu.wait_indirect_dma semaphore(%arg7 : memref<!tpu.dma_semaphore, #tpu.memory_space<semaphore_mem>>) src(%dma_wait3A_14 : memref<4096x64xf32, #tpu.memory_space<hbm>>) dst(%arg6 : memref<128x64xf32, #tpu.memory_space<vmem>>)
    %add3A_15 = arith.constant 0 : i32
    %add3A_16 = arith.addi %mul3A_2, %add3A_15 : i32
    %mul3A_17 = arith.constant 128 : i32
    %mul3A_18 = arith.muli %add3A_16, %mul3A_17 : i32
    "tpu.region"() ({
      %run_scoped3A = tpu.sem_alloc : memref<!tpu.dma_semaphore, #tpu.memory_space<semaphore_mem>>
      %dma_start3A_289 = arith.constant 0 : i32
      %dma_start3A_290 = tpu.memref_slice %arg4[%mul3A_18, %dma_start3A_289] : memref<65536x64xf32, #tpu.memory_space<hbm>> -> memref<128x64xf32, #tpu.memory_space<hbm>>
      %dma_start3A_291 = arith.constant 0 : i32
      %dma_start3A_292 = tpu.memref_slice %arg4[%mul3A_18, %dma_start3A_291] : memref<65536x64xf32, #tpu.memory_space<hbm>> -> memref<128x64xf32, #tpu.memory_space<hbm>>
      tpu.enqueue_dma source(%arg6 : memref<128x64xf32, #tpu.memory_space<vmem>>) target(%dma_start3A_292 : memref<128x64xf32, #tpu.memory_space<hbm>>) target_semaphore(%run_scoped3A : memref<!tpu.dma_semaphore, #tpu.memory_space<semaphore_mem>>)
      %dma_wait3A_293 = arith.constant 0 : i32
      %dma_wait3A_294 = tpu.memref_slice %arg4[%mul3A_18, %dma_wait3A_293] : memref<65536x64xf32, #tpu.memory_space<hbm>> -> memref<128x64xf32, #tpu.memory_space<hbm>>
      %dma_wait3A_295 = arith.constant 0 : i32
      %dma_wait3A_296 = tpu.memref_slice %arg4[%mul3A_18, %dma_wait3A_295] : memref<65536x64xf32, #tpu.memory_space<hbm>> -> memref<128x64xf32, #tpu.memory_space<hbm>>
      tpu.wait_dma2 semaphore(%run_scoped3A : memref<!tpu.dma_semaphore, #tpu.memory_space<semaphore_mem>>) src(%arg6 : memref<128x64xf32, #tpu.memory_space<vmem>>) dst(%dma_wait3A_296 : memref<128x64xf32, #tpu.memory_space<hbm>>)
      tpu.yield
    }) : () -> ()
    %dma_start3A_19 = arith.constant 1 : i32
    %dma_start3A_20 = arith.constant 0 : i32
    %dma_start3A_21 = tpu.memref_slice %arg5[%dma_start3A_19, %dma_start3A_20] : memref<16x128xi32, #tpu.memory_space<vmem>> -> memref<1x128xi32, #tpu.memory_space<vmem>>
    %dma_start3A_22 = tpu.memref_squeeze %dma_start3A_21 : memref<1x128xi32, #tpu.memory_space<vmem>> -> memref<128xi32, #tpu.memory_space<vmem>>
    %dma_start3A_23 = arith.constant 0 : i32
    %dma_start3A_24 = arith.constant 0 : i32
    %dma_start3A_25 = tpu.memref_slice %arg2[%dma_start3A_23, %dma_start3A_24] : memref<4096x64xf32, #tpu.memory_space<hbm>> -> memref<4096x64xf32, #tpu.memory_space<hbm>>
    tpu.enqueue_indirect_dma source(%dma_start3A_25 : memref<4096x64xf32, #tpu.memory_space<hbm>>) target(%arg6 : memref<128x64xf32, #tpu.memory_space<vmem>>) offsets(%dma_start3A_22 : memref<128xi32, #tpu.memory_space<vmem>>) semaphore(%arg7 : memref<!tpu.dma_semaphore, #tpu.memory_space<semaphore_mem>>)
    %dma_wait3A_26 = arith.constant 1 : i32
    %dma_wait3A_27 = arith.constant 0 : i32
    %dma_wait3A_28 = tpu.memref_slice %arg5[%dma_wait3A_26, %dma_wait3A_27] : memref<16x128xi32, #tpu.memory_space<vmem>> -> memref<1x128xi32, #tpu.memory_space<vmem>>
    %dma_wait3A_29 = tpu.memref_squeeze %dma_wait3A_28 : memref<1x128xi32, #tpu.memory_space<vmem>> -> memref<128xi32, #tpu.memory_space<vmem>>
    %dma_wait3A_30 = arith.constant 0 : i32
    %dma_wait3A_31 = arith.constant 0 : i32
    %dma_wait3A_32 = tpu.memref_slice %arg2[%dma_wait3A_30, %dma_wait3A_31] : memref<4096x64xf32, #tpu.memory_space<hbm>> -> memref<4096x64xf32, #tpu.memory_space<hbm>>
    tpu.wait_indirect_dma semaphore(%arg7 : memref<!tpu.dma_semaphore, #tpu.memory_space<semaphore_mem>>) src(%dma_wait3A_32 : memref<4096x64xf32, #tpu.memory_space<hbm>>) dst(%arg6 : memref<128x64xf32, #tpu.memory_space<vmem>>)
    %add3A_33 = arith.constant 1 : i32
    %add3A_34 = arith.addi %mul3A_2, %add3A_33 : i32
    %mul3A_35 = arith.constant 128 : i32
    %mul3A_36 = arith.muli %add3A_34, %mul3A_35 : i32
    "tpu.region"() ({
      %run_scoped3A = tpu.sem_alloc : memref<!tpu.dma_semaphore, #tpu.memory_space<semaphore_mem>>
      %dma_start3A_289 = arith.constant 0 : i32
      %dma_start3A_290 = tpu.memref_slice %arg4[%mul3A_36, %dma_start3A_289] : memref<65536x64xf32, #tpu.memory_space<hbm>> -> memref<128x64xf32, #tpu.memory_space<hbm>>
      %dma_start3A_291 = arith.constant 0 : i32
      %dma_start3A_292 = tpu.memref_slice %arg4[%mul3A_36, %dma_start3A_291] : memref<65536x64xf32, #tpu.memory_space<hbm>> -> memref<128x64xf32, #tpu.memory_space<hbm>>
      tpu.enqueue_dma source(%arg6 : memref<128x64xf32, #tpu.memory_space<vmem>>) target(%dma_start3A_292 : memref<128x64xf32, #tpu.memory_space<hbm>>) target_semaphore(%run_scoped3A : memref<!tpu.dma_semaphore, #tpu.memory_space<semaphore_mem>>)
      %dma_wait3A_293 = arith.constant 0 : i32
      %dma_wait3A_294 = tpu.memref_slice %arg4[%mul3A_36, %dma_wait3A_293] : memref<65536x64xf32, #tpu.memory_space<hbm>> -> memref<128x64xf32, #tpu.memory_space<hbm>>
      %dma_wait3A_295 = arith.constant 0 : i32
      %dma_wait3A_296 = tpu.memref_slice %arg4[%mul3A_36, %dma_wait3A_295] : memref<65536x64xf32, #tpu.memory_space<hbm>> -> memref<128x64xf32, #tpu.memory_space<hbm>>
      tpu.wait_dma2 semaphore(%run_scoped3A : memref<!tpu.dma_semaphore, #tpu.memory_space<semaphore_mem>>) src(%arg6 : memref<128x64xf32, #tpu.memory_space<vmem>>) dst(%dma_wait3A_296 : memref<128x64xf32, #tpu.memory_space<hbm>>)
      tpu.yield
    }) : () -> ()
    %dma_start3A_37 = arith.constant 2 : i32
    %dma_start3A_38 = arith.constant 0 : i32
    %dma_start3A_39 = tpu.memref_slice %arg5[%dma_start3A_37, %dma_start3A_38] : memref<16x128xi32, #tpu.memory_space<vmem>> -> memref<1x128xi32, #tpu.memory_space<vmem>>
    %dma_start3A_40 = tpu.memref_squeeze %dma_start3A_39 : memref<1x128xi32, #tpu.memory_space<vmem>> -> memref<128xi32, #tpu.memory_space<vmem>>
    %dma_start3A_41 = arith.constant 0 : i32
    %dma_start3A_42 = arith.constant 0 : i32
    %dma_start3A_43 = tpu.memref_slice %arg2[%dma_start3A_41, %dma_start3A_42] : memref<4096x64xf32, #tpu.memory_space<hbm>> -> memref<4096x64xf32, #tpu.memory_space<hbm>>
    tpu.enqueue_indirect_dma source(%dma_start3A_43 : memref<4096x64xf32, #tpu.memory_space<hbm>>) target(%arg6 : memref<128x64xf32, #tpu.memory_space<vmem>>) offsets(%dma_start3A_40 : memref<128xi32, #tpu.memory_space<vmem>>) semaphore(%arg7 : memref<!tpu.dma_semaphore, #tpu.memory_space<semaphore_mem>>)
    %dma_wait3A_44 = arith.constant 2 : i32
    %dma_wait3A_45 = arith.constant 0 : i32
    %dma_wait3A_46 = tpu.memref_slice %arg5[%dma_wait3A_44, %dma_wait3A_45] : memref<16x128xi32, #tpu.memory_space<vmem>> -> memref<1x128xi32, #tpu.memory_space<vmem>>
    %dma_wait3A_47 = tpu.memref_squeeze %dma_wait3A_46 : memref<1x128xi32, #tpu.memory_space<vmem>> -> memref<128xi32, #tpu.memory_space<vmem>>
    %dma_wait3A_48 = arith.constant 0 : i32
    %dma_wait3A_49 = arith.constant 0 : i32
    %dma_wait3A_50 = tpu.memref_slice %arg2[%dma_wait3A_48, %dma_wait3A_49] : memref<4096x64xf32, #tpu.memory_space<hbm>> -> memref<4096x64xf32, #tpu.memory_space<hbm>>
    tpu.wait_indirect_dma semaphore(%arg7 : memref<!tpu.dma_semaphore, #tpu.memory_space<semaphore_mem>>) src(%dma_wait3A_50 : memref<4096x64xf32, #tpu.memory_space<hbm>>) dst(%arg6 : memref<128x64xf32, #tpu.memory_space<vmem>>)
    %add3A_51 = arith.constant 2 : i32
    %add3A_52 = arith.addi %mul3A_2, %add3A_51 : i32
    %mul3A_53 = arith.constant 128 : i32
    %mul3A_54 = arith.muli %add3A_52, %mul3A_53 : i32
    "tpu.region"() ({
      %run_scoped3A = tpu.sem_alloc : memref<!tpu.dma_semaphore, #tpu.memory_space<semaphore_mem>>
      %dma_start3A_289 = arith.constant 0 : i32
      %dma_start3A_290 = tpu.memref_slice %arg4[%mul3A_54, %dma_start3A_289] : memref<65536x64xf32, #tpu.memory_space<hbm>> -> memref<128x64xf32, #tpu.memory_space<hbm>>
      %dma_start3A_291 = arith.constant 0 : i32
      %dma_start3A_292 = tpu.memref_slice %arg4[%mul3A_54, %dma_start3A_291] : memref<65536x64xf32, #tpu.memory_space<hbm>> -> memref<128x64xf32, #tpu.memory_space<hbm>>
      tpu.enqueue_dma source(%arg6 : memref<128x64xf32, #tpu.memory_space<vmem>>) target(%dma_start3A_292 : memref<128x64xf32, #tpu.memory_space<hbm>>) target_semaphore(%run_scoped3A : memref<!tpu.dma_semaphore, #tpu.memory_space<semaphore_mem>>)
      %dma_wait3A_293 = arith.constant 0 : i32
      %dma_wait3A_294 = tpu.memref_slice %arg4[%mul3A_54, %dma_wait3A_293] : memref<65536x64xf32, #tpu.memory_space<hbm>> -> memref<128x64xf32, #tpu.memory_space<hbm>>
      %dma_wait3A_295 = arith.constant 0 : i32
      %dma_wait3A_296 = tpu.memref_slice %arg4[%mul3A_54, %dma_wait3A_295] : memref<65536x64xf32, #tpu.memory_space<hbm>> -> memref<128x64xf32, #tpu.memory_space<hbm>>
      tpu.wait_dma2 semaphore(%run_scoped3A : memref<!tpu.dma_semaphore, #tpu.memory_space<semaphore_mem>>) src(%arg6 : memref<128x64xf32, #tpu.memory_space<vmem>>) dst(%dma_wait3A_296 : memref<128x64xf32, #tpu.memory_space<hbm>>)
      tpu.yield
    }) : () -> ()
    %dma_start3A_55 = arith.constant 3 : i32
    %dma_start3A_56 = arith.constant 0 : i32
    %dma_start3A_57 = tpu.memref_slice %arg5[%dma_start3A_55, %dma_start3A_56] : memref<16x128xi32, #tpu.memory_space<vmem>> -> memref<1x128xi32, #tpu.memory_space<vmem>>
    %dma_start3A_58 = tpu.memref_squeeze %dma_start3A_57 : memref<1x128xi32, #tpu.memory_space<vmem>> -> memref<128xi32, #tpu.memory_space<vmem>>
    %dma_start3A_59 = arith.constant 0 : i32
    %dma_start3A_60 = arith.constant 0 : i32
    %dma_start3A_61 = tpu.memref_slice %arg2[%dma_start3A_59, %dma_start3A_60] : memref<4096x64xf32, #tpu.memory_space<hbm>> -> memref<4096x64xf32, #tpu.memory_space<hbm>>
    tpu.enqueue_indirect_dma source(%dma_start3A_61 : memref<4096x64xf32, #tpu.memory_space<hbm>>) target(%arg6 : memref<128x64xf32, #tpu.memory_space<vmem>>) offsets(%dma_start3A_58 : memref<128xi32, #tpu.memory_space<vmem>>) semaphore(%arg7 : memref<!tpu.dma_semaphore, #tpu.memory_space<semaphore_mem>>)
    %dma_wait3A_62 = arith.constant 3 : i32
    %dma_wait3A_63 = arith.constant 0 : i32
    %dma_wait3A_64 = tpu.memref_slice %arg5[%dma_wait3A_62, %dma_wait3A_63] : memref<16x128xi32, #tpu.memory_space<vmem>> -> memref<1x128xi32, #tpu.memory_space<vmem>>
    %dma_wait3A_65 = tpu.memref_squeeze %dma_wait3A_64 : memref<1x128xi32, #tpu.memory_space<vmem>> -> memref<128xi32, #tpu.memory_space<vmem>>
    %dma_wait3A_66 = arith.constant 0 : i32
    %dma_wait3A_67 = arith.constant 0 : i32
    %dma_wait3A_68 = tpu.memref_slice %arg2[%dma_wait3A_66, %dma_wait3A_67] : memref<4096x64xf32, #tpu.memory_space<hbm>> -> memref<4096x64xf32, #tpu.memory_space<hbm>>
    tpu.wait_indirect_dma semaphore(%arg7 : memref<!tpu.dma_semaphore, #tpu.memory_space<semaphore_mem>>) src(%dma_wait3A_68 : memref<4096x64xf32, #tpu.memory_space<hbm>>) dst(%arg6 : memref<128x64xf32, #tpu.memory_space<vmem>>)
    %add3A_69 = arith.constant 3 : i32
    %add3A_70 = arith.addi %mul3A_2, %add3A_69 : i32
    %mul3A_71 = arith.constant 128 : i32
    %mul3A_72 = arith.muli %add3A_70, %mul3A_71 : i32
    "tpu.region"() ({
      %run_scoped3A = tpu.sem_alloc : memref<!tpu.dma_semaphore, #tpu.memory_space<semaphore_mem>>
      %dma_start3A_289 = arith.constant 0 : i32
      %dma_start3A_290 = tpu.memref_slice %arg4[%mul3A_72, %dma_start3A_289] : memref<65536x64xf32, #tpu.memory_space<hbm>> -> memref<128x64xf32, #tpu.memory_space<hbm>>
      %dma_start3A_291 = arith.constant 0 : i32
      %dma_start3A_292 = tpu.memref_slice %arg4[%mul3A_72, %dma_start3A_291] : memref<65536x64xf32, #tpu.memory_space<hbm>> -> memref<128x64xf32, #tpu.memory_space<hbm>>
      tpu.enqueue_dma source(%arg6 : memref<128x64xf32, #tpu.memory_space<vmem>>) target(%dma_start3A_292 : memref<128x64xf32, #tpu.memory_space<hbm>>) target_semaphore(%run_scoped3A : memref<!tpu.dma_semaphore, #tpu.memory_space<semaphore_mem>>)
      %dma_wait3A_293 = arith.constant 0 : i32
      %dma_wait3A_294 = tpu.memref_slice %arg4[%mul3A_72, %dma_wait3A_293] : memref<65536x64xf32, #tpu.memory_space<hbm>> -> memref<128x64xf32, #tpu.memory_space<hbm>>
      %dma_wait3A_295 = arith.constant 0 : i32
      %dma_wait3A_296 = tpu.memref_slice %arg4[%mul3A_72, %dma_wait3A_295] : memref<65536x64xf32, #tpu.memory_space<hbm>> -> memref<128x64xf32, #tpu.memory_space<hbm>>
      tpu.wait_dma2 semaphore(%run_scoped3A : memref<!tpu.dma_semaphore, #tpu.memory_space<semaphore_mem>>) src(%arg6 : memref<128x64xf32, #tpu.memory_space<vmem>>) dst(%dma_wait3A_296 : memref<128x64xf32, #tpu.memory_space<hbm>>)
      tpu.yield
    }) : () -> ()
    %dma_start3A_73 = arith.constant 4 : i32
    %dma_start3A_74 = arith.constant 0 : i32
    %dma_start3A_75 = tpu.memref_slice %arg5[%dma_start3A_73, %dma_start3A_74] : memref<16x128xi32, #tpu.memory_space<vmem>> -> memref<1x128xi32, #tpu.memory_space<vmem>>
    %dma_start3A_76 = tpu.memref_squeeze %dma_start3A_75 : memref<1x128xi32, #tpu.memory_space<vmem>> -> memref<128xi32, #tpu.memory_space<vmem>>
    %dma_start3A_77 = arith.constant 0 : i32
    %dma_start3A_78 = arith.constant 0 : i32
    %dma_start3A_79 = tpu.memref_slice %arg2[%dma_start3A_77, %dma_start3A_78] : memref<4096x64xf32, #tpu.memory_space<hbm>> -> memref<4096x64xf32, #tpu.memory_space<hbm>>
    tpu.enqueue_indirect_dma source(%dma_start3A_79 : memref<4096x64xf32, #tpu.memory_space<hbm>>) target(%arg6 : memref<128x64xf32, #tpu.memory_space<vmem>>) offsets(%dma_start3A_76 : memref<128xi32, #tpu.memory_space<vmem>>) semaphore(%arg7 : memref<!tpu.dma_semaphore, #tpu.memory_space<semaphore_mem>>)
    %dma_wait3A_80 = arith.constant 4 : i32
    %dma_wait3A_81 = arith.constant 0 : i32
    %dma_wait3A_82 = tpu.memref_slice %arg5[%dma_wait3A_80, %dma_wait3A_81] : memref<16x128xi32, #tpu.memory_space<vmem>> -> memref<1x128xi32, #tpu.memory_space<vmem>>
    %dma_wait3A_83 = tpu.memref_squeeze %dma_wait3A_82 : memref<1x128xi32, #tpu.memory_space<vmem>> -> memref<128xi32, #tpu.memory_space<vmem>>
    %dma_wait3A_84 = arith.constant 0 : i32
    %dma_wait3A_85 = arith.constant 0 : i32
    %dma_wait3A_86 = tpu.memref_slice %arg2[%dma_wait3A_84, %dma_wait3A_85] : memref<4096x64xf32, #tpu.memory_space<hbm>> -> memref<4096x64xf32, #tpu.memory_space<hbm>>
    tpu.wait_indirect_dma semaphore(%arg7 : memref<!tpu.dma_semaphore, #tpu.memory_space<semaphore_mem>>) src(%dma_wait3A_86 : memref<4096x64xf32, #tpu.memory_space<hbm>>) dst(%arg6 : memref<128x64xf32, #tpu.memory_space<vmem>>)
    %add3A_87 = arith.constant 4 : i32
    %add3A_88 = arith.addi %mul3A_2, %add3A_87 : i32
    %mul3A_89 = arith.constant 128 : i32
    %mul3A_90 = arith.muli %add3A_88, %mul3A_89 : i32
    "tpu.region"() ({
      %run_scoped3A = tpu.sem_alloc : memref<!tpu.dma_semaphore, #tpu.memory_space<semaphore_mem>>
      %dma_start3A_289 = arith.constant 0 : i32
      %dma_start3A_290 = tpu.memref_slice %arg4[%mul3A_90, %dma_start3A_289] : memref<65536x64xf32, #tpu.memory_space<hbm>> -> memref<128x64xf32, #tpu.memory_space<hbm>>
      %dma_start3A_291 = arith.constant 0 : i32
      %dma_start3A_292 = tpu.memref_slice %arg4[%mul3A_90, %dma_start3A_291] : memref<65536x64xf32, #tpu.memory_space<hbm>> -> memref<128x64xf32, #tpu.memory_space<hbm>>
      tpu.enqueue_dma source(%arg6 : memref<128x64xf32, #tpu.memory_space<vmem>>) target(%dma_start3A_292 : memref<128x64xf32, #tpu.memory_space<hbm>>) target_semaphore(%run_scoped3A : memref<!tpu.dma_semaphore, #tpu.memory_space<semaphore_mem>>)
      %dma_wait3A_293 = arith.constant 0 : i32
      %dma_wait3A_294 = tpu.memref_slice %arg4[%mul3A_90, %dma_wait3A_293] : memref<65536x64xf32, #tpu.memory_space<hbm>> -> memref<128x64xf32, #tpu.memory_space<hbm>>
      %dma_wait3A_295 = arith.constant 0 : i32
      %dma_wait3A_296 = tpu.memref_slice %arg4[%mul3A_90, %dma_wait3A_295] : memref<65536x64xf32, #tpu.memory_space<hbm>> -> memref<128x64xf32, #tpu.memory_space<hbm>>
      tpu.wait_dma2 semaphore(%run_scoped3A : memref<!tpu.dma_semaphore, #tpu.memory_space<semaphore_mem>>) src(%arg6 : memref<128x64xf32, #tpu.memory_space<vmem>>) dst(%dma_wait3A_296 : memref<128x64xf32, #tpu.memory_space<hbm>>)
      tpu.yield
    }) : () -> ()
    %dma_start3A_91 = arith.constant 5 : i32
    %dma_start3A_92 = arith.constant 0 : i32
    %dma_start3A_93 = tpu.memref_slice %arg5[%dma_start3A_91, %dma_start3A_92] : memref<16x128xi32, #tpu.memory_space<vmem>> -> memref<1x128xi32, #tpu.memory_space<vmem>>
    %dma_start3A_94 = tpu.memref_squeeze %dma_start3A_93 : memref<1x128xi32, #tpu.memory_space<vmem>> -> memref<128xi32, #tpu.memory_space<vmem>>
    %dma_start3A_95 = arith.constant 0 : i32
    %dma_start3A_96 = arith.constant 0 : i32
    %dma_start3A_97 = tpu.memref_slice %arg2[%dma_start3A_95, %dma_start3A_96] : memref<4096x64xf32, #tpu.memory_space<hbm>> -> memref<4096x64xf32, #tpu.memory_space<hbm>>
    tpu.enqueue_indirect_dma source(%dma_start3A_97 : memref<4096x64xf32, #tpu.memory_space<hbm>>) target(%arg6 : memref<128x64xf32, #tpu.memory_space<vmem>>) offsets(%dma_start3A_94 : memref<128xi32, #tpu.memory_space<vmem>>) semaphore(%arg7 : memref<!tpu.dma_semaphore, #tpu.memory_space<semaphore_mem>>)
    %dma_wait3A_98 = arith.constant 5 : i32
    %dma_wait3A_99 = arith.constant 0 : i32
    %dma_wait3A_100 = tpu.memref_slice %arg5[%dma_wait3A_98, %dma_wait3A_99] : memref<16x128xi32, #tpu.memory_space<vmem>> -> memref<1x128xi32, #tpu.memory_space<vmem>>
    %dma_wait3A_101 = tpu.memref_squeeze %dma_wait3A_100 : memref<1x128xi32, #tpu.memory_space<vmem>> -> memref<128xi32, #tpu.memory_space<vmem>>
    %dma_wait3A_102 = arith.constant 0 : i32
    %dma_wait3A_103 = arith.constant 0 : i32
    %dma_wait3A_104 = tpu.memref_slice %arg2[%dma_wait3A_102, %dma_wait3A_103] : memref<4096x64xf32, #tpu.memory_space<hbm>> -> memref<4096x64xf32, #tpu.memory_space<hbm>>
    tpu.wait_indirect_dma semaphore(%arg7 : memref<!tpu.dma_semaphore, #tpu.memory_space<semaphore_mem>>) src(%dma_wait3A_104 : memref<4096x64xf32, #tpu.memory_space<hbm>>) dst(%arg6 : memref<128x64xf32, #tpu.memory_space<vmem>>)
    %add3A_105 = arith.constant 5 : i32
    %add3A_106 = arith.addi %mul3A_2, %add3A_105 : i32
    %mul3A_107 = arith.constant 128 : i32
    %mul3A_108 = arith.muli %add3A_106, %mul3A_107 : i32
    "tpu.region"() ({
      %run_scoped3A = tpu.sem_alloc : memref<!tpu.dma_semaphore, #tpu.memory_space<semaphore_mem>>
      %dma_start3A_289 = arith.constant 0 : i32
      %dma_start3A_290 = tpu.memref_slice %arg4[%mul3A_108, %dma_start3A_289] : memref<65536x64xf32, #tpu.memory_space<hbm>> -> memref<128x64xf32, #tpu.memory_space<hbm>>
      %dma_start3A_291 = arith.constant 0 : i32
      %dma_start3A_292 = tpu.memref_slice %arg4[%mul3A_108, %dma_start3A_291] : memref<65536x64xf32, #tpu.memory_space<hbm>> -> memref<128x64xf32, #tpu.memory_space<hbm>>
      tpu.enqueue_dma source(%arg6 : memref<128x64xf32, #tpu.memory_space<vmem>>) target(%dma_start3A_292 : memref<128x64xf32, #tpu.memory_space<hbm>>) target_semaphore(%run_scoped3A : memref<!tpu.dma_semaphore, #tpu.memory_space<semaphore_mem>>)
      %dma_wait3A_293 = arith.constant 0 : i32
      %dma_wait3A_294 = tpu.memref_slice %arg4[%mul3A_108, %dma_wait3A_293] : memref<65536x64xf32, #tpu.memory_space<hbm>> -> memref<128x64xf32, #tpu.memory_space<hbm>>
      %dma_wait3A_295 = arith.constant 0 : i32
      %dma_wait3A_296 = tpu.memref_slice %arg4[%mul3A_108, %dma_wait3A_295] : memref<65536x64xf32, #tpu.memory_space<hbm>> -> memref<128x64xf32, #tpu.memory_space<hbm>>
      tpu.wait_dma2 semaphore(%run_scoped3A : memref<!tpu.dma_semaphore, #tpu.memory_space<semaphore_mem>>) src(%arg6 : memref<128x64xf32, #tpu.memory_space<vmem>>) dst(%dma_wait3A_296 : memref<128x64xf32, #tpu.memory_space<hbm>>)
      tpu.yield
    }) : () -> ()
    %dma_start3A_109 = arith.constant 6 : i32
    %dma_start3A_110 = arith.constant 0 : i32
    %dma_start3A_111 = tpu.memref_slice %arg5[%dma_start3A_109, %dma_start3A_110] : memref<16x128xi32, #tpu.memory_space<vmem>> -> memref<1x128xi32, #tpu.memory_space<vmem>>
    %dma_start3A_112 = tpu.memref_squeeze %dma_start3A_111 : memref<1x128xi32, #tpu.memory_space<vmem>> -> memref<128xi32, #tpu.memory_space<vmem>>
    %dma_start3A_113 = arith.constant 0 : i32
    %dma_start3A_114 = arith.constant 0 : i32
    %dma_start3A_115 = tpu.memref_slice %arg2[%dma_start3A_113, %dma_start3A_114] : memref<4096x64xf32, #tpu.memory_space<hbm>> -> memref<4096x64xf32, #tpu.memory_space<hbm>>
    tpu.enqueue_indirect_dma source(%dma_start3A_115 : memref<4096x64xf32, #tpu.memory_space<hbm>>) target(%arg6 : memref<128x64xf32, #tpu.memory_space<vmem>>) offsets(%dma_start3A_112 : memref<128xi32, #tpu.memory_space<vmem>>) semaphore(%arg7 : memref<!tpu.dma_semaphore, #tpu.memory_space<semaphore_mem>>)
    %dma_wait3A_116 = arith.constant 6 : i32
    %dma_wait3A_117 = arith.constant 0 : i32
    %dma_wait3A_118 = tpu.memref_slice %arg5[%dma_wait3A_116, %dma_wait3A_117] : memref<16x128xi32, #tpu.memory_space<vmem>> -> memref<1x128xi32, #tpu.memory_space<vmem>>
    %dma_wait3A_119 = tpu.memref_squeeze %dma_wait3A_118 : memref<1x128xi32, #tpu.memory_space<vmem>> -> memref<128xi32, #tpu.memory_space<vmem>>
    %dma_wait3A_120 = arith.constant 0 : i32
    %dma_wait3A_121 = arith.constant 0 : i32
    %dma_wait3A_122 = tpu.memref_slice %arg2[%dma_wait3A_120, %dma_wait3A_121] : memref<4096x64xf32, #tpu.memory_space<hbm>> -> memref<4096x64xf32, #tpu.memory_space<hbm>>
    tpu.wait_indirect_dma semaphore(%arg7 : memref<!tpu.dma_semaphore, #tpu.memory_space<semaphore_mem>>) src(%dma_wait3A_122 : memref<4096x64xf32, #tpu.memory_space<hbm>>) dst(%arg6 : memref<128x64xf32, #tpu.memory_space<vmem>>)
    %add3A_123 = arith.constant 6 : i32
    %add3A_124 = arith.addi %mul3A_2, %add3A_123 : i32
    %mul3A_125 = arith.constant 128 : i32
    %mul3A_126 = arith.muli %add3A_124, %mul3A_125 : i32
    "tpu.region"() ({
      %run_scoped3A = tpu.sem_alloc : memref<!tpu.dma_semaphore, #tpu.memory_space<semaphore_mem>>
      %dma_start3A_289 = arith.constant 0 : i32
      %dma_start3A_290 = tpu.memref_slice %arg4[%mul3A_126, %dma_start3A_289] : memref<65536x64xf32, #tpu.memory_space<hbm>> -> memref<128x64xf32, #tpu.memory_space<hbm>>
      %dma_start3A_291 = arith.constant 0 : i32
      %dma_start3A_292 = tpu.memref_slice %arg4[%mul3A_126, %dma_start3A_291] : memref<65536x64xf32, #tpu.memory_space<hbm>> -> memref<128x64xf32, #tpu.memory_space<hbm>>
      tpu.enqueue_dma source(%arg6 : memref<128x64xf32, #tpu.memory_space<vmem>>) target(%dma_start3A_292 : memref<128x64xf32, #tpu.memory_space<hbm>>) target_semaphore(%run_scoped3A : memref<!tpu.dma_semaphore, #tpu.memory_space<semaphore_mem>>)
      %dma_wait3A_293 = arith.constant 0 : i32
      %dma_wait3A_294 = tpu.memref_slice %arg4[%mul3A_126, %dma_wait3A_293] : memref<65536x64xf32, #tpu.memory_space<hbm>> -> memref<128x64xf32, #tpu.memory_space<hbm>>
      %dma_wait3A_295 = arith.constant 0 : i32
      %dma_wait3A_296 = tpu.memref_slice %arg4[%mul3A_126, %dma_wait3A_295] : memref<65536x64xf32, #tpu.memory_space<hbm>> -> memref<128x64xf32, #tpu.memory_space<hbm>>
      tpu.wait_dma2 semaphore(%run_scoped3A : memref<!tpu.dma_semaphore, #tpu.memory_space<semaphore_mem>>) src(%arg6 : memref<128x64xf32, #tpu.memory_space<vmem>>) dst(%dma_wait3A_296 : memref<128x64xf32, #tpu.memory_space<hbm>>)
      tpu.yield
    }) : () -> ()
    %dma_start3A_127 = arith.constant 7 : i32
    %dma_start3A_128 = arith.constant 0 : i32
    %dma_start3A_129 = tpu.memref_slice %arg5[%dma_start3A_127, %dma_start3A_128] : memref<16x128xi32, #tpu.memory_space<vmem>> -> memref<1x128xi32, #tpu.memory_space<vmem>>
    %dma_start3A_130 = tpu.memref_squeeze %dma_start3A_129 : memref<1x128xi32, #tpu.memory_space<vmem>> -> memref<128xi32, #tpu.memory_space<vmem>>
    %dma_start3A_131 = arith.constant 0 : i32
    %dma_start3A_132 = arith.constant 0 : i32
    %dma_start3A_133 = tpu.memref_slice %arg2[%dma_start3A_131, %dma_start3A_132] : memref<4096x64xf32, #tpu.memory_space<hbm>> -> memref<4096x64xf32, #tpu.memory_space<hbm>>
    tpu.enqueue_indirect_dma source(%dma_start3A_133 : memref<4096x64xf32, #tpu.memory_space<hbm>>) target(%arg6 : memref<128x64xf32, #tpu.memory_space<vmem>>) offsets(%dma_start3A_130 : memref<128xi32, #tpu.memory_space<vmem>>) semaphore(%arg7 : memref<!tpu.dma_semaphore, #tpu.memory_space<semaphore_mem>>)
    %dma_wait3A_134 = arith.constant 7 : i32
    %dma_wait3A_135 = arith.constant 0 : i32
    %dma_wait3A_136 = tpu.memref_slice %arg5[%dma_wait3A_134, %dma_wait3A_135] : memref<16x128xi32, #tpu.memory_space<vmem>> -> memref<1x128xi32, #tpu.memory_space<vmem>>
    %dma_wait3A_137 = tpu.memref_squeeze %dma_wait3A_136 : memref<1x128xi32, #tpu.memory_space<vmem>> -> memref<128xi32, #tpu.memory_space<vmem>>
    %dma_wait3A_138 = arith.constant 0 : i32
    %dma_wait3A_139 = arith.constant 0 : i32
    %dma_wait3A_140 = tpu.memref_slice %arg2[%dma_wait3A_138, %dma_wait3A_139] : memref<4096x64xf32, #tpu.memory_space<hbm>> -> memref<4096x64xf32, #tpu.memory_space<hbm>>
    tpu.wait_indirect_dma semaphore(%arg7 : memref<!tpu.dma_semaphore, #tpu.memory_space<semaphore_mem>>) src(%dma_wait3A_140 : memref<4096x64xf32, #tpu.memory_space<hbm>>) dst(%arg6 : memref<128x64xf32, #tpu.memory_space<vmem>>)
    %add3A_141 = arith.constant 7 : i32
    %add3A_142 = arith.addi %mul3A_2, %add3A_141 : i32
    %mul3A_143 = arith.constant 128 : i32
    %mul3A_144 = arith.muli %add3A_142, %mul3A_143 : i32
    "tpu.region"() ({
      %run_scoped3A = tpu.sem_alloc : memref<!tpu.dma_semaphore, #tpu.memory_space<semaphore_mem>>
      %dma_start3A_289 = arith.constant 0 : i32
      %dma_start3A_290 = tpu.memref_slice %arg4[%mul3A_144, %dma_start3A_289] : memref<65536x64xf32, #tpu.memory_space<hbm>> -> memref<128x64xf32, #tpu.memory_space<hbm>>
      %dma_start3A_291 = arith.constant 0 : i32
      %dma_start3A_292 = tpu.memref_slice %arg4[%mul3A_144, %dma_start3A_291] : memref<65536x64xf32, #tpu.memory_space<hbm>> -> memref<128x64xf32, #tpu.memory_space<hbm>>
      tpu.enqueue_dma source(%arg6 : memref<128x64xf32, #tpu.memory_space<vmem>>) target(%dma_start3A_292 : memref<128x64xf32, #tpu.memory_space<hbm>>) target_semaphore(%run_scoped3A : memref<!tpu.dma_semaphore, #tpu.memory_space<semaphore_mem>>)
      %dma_wait3A_293 = arith.constant 0 : i32
      %dma_wait3A_294 = tpu.memref_slice %arg4[%mul3A_144, %dma_wait3A_293] : memref<65536x64xf32, #tpu.memory_space<hbm>> -> memref<128x64xf32, #tpu.memory_space<hbm>>
      %dma_wait3A_295 = arith.constant 0 : i32
      %dma_wait3A_296 = tpu.memref_slice %arg4[%mul3A_144, %dma_wait3A_295] : memref<65536x64xf32, #tpu.memory_space<hbm>> -> memref<128x64xf32, #tpu.memory_space<hbm>>
      tpu.wait_dma2 semaphore(%run_scoped3A : memref<!tpu.dma_semaphore, #tpu.memory_space<semaphore_mem>>) src(%arg6 : memref<128x64xf32, #tpu.memory_space<vmem>>) dst(%dma_wait3A_296 : memref<128x64xf32, #tpu.memory_space<hbm>>)
      tpu.yield
    }) : () -> ()
    %dma_start3A_145 = arith.constant 8 : i32
    %dma_start3A_146 = arith.constant 0 : i32
    %dma_start3A_147 = tpu.memref_slice %arg5[%dma_start3A_145, %dma_start3A_146] : memref<16x128xi32, #tpu.memory_space<vmem>> -> memref<1x128xi32, #tpu.memory_space<vmem>>
    %dma_start3A_148 = tpu.memref_squeeze %dma_start3A_147 : memref<1x128xi32, #tpu.memory_space<vmem>> -> memref<128xi32, #tpu.memory_space<vmem>>
    %dma_start3A_149 = arith.constant 0 : i32
    %dma_start3A_150 = arith.constant 0 : i32
    %dma_start3A_151 = tpu.memref_slice %arg2[%dma_start3A_149, %dma_start3A_150] : memref<4096x64xf32, #tpu.memory_space<hbm>> -> memref<4096x64xf32, #tpu.memory_space<hbm>>
    tpu.enqueue_indirect_dma source(%dma_start3A_151 : memref<4096x64xf32, #tpu.memory_space<hbm>>) target(%arg6 : memref<128x64xf32, #tpu.memory_space<vmem>>) offsets(%dma_start3A_148 : memref<128xi32, #tpu.memory_space<vmem>>) semaphore(%arg7 : memref<!tpu.dma_semaphore, #tpu.memory_space<semaphore_mem>>)
    %dma_wait3A_152 = arith.constant 8 : i32
    %dma_wait3A_153 = arith.constant 0 : i32
    %dma_wait3A_154 = tpu.memref_slice %arg5[%dma_wait3A_152, %dma_wait3A_153] : memref<16x128xi32, #tpu.memory_space<vmem>> -> memref<1x128xi32, #tpu.memory_space<vmem>>
    %dma_wait3A_155 = tpu.memref_squeeze %dma_wait3A_154 : memref<1x128xi32, #tpu.memory_space<vmem>> -> memref<128xi32, #tpu.memory_space<vmem>>
    %dma_wait3A_156 = arith.constant 0 : i32
    %dma_wait3A_157 = arith.constant 0 : i32
    %dma_wait3A_158 = tpu.memref_slice %arg2[%dma_wait3A_156, %dma_wait3A_157] : memref<4096x64xf32, #tpu.memory_space<hbm>> -> memref<4096x64xf32, #tpu.memory_space<hbm>>
    tpu.wait_indirect_dma semaphore(%arg7 : memref<!tpu.dma_semaphore, #tpu.memory_space<semaphore_mem>>) src(%dma_wait3A_158 : memref<4096x64xf32, #tpu.memory_space<hbm>>) dst(%arg6 : memref<128x64xf32, #tpu.memory_space<vmem>>)
    %add3A_159 = arith.constant 8 : i32
    %add3A_160 = arith.addi %mul3A_2, %add3A_159 : i32
    %mul3A_161 = arith.constant 128 : i32
    %mul3A_162 = arith.muli %add3A_160, %mul3A_161 : i32
    "tpu.region"() ({
      %run_scoped3A = tpu.sem_alloc : memref<!tpu.dma_semaphore, #tpu.memory_space<semaphore_mem>>
      %dma_start3A_289 = arith.constant 0 : i32
      %dma_start3A_290 = tpu.memref_slice %arg4[%mul3A_162, %dma_start3A_289] : memref<65536x64xf32, #tpu.memory_space<hbm>> -> memref<128x64xf32, #tpu.memory_space<hbm>>
      %dma_start3A_291 = arith.constant 0 : i32
      %dma_start3A_292 = tpu.memref_slice %arg4[%mul3A_162, %dma_start3A_291] : memref<65536x64xf32, #tpu.memory_space<hbm>> -> memref<128x64xf32, #tpu.memory_space<hbm>>
      tpu.enqueue_dma source(%arg6 : memref<128x64xf32, #tpu.memory_space<vmem>>) target(%dma_start3A_292 : memref<128x64xf32, #tpu.memory_space<hbm>>) target_semaphore(%run_scoped3A : memref<!tpu.dma_semaphore, #tpu.memory_space<semaphore_mem>>)
      %dma_wait3A_293 = arith.constant 0 : i32
      %dma_wait3A_294 = tpu.memref_slice %arg4[%mul3A_162, %dma_wait3A_293] : memref<65536x64xf32, #tpu.memory_space<hbm>> -> memref<128x64xf32, #tpu.memory_space<hbm>>
      %dma_wait3A_295 = arith.constant 0 : i32
      %dma_wait3A_296 = tpu.memref_slice %arg4[%mul3A_162, %dma_wait3A_295] : memref<65536x64xf32, #tpu.memory_space<hbm>> -> memref<128x64xf32, #tpu.memory_space<hbm>>
      tpu.wait_dma2 semaphore(%run_scoped3A : memref<!tpu.dma_semaphore, #tpu.memory_space<semaphore_mem>>) src(%arg6 : memref<128x64xf32, #tpu.memory_space<vmem>>) dst(%dma_wait3A_296 : memref<128x64xf32, #tpu.memory_space<hbm>>)
      tpu.yield
    }) : () -> ()
    %dma_start3A_163 = arith.constant 9 : i32
    %dma_start3A_164 = arith.constant 0 : i32
    %dma_start3A_165 = tpu.memref_slice %arg5[%dma_start3A_163, %dma_start3A_164] : memref<16x128xi32, #tpu.memory_space<vmem>> -> memref<1x128xi32, #tpu.memory_space<vmem>>
    %dma_start3A_166 = tpu.memref_squeeze %dma_start3A_165 : memref<1x128xi32, #tpu.memory_space<vmem>> -> memref<128xi32, #tpu.memory_space<vmem>>
    %dma_start3A_167 = arith.constant 0 : i32
    %dma_start3A_168 = arith.constant 0 : i32
    %dma_start3A_169 = tpu.memref_slice %arg2[%dma_start3A_167, %dma_start3A_168] : memref<4096x64xf32, #tpu.memory_space<hbm>> -> memref<4096x64xf32, #tpu.memory_space<hbm>>
    tpu.enqueue_indirect_dma source(%dma_start3A_169 : memref<4096x64xf32, #tpu.memory_space<hbm>>) target(%arg6 : memref<128x64xf32, #tpu.memory_space<vmem>>) offsets(%dma_start3A_166 : memref<128xi32, #tpu.memory_space<vmem>>) semaphore(%arg7 : memref<!tpu.dma_semaphore, #tpu.memory_space<semaphore_mem>>)
    %dma_wait3A_170 = arith.constant 9 : i32
    %dma_wait3A_171 = arith.constant 0 : i32
    %dma_wait3A_172 = tpu.memref_slice %arg5[%dma_wait3A_170, %dma_wait3A_171] : memref<16x128xi32, #tpu.memory_space<vmem>> -> memref<1x128xi32, #tpu.memory_space<vmem>>
    %dma_wait3A_173 = tpu.memref_squeeze %dma_wait3A_172 : memref<1x128xi32, #tpu.memory_space<vmem>> -> memref<128xi32, #tpu.memory_space<vmem>>
    %dma_wait3A_174 = arith.constant 0 : i32
    %dma_wait3A_175 = arith.constant 0 : i32
    %dma_wait3A_176 = tpu.memref_slice %arg2[%dma_wait3A_174, %dma_wait3A_175] : memref<4096x64xf32, #tpu.memory_space<hbm>> -> memref<4096x64xf32, #tpu.memory_space<hbm>>
    tpu.wait_indirect_dma semaphore(%arg7 : memref<!tpu.dma_semaphore, #tpu.memory_space<semaphore_mem>>) src(%dma_wait3A_176 : memref<4096x64xf32, #tpu.memory_space<hbm>>) dst(%arg6 : memref<128x64xf32, #tpu.memory_space<vmem>>)
    %add3A_177 = arith.constant 9 : i32
    %add3A_178 = arith.addi %mul3A_2, %add3A_177 : i32
    %mul3A_179 = arith.constant 128 : i32
    %mul3A_180 = arith.muli %add3A_178, %mul3A_179 : i32
    "tpu.region"() ({
      %run_scoped3A = tpu.sem_alloc : memref<!tpu.dma_semaphore, #tpu.memory_space<semaphore_mem>>
      %dma_start3A_289 = arith.constant 0 : i32
      %dma_start3A_290 = tpu.memref_slice %arg4[%mul3A_180, %dma_start3A_289] : memref<65536x64xf32, #tpu.memory_space<hbm>> -> memref<128x64xf32, #tpu.memory_space<hbm>>
      %dma_start3A_291 = arith.constant 0 : i32
      %dma_start3A_292 = tpu.memref_slice %arg4[%mul3A_180, %dma_start3A_291] : memref<65536x64xf32, #tpu.memory_space<hbm>> -> memref<128x64xf32, #tpu.memory_space<hbm>>
      tpu.enqueue_dma source(%arg6 : memref<128x64xf32, #tpu.memory_space<vmem>>) target(%dma_start3A_292 : memref<128x64xf32, #tpu.memory_space<hbm>>) target_semaphore(%run_scoped3A : memref<!tpu.dma_semaphore, #tpu.memory_space<semaphore_mem>>)
      %dma_wait3A_293 = arith.constant 0 : i32
      %dma_wait3A_294 = tpu.memref_slice %arg4[%mul3A_180, %dma_wait3A_293] : memref<65536x64xf32, #tpu.memory_space<hbm>> -> memref<128x64xf32, #tpu.memory_space<hbm>>
      %dma_wait3A_295 = arith.constant 0 : i32
      %dma_wait3A_296 = tpu.memref_slice %arg4[%mul3A_180, %dma_wait3A_295] : memref<65536x64xf32, #tpu.memory_space<hbm>> -> memref<128x64xf32, #tpu.memory_space<hbm>>
      tpu.wait_dma2 semaphore(%run_scoped3A : memref<!tpu.dma_semaphore, #tpu.memory_space<semaphore_mem>>) src(%arg6 : memref<128x64xf32, #tpu.memory_space<vmem>>) dst(%dma_wait3A_296 : memref<128x64xf32, #tpu.memory_space<hbm>>)
      tpu.yield
    }) : () -> ()
    %dma_start3A_181 = arith.constant 10 : i32
    %dma_start3A_182 = arith.constant 0 : i32
    %dma_start3A_183 = tpu.memref_slice %arg5[%dma_start3A_181, %dma_start3A_182] : memref<16x128xi32, #tpu.memory_space<vmem>> -> memref<1x128xi32, #tpu.memory_space<vmem>>
    %dma_start3A_184 = tpu.memref_squeeze %dma_start3A_183 : memref<1x128xi32, #tpu.memory_space<vmem>> -> memref<128xi32, #tpu.memory_space<vmem>>
    %dma_start3A_185 = arith.constant 0 : i32
    %dma_start3A_186 = arith.constant 0 : i32
    %dma_start3A_187 = tpu.memref_slice %arg2[%dma_start3A_185, %dma_start3A_186] : memref<4096x64xf32, #tpu.memory_space<hbm>> -> memref<4096x64xf32, #tpu.memory_space<hbm>>
    tpu.enqueue_indirect_dma source(%dma_start3A_187 : memref<4096x64xf32, #tpu.memory_space<hbm>>) target(%arg6 : memref<128x64xf32, #tpu.memory_space<vmem>>) offsets(%dma_start3A_184 : memref<128xi32, #tpu.memory_space<vmem>>) semaphore(%arg7 : memref<!tpu.dma_semaphore, #tpu.memory_space<semaphore_mem>>)
    %dma_wait3A_188 = arith.constant 10 : i32
    %dma_wait3A_189 = arith.constant 0 : i32
    %dma_wait3A_190 = tpu.memref_slice %arg5[%dma_wait3A_188, %dma_wait3A_189] : memref<16x128xi32, #tpu.memory_space<vmem>> -> memref<1x128xi32, #tpu.memory_space<vmem>>
    %dma_wait3A_191 = tpu.memref_squeeze %dma_wait3A_190 : memref<1x128xi32, #tpu.memory_space<vmem>> -> memref<128xi32, #tpu.memory_space<vmem>>
    %dma_wait3A_192 = arith.constant 0 : i32
    %dma_wait3A_193 = arith.constant 0 : i32
    %dma_wait3A_194 = tpu.memref_slice %arg2[%dma_wait3A_192, %dma_wait3A_193] : memref<4096x64xf32, #tpu.memory_space<hbm>> -> memref<4096x64xf32, #tpu.memory_space<hbm>>
    tpu.wait_indirect_dma semaphore(%arg7 : memref<!tpu.dma_semaphore, #tpu.memory_space<semaphore_mem>>) src(%dma_wait3A_194 : memref<4096x64xf32, #tpu.memory_space<hbm>>) dst(%arg6 : memref<128x64xf32, #tpu.memory_space<vmem>>)
    %add3A_195 = arith.constant 10 : i32
    %add3A_196 = arith.addi %mul3A_2, %add3A_195 : i32
    %mul3A_197 = arith.constant 128 : i32
    %mul3A_198 = arith.muli %add3A_196, %mul3A_197 : i32
    "tpu.region"() ({
      %run_scoped3A = tpu.sem_alloc : memref<!tpu.dma_semaphore, #tpu.memory_space<semaphore_mem>>
      %dma_start3A_289 = arith.constant 0 : i32
      %dma_start3A_290 = tpu.memref_slice %arg4[%mul3A_198, %dma_start3A_289] : memref<65536x64xf32, #tpu.memory_space<hbm>> -> memref<128x64xf32, #tpu.memory_space<hbm>>
      %dma_start3A_291 = arith.constant 0 : i32
      %dma_start3A_292 = tpu.memref_slice %arg4[%mul3A_198, %dma_start3A_291] : memref<65536x64xf32, #tpu.memory_space<hbm>> -> memref<128x64xf32, #tpu.memory_space<hbm>>
      tpu.enqueue_dma source(%arg6 : memref<128x64xf32, #tpu.memory_space<vmem>>) target(%dma_start3A_292 : memref<128x64xf32, #tpu.memory_space<hbm>>) target_semaphore(%run_scoped3A : memref<!tpu.dma_semaphore, #tpu.memory_space<semaphore_mem>>)
      %dma_wait3A_293 = arith.constant 0 : i32
      %dma_wait3A_294 = tpu.memref_slice %arg4[%mul3A_198, %dma_wait3A_293] : memref<65536x64xf32, #tpu.memory_space<hbm>> -> memref<128x64xf32, #tpu.memory_space<hbm>>
      %dma_wait3A_295 = arith.constant 0 : i32
      %dma_wait3A_296 = tpu.memref_slice %arg4[%mul3A_198, %dma_wait3A_295] : memref<65536x64xf32, #tpu.memory_space<hbm>> -> memref<128x64xf32, #tpu.memory_space<hbm>>
      tpu.wait_dma2 semaphore(%run_scoped3A : memref<!tpu.dma_semaphore, #tpu.memory_space<semaphore_mem>>) src(%arg6 : memref<128x64xf32, #tpu.memory_space<vmem>>) dst(%dma_wait3A_296 : memref<128x64xf32, #tpu.memory_space<hbm>>)
      tpu.yield
    }) : () -> ()
    %dma_start3A_199 = arith.constant 11 : i32
    %dma_start3A_200 = arith.constant 0 : i32
    %dma_start3A_201 = tpu.memref_slice %arg5[%dma_start3A_199, %dma_start3A_200] : memref<16x128xi32, #tpu.memory_space<vmem>> -> memref<1x128xi32, #tpu.memory_space<vmem>>
    %dma_start3A_202 = tpu.memref_squeeze %dma_start3A_201 : memref<1x128xi32, #tpu.memory_space<vmem>> -> memref<128xi32, #tpu.memory_space<vmem>>
    %dma_start3A_203 = arith.constant 0 : i32
    %dma_start3A_204 = arith.constant 0 : i32
    %dma_start3A_205 = tpu.memref_slice %arg2[%dma_start3A_203, %dma_start3A_204] : memref<4096x64xf32, #tpu.memory_space<hbm>> -> memref<4096x64xf32, #tpu.memory_space<hbm>>
    tpu.enqueue_indirect_dma source(%dma_start3A_205 : memref<4096x64xf32, #tpu.memory_space<hbm>>) target(%arg6 : memref<128x64xf32, #tpu.memory_space<vmem>>) offsets(%dma_start3A_202 : memref<128xi32, #tpu.memory_space<vmem>>) semaphore(%arg7 : memref<!tpu.dma_semaphore, #tpu.memory_space<semaphore_mem>>)
    %dma_wait3A_206 = arith.constant 11 : i32
    %dma_wait3A_207 = arith.constant 0 : i32
    %dma_wait3A_208 = tpu.memref_slice %arg5[%dma_wait3A_206, %dma_wait3A_207] : memref<16x128xi32, #tpu.memory_space<vmem>> -> memref<1x128xi32, #tpu.memory_space<vmem>>
    %dma_wait3A_209 = tpu.memref_squeeze %dma_wait3A_208 : memref<1x128xi32, #tpu.memory_space<vmem>> -> memref<128xi32, #tpu.memory_space<vmem>>
    %dma_wait3A_210 = arith.constant 0 : i32
    %dma_wait3A_211 = arith.constant 0 : i32
    %dma_wait3A_212 = tpu.memref_slice %arg2[%dma_wait3A_210, %dma_wait3A_211] : memref<4096x64xf32, #tpu.memory_space<hbm>> -> memref<4096x64xf32, #tpu.memory_space<hbm>>
    tpu.wait_indirect_dma semaphore(%arg7 : memref<!tpu.dma_semaphore, #tpu.memory_space<semaphore_mem>>) src(%dma_wait3A_212 : memref<4096x64xf32, #tpu.memory_space<hbm>>) dst(%arg6 : memref<128x64xf32, #tpu.memory_space<vmem>>)
    %add3A_213 = arith.constant 11 : i32
    %add3A_214 = arith.addi %mul3A_2, %add3A_213 : i32
    %mul3A_215 = arith.constant 128 : i32
    %mul3A_216 = arith.muli %add3A_214, %mul3A_215 : i32
    "tpu.region"() ({
      %run_scoped3A = tpu.sem_alloc : memref<!tpu.dma_semaphore, #tpu.memory_space<semaphore_mem>>
      %dma_start3A_289 = arith.constant 0 : i32
      %dma_start3A_290 = tpu.memref_slice %arg4[%mul3A_216, %dma_start3A_289] : memref<65536x64xf32, #tpu.memory_space<hbm>> -> memref<128x64xf32, #tpu.memory_space<hbm>>
      %dma_start3A_291 = arith.constant 0 : i32
      %dma_start3A_292 = tpu.memref_slice %arg4[%mul3A_216, %dma_start3A_291] : memref<65536x64xf32, #tpu.memory_space<hbm>> -> memref<128x64xf32, #tpu.memory_space<hbm>>
      tpu.enqueue_dma source(%arg6 : memref<128x64xf32, #tpu.memory_space<vmem>>) target(%dma_start3A_292 : memref<128x64xf32, #tpu.memory_space<hbm>>) target_semaphore(%run_scoped3A : memref<!tpu.dma_semaphore, #tpu.memory_space<semaphore_mem>>)
      %dma_wait3A_293 = arith.constant 0 : i32
      %dma_wait3A_294 = tpu.memref_slice %arg4[%mul3A_216, %dma_wait3A_293] : memref<65536x64xf32, #tpu.memory_space<hbm>> -> memref<128x64xf32, #tpu.memory_space<hbm>>
      %dma_wait3A_295 = arith.constant 0 : i32
      %dma_wait3A_296 = tpu.memref_slice %arg4[%mul3A_216, %dma_wait3A_295] : memref<65536x64xf32, #tpu.memory_space<hbm>> -> memref<128x64xf32, #tpu.memory_space<hbm>>
      tpu.wait_dma2 semaphore(%run_scoped3A : memref<!tpu.dma_semaphore, #tpu.memory_space<semaphore_mem>>) src(%arg6 : memref<128x64xf32, #tpu.memory_space<vmem>>) dst(%dma_wait3A_296 : memref<128x64xf32, #tpu.memory_space<hbm>>)
      tpu.yield
    }) : () -> ()
    %dma_start3A_217 = arith.constant 12 : i32
    %dma_start3A_218 = arith.constant 0 : i32
    %dma_start3A_219 = tpu.memref_slice %arg5[%dma_start3A_217, %dma_start3A_218] : memref<16x128xi32, #tpu.memory_space<vmem>> -> memref<1x128xi32, #tpu.memory_space<vmem>>
    %dma_start3A_220 = tpu.memref_squeeze %dma_start3A_219 : memref<1x128xi32, #tpu.memory_space<vmem>> -> memref<128xi32, #tpu.memory_space<vmem>>
    %dma_start3A_221 = arith.constant 0 : i32
    %dma_start3A_222 = arith.constant 0 : i32
    %dma_start3A_223 = tpu.memref_slice %arg2[%dma_start3A_221, %dma_start3A_222] : memref<4096x64xf32, #tpu.memory_space<hbm>> -> memref<4096x64xf32, #tpu.memory_space<hbm>>
    tpu.enqueue_indirect_dma source(%dma_start3A_223 : memref<4096x64xf32, #tpu.memory_space<hbm>>) target(%arg6 : memref<128x64xf32, #tpu.memory_space<vmem>>) offsets(%dma_start3A_220 : memref<128xi32, #tpu.memory_space<vmem>>) semaphore(%arg7 : memref<!tpu.dma_semaphore, #tpu.memory_space<semaphore_mem>>)
    %dma_wait3A_224 = arith.constant 12 : i32
    %dma_wait3A_225 = arith.constant 0 : i32
    %dma_wait3A_226 = tpu.memref_slice %arg5[%dma_wait3A_224, %dma_wait3A_225] : memref<16x128xi32, #tpu.memory_space<vmem>> -> memref<1x128xi32, #tpu.memory_space<vmem>>
    %dma_wait3A_227 = tpu.memref_squeeze %dma_wait3A_226 : memref<1x128xi32, #tpu.memory_space<vmem>> -> memref<128xi32, #tpu.memory_space<vmem>>
    %dma_wait3A_228 = arith.constant 0 : i32
    %dma_wait3A_229 = arith.constant 0 : i32
    %dma_wait3A_230 = tpu.memref_slice %arg2[%dma_wait3A_228, %dma_wait3A_229] : memref<4096x64xf32, #tpu.memory_space<hbm>> -> memref<4096x64xf32, #tpu.memory_space<hbm>>
    tpu.wait_indirect_dma semaphore(%arg7 : memref<!tpu.dma_semaphore, #tpu.memory_space<semaphore_mem>>) src(%dma_wait3A_230 : memref<4096x64xf32, #tpu.memory_space<hbm>>) dst(%arg6 : memref<128x64xf32, #tpu.memory_space<vmem>>)
    %add3A_231 = arith.constant 12 : i32
    %add3A_232 = arith.addi %mul3A_2, %add3A_231 : i32
    %mul3A_233 = arith.constant 128 : i32
    %mul3A_234 = arith.muli %add3A_232, %mul3A_233 : i32
    "tpu.region"() ({
      %run_scoped3A = tpu.sem_alloc : memref<!tpu.dma_semaphore, #tpu.memory_space<semaphore_mem>>
      %dma_start3A_289 = arith.constant 0 : i32
      %dma_start3A_290 = tpu.memref_slice %arg4[%mul3A_234, %dma_start3A_289] : memref<65536x64xf32, #tpu.memory_space<hbm>> -> memref<128x64xf32, #tpu.memory_space<hbm>>
      %dma_start3A_291 = arith.constant 0 : i32
      %dma_start3A_292 = tpu.memref_slice %arg4[%mul3A_234, %dma_start3A_291] : memref<65536x64xf32, #tpu.memory_space<hbm>> -> memref<128x64xf32, #tpu.memory_space<hbm>>
      tpu.enqueue_dma source(%arg6 : memref<128x64xf32, #tpu.memory_space<vmem>>) target(%dma_start3A_292 : memref<128x64xf32, #tpu.memory_space<hbm>>) target_semaphore(%run_scoped3A : memref<!tpu.dma_semaphore, #tpu.memory_space<semaphore_mem>>)
      %dma_wait3A_293 = arith.constant 0 : i32
      %dma_wait3A_294 = tpu.memref_slice %arg4[%mul3A_234, %dma_wait3A_293] : memref<65536x64xf32, #tpu.memory_space<hbm>> -> memref<128x64xf32, #tpu.memory_space<hbm>>
      %dma_wait3A_295 = arith.constant 0 : i32
      %dma_wait3A_296 = tpu.memref_slice %arg4[%mul3A_234, %dma_wait3A_295] : memref<65536x64xf32, #tpu.memory_space<hbm>> -> memref<128x64xf32, #tpu.memory_space<hbm>>
      tpu.wait_dma2 semaphore(%run_scoped3A : memref<!tpu.dma_semaphore, #tpu.memory_space<semaphore_mem>>) src(%arg6 : memref<128x64xf32, #tpu.memory_space<vmem>>) dst(%dma_wait3A_296 : memref<128x64xf32, #tpu.memory_space<hbm>>)
      tpu.yield
    }) : () -> ()
    %dma_start3A_235 = arith.constant 13 : i32
    %dma_start3A_236 = arith.constant 0 : i32
    %dma_start3A_237 = tpu.memref_slice %arg5[%dma_start3A_235, %dma_start3A_236] : memref<16x128xi32, #tpu.memory_space<vmem>> -> memref<1x128xi32, #tpu.memory_space<vmem>>
    %dma_start3A_238 = tpu.memref_squeeze %dma_start3A_237 : memref<1x128xi32, #tpu.memory_space<vmem>> -> memref<128xi32, #tpu.memory_space<vmem>>
    %dma_start3A_239 = arith.constant 0 : i32
    %dma_start3A_240 = arith.constant 0 : i32
    %dma_start3A_241 = tpu.memref_slice %arg2[%dma_start3A_239, %dma_start3A_240] : memref<4096x64xf32, #tpu.memory_space<hbm>> -> memref<4096x64xf32, #tpu.memory_space<hbm>>
    tpu.enqueue_indirect_dma source(%dma_start3A_241 : memref<4096x64xf32, #tpu.memory_space<hbm>>) target(%arg6 : memref<128x64xf32, #tpu.memory_space<vmem>>) offsets(%dma_start3A_238 : memref<128xi32, #tpu.memory_space<vmem>>) semaphore(%arg7 : memref<!tpu.dma_semaphore, #tpu.memory_space<semaphore_mem>>)
    %dma_wait3A_242 = arith.constant 13 : i32
    %dma_wait3A_243 = arith.constant 0 : i32
    %dma_wait3A_244 = tpu.memref_slice %arg5[%dma_wait3A_242, %dma_wait3A_243] : memref<16x128xi32, #tpu.memory_space<vmem>> -> memref<1x128xi32, #tpu.memory_space<vmem>>
    %dma_wait3A_245 = tpu.memref_squeeze %dma_wait3A_244 : memref<1x128xi32, #tpu.memory_space<vmem>> -> memref<128xi32, #tpu.memory_space<vmem>>
    %dma_wait3A_246 = arith.constant 0 : i32
    %dma_wait3A_247 = arith.constant 0 : i32
    %dma_wait3A_248 = tpu.memref_slice %arg2[%dma_wait3A_246, %dma_wait3A_247] : memref<4096x64xf32, #tpu.memory_space<hbm>> -> memref<4096x64xf32, #tpu.memory_space<hbm>>
    tpu.wait_indirect_dma semaphore(%arg7 : memref<!tpu.dma_semaphore, #tpu.memory_space<semaphore_mem>>) src(%dma_wait3A_248 : memref<4096x64xf32, #tpu.memory_space<hbm>>) dst(%arg6 : memref<128x64xf32, #tpu.memory_space<vmem>>)
    %add3A_249 = arith.constant 13 : i32
    %add3A_250 = arith.addi %mul3A_2, %add3A_249 : i32
    %mul3A_251 = arith.constant 128 : i32
    %mul3A_252 = arith.muli %add3A_250, %mul3A_251 : i32
    "tpu.region"() ({
      %run_scoped3A = tpu.sem_alloc : memref<!tpu.dma_semaphore, #tpu.memory_space<semaphore_mem>>
      %dma_start3A_289 = arith.constant 0 : i32
      %dma_start3A_290 = tpu.memref_slice %arg4[%mul3A_252, %dma_start3A_289] : memref<65536x64xf32, #tpu.memory_space<hbm>> -> memref<128x64xf32, #tpu.memory_space<hbm>>
      %dma_start3A_291 = arith.constant 0 : i32
      %dma_start3A_292 = tpu.memref_slice %arg4[%mul3A_252, %dma_start3A_291] : memref<65536x64xf32, #tpu.memory_space<hbm>> -> memref<128x64xf32, #tpu.memory_space<hbm>>
      tpu.enqueue_dma source(%arg6 : memref<128x64xf32, #tpu.memory_space<vmem>>) target(%dma_start3A_292 : memref<128x64xf32, #tpu.memory_space<hbm>>) target_semaphore(%run_scoped3A : memref<!tpu.dma_semaphore, #tpu.memory_space<semaphore_mem>>)
      %dma_wait3A_293 = arith.constant 0 : i32
      %dma_wait3A_294 = tpu.memref_slice %arg4[%mul3A_252, %dma_wait3A_293] : memref<65536x64xf32, #tpu.memory_space<hbm>> -> memref<128x64xf32, #tpu.memory_space<hbm>>
      %dma_wait3A_295 = arith.constant 0 : i32
      %dma_wait3A_296 = tpu.memref_slice %arg4[%mul3A_252, %dma_wait3A_295] : memref<65536x64xf32, #tpu.memory_space<hbm>> -> memref<128x64xf32, #tpu.memory_space<hbm>>
      tpu.wait_dma2 semaphore(%run_scoped3A : memref<!tpu.dma_semaphore, #tpu.memory_space<semaphore_mem>>) src(%arg6 : memref<128x64xf32, #tpu.memory_space<vmem>>) dst(%dma_wait3A_296 : memref<128x64xf32, #tpu.memory_space<hbm>>)
      tpu.yield
    }) : () -> ()
    %dma_start3A_253 = arith.constant 14 : i32
    %dma_start3A_254 = arith.constant 0 : i32
    %dma_start3A_255 = tpu.memref_slice %arg5[%dma_start3A_253, %dma_start3A_254] : memref<16x128xi32, #tpu.memory_space<vmem>> -> memref<1x128xi32, #tpu.memory_space<vmem>>
    %dma_start3A_256 = tpu.memref_squeeze %dma_start3A_255 : memref<1x128xi32, #tpu.memory_space<vmem>> -> memref<128xi32, #tpu.memory_space<vmem>>
    %dma_start3A_257 = arith.constant 0 : i32
    %dma_start3A_258 = arith.constant 0 : i32
    %dma_start3A_259 = tpu.memref_slice %arg2[%dma_start3A_257, %dma_start3A_258] : memref<4096x64xf32, #tpu.memory_space<hbm>> -> memref<4096x64xf32, #tpu.memory_space<hbm>>
    tpu.enqueue_indirect_dma source(%dma_start3A_259 : memref<4096x64xf32, #tpu.memory_space<hbm>>) target(%arg6 : memref<128x64xf32, #tpu.memory_space<vmem>>) offsets(%dma_start3A_256 : memref<128xi32, #tpu.memory_space<vmem>>) semaphore(%arg7 : memref<!tpu.dma_semaphore, #tpu.memory_space<semaphore_mem>>)
    %dma_wait3A_260 = arith.constant 14 : i32
    %dma_wait3A_261 = arith.constant 0 : i32
    %dma_wait3A_262 = tpu.memref_slice %arg5[%dma_wait3A_260, %dma_wait3A_261] : memref<16x128xi32, #tpu.memory_space<vmem>> -> memref<1x128xi32, #tpu.memory_space<vmem>>
    %dma_wait3A_263 = tpu.memref_squeeze %dma_wait3A_262 : memref<1x128xi32, #tpu.memory_space<vmem>> -> memref<128xi32, #tpu.memory_space<vmem>>
    %dma_wait3A_264 = arith.constant 0 : i32
    %dma_wait3A_265 = arith.constant 0 : i32
    %dma_wait3A_266 = tpu.memref_slice %arg2[%dma_wait3A_264, %dma_wait3A_265] : memref<4096x64xf32, #tpu.memory_space<hbm>> -> memref<4096x64xf32, #tpu.memory_space<hbm>>
    tpu.wait_indirect_dma semaphore(%arg7 : memref<!tpu.dma_semaphore, #tpu.memory_space<semaphore_mem>>) src(%dma_wait3A_266 : memref<4096x64xf32, #tpu.memory_space<hbm>>) dst(%arg6 : memref<128x64xf32, #tpu.memory_space<vmem>>)
    %add3A_267 = arith.constant 14 : i32
    %add3A_268 = arith.addi %mul3A_2, %add3A_267 : i32
    %mul3A_269 = arith.constant 128 : i32
    %mul3A_270 = arith.muli %add3A_268, %mul3A_269 : i32
    "tpu.region"() ({
      %run_scoped3A = tpu.sem_alloc : memref<!tpu.dma_semaphore, #tpu.memory_space<semaphore_mem>>
      %dma_start3A_289 = arith.constant 0 : i32
      %dma_start3A_290 = tpu.memref_slice %arg4[%mul3A_270, %dma_start3A_289] : memref<65536x64xf32, #tpu.memory_space<hbm>> -> memref<128x64xf32, #tpu.memory_space<hbm>>
      %dma_start3A_291 = arith.constant 0 : i32
      %dma_start3A_292 = tpu.memref_slice %arg4[%mul3A_270, %dma_start3A_291] : memref<65536x64xf32, #tpu.memory_space<hbm>> -> memref<128x64xf32, #tpu.memory_space<hbm>>
      tpu.enqueue_dma source(%arg6 : memref<128x64xf32, #tpu.memory_space<vmem>>) target(%dma_start3A_292 : memref<128x64xf32, #tpu.memory_space<hbm>>) target_semaphore(%run_scoped3A : memref<!tpu.dma_semaphore, #tpu.memory_space<semaphore_mem>>)
      %dma_wait3A_293 = arith.constant 0 : i32
      %dma_wait3A_294 = tpu.memref_slice %arg4[%mul3A_270, %dma_wait3A_293] : memref<65536x64xf32, #tpu.memory_space<hbm>> -> memref<128x64xf32, #tpu.memory_space<hbm>>
      %dma_wait3A_295 = arith.constant 0 : i32
      %dma_wait3A_296 = tpu.memref_slice %arg4[%mul3A_270, %dma_wait3A_295] : memref<65536x64xf32, #tpu.memory_space<hbm>> -> memref<128x64xf32, #tpu.memory_space<hbm>>
      tpu.wait_dma2 semaphore(%run_scoped3A : memref<!tpu.dma_semaphore, #tpu.memory_space<semaphore_mem>>) src(%arg6 : memref<128x64xf32, #tpu.memory_space<vmem>>) dst(%dma_wait3A_296 : memref<128x64xf32, #tpu.memory_space<hbm>>)
      tpu.yield
    }) : () -> ()
    %dma_start3A_271 = arith.constant 15 : i32
    %dma_start3A_272 = arith.constant 0 : i32
    %dma_start3A_273 = tpu.memref_slice %arg5[%dma_start3A_271, %dma_start3A_272] : memref<16x128xi32, #tpu.memory_space<vmem>> -> memref<1x128xi32, #tpu.memory_space<vmem>>
    %dma_start3A_274 = tpu.memref_squeeze %dma_start3A_273 : memref<1x128xi32, #tpu.memory_space<vmem>> -> memref<128xi32, #tpu.memory_space<vmem>>
    %dma_start3A_275 = arith.constant 0 : i32
    %dma_start3A_276 = arith.constant 0 : i32
    %dma_start3A_277 = tpu.memref_slice %arg2[%dma_start3A_275, %dma_start3A_276] : memref<4096x64xf32, #tpu.memory_space<hbm>> -> memref<4096x64xf32, #tpu.memory_space<hbm>>
    tpu.enqueue_indirect_dma source(%dma_start3A_277 : memref<4096x64xf32, #tpu.memory_space<hbm>>) target(%arg6 : memref<128x64xf32, #tpu.memory_space<vmem>>) offsets(%dma_start3A_274 : memref<128xi32, #tpu.memory_space<vmem>>) semaphore(%arg7 : memref<!tpu.dma_semaphore, #tpu.memory_space<semaphore_mem>>)
    %dma_wait3A_278 = arith.constant 15 : i32
    %dma_wait3A_279 = arith.constant 0 : i32
    %dma_wait3A_280 = tpu.memref_slice %arg5[%dma_wait3A_278, %dma_wait3A_279] : memref<16x128xi32, #tpu.memory_space<vmem>> -> memref<1x128xi32, #tpu.memory_space<vmem>>
    %dma_wait3A_281 = tpu.memref_squeeze %dma_wait3A_280 : memref<1x128xi32, #tpu.memory_space<vmem>> -> memref<128xi32, #tpu.memory_space<vmem>>
    %dma_wait3A_282 = arith.constant 0 : i32
    %dma_wait3A_283 = arith.constant 0 : i32
    %dma_wait3A_284 = tpu.memref_slice %arg2[%dma_wait3A_282, %dma_wait3A_283] : memref<4096x64xf32, #tpu.memory_space<hbm>> -> memref<4096x64xf32, #tpu.memory_space<hbm>>
    tpu.wait_indirect_dma semaphore(%arg7 : memref<!tpu.dma_semaphore, #tpu.memory_space<semaphore_mem>>) src(%dma_wait3A_284 : memref<4096x64xf32, #tpu.memory_space<hbm>>) dst(%arg6 : memref<128x64xf32, #tpu.memory_space<vmem>>)
    %add3A_285 = arith.constant 15 : i32
    %add3A_286 = arith.addi %mul3A_2, %add3A_285 : i32
    %mul3A_287 = arith.constant 128 : i32
    %mul3A_288 = arith.muli %add3A_286, %mul3A_287 : i32
    "tpu.region"() ({
      %run_scoped3A = tpu.sem_alloc : memref<!tpu.dma_semaphore, #tpu.memory_space<semaphore_mem>>
      %dma_start3A_289 = arith.constant 0 : i32
      %dma_start3A_290 = tpu.memref_slice %arg4[%mul3A_288, %dma_start3A_289] : memref<65536x64xf32, #tpu.memory_space<hbm>> -> memref<128x64xf32, #tpu.memory_space<hbm>>
      %dma_start3A_291 = arith.constant 0 : i32
      %dma_start3A_292 = tpu.memref_slice %arg4[%mul3A_288, %dma_start3A_291] : memref<65536x64xf32, #tpu.memory_space<hbm>> -> memref<128x64xf32, #tpu.memory_space<hbm>>
      tpu.enqueue_dma source(%arg6 : memref<128x64xf32, #tpu.memory_space<vmem>>) target(%dma_start3A_292 : memref<128x64xf32, #tpu.memory_space<hbm>>) target_semaphore(%run_scoped3A : memref<!tpu.dma_semaphore, #tpu.memory_space<semaphore_mem>>)
      %dma_wait3A_293 = arith.constant 0 : i32
      %dma_wait3A_294 = tpu.memref_slice %arg4[%mul3A_288, %dma_wait3A_293] : memref<65536x64xf32, #tpu.memory_space<hbm>> -> memref<128x64xf32, #tpu.memory_space<hbm>>
      %dma_wait3A_295 = arith.constant 0 : i32
      %dma_wait3A_296 = tpu.memref_slice %arg4[%mul3A_288, %dma_wait3A_295] : memref<65536x64xf32, #tpu.memory_space<hbm>> -> memref<128x64xf32, #tpu.memory_space<hbm>>
      tpu.wait_dma2 semaphore(%run_scoped3A : memref<!tpu.dma_semaphore, #tpu.memory_space<semaphore_mem>>) src(%arg6 : memref<128x64xf32, #tpu.memory_space<vmem>>) dst(%dma_wait3A_296 : memref<128x64xf32, #tpu.memory_space<hbm>>)
      tpu.yield
    }) : () -> ()
    return
  }
}

module attributes {stable_mosaic.version = 14 : i64} {
  func.func @_rowsq_body(%arg0: memref<4096x64xf32, #tpu.memory_space<vmem>>, %arg1: memref<4096x1xf32, #tpu.memory_space<vmem>>) attributes {dimension_semantics = [], scalar_prefetch = 0 : i64, scratch_operands = 0 : i64, tpu.core_type = #tpu.core_type<tc>} {
    %get3A = arith.constant 0 : index
    %get3A_0 = arith.constant 0 : index
    %get3A_1 = vector.load %arg0[%get3A, %get3A_0] : memref<4096x64xf32, #tpu.memory_space<vmem>>, vector<4096x64xf32>
    %mul3A = arith.mulf %get3A_1, %get3A_1 : vector<4096x64xf32>
    %reduce_sum3A = arith.constant dense<0.000000e+00> : vector<4096xf32>
    %reduce_sum3A_2 = vector.multi_reduction <add>, %mul3A, %reduce_sum3A [1] : vector<4096x64xf32> to vector<4096xf32>
    %broadcast_in_dim3A = vector.shape_cast %reduce_sum3A_2 : vector<4096xf32> to vector<4096x1xf32>
    %swap3A = arith.constant 0 : index
    %swap3A_3 = arith.constant 0 : index
    %swap3A_4 = vector.load %arg1[%swap3A, %swap3A_3] : memref<4096x1xf32, #tpu.memory_space<vmem>>, vector<4096x1xf32>
    tpu.vector_store %arg1[%swap3A, %swap3A_3], %broadcast_in_dim3A {strides = array<i32>} : memref<4096x1xf32, #tpu.memory_space<vmem>>, vector<4096x1xf32>,
    return
  }
}

module attributes {stable_mosaic.version = 14 : i64} {
  func.func @_knn_body(%arg0: i32, %arg1: memref<512x64xf32, #tpu.memory_space<vmem>>, %arg2: memref<64x4096xf32, #tpu.memory_space<vmem>>, %arg3: memref<512x1xf32, #tpu.memory_space<vmem>>, %arg4: memref<1x4096xf32, #tpu.memory_space<vmem>>, %arg5: memref<512x1xi32, #tpu.memory_space<vmem>>, %arg6: memref<1x4096xi32, #tpu.memory_space<vmem>>, %arg7: memref<512x16xi32, #tpu.memory_space<vmem>>) attributes {dimension_semantics = [#tpu.dimension_semantics<arbitrary>], iteration_bounds = array<i64: 8>, scalar_prefetch = 0 : i64, scratch_operands = 0 : i64, tpu.core_type = #tpu.core_type<tc>, window_params = [{transform_indices = @transform_0, window_bounds = array<i64: 512, 64>}, {pipeline_mode = #tpu.pipeline_mode<synchronous>, transform_indices = @transform_1, window_bounds = array<i64: 64, 4096>}, {transform_indices = @transform_2, window_bounds = array<i64: 512, 1>}, {pipeline_mode = #tpu.pipeline_mode<synchronous>, transform_indices = @transform_3, window_bounds = array<i64: 1, 4096>}, {transform_indices = @transform_4, window_bounds = array<i64: 512, 1>}, {pipeline_mode = #tpu.pipeline_mode<synchronous>, transform_indices = @transform_5, window_bounds = array<i64: 1, 4096>}, {transform_indices = @transform_6, window_bounds = array<i64: 512, 16>}]} {
    %get3A = arith.constant 0 : index
    %get3A_0 = arith.constant 0 : index
    %get3A_1 = vector.load %arg1[%get3A, %get3A_0] : memref<512x64xf32, #tpu.memory_space<vmem>>, vector<512x64xf32>
    %get3A_2 = arith.constant 0 : index
    %get3A_3 = arith.constant 0 : index
    %get3A_4 = vector.load %arg2[%get3A_2, %get3A_3] : memref<64x4096xf32, #tpu.memory_space<vmem>>, vector<64x4096xf32>
    %dot_general3A = arith.constant dense<0.000000e+00> : vector<512x4096xf32>
    %dot_general3A_5 = tpu.matmul %get3A_1, %get3A_4, %dot_general3A {dimension_numbers = #tpu.dot_dimension_numbers<[1], [0], [0], [1], [0, 0, 1, 1], [], []>, transpose_lhs_hint = false} : vector<512x64xf32>, vector<64x4096xf32>, vector<512x4096xf32> -> vector<512x4096xf32>
    %get3A_6 = arith.constant 0 : index
    %get3A_7 = arith.constant 0 : index
    %get3A_8 = vector.load %arg3[%get3A_6, %get3A_7] : memref<512x1xf32, #tpu.memory_space<vmem>>, vector<512x1xf32>
    %get3A_9 = arith.constant 0 : index
    %get3A_10 = arith.constant 0 : index
    %get3A_11 = vector.load %arg4[%get3A_9, %get3A_10] : memref<1x4096xf32, #tpu.memory_space<vmem>>, vector<1x4096xf32>
    %add3A = vector.broadcast %get3A_8 : vector<512x1xf32> to vector<512x4096xf32>
    %add3A_12 = vector.broadcast %get3A_11 : vector<1x4096xf32> to vector<512x4096xf32>
    %add3A_13 = arith.addf %add3A, %add3A_12 : vector<512x4096xf32>
    %mul3A = arith.constant 2.000000e+00 : f32
    %mul3A_14 = vector.broadcast %mul3A : f32 to vector<512x4096xf32>
    %mul3A_15 = arith.mulf %mul3A_14, %dot_general3A_5 : vector<512x4096xf32>
    %sub3A = arith.subf %add3A_13, %mul3A_15 : vector<512x4096xf32>
    %mul3A_16 = arith.constant 512 : i32
    %mul3A_17 = arith.muli %arg0, %mul3A_16 : i32
    %iota3A = tpu.iota {dimensions = array<i32: 0>} : vector<512x4096xi32>
    %add3A_18 = vector.broadcast %mul3A_17 : i32 to vector<512x4096xi32>
    %add3A_19 = arith.addi %add3A_18, %iota3A : vector<512x4096xi32>
    %iota3A_20 = tpu.iota {dimensions = array<i32: 1>} : vector<512x4096xi32>
    %get3A_21 = arith.constant 0 : index
    %get3A_22 = arith.constant 0 : index
    %get3A_23 = vector.load %arg5[%get3A_21, %get3A_22] : memref<512x1xi32, #tpu.memory_space<vmem>>, vector<512x1xi32>
    %get3A_24 = arith.constant 0 : index
    %get3A_25 = arith.constant 0 : index
    %get3A_26 = vector.load %arg6[%get3A_24, %get3A_25] : memref<1x4096xi32, #tpu.memory_space<vmem>>, vector<1x4096xi32>
    %ne3A = vector.broadcast %get3A_23 : vector<512x1xi32> to vector<512x4096xi32>
    %ne3A_27 = vector.broadcast %get3A_26 : vector<1x4096xi32> to vector<512x4096xi32>
    %ne3A_28 = arith.cmpi ne, %ne3A, %ne3A_27 : vector<512x4096xi32>
    %jit3A = arith.constant 1.000000e+09 : f32
    %broadcast_in_dim3A = vector.broadcast %jit3A : f32 to vector<512x4096xf32>
    %select_n3A = arith.select %ne3A_28, %broadcast_in_dim3A, %sub3A : vector<512x4096xi1>, vector<512x4096xf32>
    %eq3A = arith.cmpi eq, %add3A_19, %iota3A_20 : vector<512x4096xi32>
    %jit3A_29 = arith.constant 1.000000e+09 : f32
    %jit3A_30 = arith.constant 0.000000e+00 : f32
    %broadcast_in_dim3A_31 = vector.broadcast %jit3A_29 : f32 to vector<512x4096xf32>
    %broadcast_in_dim3A_32 = vector.broadcast %jit3A_30 : f32 to vector<512x4096xf32>
    %select_n3A_33 = arith.select %eq3A, %broadcast_in_dim3A_31, %broadcast_in_dim3A_32 : vector<512x4096xi1>, vector<512x4096xf32>
    %add3A_34 = arith.addf %select_n3A, %select_n3A_33 : vector<512x4096xf32>
    %reduce_min3A = arith.constant dense<0x7F800000> : vector<512xf32>
    %reduce_min3A_35 = vector.multi_reduction <minimumf>, %add3A_34, %reduce_min3A [1] : vector<512x4096xf32> to vector<512xf32>
    %broadcast_in_dim3A_36 = vector.shape_cast %reduce_min3A_35 : vector<512xf32> to vector<512x1xf32>
    %eq3A_37 = vector.broadcast %broadcast_in_dim3A_36 : vector<512x1xf32> to vector<512x4096xf32>
    %eq3A_38 = arith.cmpf oeq, %add3A_34, %eq3A_37 : vector<512x4096xf32>
    %jit3A_39 = arith.constant 4096 : i32
    %broadcast_in_dim3A_40 = vector.broadcast %jit3A_39 : i32 to vector<512x4096xi32>
    %select_n3A_41 = arith.select %eq3A_38, %iota3A_20, %broadcast_in_dim3A_40 : vector<512x4096xi1>, vector<512x4096xi32>
    %reduce_min3A_42 = arith.constant dense<2147483647> : vector<512xi32>
    %reduce_min3A_43 = vector.multi_reduction <minsi>, %select_n3A_41, %reduce_min3A_42 [1] : vector<512x4096xi32> to vector<512xi32>
    %broadcast_in_dim3A_44 = vector.shape_cast %reduce_min3A_43 : vector<512xi32> to vector<512x1xi32>
    %swap3A = arith.constant 0 : index
    %swap3A_45 = arith.constant 0 : index
    %swap3A_46 = vector.load %arg7[%swap3A, %swap3A_45] : memref<512x16xi32, #tpu.memory_space<vmem>>, vector<512x1xi32>
    tpu.vector_store %arg7[%swap3A, %swap3A_45], %broadcast_in_dim3A_44 {strides = array<i32>} : memref<512x16xi32, #tpu.memory_space<vmem>>, vector<512x1xi32>,
    %eq3A_47 = vector.broadcast %broadcast_in_dim3A_44 : vector<512x1xi32> to vector<512x4096xi32>
    %eq3A_48 = arith.cmpi eq, %iota3A_20, %eq3A_47 : vector<512x4096xi32>
    %jit3A_49 = arith.constant 1.000000e+09 : f32
    %broadcast_in_dim3A_50 = vector.broadcast %jit3A_49 : f32 to vector<512x4096xf32>
    %select_n3A_51 = arith.select %eq3A_48, %broadcast_in_dim3A_50, %add3A_34 : vector<512x4096xi1>, vector<512x4096xf32>
    %reduce_min3A_52 = arith.constant dense<0x7F800000> : vector<512xf32>
    %reduce_min3A_53 = vector.multi_reduction <minimumf>, %select_n3A_51, %reduce_min3A_52 [1] : vector<512x4096xf32> to vector<512xf32>
    %broadcast_in_dim3A_54 = vector.shape_cast %reduce_min3A_53 : vector<512xf32> to vector<512x1xf32>
    %eq3A_55 = vector.broadcast %broadcast_in_dim3A_54 : vector<512x1xf32> to vector<512x4096xf32>
    %eq3A_56 = arith.cmpf oeq, %select_n3A_51, %eq3A_55 : vector<512x4096xf32>
    %jit3A_57 = arith.constant 4096 : i32
    %broadcast_in_dim3A_58 = vector.broadcast %jit3A_57 : i32 to vector<512x4096xi32>
    %select_n3A_59 = arith.select %eq3A_56, %iota3A_20, %broadcast_in_dim3A_58 : vector<512x4096xi1>, vector<512x4096xi32>
    %reduce_min3A_60 = arith.constant dense<2147483647> : vector<512xi32>
    %reduce_min3A_61 = vector.multi_reduction <minsi>, %select_n3A_59, %reduce_min3A_60 [1] : vector<512x4096xi32> to vector<512xi32>
    %broadcast_in_dim3A_62 = vector.shape_cast %reduce_min3A_61 : vector<512xi32> to vector<512x1xi32>
    %swap3A_63 = arith.constant 0 : index
    %swap3A_64 = arith.constant 1 : index
    %swap3A_65 = vector.load %arg7[%swap3A_63, %swap3A_64] : memref<512x16xi32, #tpu.memory_space<vmem>>, vector<512x1xi32>
    tpu.vector_store %arg7[%swap3A_63, %swap3A_64], %broadcast_in_dim3A_62 {strides = array<i32>} : memref<512x16xi32, #tpu.memory_space<vmem>>, vector<512x1xi32>,
    %eq3A_66 = vector.broadcast %broadcast_in_dim3A_62 : vector<512x1xi32> to vector<512x4096xi32>
    %eq3A_67 = arith.cmpi eq, %iota3A_20, %eq3A_66 : vector<512x4096xi32>
    %jit3A_68 = arith.constant 1.000000e+09 : f32
    %broadcast_in_dim3A_69 = vector.broadcast %jit3A_68 : f32 to vector<512x4096xf32>
    %select_n3A_70 = arith.select %eq3A_67, %broadcast_in_dim3A_69, %select_n3A_51 : vector<512x4096xi1>, vector<512x4096xf32>
    %reduce_min3A_71 = arith.constant dense<0x7F800000> : vector<512xf32>
    %reduce_min3A_72 = vector.multi_reduction <minimumf>, %select_n3A_70, %reduce_min3A_71 [1] : vector<512x4096xf32> to vector<512xf32>
    %broadcast_in_dim3A_73 = vector.shape_cast %reduce_min3A_72 : vector<512xf32> to vector<512x1xf32>
    %eq3A_74 = vector.broadcast %broadcast_in_dim3A_73 : vector<512x1xf32> to vector<512x4096xf32>
    %eq3A_75 = arith.cmpf oeq, %select_n3A_70, %eq3A_74 : vector<512x4096xf32>
    %jit3A_76 = arith.constant 4096 : i32
    %broadcast_in_dim3A_77 = vector.broadcast %jit3A_76 : i32 to vector<512x4096xi32>
    %select_n3A_78 = arith.select %eq3A_75, %iota3A_20, %broadcast_in_dim3A_77 : vector<512x4096xi1>, vector<512x4096xi32>
    %reduce_min3A_79 = arith.constant dense<2147483647> : vector<512xi32>
    %reduce_min3A_80 = vector.multi_reduction <minsi>, %select_n3A_78, %reduce_min3A_79 [1] : vector<512x4096xi32> to vector<512xi32>
    %broadcast_in_dim3A_81 = vector.shape_cast %reduce_min3A_80 : vector<512xi32> to vector<512x1xi32>
    %swap3A_82 = arith.constant 0 : index
    %swap3A_83 = arith.constant 2 : index
    %swap3A_84 = vector.load %arg7[%swap3A_82, %swap3A_83] : memref<512x16xi32, #tpu.memory_space<vmem>>, vector<512x1xi32>
    tpu.vector_store %arg7[%swap3A_82, %swap3A_83], %broadcast_in_dim3A_81 {strides = array<i32>} : memref<512x16xi32, #tpu.memory_space<vmem>>, vector<512x1xi32>,
    %eq3A_85 = vector.broadcast %broadcast_in_dim3A_81 : vector<512x1xi32> to vector<512x4096xi32>
    %eq3A_86 = arith.cmpi eq, %iota3A_20, %eq3A_85 : vector<512x4096xi32>
    %jit3A_87 = arith.constant 1.000000e+09 : f32
    %broadcast_in_dim3A_88 = vector.broadcast %jit3A_87 : f32 to vector<512x4096xf32>
    %select_n3A_89 = arith.select %eq3A_86, %broadcast_in_dim3A_88, %select_n3A_70 : vector<512x4096xi1>, vector<512x4096xf32>
    %reduce_min3A_90 = arith.constant dense<0x7F800000> : vector<512xf32>
    %reduce_min3A_91 = vector.multi_reduction <minimumf>, %select_n3A_89, %reduce_min3A_90 [1] : vector<512x4096xf32> to vector<512xf32>
    %broadcast_in_dim3A_92 = vector.shape_cast %reduce_min3A_91 : vector<512xf32> to vector<512x1xf32>
    %eq3A_93 = vector.broadcast %broadcast_in_dim3A_92 : vector<512x1xf32> to vector<512x4096xf32>
    %eq3A_94 = arith.cmpf oeq, %select_n3A_89, %eq3A_93 : vector<512x4096xf32>
    %jit3A_95 = arith.constant 4096 : i32
    %broadcast_in_dim3A_96 = vector.broadcast %jit3A_95 : i32 to vector<512x4096xi32>
    %select_n3A_97 = arith.select %eq3A_94, %iota3A_20, %broadcast_in_dim3A_96 : vector<512x4096xi1>, vector<512x4096xi32>
    %reduce_min3A_98 = arith.constant dense<2147483647> : vector<512xi32>
    %reduce_min3A_99 = vector.multi_reduction <minsi>, %select_n3A_97, %reduce_min3A_98 [1] : vector<512x4096xi32> to vector<512xi32>
    %broadcast_in_dim3A_100 = vector.shape_cast %reduce_min3A_99 : vector<512xi32> to vector<512x1xi32>
    %swap3A_101 = arith.constant 0 : index
    %swap3A_102 = arith.constant 3 : index
    %swap3A_103 = vector.load %arg7[%swap3A_101, %swap3A_102] : memref<512x16xi32, #tpu.memory_space<vmem>>, vector<512x1xi32>
    tpu.vector_store %arg7[%swap3A_101, %swap3A_102], %broadcast_in_dim3A_100 {strides = array<i32>} : memref<512x16xi32, #tpu.memory_space<vmem>>, vector<512x1xi32>,
    %eq3A_104 = vector.broadcast %broadcast_in_dim3A_100 : vector<512x1xi32> to vector<512x4096xi32>
    %eq3A_105 = arith.cmpi eq, %iota3A_20, %eq3A_104 : vector<512x4096xi32>
    %jit3A_106 = arith.constant 1.000000e+09 : f32
    %broadcast_in_dim3A_107 = vector.broadcast %jit3A_106 : f32 to vector<512x4096xf32>
    %select_n3A_108 = arith.select %eq3A_105, %broadcast_in_dim3A_107, %select_n3A_89 : vector<512x4096xi1>, vector<512x4096xf32>
    %reduce_min3A_109 = arith.constant dense<0x7F800000> : vector<512xf32>
    %reduce_min3A_110 = vector.multi_reduction <minimumf>, %select_n3A_108, %reduce_min3A_109 [1] : vector<512x4096xf32> to vector<512xf32>
    %broadcast_in_dim3A_111 = vector.shape_cast %reduce_min3A_110 : vector<512xf32> to vector<512x1xf32>
    %eq3A_112 = vector.broadcast %broadcast_in_dim3A_111 : vector<512x1xf32> to vector<512x4096xf32>
    %eq3A_113 = arith.cmpf oeq, %select_n3A_108, %eq3A_112 : vector<512x4096xf32>
    %jit3A_114 = arith.constant 4096 : i32
    %broadcast_in_dim3A_115 = vector.broadcast %jit3A_114 : i32 to vector<512x4096xi32>
    %select_n3A_116 = arith.select %eq3A_113, %iota3A_20, %broadcast_in_dim3A_115 : vector<512x4096xi1>, vector<512x4096xi32>
    %reduce_min3A_117 = arith.constant dense<2147483647> : vector<512xi32>
    %reduce_min3A_118 = vector.multi_reduction <minsi>, %select_n3A_116, %reduce_min3A_117 [1] : vector<512x4096xi32> to vector<512xi32>
    %broadcast_in_dim3A_119 = vector.shape_cast %reduce_min3A_118 : vector<512xi32> to vector<512x1xi32>
    %swap3A_120 = arith.constant 0 : index
    %swap3A_121 = arith.constant 4 : index
    %swap3A_122 = vector.load %arg7[%swap3A_120, %swap3A_121] : memref<512x16xi32, #tpu.memory_space<vmem>>, vector<512x1xi32>
    tpu.vector_store %arg7[%swap3A_120, %swap3A_121], %broadcast_in_dim3A_119 {strides = array<i32>} : memref<512x16xi32, #tpu.memory_space<vmem>>, vector<512x1xi32>,
    %eq3A_123 = vector.broadcast %broadcast_in_dim3A_119 : vector<512x1xi32> to vector<512x4096xi32>
    %eq3A_124 = arith.cmpi eq, %iota3A_20, %eq3A_123 : vector<512x4096xi32>
    %jit3A_125 = arith.constant 1.000000e+09 : f32
    %broadcast_in_dim3A_126 = vector.broadcast %jit3A_125 : f32 to vector<512x4096xf32>
    %select_n3A_127 = arith.select %eq3A_124, %broadcast_in_dim3A_126, %select_n3A_108 : vector<512x4096xi1>, vector<512x4096xf32>
    %reduce_min3A_128 = arith.constant dense<0x7F800000> : vector<512xf32>
    %reduce_min3A_129 = vector.multi_reduction <minimumf>, %select_n3A_127, %reduce_min3A_128 [1] : vector<512x4096xf32> to vector<512xf32>
    %broadcast_in_dim3A_130 = vector.shape_cast %reduce_min3A_129 : vector<512xf32> to vector<512x1xf32>
    %eq3A_131 = vector.broadcast %broadcast_in_dim3A_130 : vector<512x1xf32> to vector<512x4096xf32>
    %eq3A_132 = arith.cmpf oeq, %select_n3A_127, %eq3A_131 : vector<512x4096xf32>
    %jit3A_133 = arith.constant 4096 : i32
    %broadcast_in_dim3A_134 = vector.broadcast %jit3A_133 : i32 to vector<512x4096xi32>
    %select_n3A_135 = arith.select %eq3A_132, %iota3A_20, %broadcast_in_dim3A_134 : vector<512x4096xi1>, vector<512x4096xi32>
    %reduce_min3A_136 = arith.constant dense<2147483647> : vector<512xi32>
    %reduce_min3A_137 = vector.multi_reduction <minsi>, %select_n3A_135, %reduce_min3A_136 [1] : vector<512x4096xi32> to vector<512xi32>
    %broadcast_in_dim3A_138 = vector.shape_cast %reduce_min3A_137 : vector<512xi32> to vector<512x1xi32>
    %swap3A_139 = arith.constant 0 : index
    %swap3A_140 = arith.constant 5 : index
    %swap3A_141 = vector.load %arg7[%swap3A_139, %swap3A_140] : memref<512x16xi32, #tpu.memory_space<vmem>>, vector<512x1xi32>
    tpu.vector_store %arg7[%swap3A_139, %swap3A_140], %broadcast_in_dim3A_138 {strides = array<i32>} : memref<512x16xi32, #tpu.memory_space<vmem>>, vector<512x1xi32>,
    %eq3A_142 = vector.broadcast %broadcast_in_dim3A_138 : vector<512x1xi32> to vector<512x4096xi32>
    %eq3A_143 = arith.cmpi eq, %iota3A_20, %eq3A_142 : vector<512x4096xi32>
    %jit3A_144 = arith.constant 1.000000e+09 : f32
    %broadcast_in_dim3A_145 = vector.broadcast %jit3A_144 : f32 to vector<512x4096xf32>
    %select_n3A_146 = arith.select %eq3A_143, %broadcast_in_dim3A_145, %select_n3A_127 : vector<512x4096xi1>, vector<512x4096xf32>
    %reduce_min3A_147 = arith.constant dense<0x7F800000> : vector<512xf32>
    %reduce_min3A_148 = vector.multi_reduction <minimumf>, %select_n3A_146, %reduce_min3A_147 [1] : vector<512x4096xf32> to vector<512xf32>
    %broadcast_in_dim3A_149 = vector.shape_cast %reduce_min3A_148 : vector<512xf32> to vector<512x1xf32>
    %eq3A_150 = vector.broadcast %broadcast_in_dim3A_149 : vector<512x1xf32> to vector<512x4096xf32>
    %eq3A_151 = arith.cmpf oeq, %select_n3A_146, %eq3A_150 : vector<512x4096xf32>
    %jit3A_152 = arith.constant 4096 : i32
    %broadcast_in_dim3A_153 = vector.broadcast %jit3A_152 : i32 to vector<512x4096xi32>
    %select_n3A_154 = arith.select %eq3A_151, %iota3A_20, %broadcast_in_dim3A_153 : vector<512x4096xi1>, vector<512x4096xi32>
    %reduce_min3A_155 = arith.constant dense<2147483647> : vector<512xi32>
    %reduce_min3A_156 = vector.multi_reduction <minsi>, %select_n3A_154, %reduce_min3A_155 [1] : vector<512x4096xi32> to vector<512xi32>
    %broadcast_in_dim3A_157 = vector.shape_cast %reduce_min3A_156 : vector<512xi32> to vector<512x1xi32>
    %swap3A_158 = arith.constant 0 : index
    %swap3A_159 = arith.constant 6 : index
    %swap3A_160 = vector.load %arg7[%swap3A_158, %swap3A_159] : memref<512x16xi32, #tpu.memory_space<vmem>>, vector<512x1xi32>
    tpu.vector_store %arg7[%swap3A_158, %swap3A_159], %broadcast_in_dim3A_157 {strides = array<i32>} : memref<512x16xi32, #tpu.memory_space<vmem>>, vector<512x1xi32>,
    %eq3A_161 = vector.broadcast %broadcast_in_dim3A_157 : vector<512x1xi32> to vector<512x4096xi32>
    %eq3A_162 = arith.cmpi eq, %iota3A_20, %eq3A_161 : vector<512x4096xi32>
    %jit3A_163 = arith.constant 1.000000e+09 : f32
    %broadcast_in_dim3A_164 = vector.broadcast %jit3A_163 : f32 to vector<512x4096xf32>
    %select_n3A_165 = arith.select %eq3A_162, %broadcast_in_dim3A_164, %select_n3A_146 : vector<512x4096xi1>, vector<512x4096xf32>
    %reduce_min3A_166 = arith.constant dense<0x7F800000> : vector<512xf32>
    %reduce_min3A_167 = vector.multi_reduction <minimumf>, %select_n3A_165, %reduce_min3A_166 [1] : vector<512x4096xf32> to vector<512xf32>
    %broadcast_in_dim3A_168 = vector.shape_cast %reduce_min3A_167 : vector<512xf32> to vector<512x1xf32>
    %eq3A_169 = vector.broadcast %broadcast_in_dim3A_168 : vector<512x1xf32> to vector<512x4096xf32>
    %eq3A_170 = arith.cmpf oeq, %select_n3A_165, %eq3A_169 : vector<512x4096xf32>
    %jit3A_171 = arith.constant 4096 : i32
    %broadcast_in_dim3A_172 = vector.broadcast %jit3A_171 : i32 to vector<512x4096xi32>
    %select_n3A_173 = arith.select %eq3A_170, %iota3A_20, %broadcast_in_dim3A_172 : vector<512x4096xi1>, vector<512x4096xi32>
    %reduce_min3A_174 = arith.constant dense<2147483647> : vector<512xi32>
    %reduce_min3A_175 = vector.multi_reduction <minsi>, %select_n3A_173, %reduce_min3A_174 [1] : vector<512x4096xi32> to vector<512xi32>
    %broadcast_in_dim3A_176 = vector.shape_cast %reduce_min3A_175 : vector<512xi32> to vector<512x1xi32>
    %swap3A_177 = arith.constant 0 : index
    %swap3A_178 = arith.constant 7 : index
    %swap3A_179 = vector.load %arg7[%swap3A_177, %swap3A_178] : memref<512x16xi32, #tpu.memory_space<vmem>>, vector<512x1xi32>
    tpu.vector_store %arg7[%swap3A_177, %swap3A_178], %broadcast_in_dim3A_176 {strides = array<i32>} : memref<512x16xi32, #tpu.memory_space<vmem>>, vector<512x1xi32>,
    %eq3A_180 = vector.broadcast %broadcast_in_dim3A_176 : vector<512x1xi32> to vector<512x4096xi32>
    %eq3A_181 = arith.cmpi eq, %iota3A_20, %eq3A_180 : vector<512x4096xi32>
    %jit3A_182 = arith.constant 1.000000e+09 : f32
    %broadcast_in_dim3A_183 = vector.broadcast %jit3A_182 : f32 to vector<512x4096xf32>
    %select_n3A_184 = arith.select %eq3A_181, %broadcast_in_dim3A_183, %select_n3A_165 : vector<512x4096xi1>, vector<512x4096xf32>
    %reduce_min3A_185 = arith.constant dense<0x7F800000> : vector<512xf32>
    %reduce_min3A_186 = vector.multi_reduction <minimumf>, %select_n3A_184, %reduce_min3A_185 [1] : vector<512x4096xf32> to vector<512xf32>
    %broadcast_in_dim3A_187 = vector.shape_cast %reduce_min3A_186 : vector<512xf32> to vector<512x1xf32>
    %eq3A_188 = vector.broadcast %broadcast_in_dim3A_187 : vector<512x1xf32> to vector<512x4096xf32>
    %eq3A_189 = arith.cmpf oeq, %select_n3A_184, %eq3A_188 : vector<512x4096xf32>
    %jit3A_190 = arith.constant 4096 : i32
    %broadcast_in_dim3A_191 = vector.broadcast %jit3A_190 : i32 to vector<512x4096xi32>
    %select_n3A_192 = arith.select %eq3A_189, %iota3A_20, %broadcast_in_dim3A_191 : vector<512x4096xi1>, vector<512x4096xi32>
    %reduce_min3A_193 = arith.constant dense<2147483647> : vector<512xi32>
    %reduce_min3A_194 = vector.multi_reduction <minsi>, %select_n3A_192, %reduce_min3A_193 [1] : vector<512x4096xi32> to vector<512xi32>
    %broadcast_in_dim3A_195 = vector.shape_cast %reduce_min3A_194 : vector<512xi32> to vector<512x1xi32>
    %swap3A_196 = arith.constant 0 : index
    %swap3A_197 = arith.constant 8 : index
    %swap3A_198 = vector.load %arg7[%swap3A_196, %swap3A_197] : memref<512x16xi32, #tpu.memory_space<vmem>>, vector<512x1xi32>
    tpu.vector_store %arg7[%swap3A_196, %swap3A_197], %broadcast_in_dim3A_195 {strides = array<i32>} : memref<512x16xi32, #tpu.memory_space<vmem>>, vector<512x1xi32>,
    %eq3A_199 = vector.broadcast %broadcast_in_dim3A_195 : vector<512x1xi32> to vector<512x4096xi32>
    %eq3A_200 = arith.cmpi eq, %iota3A_20, %eq3A_199 : vector<512x4096xi32>
    %jit3A_201 = arith.constant 1.000000e+09 : f32
    %broadcast_in_dim3A_202 = vector.broadcast %jit3A_201 : f32 to vector<512x4096xf32>
    %select_n3A_203 = arith.select %eq3A_200, %broadcast_in_dim3A_202, %select_n3A_184 : vector<512x4096xi1>, vector<512x4096xf32>
    %reduce_min3A_204 = arith.constant dense<0x7F800000> : vector<512xf32>
    %reduce_min3A_205 = vector.multi_reduction <minimumf>, %select_n3A_203, %reduce_min3A_204 [1] : vector<512x4096xf32> to vector<512xf32>
    %broadcast_in_dim3A_206 = vector.shape_cast %reduce_min3A_205 : vector<512xf32> to vector<512x1xf32>
    %eq3A_207 = vector.broadcast %broadcast_in_dim3A_206 : vector<512x1xf32> to vector<512x4096xf32>
    %eq3A_208 = arith.cmpf oeq, %select_n3A_203, %eq3A_207 : vector<512x4096xf32>
    %jit3A_209 = arith.constant 4096 : i32
    %broadcast_in_dim3A_210 = vector.broadcast %jit3A_209 : i32 to vector<512x4096xi32>
    %select_n3A_211 = arith.select %eq3A_208, %iota3A_20, %broadcast_in_dim3A_210 : vector<512x4096xi1>, vector<512x4096xi32>
    %reduce_min3A_212 = arith.constant dense<2147483647> : vector<512xi32>
    %reduce_min3A_213 = vector.multi_reduction <minsi>, %select_n3A_211, %reduce_min3A_212 [1] : vector<512x4096xi32> to vector<512xi32>
    %broadcast_in_dim3A_214 = vector.shape_cast %reduce_min3A_213 : vector<512xi32> to vector<512x1xi32>
    %swap3A_215 = arith.constant 0 : index
    %swap3A_216 = arith.constant 9 : index
    %swap3A_217 = vector.load %arg7[%swap3A_215, %swap3A_216] : memref<512x16xi32, #tpu.memory_space<vmem>>, vector<512x1xi32>
    tpu.vector_store %arg7[%swap3A_215, %swap3A_216], %broadcast_in_dim3A_214 {strides = array<i32>} : memref<512x16xi32, #tpu.memory_space<vmem>>, vector<512x1xi32>,
    %eq3A_218 = vector.broadcast %broadcast_in_dim3A_214 : vector<512x1xi32> to vector<512x4096xi32>
    %eq3A_219 = arith.cmpi eq, %iota3A_20, %eq3A_218 : vector<512x4096xi32>
    %jit3A_220 = arith.constant 1.000000e+09 : f32
    %broadcast_in_dim3A_221 = vector.broadcast %jit3A_220 : f32 to vector<512x4096xf32>
    %select_n3A_222 = arith.select %eq3A_219, %broadcast_in_dim3A_221, %select_n3A_203 : vector<512x4096xi1>, vector<512x4096xf32>
    %reduce_min3A_223 = arith.constant dense<0x7F800000> : vector<512xf32>
    %reduce_min3A_224 = vector.multi_reduction <minimumf>, %select_n3A_222, %reduce_min3A_223 [1] : vector<512x4096xf32> to vector<512xf32>
    %broadcast_in_dim3A_225 = vector.shape_cast %reduce_min3A_224 : vector<512xf32> to vector<512x1xf32>
    %eq3A_226 = vector.broadcast %broadcast_in_dim3A_225 : vector<512x1xf32> to vector<512x4096xf32>
    %eq3A_227 = arith.cmpf oeq, %select_n3A_222, %eq3A_226 : vector<512x4096xf32>
    %jit3A_228 = arith.constant 4096 : i32
    %broadcast_in_dim3A_229 = vector.broadcast %jit3A_228 : i32 to vector<512x4096xi32>
    %select_n3A_230 = arith.select %eq3A_227, %iota3A_20, %broadcast_in_dim3A_229 : vector<512x4096xi1>, vector<512x4096xi32>
    %reduce_min3A_231 = arith.constant dense<2147483647> : vector<512xi32>
    %reduce_min3A_232 = vector.multi_reduction <minsi>, %select_n3A_230, %reduce_min3A_231 [1] : vector<512x4096xi32> to vector<512xi32>
    %broadcast_in_dim3A_233 = vector.shape_cast %reduce_min3A_232 : vector<512xi32> to vector<512x1xi32>
    %swap3A_234 = arith.constant 0 : index
    %swap3A_235 = arith.constant 10 : index
    %swap3A_236 = vector.load %arg7[%swap3A_234, %swap3A_235] : memref<512x16xi32, #tpu.memory_space<vmem>>, vector<512x1xi32>
    tpu.vector_store %arg7[%swap3A_234, %swap3A_235], %broadcast_in_dim3A_233 {strides = array<i32>} : memref<512x16xi32, #tpu.memory_space<vmem>>, vector<512x1xi32>,
    %eq3A_237 = vector.broadcast %broadcast_in_dim3A_233 : vector<512x1xi32> to vector<512x4096xi32>
    %eq3A_238 = arith.cmpi eq, %iota3A_20, %eq3A_237 : vector<512x4096xi32>
    %jit3A_239 = arith.constant 1.000000e+09 : f32
    %broadcast_in_dim3A_240 = vector.broadcast %jit3A_239 : f32 to vector<512x4096xf32>
    %select_n3A_241 = arith.select %eq3A_238, %broadcast_in_dim3A_240, %select_n3A_222 : vector<512x4096xi1>, vector<512x4096xf32>
    %reduce_min3A_242 = arith.constant dense<0x7F800000> : vector<512xf32>
    %reduce_min3A_243 = vector.multi_reduction <minimumf>, %select_n3A_241, %reduce_min3A_242 [1] : vector<512x4096xf32> to vector<512xf32>
    %broadcast_in_dim3A_244 = vector.shape_cast %reduce_min3A_243 : vector<512xf32> to vector<512x1xf32>
    %eq3A_245 = vector.broadcast %broadcast_in_dim3A_244 : vector<512x1xf32> to vector<512x4096xf32>
    %eq3A_246 = arith.cmpf oeq, %select_n3A_241, %eq3A_245 : vector<512x4096xf32>
    %jit3A_247 = arith.constant 4096 : i32
    %broadcast_in_dim3A_248 = vector.broadcast %jit3A_247 : i32 to vector<512x4096xi32>
    %select_n3A_249 = arith.select %eq3A_246, %iota3A_20, %broadcast_in_dim3A_248 : vector<512x4096xi1>, vector<512x4096xi32>
    %reduce_min3A_250 = arith.constant dense<2147483647> : vector<512xi32>
    %reduce_min3A_251 = vector.multi_reduction <minsi>, %select_n3A_249, %reduce_min3A_250 [1] : vector<512x4096xi32> to vector<512xi32>
    %broadcast_in_dim3A_252 = vector.shape_cast %reduce_min3A_251 : vector<512xi32> to vector<512x1xi32>
    %swap3A_253 = arith.constant 0 : index
    %swap3A_254 = arith.constant 11 : index
    %swap3A_255 = vector.load %arg7[%swap3A_253, %swap3A_254] : memref<512x16xi32, #tpu.memory_space<vmem>>, vector<512x1xi32>
    tpu.vector_store %arg7[%swap3A_253, %swap3A_254], %broadcast_in_dim3A_252 {strides = array<i32>} : memref<512x16xi32, #tpu.memory_space<vmem>>, vector<512x1xi32>,
    %eq3A_256 = vector.broadcast %broadcast_in_dim3A_252 : vector<512x1xi32> to vector<512x4096xi32>
    %eq3A_257 = arith.cmpi eq, %iota3A_20, %eq3A_256 : vector<512x4096xi32>
    %jit3A_258 = arith.constant 1.000000e+09 : f32
    %broadcast_in_dim3A_259 = vector.broadcast %jit3A_258 : f32 to vector<512x4096xf32>
    %select_n3A_260 = arith.select %eq3A_257, %broadcast_in_dim3A_259, %select_n3A_241 : vector<512x4096xi1>, vector<512x4096xf32>
    %reduce_min3A_261 = arith.constant dense<0x7F800000> : vector<512xf32>
    %reduce_min3A_262 = vector.multi_reduction <minimumf>, %select_n3A_260, %reduce_min3A_261 [1] : vector<512x4096xf32> to vector<512xf32>
    %broadcast_in_dim3A_263 = vector.shape_cast %reduce_min3A_262 : vector<512xf32> to vector<512x1xf32>
    %eq3A_264 = vector.broadcast %broadcast_in_dim3A_263 : vector<512x1xf32> to vector<512x4096xf32>
    %eq3A_265 = arith.cmpf oeq, %select_n3A_260, %eq3A_264 : vector<512x4096xf32>
    %jit3A_266 = arith.constant 4096 : i32
    %broadcast_in_dim3A_267 = vector.broadcast %jit3A_266 : i32 to vector<512x4096xi32>
    %select_n3A_268 = arith.select %eq3A_265, %iota3A_20, %broadcast_in_dim3A_267 : vector<512x4096xi1>, vector<512x4096xi32>
    %reduce_min3A_269 = arith.constant dense<2147483647> : vector<512xi32>
    %reduce_min3A_270 = vector.multi_reduction <minsi>, %select_n3A_268, %reduce_min3A_269 [1] : vector<512x4096xi32> to vector<512xi32>
    %broadcast_in_dim3A_271 = vector.shape_cast %reduce_min3A_270 : vector<512xi32> to vector<512x1xi32>
    %swap3A_272 = arith.constant 0 : index
    %swap3A_273 = arith.constant 12 : index
    %swap3A_274 = vector.load %arg7[%swap3A_272, %swap3A_273] : memref<512x16xi32, #tpu.memory_space<vmem>>, vector<512x1xi32>
    tpu.vector_store %arg7[%swap3A_272, %swap3A_273], %broadcast_in_dim3A_271 {strides = array<i32>} : memref<512x16xi32, #tpu.memory_space<vmem>>, vector<512x1xi32>,
    %eq3A_275 = vector.broadcast %broadcast_in_dim3A_271 : vector<512x1xi32> to vector<512x4096xi32>
    %eq3A_276 = arith.cmpi eq, %iota3A_20, %eq3A_275 : vector<512x4096xi32>
    %jit3A_277 = arith.constant 1.000000e+09 : f32
    %broadcast_in_dim3A_278 = vector.broadcast %jit3A_277 : f32 to vector<512x4096xf32>
    %select_n3A_279 = arith.select %eq3A_276, %broadcast_in_dim3A_278, %select_n3A_260 : vector<512x4096xi1>, vector<512x4096xf32>
    %reduce_min3A_280 = arith.constant dense<0x7F800000> : vector<512xf32>
    %reduce_min3A_281 = vector.multi_reduction <minimumf>, %select_n3A_279, %reduce_min3A_280 [1] : vector<512x4096xf32> to vector<512xf32>
    %broadcast_in_dim3A_282 = vector.shape_cast %reduce_min3A_281 : vector<512xf32> to vector<512x1xf32>
    %eq3A_283 = vector.broadcast %broadcast_in_dim3A_282 : vector<512x1xf32> to vector<512x4096xf32>
    %eq3A_284 = arith.cmpf oeq, %select_n3A_279, %eq3A_283 : vector<512x4096xf32>
    %jit3A_285 = arith.constant 4096 : i32
    %broadcast_in_dim3A_286 = vector.broadcast %jit3A_285 : i32 to vector<512x4096xi32>
    %select_n3A_287 = arith.select %eq3A_284, %iota3A_20, %broadcast_in_dim3A_286 : vector<512x4096xi1>, vector<512x4096xi32>
    %reduce_min3A_288 = arith.constant dense<2147483647> : vector<512xi32>
    %reduce_min3A_289 = vector.multi_reduction <minsi>, %select_n3A_287, %reduce_min3A_288 [1] : vector<512x4096xi32> to vector<512xi32>
    %broadcast_in_dim3A_290 = vector.shape_cast %reduce_min3A_289 : vector<512xi32> to vector<512x1xi32>
    %swap3A_291 = arith.constant 0 : index
    %swap3A_292 = arith.constant 13 : index
    %swap3A_293 = vector.load %arg7[%swap3A_291, %swap3A_292] : memref<512x16xi32, #tpu.memory_space<vmem>>, vector<512x1xi32>
    tpu.vector_store %arg7[%swap3A_291, %swap3A_292], %broadcast_in_dim3A_290 {strides = array<i32>} : memref<512x16xi32, #tpu.memory_space<vmem>>, vector<512x1xi32>,
    %eq3A_294 = vector.broadcast %broadcast_in_dim3A_290 : vector<512x1xi32> to vector<512x4096xi32>
    %eq3A_295 = arith.cmpi eq, %iota3A_20, %eq3A_294 : vector<512x4096xi32>
    %jit3A_296 = arith.constant 1.000000e+09 : f32
    %broadcast_in_dim3A_297 = vector.broadcast %jit3A_296 : f32 to vector<512x4096xf32>
    %select_n3A_298 = arith.select %eq3A_295, %broadcast_in_dim3A_297, %select_n3A_279 : vector<512x4096xi1>, vector<512x4096xf32>
    %reduce_min3A_299 = arith.constant dense<0x7F800000> : vector<512xf32>
    %reduce_min3A_300 = vector.multi_reduction <minimumf>, %select_n3A_298, %reduce_min3A_299 [1] : vector<512x4096xf32> to vector<512xf32>
    %broadcast_in_dim3A_301 = vector.shape_cast %reduce_min3A_300 : vector<512xf32> to vector<512x1xf32>
    %eq3A_302 = vector.broadcast %broadcast_in_dim3A_301 : vector<512x1xf32> to vector<512x4096xf32>
    %eq3A_303 = arith.cmpf oeq, %select_n3A_298, %eq3A_302 : vector<512x4096xf32>
    %jit3A_304 = arith.constant 4096 : i32
    %broadcast_in_dim3A_305 = vector.broadcast %jit3A_304 : i32 to vector<512x4096xi32>
    %select_n3A_306 = arith.select %eq3A_303, %iota3A_20, %broadcast_in_dim3A_305 : vector<512x4096xi1>, vector<512x4096xi32>
    %reduce_min3A_307 = arith.constant dense<2147483647> : vector<512xi32>
    %reduce_min3A_308 = vector.multi_reduction <minsi>, %select_n3A_306, %reduce_min3A_307 [1] : vector<512x4096xi32> to vector<512xi32>
    %broadcast_in_dim3A_309 = vector.shape_cast %reduce_min3A_308 : vector<512xi32> to vector<512x1xi32>
    %swap3A_310 = arith.constant 0 : index
    %swap3A_311 = arith.constant 14 : index
    %swap3A_312 = vector.load %arg7[%swap3A_310, %swap3A_311] : memref<512x16xi32, #tpu.memory_space<vmem>>, vector<512x1xi32>
    tpu.vector_store %arg7[%swap3A_310, %swap3A_311], %broadcast_in_dim3A_309 {strides = array<i32>} : memref<512x16xi32, #tpu.memory_space<vmem>>, vector<512x1xi32>,
    %eq3A_313 = vector.broadcast %broadcast_in_dim3A_309 : vector<512x1xi32> to vector<512x4096xi32>
    %eq3A_314 = arith.cmpi eq, %iota3A_20, %eq3A_313 : vector<512x4096xi32>
    %jit3A_315 = arith.constant 1.000000e+09 : f32
    %broadcast_in_dim3A_316 = vector.broadcast %jit3A_315 : f32 to vector<512x4096xf32>
    %select_n3A_317 = arith.select %eq3A_314, %broadcast_in_dim3A_316, %select_n3A_298 : vector<512x4096xi1>, vector<512x4096xf32>
    %reduce_min3A_318 = arith.constant dense<0x7F800000> : vector<512xf32>
    %reduce_min3A_319 = vector.multi_reduction <minimumf>, %select_n3A_317, %reduce_min3A_318 [1] : vector<512x4096xf32> to vector<512xf32>
    %broadcast_in_dim3A_320 = vector.shape_cast %reduce_min3A_319 : vector<512xf32> to vector<512x1xf32>
    %eq3A_321 = vector.broadcast %broadcast_in_dim3A_320 : vector<512x1xf32> to vector<512x4096xf32>
    %eq3A_322 = arith.cmpf oeq, %select_n3A_317, %eq3A_321 : vector<512x4096xf32>
    %jit3A_323 = arith.constant 4096 : i32
    %broadcast_in_dim3A_324 = vector.broadcast %jit3A_323 : i32 to vector<512x4096xi32>
    %select_n3A_325 = arith.select %eq3A_322, %iota3A_20, %broadcast_in_dim3A_324 : vector<512x4096xi1>, vector<512x4096xi32>
    %reduce_min3A_326 = arith.constant dense<2147483647> : vector<512xi32>
    %reduce_min3A_327 = vector.multi_reduction <minsi>, %select_n3A_325, %reduce_min3A_326 [1] : vector<512x4096xi32> to vector<512xi32>
    %broadcast_in_dim3A_328 = vector.shape_cast %reduce_min3A_327 : vector<512xi32> to vector<512x1xi32>
    %swap3A_329 = arith.constant 0 : index
    %swap3A_330 = arith.constant 15 : index
    %swap3A_331 = vector.load %arg7[%swap3A_329, %swap3A_330] : memref<512x16xi32, #tpu.memory_space<vmem>>, vector<512x1xi32>
    tpu.vector_store %arg7[%swap3A_329, %swap3A_330], %broadcast_in_dim3A_328 {strides = array<i32>} : memref<512x16xi32, #tpu.memory_space<vmem>>, vector<512x1xi32>,
    return
  }
  func.func @transform_0(%arg0: i32) -> (i32, i32) {
    %c0_i32 = arith.constant 0 : i32
    %c0_i32_0 = arith.constant 0 : i32
    return %arg0, %c0_i32 : i32, i32
  }
  func.func @transform_1(%arg0: i32) -> (i32, i32) {
    %c0_i32 = arith.constant 0 : i32
    %c0_i32_0 = arith.constant 0 : i32
    %c0_i32_1 = arith.constant 0 : i32
    return %c0_i32, %c0_i32_0 : i32, i32
  }
  func.func @transform_2(%arg0: i32) -> (i32, i32) {
    %c0_i32 = arith.constant 0 : i32
    %c0_i32_0 = arith.constant 0 : i32
    return %arg0, %c0_i32 : i32, i32
  }
  func.func @transform_3(%arg0: i32) -> (i32, i32) {
    %c0_i32 = arith.constant 0 : i32
    %c0_i32_0 = arith.constant 0 : i32
    %c0_i32_1 = arith.constant 0 : i32
    return %c0_i32, %c0_i32_0 : i32, i32
  }
  func.func @transform_4(%arg0: i32) -> (i32, i32) {
    %c0_i32 = arith.constant 0 : i32
    %c0_i32_0 = arith.constant 0 : i32
    return %arg0, %c0_i32 : i32, i32
  }
  func.func @transform_5(%arg0: i32) -> (i32, i32) {
    %c0_i32 = arith.constant 0 : i32
    %c0_i32_0 = arith.constant 0 : i32
    %c0_i32_1 = arith.constant 0 : i32
    return %c0_i32, %c0_i32_0 : i32, i32
  }
  func.func @transform_6(%arg0: i32) -> (i32, i32) {
    %c0_i32 = arith.constant 0 : i32
    %c0_i32_0 = arith.constant 0 : i32
    return %arg0, %c0_i32 : i32, i32
  }
}

module attributes {stable_mosaic.version = 14 : i64} {
  func.func @_conv1st_body(%arg0: i32, %arg1: memref<256x16x64xf32, #tpu.memory_space<vmem>>, %arg2: memref<256x1x64xf32, #tpu.memory_space<vmem>>, %arg3: memref<128x64xf32, #tpu.memory_space<vmem>>, %arg4: memref<1x64xf32, #tpu.memory_space<vmem>>, %arg5: memref<4096x64xf32, #tpu.memory_space<vmem>>, %arg6: memref<2x64xf32, #tpu.memory_space<vmem>>) attributes {dimension_semantics = [#tpu.dimension_semantics<arbitrary>], iteration_bounds = array<i64: 16>, scalar_prefetch = 0 : i64, scratch_operands = 0 : i64, tpu.core_type = #tpu.core_type<tc>, window_params = [{transform_indices = @transform_0, window_bounds = array<i64: 256, 16, 64>}, {transform_indices = @transform_1, window_bounds = array<i64: 256, 1, 64>}, {pipeline_mode = #tpu.pipeline_mode<synchronous>, transform_indices = @transform_2, window_bounds = array<i64: 128, 64>}, {pipeline_mode = #tpu.pipeline_mode<synchronous>, transform_indices = @transform_3, window_bounds = array<i64: 1, 64>}, {transform_indices = @transform_4, window_bounds = array<i64: 4096, 64>}, {pipeline_mode = #tpu.pipeline_mode<synchronous>, transform_indices = @transform_5, window_bounds = array<i64: 2, 64>}]} {
    %get3A = arith.constant 0 : index
    %get3A_0 = arith.constant 0 : index
    %get3A_1 = arith.constant 0 : index
    %get3A_2 = vector.load %arg1[%get3A, %get3A_0, %get3A_1] : memref<256x16x64xf32, #tpu.memory_space<vmem>>, vector<256x16x64xf32>
    %reshape3A = vector.shape_cast %get3A_2 : vector<256x16x64xf32> to vector<4096x64xf32>
    %get3A_3 = arith.constant 0 : index
    %get3A_4 = arith.constant 0 : index
    %get3A_5 = arith.constant 0 : index
    %get3A_6 = vector.load %arg2[%get3A_3, %get3A_4, %get3A_5] : memref<256x1x64xf32, #tpu.memory_space<vmem>>, vector<256x1x64xf32>
    %broadcast_in_dim3A = vector.shape_cast %get3A_6 : vector<256x1x64xf32> to vector<256x1x64xf32>
    %broadcast_in_dim3A_7 = vector.broadcast %broadcast_in_dim3A : vector<256x1x64xf32> to vector<256x16x64xf32>
    %reshape3A_8 = vector.shape_cast %broadcast_in_dim3A_7 : vector<256x16x64xf32> to vector<4096x64xf32>
    %sub3A = arith.subf %reshape3A, %reshape3A_8 : vector<4096x64xf32>
    %concatenate3A = tpu.concatenate %reshape3A_8, %sub3A in 1 : vector<4096x64xf32>, vector<4096x64xf32> -> vector<4096x128xf32>
    %get3A_9 = arith.constant 0 : index
    %get3A_10 = arith.constant 0 : index
    %get3A_11 = vector.load %arg3[%get3A_9, %get3A_10] : memref<128x64xf32, #tpu.memory_space<vmem>>, vector<128x64xf32>
    %dot_general3A = arith.constant dense<0.000000e+00> : vector<4096x64xf32>
    %dot_general3A_12 = tpu.matmul %concatenate3A, %get3A_11, %dot_general3A {dimension_numbers = #tpu.dot_dimension_numbers<[1], [0], [0], [1], [0, 0, 1, 1], [], []>, transpose_lhs_hint = false} : vector<4096x128xf32>, vector<128x64xf32>, vector<4096x64xf32> -> vector<4096x64xf32>
    %get3A_13 = arith.constant 0 : index
    %get3A_14 = arith.constant 0 : index
    %get3A_15 = vector.load %arg4[%get3A_13, %get3A_14] : memref<1x64xf32, #tpu.memory_space<vmem>>, vector<1x64xf32>
    %add3A = vector.broadcast %get3A_15 : vector<1x64xf32> to vector<4096x64xf32>
    %add3A_16 = arith.addf %dot_general3A_12, %add3A : vector<4096x64xf32>
    %max3A = arith.constant 0.000000e+00 : f32
    %max3A_17 = vector.broadcast %max3A : f32 to vector<4096x64xf32>
    %max3A_18 = arith.maximumf %add3A_16, %max3A_17 : vector<4096x64xf32>
    %reduce_sum3A = arith.constant dense<0.000000e+00> : vector<64xf32>
    %reduce_sum3A_19 = vector.multi_reduction <add>, %max3A_18, %reduce_sum3A [0] : vector<4096x64xf32> to vector<64xf32>
    %broadcast_in_dim3A_20 = vector.shape_cast %reduce_sum3A_19 : vector<64xf32> to vector<1x64xf32>
    %mul3A = arith.mulf %max3A_18, %max3A_18 : vector<4096x64xf32>
    %reduce_sum3A_21 = arith.constant dense<0.000000e+00> : vector<64xf32>
    %reduce_sum3A_22 = vector.multi_reduction <add>, %mul3A, %reduce_sum3A_21 [0] : vector<4096x64xf32> to vector<64xf32>
    %broadcast_in_dim3A_23 = vector.shape_cast %reduce_sum3A_22 : vector<64xf32> to vector<1x64xf32>
    %concatenate3A_24 = tpu.concatenate %broadcast_in_dim3A_20, %broadcast_in_dim3A_23 in 0 : vector<1x64xf32>, vector<1x64xf32> -> vector<2x64xf32>
    %eq3A = arith.constant 0 : i32
    %eq3A_25 = arith.cmpi eq, %arg0, %eq3A : i32
    %convert_element_type3A = arith.extui %eq3A_25 : i1 to i32
    %cond3A = arith.constant 0 : i32
    %cond3A_26 = arith.cmpi ne, %convert_element_type3A, %cond3A : i32
    scf.if %cond3A_26 {
      %broadcast_in_dim3A_36 = arith.constant 0.000000e+00 : f32
      %broadcast_in_dim3A_37 = vector.broadcast %broadcast_in_dim3A_36 : f32 to vector<2x64xf32>
      %swap3A_38 = arith.constant 0 : index
      %swap3A_39 = arith.constant 0 : index
      %swap3A_40 = vector.load %arg6[%swap3A_38, %swap3A_39] : memref<2x64xf32, #tpu.memory_space<vmem>>, vector<2x64xf32>
      tpu.vector_store %arg6[%swap3A_38, %swap3A_39], %broadcast_in_dim3A_37 {strides = array<i32>} : memref<2x64xf32, #tpu.memory_space<vmem>>, vector<2x64xf32>,
    } else {
    }
    %get3A_27 = arith.constant 0 : index
    %get3A_28 = arith.constant 0 : index
    %get3A_29 = vector.load %arg6[%get3A_27, %get3A_28] : memref<2x64xf32, #tpu.memory_space<vmem>>, vector<2x64xf32>
    %add3A_30 = arith.addf %get3A_29, %concatenate3A_24 : vector<2x64xf32>
    %swap3A = arith.constant 0 : index
    %swap3A_31 = arith.constant 0 : index
    %swap3A_32 = vector.load %arg6[%swap3A, %swap3A_31] : memref<2x64xf32, #tpu.memory_space<vmem>>, vector<2x64xf32>
    tpu.vector_store %arg6[%swap3A, %swap3A_31], %add3A_30 {strides = array<i32>} : memref<2x64xf32, #tpu.memory_space<vmem>>, vector<2x64xf32>,
    %swap3A_33 = arith.constant 0 : index
    %swap3A_34 = arith.constant 0 : index
    %swap3A_35 = vector.load %arg5[%swap3A_33, %swap3A_34] : memref<4096x64xf32, #tpu.memory_space<vmem>>, vector<4096x64xf32>
    tpu.vector_store %arg5[%swap3A_33, %swap3A_34], %max3A_18 {strides = array<i32>} : memref<4096x64xf32, #tpu.memory_space<vmem>>, vector<4096x64xf32>,
    return
  }
  func.func @transform_0(%arg0: i32) -> (i32, i32, i32) {
    %c0_i32 = arith.constant 0 : i32
    %c0_i32_0 = arith.constant 0 : i32
    %c0_i32_1 = arith.constant 0 : i32
    return %arg0, %c0_i32, %c0_i32_0 : i32, i32, i32
  }
  func.func @transform_1(%arg0: i32) -> (i32, i32, i32) {
    %c0_i32 = arith.constant 0 : i32
    %c0_i32_0 = arith.constant 0 : i32
    %c0_i32_1 = arith.constant 0 : i32
    return %arg0, %c0_i32, %c0_i32_0 : i32, i32, i32
  }
  func.func @transform_2(%arg0: i32) -> (i32, i32) {
    %c0_i32 = arith.constant 0 : i32
    %c0_i32_0 = arith.constant 0 : i32
    %c0_i32_1 = arith.constant 0 : i32
    return %c0_i32, %c0_i32_0 : i32, i32
  }
  func.func @transform_3(%arg0: i32) -> (i32, i32) {
    %c0_i32 = arith.constant 0 : i32
    %c0_i32_0 = arith.constant 0 : i32
    %c0_i32_1 = arith.constant 0 : i32
    return %c0_i32, %c0_i32_0 : i32, i32
  }
  func.func @transform_4(%arg0: i32) -> (i32, i32) {
    %c0_i32 = arith.constant 0 : i32
    %c0_i32_0 = arith.constant 0 : i32
    return %arg0, %c0_i32 : i32, i32
  }
  func.func @transform_5(%arg0: i32) -> (i32, i32) {
    %c0_i32 = arith.constant 0 : i32
    %c0_i32_0 = arith.constant 0 : i32
    %c0_i32_1 = arith.constant 0 : i32
    return %c0_i32, %c0_i32_0 : i32, i32
  }
}

module attributes {stable_mosaic.version = 14 : i64} {
  func.func @_convB_body(%arg0: i32, %arg1: memref<256x16x64xf32, #tpu.memory_space<vmem>>, %arg2: memref<2x64xf32, #tpu.memory_space<vmem>>, %arg3: memref<64x64xf32, #tpu.memory_space<vmem>>, %arg4: memref<1x64xf32, #tpu.memory_space<vmem>>, %arg5: memref<1x64xf32, #tpu.memory_space<vmem>>, %arg6: memref<1x64xf32, #tpu.memory_space<vmem>>, %arg7: memref<256x64xf32, #tpu.memory_space<vmem>>, %arg8: memref<256x64xf32, #tpu.memory_space<vmem>>, %arg9: memref<2x64xf32, #tpu.memory_space<vmem>>) attributes {dimension_semantics = [#tpu.dimension_semantics<arbitrary>], iteration_bounds = array<i64: 16>, scalar_prefetch = 0 : i64, scratch_operands = 0 : i64, tpu.core_type = #tpu.core_type<tc>, window_params = [{transform_indices = @transform_0, window_bounds = array<i64: 256, 16, 64>}, {pipeline_mode = #tpu.pipeline_mode<synchronous>, transform_indices = @transform_1, window_bounds = array<i64: 2, 64>}, {pipeline_mode = #tpu.pipeline_mode<synchronous>, transform_indices = @transform_2, window_bounds = array<i64: 64, 64>}, {pipeline_mode = #tpu.pipeline_mode<synchronous>, transform_indices = @transform_3, window_bounds = array<i64: 1, 64>}, {pipeline_mode = #tpu.pipeline_mode<synchronous>, transform_indices = @transform_4, window_bounds = array<i64: 1, 64>}, {pipeline_mode = #tpu.pipeline_mode<synchronous>, transform_indices = @transform_5, window_bounds = array<i64: 1, 64>}, {transform_indices = @transform_6, window_bounds = array<i64: 256, 64>}, {transform_indices = @transform_7, window_bounds = array<i64: 256, 64>}, {pipeline_mode = #tpu.pipeline_mode<synchronous>, transform_indices = @transform_8, window_bounds = array<i64: 2, 64>}]} {
    %get3A = arith.constant 0 : index
    %get3A_0 = arith.constant 0 : index
    %get3A_1 = arith.constant 0 : index
    %get3A_2 = vector.load %arg1[%get3A, %get3A_0, %get3A_1] : memref<256x16x64xf32, #tpu.memory_space<vmem>>, vector<256x16x64xf32>
    %reshape3A = vector.shape_cast %get3A_2 : vector<256x16x64xf32> to vector<4096x64xf32>
    %get3A_3 = arith.constant 0 : index
    %get3A_4 = arith.constant 0 : index
    %get3A_5 = vector.load %arg2[%get3A_3, %get3A_4] : memref<2x64xf32, #tpu.memory_space<vmem>>, vector<2x64xf32>
    %get3A_6 = arith.constant 0 : index
    %get3A_7 = arith.constant 0 : index
    %get3A_8 = vector.load %arg5[%get3A_6, %get3A_7] : memref<1x64xf32, #tpu.memory_space<vmem>>, vector<1x64xf32>
    %get3A_9 = arith.constant 0 : index
    %get3A_10 = arith.constant 0 : index
    %get3A_11 = vector.load %arg6[%get3A_9, %get3A_10] : memref<1x64xf32, #tpu.memory_space<vmem>>, vector<1x64xf32>
    %slice3A = vector.extract_strided_slice %get3A_5 {offsets = [0, 0], sizes = [1, 64], strides = [1, 1]} : vector<2x64xf32> to vector<1x64xf32>
    %mul3A = arith.constant 1.52587891E-5 : f32
    %mul3A_12 = vector.broadcast %mul3A : f32 to vector<1x64xf32>
    %mul3A_13 = arith.mulf %slice3A, %mul3A_12 : vector<1x64xf32>
    %slice3A_14 = vector.extract_strided_slice %get3A_5 {offsets = [1, 0], sizes = [1, 64], strides = [1, 1]} : vector<2x64xf32> to vector<1x64xf32>
    %mul3A_15 = arith.constant 1.52587891E-5 : f32
    %mul3A_16 = vector.broadcast %mul3A_15 : f32 to vector<1x64xf32>
    %mul3A_17 = arith.mulf %slice3A_14, %mul3A_16 : vector<1x64xf32>
    %mul3A_18 = arith.mulf %mul3A_13, %mul3A_13 : vector<1x64xf32>
    %sub3A = arith.subf %mul3A_17, %mul3A_18 : vector<1x64xf32>
    %sub3A_19 = vector.broadcast %mul3A_13 : vector<1x64xf32> to vector<4096x64xf32>
    %sub3A_20 = arith.subf %reshape3A, %sub3A_19 : vector<4096x64xf32>
    %add3A = arith.constant 9.99999974E-6 : f32
    %add3A_21 = vector.broadcast %add3A : f32 to vector<1x64xf32>
    %add3A_22 = arith.addf %sub3A, %add3A_21 : vector<1x64xf32>
    %sqrt3A = math.sqrt %add3A_22 : vector<1x64xf32>
    %div3A = vector.broadcast %sqrt3A : vector<1x64xf32> to vector<4096x64xf32>
    %div3A_23 = arith.divf %sub3A_20, %div3A : vector<4096x64xf32>
    %mul3A_24 = vector.broadcast %get3A_8 : vector<1x64xf32> to vector<4096x64xf32>
    %mul3A_25 = arith.mulf %div3A_23, %mul3A_24 : vector<4096x64xf32>
    %add3A_26 = vector.broadcast %get3A_11 : vector<1x64xf32> to vector<4096x64xf32>
    %add3A_27 = arith.addf %mul3A_25, %add3A_26 : vector<4096x64xf32>
    %get3A_28 = arith.constant 0 : index
    %get3A_29 = arith.constant 0 : index
    %get3A_30 = vector.load %arg3[%get3A_28, %get3A_29] : memref<64x64xf32, #tpu.memory_space<vmem>>, vector<64x64xf32>
    %dot_general3A = arith.constant dense<0.000000e+00> : vector<4096x64xf32>
    %dot_general3A_31 = tpu.matmul %add3A_27, %get3A_30, %dot_general3A {dimension_numbers = #tpu.dot_dimension_numbers<[1], [0], [0], [1], [0, 0, 1, 1], [], []>, transpose_lhs_hint = false} : vector<4096x64xf32>, vector<64x64xf32>, vector<4096x64xf32> -> vector<4096x64xf32>
    %get3A_32 = arith.constant 0 : index
    %get3A_33 = arith.constant 0 : index
    %get3A_34 = vector.load %arg4[%get3A_32, %get3A_33] : memref<1x64xf32, #tpu.memory_space<vmem>>, vector<1x64xf32>
    %add3A_35 = vector.broadcast %get3A_34 : vector<1x64xf32> to vector<4096x64xf32>
    %add3A_36 = arith.addf %dot_general3A_31, %add3A_35 : vector<4096x64xf32>
    %max3A = arith.constant 0.000000e+00 : f32
    %max3A_37 = vector.broadcast %max3A : f32 to vector<4096x64xf32>
    %max3A_38 = arith.maximumf %add3A_36, %max3A_37 : vector<4096x64xf32>
    %reduce_sum3A = arith.constant dense<0.000000e+00> : vector<64xf32>
    %reduce_sum3A_39 = vector.multi_reduction <add>, %max3A_38, %reduce_sum3A [0] : vector<4096x64xf32> to vector<64xf32>
    %broadcast_in_dim3A = vector.shape_cast %reduce_sum3A_39 : vector<64xf32> to vector<1x64xf32>
    %mul3A_40 = arith.mulf %max3A_38, %max3A_38 : vector<4096x64xf32>
    %reduce_sum3A_41 = arith.constant dense<0.000000e+00> : vector<64xf32>
    %reduce_sum3A_42 = vector.multi_reduction <add>, %mul3A_40, %reduce_sum3A_41 [0] : vector<4096x64xf32> to vector<64xf32>
    %broadcast_in_dim3A_43 = vector.shape_cast %reduce_sum3A_42 : vector<64xf32> to vector<1x64xf32>
    %concatenate3A = tpu.concatenate %broadcast_in_dim3A, %broadcast_in_dim3A_43 in 0 : vector<1x64xf32>, vector<1x64xf32> -> vector<2x64xf32>
    %eq3A = arith.constant 0 : i32
    %eq3A_44 = arith.cmpi eq, %arg0, %eq3A : i32
    %convert_element_type3A = arith.extui %eq3A_44 : i1 to i32
    %cond3A = arith.constant 0 : i32
    %cond3A_45 = arith.cmpi ne, %convert_element_type3A, %cond3A : i32
    scf.if %cond3A_45 {
      %broadcast_in_dim3A_61 = arith.constant 0.000000e+00 : f32
      %broadcast_in_dim3A_62 = vector.broadcast %broadcast_in_dim3A_61 : f32 to vector<2x64xf32>
      %swap3A_63 = arith.constant 0 : index
      %swap3A_64 = arith.constant 0 : index
      %swap3A_65 = vector.load %arg9[%swap3A_63, %swap3A_64] : memref<2x64xf32, #tpu.memory_space<vmem>>, vector<2x64xf32>
      tpu.vector_store %arg9[%swap3A_63, %swap3A_64], %broadcast_in_dim3A_62 {strides = array<i32>} : memref<2x64xf32, #tpu.memory_space<vmem>>, vector<2x64xf32>,
    } else {
    }
    %get3A_46 = arith.constant 0 : index
    %get3A_47 = arith.constant 0 : index
    %get3A_48 = vector.load %arg9[%get3A_46, %get3A_47] : memref<2x64xf32, #tpu.memory_space<vmem>>, vector<2x64xf32>
    %add3A_49 = arith.addf %get3A_48, %concatenate3A : vector<2x64xf32>
    %swap3A = arith.constant 0 : index
    %swap3A_50 = arith.constant 0 : index
    %swap3A_51 = vector.load %arg9[%swap3A, %swap3A_50] : memref<2x64xf32, #tpu.memory_space<vmem>>, vector<2x64xf32>
    tpu.vector_store %arg9[%swap3A, %swap3A_50], %add3A_49 {strides = array<i32>} : memref<2x64xf32, #tpu.memory_space<vmem>>, vector<2x64xf32>,
    %reshape3A_52 = vector.shape_cast %max3A_38 : vector<4096x64xf32> to vector<256x16x64xf32>
    %reduce_max3A = arith.constant dense<0xFF800000> : vector<256x64xf32>
    %reduce_max3A_53 = vector.multi_reduction <maximumf>, %reshape3A_52, %reduce_max3A [1] : vector<256x16x64xf32> to vector<256x64xf32>
    %swap3A_54 = arith.constant 0 : index
    %swap3A_55 = arith.constant 0 : index
    %swap3A_56 = vector.load %arg7[%swap3A_54, %swap3A_55] : memref<256x64xf32, #tpu.memory_space<vmem>>, vector<256x64xf32>
    tpu.vector_store %arg7[%swap3A_54, %swap3A_55], %reduce_max3A_53 {strides = array<i32>} : memref<256x64xf32, #tpu.memory_space<vmem>>, vector<256x64xf32>,
    %reduce_min3A = arith.constant dense<0x7F800000> : vector<256x64xf32>
    %reduce_min3A_57 = vector.multi_reduction <minimumf>, %reshape3A_52, %reduce_min3A [1] : vector<256x16x64xf32> to vector<256x64xf32>
    %swap3A_58 = arith.constant 0 : index
    %swap3A_59 = arith.constant 0 : index
    %swap3A_60 = vector.load %arg8[%swap3A_58, %swap3A_59] : memref<256x64xf32, #tpu.memory_space<vmem>>, vector<256x64xf32>
    tpu.vector_store %arg8[%swap3A_58, %swap3A_59], %reduce_min3A_57 {strides = array<i32>} : memref<256x64xf32, #tpu.memory_space<vmem>>, vector<256x64xf32>,
    return
  }
  func.func @transform_0(%arg0: i32) -> (i32, i32, i32) {
    %c0_i32 = arith.constant 0 : i32
    %c0_i32_0 = arith.constant 0 : i32
    %c0_i32_1 = arith.constant 0 : i32
    return %arg0, %c0_i32, %c0_i32_0 : i32, i32, i32
  }
  func.func @transform_1(%arg0: i32) -> (i32, i32) {
    %c0_i32 = arith.constant 0 : i32
    %c0_i32_0 = arith.constant 0 : i32
    %c0_i32_1 = arith.constant 0 : i32
    return %c0_i32, %c0_i32_0 : i32, i32
  }
  func.func @transform_2(%arg0: i32) -> (i32, i32) {
    %c0_i32 = arith.constant 0 : i32
    %c0_i32_0 = arith.constant 0 : i32
    %c0_i32_1 = arith.constant 0 : i32
    return %c0_i32, %c0_i32_0 : i32, i32
  }
  func.func @transform_3(%arg0: i32) -> (i32, i32) {
    %c0_i32 = arith.constant 0 : i32
    %c0_i32_0 = arith.constant 0 : i32
    %c0_i32_1 = arith.constant 0 : i32
    return %c0_i32, %c0_i32_0 : i32, i32
  }
  func.func @transform_4(%arg0: i32) -> (i32, i32) {
    %c0_i32 = arith.constant 0 : i32
    %c0_i32_0 = arith.constant 0 : i32
    %c0_i32_1 = arith.constant 0 : i32
    return %c0_i32, %c0_i32_0 : i32, i32
  }
  func.func @transform_5(%arg0: i32) -> (i32, i32) {
    %c0_i32 = arith.constant 0 : i32
    %c0_i32_0 = arith.constant 0 : i32
    %c0_i32_1 = arith.constant 0 : i32
    return %c0_i32, %c0_i32_0 : i32, i32
  }
  func.func @transform_6(%arg0: i32) -> (i32, i32) {
    %c0_i32 = arith.constant 0 : i32
    %c0_i32_0 = arith.constant 0 : i32
    return %arg0, %c0_i32 : i32, i32
  }
  func.func @transform_7(%arg0: i32) -> (i32, i32) {
    %c0_i32 = arith.constant 0 : i32
    %c0_i32_0 = arith.constant 0 : i32
    return %arg0, %c0_i32 : i32, i32
  }
  func.func @transform_8(%arg0: i32) -> (i32, i32) {
    %c0_i32 = arith.constant 0 : i32
    %c0_i32_0 = arith.constant 0 : i32
    %c0_i32_1 = arith.constant 0 : i32
    return %c0_i32, %c0_i32_0 : i32, i32
  }
}

module attributes {stable_mosaic.version = 14 : i64} {
  func.func @_fin_body(%arg0: memref<4096x64xf32, #tpu.memory_space<vmem>>, %arg1: memref<4096x64xf32, #tpu.memory_space<vmem>>, %arg2: memref<2x64xf32, #tpu.memory_space<vmem>>, %arg3: memref<1x64xf32, #tpu.memory_space<vmem>>, %arg4: memref<1x64xf32, #tpu.memory_space<vmem>>, %arg5: memref<4096x64xf32, #tpu.memory_space<vmem>>, %arg6: memref<4096x1xf32, #tpu.memory_space<vmem>>) attributes {dimension_semantics = [], scalar_prefetch = 0 : i64, scratch_operands = 0 : i64, tpu.core_type = #tpu.core_type<tc>} {
    %get3A = arith.constant 0 : index
    %get3A_0 = arith.constant 0 : index
    %get3A_1 = vector.load %arg3[%get3A, %get3A_0] : memref<1x64xf32, #tpu.memory_space<vmem>>, vector<1x64xf32>
    %ge3A = arith.constant 0.000000e+00 : f32
    %ge3A_2 = vector.broadcast %ge3A : f32 to vector<1x64xf32>
    %ge3A_3 = arith.cmpf oge, %get3A_1, %ge3A_2 : vector<1x64xf32>
    %get3A_4 = arith.constant 0 : index
    %get3A_5 = arith.constant 0 : index
    %get3A_6 = vector.load %arg0[%get3A_4, %get3A_5] : memref<4096x64xf32, #tpu.memory_space<vmem>>, vector<4096x64xf32>
    %get3A_7 = arith.constant 0 : index
    %get3A_8 = arith.constant 0 : index
    %get3A_9 = vector.load %arg1[%get3A_7, %get3A_8] : memref<4096x64xf32, #tpu.memory_space<vmem>>, vector<4096x64xf32>
    %broadcast_in_dim3A = vector.shape_cast %ge3A_3 : vector<1x64xi1> to vector<1x64xi1>
    %broadcast_in_dim3A_10 = vector.broadcast %broadcast_in_dim3A : vector<1x64xi1> to vector<4096x64xi1>
    %select_n3A = arith.select %broadcast_in_dim3A_10, %get3A_6, %get3A_9 : vector<4096x64xi1>, vector<4096x64xf32>
    %get3A_11 = arith.constant 0 : index
    %get3A_12 = arith.constant 0 : index
    %get3A_13 = vector.load %arg2[%get3A_11, %get3A_12] : memref<2x64xf32, #tpu.memory_space<vmem>>, vector<2x64xf32>
    %get3A_14 = arith.constant 0 : index
    %get3A_15 = arith.constant 0 : index
    %get3A_16 = vector.load %arg4[%get3A_14, %get3A_15] : memref<1x64xf32, #tpu.memory_space<vmem>>, vector<1x64xf32>
    %slice3A = vector.extract_strided_slice %get3A_13 {offsets = [0, 0], sizes = [1, 64], strides = [1, 1]} : vector<2x64xf32> to vector<1x64xf32>
    %mul3A = arith.constant 1.52587891E-5 : f32
    %mul3A_17 = vector.broadcast %mul3A : f32 to vector<1x64xf32>
    %mul3A_18 = arith.mulf %slice3A, %mul3A_17 : vector<1x64xf32>
    %slice3A_19 = vector.extract_strided_slice %get3A_13 {offsets = [1, 0], sizes = [1, 64], strides = [1, 1]} : vector<2x64xf32> to vector<1x64xf32>
    %mul3A_20 = arith.constant 1.52587891E-5 : f32
    %mul3A_21 = vector.broadcast %mul3A_20 : f32 to vector<1x64xf32>
    %mul3A_22 = arith.mulf %slice3A_19, %mul3A_21 : vector<1x64xf32>
    %mul3A_23 = arith.mulf %mul3A_18, %mul3A_18 : vector<1x64xf32>
    %sub3A = arith.subf %mul3A_22, %mul3A_23 : vector<1x64xf32>
    %sub3A_24 = vector.broadcast %mul3A_18 : vector<1x64xf32> to vector<4096x64xf32>
    %sub3A_25 = arith.subf %select_n3A, %sub3A_24 : vector<4096x64xf32>
    %add3A = arith.constant 9.99999974E-6 : f32
    %add3A_26 = vector.broadcast %add3A : f32 to vector<1x64xf32>
    %add3A_27 = arith.addf %sub3A, %add3A_26 : vector<1x64xf32>
    %sqrt3A = math.sqrt %add3A_27 : vector<1x64xf32>
    %div3A = vector.broadcast %sqrt3A : vector<1x64xf32> to vector<4096x64xf32>
    %div3A_28 = arith.divf %sub3A_25, %div3A : vector<4096x64xf32>
    %mul3A_29 = vector.broadcast %get3A_1 : vector<1x64xf32> to vector<4096x64xf32>
    %mul3A_30 = arith.mulf %div3A_28, %mul3A_29 : vector<4096x64xf32>
    %add3A_31 = vector.broadcast %get3A_16 : vector<1x64xf32> to vector<4096x64xf32>
    %add3A_32 = arith.addf %mul3A_30, %add3A_31 : vector<4096x64xf32>
    %swap3A = arith.constant 0 : index
    %swap3A_33 = arith.constant 0 : index
    %swap3A_34 = vector.load %arg5[%swap3A, %swap3A_33] : memref<4096x64xf32, #tpu.memory_space<vmem>>, vector<4096x64xf32>
    tpu.vector_store %arg5[%swap3A, %swap3A_33], %add3A_32 {strides = array<i32>} : memref<4096x64xf32, #tpu.memory_space<vmem>>, vector<4096x64xf32>,
    %mul3A_35 = arith.mulf %add3A_32, %add3A_32 : vector<4096x64xf32>
    %reduce_sum3A = arith.constant dense<0.000000e+00> : vector<4096xf32>
    %reduce_sum3A_36 = vector.multi_reduction <add>, %mul3A_35, %reduce_sum3A [1] : vector<4096x64xf32> to vector<4096xf32>
    %broadcast_in_dim3A_37 = vector.shape_cast %reduce_sum3A_36 : vector<4096xf32> to vector<4096x1xf32>
    %swap3A_38 = arith.constant 0 : index
    %swap3A_39 = arith.constant 0 : index
    %swap3A_40 = vector.load %arg6[%swap3A_38, %swap3A_39] : memref<4096x1xf32, #tpu.memory_space<vmem>>, vector<4096x1xf32>
    tpu.vector_store %arg6[%swap3A_38, %swap3A_39], %broadcast_in_dim3A_37 {strides = array<i32>} : memref<4096x1xf32, #tpu.memory_space<vmem>>, vector<4096x1xf32>,
    return
  }
}

module attributes {stable_mosaic.version = 14 : i64} {
  func.func @_fin_body(%arg0: memref<4096x64xf32, #tpu.memory_space<vmem>>, %arg1: memref<4096x64xf32, #tpu.memory_space<vmem>>, %arg2: memref<2x64xf32, #tpu.memory_space<vmem>>, %arg3: memref<1x64xf32, #tpu.memory_space<vmem>>, %arg4: memref<1x64xf32, #tpu.memory_space<vmem>>, %arg5: memref<4096x64xf32, #tpu.memory_space<vmem>>, %arg6: memref<4096x1xf32, #tpu.memory_space<vmem>>) attributes {dimension_semantics = [], scalar_prefetch = 0 : i64, scratch_operands = 0 : i64, tpu.core_type = #tpu.core_type<tc>} {
    %get3A = arith.constant 0 : index
    %get3A_0 = arith.constant 0 : index
    %get3A_1 = vector.load %arg3[%get3A, %get3A_0] : memref<1x64xf32, #tpu.memory_space<vmem>>, vector<1x64xf32>
    %ge3A = arith.constant 0.000000e+00 : f32
    %ge3A_2 = vector.broadcast %ge3A : f32 to vector<1x64xf32>
    %ge3A_3 = arith.cmpf oge, %get3A_1, %ge3A_2 : vector<1x64xf32>
    %get3A_4 = arith.constant 0 : index
    %get3A_5 = arith.constant 0 : index
    %get3A_6 = vector.load %arg0[%get3A_4, %get3A_5] : memref<4096x64xf32, #tpu.memory_space<vmem>>, vector<4096x64xf32>
    %get3A_7 = arith.constant 0 : index
    %get3A_8 = arith.constant 0 : index
    %get3A_9 = vector.load %arg1[%get3A_7, %get3A_8] : memref<4096x64xf32, #tpu.memory_space<vmem>>, vector<4096x64xf32>
    %broadcast_in_dim3A = vector.shape_cast %ge3A_3 : vector<1x64xi1> to vector<1x64xi1>
    %broadcast_in_dim3A_10 = vector.broadcast %broadcast_in_dim3A : vector<1x64xi1> to vector<4096x64xi1>
    %select_n3A = arith.select %broadcast_in_dim3A_10, %get3A_6, %get3A_9 : vector<4096x64xi1>, vector<4096x64xf32>
    %get3A_11 = arith.constant 0 : index
    %get3A_12 = arith.constant 0 : index
    %get3A_13 = vector.load %arg2[%get3A_11, %get3A_12] : memref<2x64xf32, #tpu.memory_space<vmem>>, vector<2x64xf32>
    %get3A_14 = arith.constant 0 : index
    %get3A_15 = arith.constant 0 : index
    %get3A_16 = vector.load %arg4[%get3A_14, %get3A_15] : memref<1x64xf32, #tpu.memory_space<vmem>>, vector<1x64xf32>
    %slice3A = vector.extract_strided_slice %get3A_13 {offsets = [0, 0], sizes = [1, 64], strides = [1, 1]} : vector<2x64xf32> to vector<1x64xf32>
    %mul3A = arith.constant 1.52587891E-5 : f32
    %mul3A_17 = vector.broadcast %mul3A : f32 to vector<1x64xf32>
    %mul3A_18 = arith.mulf %slice3A, %mul3A_17 : vector<1x64xf32>
    %slice3A_19 = vector.extract_strided_slice %get3A_13 {offsets = [1, 0], sizes = [1, 64], strides = [1, 1]} : vector<2x64xf32> to vector<1x64xf32>
    %mul3A_20 = arith.constant 1.52587891E-5 : f32
    %mul3A_21 = vector.broadcast %mul3A_20 : f32 to vector<1x64xf32>
    %mul3A_22 = arith.mulf %slice3A_19, %mul3A_21 : vector<1x64xf32>
    %mul3A_23 = arith.mulf %mul3A_18, %mul3A_18 : vector<1x64xf32>
    %sub3A = arith.subf %mul3A_22, %mul3A_23 : vector<1x64xf32>
    %sub3A_24 = vector.broadcast %mul3A_18 : vector<1x64xf32> to vector<4096x64xf32>
    %sub3A_25 = arith.subf %select_n3A, %sub3A_24 : vector<4096x64xf32>
    %add3A = arith.constant 9.99999974E-6 : f32
    %add3A_26 = vector.broadcast %add3A : f32 to vector<1x64xf32>
    %add3A_27 = arith.addf %sub3A, %add3A_26 : vector<1x64xf32>
    %sqrt3A = math.sqrt %add3A_27 : vector<1x64xf32>
    %div3A = vector.broadcast %sqrt3A : vector<1x64xf32> to vector<4096x64xf32>
    %div3A_28 = arith.divf %sub3A_25, %div3A : vector<4096x64xf32>
    %mul3A_29 = vector.broadcast %get3A_1 : vector<1x64xf32> to vector<4096x64xf32>
    %mul3A_30 = arith.mulf %div3A_28, %mul3A_29 : vector<4096x64xf32>
    %add3A_31 = vector.broadcast %get3A_16 : vector<1x64xf32> to vector<4096x64xf32>
    %add3A_32 = arith.addf %mul3A_30, %add3A_31 : vector<4096x64xf32>
    %swap3A = arith.constant 0 : index
    %swap3A_33 = arith.constant 0 : index
    %swap3A_34 = vector.load %arg5[%swap3A, %swap3A_33] : memref<4096x64xf32, #tpu.memory_space<vmem>>, vector<4096x64xf32>
    tpu.vector_store %arg5[%swap3A, %swap3A_33], %add3A_32 {strides = array<i32>} : memref<4096x64xf32, #tpu.memory_space<vmem>>, vector<4096x64xf32>,
    %mul3A_35 = arith.mulf %add3A_32, %add3A_32 : vector<4096x64xf32>
    %reduce_sum3A = arith.constant dense<0.000000e+00> : vector<4096xf32>
    %reduce_sum3A_36 = vector.multi_reduction <add>, %mul3A_35, %reduce_sum3A [1] : vector<4096x64xf32> to vector<4096xf32>
    %broadcast_in_dim3A_37 = vector.shape_cast %reduce_sum3A_36 : vector<4096xf32> to vector<4096x1xf32>
    %swap3A_38 = arith.constant 0 : index
    %swap3A_39 = arith.constant 0 : index
    %swap3A_40 = vector.load %arg6[%swap3A_38, %swap3A_39] : memref<4096x1xf32, #tpu.memory_space<vmem>>, vector<4096x1xf32>
    tpu.vector_store %arg6[%swap3A_38, %swap3A_39], %broadcast_in_dim3A_37 {strides = array<i32>} : memref<4096x1xf32, #tpu.memory_space<vmem>>, vector<4096x1xf32>,
    return
  }
}

module attributes {stable_mosaic.version = 14 : i64} {
  func.func @_lin1_body(%arg0: i32, %arg1: memref<512x64xf32, #tpu.memory_space<vmem>>, %arg2: memref<512x64xf32, #tpu.memory_space<vmem>>, %arg3: memref<512x64xf32, #tpu.memory_space<vmem>>, %arg4: memref<192x1024xf32, #tpu.memory_space<vmem>>, %arg5: memref<1x1024xf32, #tpu.memory_space<vmem>>, %arg6: memref<512x1024xf32, #tpu.memory_space<vmem>>, %arg7: memref<2x1024xf32, #tpu.memory_space<vmem>>) attributes {dimension_semantics = [#tpu.dimension_semantics<arbitrary>], iteration_bounds = array<i64: 8>, scalar_prefetch = 0 : i64, scratch_operands = 0 : i64, tpu.core_type = #tpu.core_type<tc>, window_params = [{transform_indices = @transform_0, window_bounds = array<i64: 512, 64>}, {transform_indices = @transform_1, window_bounds = array<i64: 512, 64>}, {transform_indices = @transform_2, window_bounds = array<i64: 512, 64>}, {pipeline_mode = #tpu.pipeline_mode<synchronous>, transform_indices = @transform_3, window_bounds = array<i64: 192, 1024>}, {pipeline_mode = #tpu.pipeline_mode<synchronous>, transform_indices = @transform_4, window_bounds = array<i64: 1, 1024>}, {transform_indices = @transform_5, window_bounds = array<i64: 512, 1024>}, {pipeline_mode = #tpu.pipeline_mode<synchronous>, transform_indices = @transform_6, window_bounds = array<i64: 2, 1024>}]} {
    %get3A = arith.constant 0 : index
    %get3A_0 = arith.constant 0 : index
    %get3A_1 = vector.load %arg1[%get3A, %get3A_0] : memref<512x64xf32, #tpu.memory_space<vmem>>, vector<512x64xf32>
    %get3A_2 = arith.constant 0 : index
    %get3A_3 = arith.constant 0 : index
    %get3A_4 = vector.load %arg2[%get3A_2, %get3A_3] : memref<512x64xf32, #tpu.memory_space<vmem>>, vector<512x64xf32>
    %get3A_5 = arith.constant 0 : index
    %get3A_6 = arith.constant 0 : index
    %get3A_7 = vector.load %arg3[%get3A_5, %get3A_6] : memref<512x64xf32, #tpu.memory_space<vmem>>, vector<512x64xf32>
    %concatenate3A = tpu.concatenate %get3A_1, %get3A_4, %get3A_7 in 1 : vector<512x64xf32>, vector<512x64xf32>, vector<512x64xf32> -> vector<512x192xf32>
    %get3A_8 = arith.constant 0 : index
    %get3A_9 = arith.constant 0 : index
    %get3A_10 = vector.load %arg4[%get3A_8, %get3A_9] : memref<192x1024xf32, #tpu.memory_space<vmem>>, vector<192x1024xf32>
    %dot_general3A = arith.constant dense<0.000000e+00> : vector<512x1024xf32>
    %dot_general3A_11 = tpu.matmul %concatenate3A, %get3A_10, %dot_general3A {dimension_numbers = #tpu.dot_dimension_numbers<[1], [0], [0], [1], [0, 0, 1, 1], [], []>, transpose_lhs_hint = false} : vector<512x192xf32>, vector<192x1024xf32>, vector<512x1024xf32> -> vector<512x1024xf32>
    %get3A_12 = arith.constant 0 : index
    %get3A_13 = arith.constant 0 : index
    %get3A_14 = vector.load %arg5[%get3A_12, %get3A_13] : memref<1x1024xf32, #tpu.memory_space<vmem>>, vector<1x1024xf32>
    %add3A = vector.broadcast %get3A_14 : vector<1x1024xf32> to vector<512x1024xf32>
    %add3A_15 = arith.addf %dot_general3A_11, %add3A : vector<512x1024xf32>
    %max3A = arith.constant 0.000000e+00 : f32
    %max3A_16 = vector.broadcast %max3A : f32 to vector<512x1024xf32>
    %max3A_17 = arith.maximumf %add3A_15, %max3A_16 : vector<512x1024xf32>
    %reduce_sum3A = arith.constant dense<0.000000e+00> : vector<1024xf32>
    %reduce_sum3A_18 = vector.multi_reduction <add>, %max3A_17, %reduce_sum3A [0] : vector<512x1024xf32> to vector<1024xf32>
    %broadcast_in_dim3A = vector.shape_cast %reduce_sum3A_18 : vector<1024xf32> to vector<1x1024xf32>
    %mul3A = arith.mulf %max3A_17, %max3A_17 : vector<512x1024xf32>
    %reduce_sum3A_19 = arith.constant dense<0.000000e+00> : vector<1024xf32>
    %reduce_sum3A_20 = vector.multi_reduction <add>, %mul3A, %reduce_sum3A_19 [0] : vector<512x1024xf32> to vector<1024xf32>
    %broadcast_in_dim3A_21 = vector.shape_cast %reduce_sum3A_20 : vector<1024xf32> to vector<1x1024xf32>
    %concatenate3A_22 = tpu.concatenate %broadcast_in_dim3A, %broadcast_in_dim3A_21 in 0 : vector<1x1024xf32>, vector<1x1024xf32> -> vector<2x1024xf32>
    %eq3A = arith.constant 0 : i32
    %eq3A_23 = arith.cmpi eq, %arg0, %eq3A : i32
    %convert_element_type3A = arith.extui %eq3A_23 : i1 to i32
    %cond3A = arith.constant 0 : i32
    %cond3A_24 = arith.cmpi ne, %convert_element_type3A, %cond3A : i32
    scf.if %cond3A_24 {
      %broadcast_in_dim3A_34 = arith.constant 0.000000e+00 : f32
      %broadcast_in_dim3A_35 = vector.broadcast %broadcast_in_dim3A_34 : f32 to vector<2x1024xf32>
      %swap3A_36 = arith.constant 0 : index
      %swap3A_37 = arith.constant 0 : index
      %swap3A_38 = vector.load %arg7[%swap3A_36, %swap3A_37] : memref<2x1024xf32, #tpu.memory_space<vmem>>, vector<2x1024xf32>
      tpu.vector_store %arg7[%swap3A_36, %swap3A_37], %broadcast_in_dim3A_35 {strides = array<i32>} : memref<2x1024xf32, #tpu.memory_space<vmem>>, vector<2x1024xf32>,
    } else {
    }
    %get3A_25 = arith.constant 0 : index
    %get3A_26 = arith.constant 0 : index
    %get3A_27 = vector.load %arg7[%get3A_25, %get3A_26] : memref<2x1024xf32, #tpu.memory_space<vmem>>, vector<2x1024xf32>
    %add3A_28 = arith.addf %get3A_27, %concatenate3A_22 : vector<2x1024xf32>
    %swap3A = arith.constant 0 : index
    %swap3A_29 = arith.constant 0 : index
    %swap3A_30 = vector.load %arg7[%swap3A, %swap3A_29] : memref<2x1024xf32, #tpu.memory_space<vmem>>, vector<2x1024xf32>
    tpu.vector_store %arg7[%swap3A, %swap3A_29], %add3A_28 {strides = array<i32>} : memref<2x1024xf32, #tpu.memory_space<vmem>>, vector<2x1024xf32>,
    %swap3A_31 = arith.constant 0 : index
    %swap3A_32 = arith.constant 0 : index
    %swap3A_33 = vector.load %arg6[%swap3A_31, %swap3A_32] : memref<512x1024xf32, #tpu.memory_space<vmem>>, vector<512x1024xf32>
    tpu.vector_store %arg6[%swap3A_31, %swap3A_32], %max3A_17 {strides = array<i32>} : memref<512x1024xf32, #tpu.memory_space<vmem>>, vector<512x1024xf32>,
    return
  }
  func.func @transform_0(%arg0: i32) -> (i32, i32) {
    %c0_i32 = arith.constant 0 : i32
    %c0_i32_0 = arith.constant 0 : i32
    return %arg0, %c0_i32 : i32, i32
  }
  func.func @transform_1(%arg0: i32) -> (i32, i32) {
    %c0_i32 = arith.constant 0 : i32
    %c0_i32_0 = arith.constant 0 : i32
    return %arg0, %c0_i32 : i32, i32
  }
  func.func @transform_2(%arg0: i32) -> (i32, i32) {
    %c0_i32 = arith.constant 0 : i32
    %c0_i32_0 = arith.constant 0 : i32
    return %arg0, %c0_i32 : i32, i32
  }
  func.func @transform_3(%arg0: i32) -> (i32, i32) {
    %c0_i32 = arith.constant 0 : i32
    %c0_i32_0 = arith.constant 0 : i32
    %c0_i32_1 = arith.constant 0 : i32
    return %c0_i32, %c0_i32_0 : i32, i32
  }
  func.func @transform_4(%arg0: i32) -> (i32, i32) {
    %c0_i32 = arith.constant 0 : i32
    %c0_i32_0 = arith.constant 0 : i32
    %c0_i32_1 = arith.constant 0 : i32
    return %c0_i32, %c0_i32_0 : i32, i32
  }
  func.func @transform_5(%arg0: i32) -> (i32, i32) {
    %c0_i32 = arith.constant 0 : i32
    %c0_i32_0 = arith.constant 0 : i32
    return %arg0, %c0_i32 : i32, i32
  }
  func.func @transform_6(%arg0: i32) -> (i32, i32) {
    %c0_i32 = arith.constant 0 : i32
    %c0_i32_0 = arith.constant 0 : i32
    %c0_i32_1 = arith.constant 0 : i32
    return %c0_i32, %c0_i32_0 : i32, i32
  }
}

module attributes {stable_mosaic.version = 14 : i64} {
  func.func @_mid_body(%arg0: i32, %arg1: memref<512x1024xf32, #tpu.memory_space<vmem>>, %arg2: memref<2x1024xf32, #tpu.memory_space<vmem>>, %arg3: memref<1x1024xf32, #tpu.memory_space<vmem>>, %arg4: memref<1x1024xf32, #tpu.memory_space<vmem>>, %arg5: memref<1024x256xf32, #tpu.memory_space<vmem>>, %arg6: memref<1x256xf32, #tpu.memory_space<vmem>>, %arg7: memref<512x256xf32, #tpu.memory_space<vmem>>, %arg8: memref<2x256xf32, #tpu.memory_space<vmem>>) attributes {dimension_semantics = [#tpu.dimension_semantics<arbitrary>], iteration_bounds = array<i64: 8>, scalar_prefetch = 0 : i64, scratch_operands = 0 : i64, tpu.core_type = #tpu.core_type<tc>, window_params = [{transform_indices = @transform_0, window_bounds = array<i64: 512, 1024>}, {pipeline_mode = #tpu.pipeline_mode<synchronous>, transform_indices = @transform_1, window_bounds = array<i64: 2, 1024>}, {pipeline_mode = #tpu.pipeline_mode<synchronous>, transform_indices = @transform_2, window_bounds = array<i64: 1, 1024>}, {pipeline_mode = #tpu.pipeline_mode<synchronous>, transform_indices = @transform_3, window_bounds = array<i64: 1, 1024>}, {pipeline_mode = #tpu.pipeline_mode<synchronous>, transform_indices = @transform_4, window_bounds = array<i64: 1024, 256>}, {pipeline_mode = #tpu.pipeline_mode<synchronous>, transform_indices = @transform_5, window_bounds = array<i64: 1, 256>}, {transform_indices = @transform_6, window_bounds = array<i64: 512, 256>}, {pipeline_mode = #tpu.pipeline_mode<synchronous>, transform_indices = @transform_7, window_bounds = array<i64: 2, 256>}]} {
    %get3A = arith.constant 0 : index
    %get3A_0 = arith.constant 0 : index
    %get3A_1 = vector.load %arg1[%get3A, %get3A_0] : memref<512x1024xf32, #tpu.memory_space<vmem>>, vector<512x1024xf32>
    %get3A_2 = arith.constant 0 : index
    %get3A_3 = arith.constant 0 : index
    %get3A_4 = vector.load %arg2[%get3A_2, %get3A_3] : memref<2x1024xf32, #tpu.memory_space<vmem>>, vector<2x1024xf32>
    %get3A_5 = arith.constant 0 : index
    %get3A_6 = arith.constant 0 : index
    %get3A_7 = vector.load %arg3[%get3A_5, %get3A_6] : memref<1x1024xf32, #tpu.memory_space<vmem>>, vector<1x1024xf32>
    %get3A_8 = arith.constant 0 : index
    %get3A_9 = arith.constant 0 : index
    %get3A_10 = vector.load %arg4[%get3A_8, %get3A_9] : memref<1x1024xf32, #tpu.memory_space<vmem>>, vector<1x1024xf32>
    %slice3A = vector.extract_strided_slice %get3A_4 {offsets = [0, 0], sizes = [1, 1024], strides = [1, 1]} : vector<2x1024xf32> to vector<1x1024xf32>
    %mul3A = arith.constant 2.44140625E-4 : f32
    %mul3A_11 = vector.broadcast %mul3A : f32 to vector<1x1024xf32>
    %mul3A_12 = arith.mulf %slice3A, %mul3A_11 : vector<1x1024xf32>
    %slice3A_13 = vector.extract_strided_slice %get3A_4 {offsets = [1, 0], sizes = [1, 1024], strides = [1, 1]} : vector<2x1024xf32> to vector<1x1024xf32>
    %mul3A_14 = arith.constant 2.44140625E-4 : f32
    %mul3A_15 = vector.broadcast %mul3A_14 : f32 to vector<1x1024xf32>
    %mul3A_16 = arith.mulf %slice3A_13, %mul3A_15 : vector<1x1024xf32>
    %mul3A_17 = arith.mulf %mul3A_12, %mul3A_12 : vector<1x1024xf32>
    %sub3A = arith.subf %mul3A_16, %mul3A_17 : vector<1x1024xf32>
    %sub3A_18 = vector.broadcast %mul3A_12 : vector<1x1024xf32> to vector<512x1024xf32>
    %sub3A_19 = arith.subf %get3A_1, %sub3A_18 : vector<512x1024xf32>
    %add3A = arith.constant 9.99999974E-6 : f32
    %add3A_20 = vector.broadcast %add3A : f32 to vector<1x1024xf32>
    %add3A_21 = arith.addf %sub3A, %add3A_20 : vector<1x1024xf32>
    %sqrt3A = math.sqrt %add3A_21 : vector<1x1024xf32>
    %div3A = vector.broadcast %sqrt3A : vector<1x1024xf32> to vector<512x1024xf32>
    %div3A_22 = arith.divf %sub3A_19, %div3A : vector<512x1024xf32>
    %mul3A_23 = vector.broadcast %get3A_7 : vector<1x1024xf32> to vector<512x1024xf32>
    %mul3A_24 = arith.mulf %div3A_22, %mul3A_23 : vector<512x1024xf32>
    %add3A_25 = vector.broadcast %get3A_10 : vector<1x1024xf32> to vector<512x1024xf32>
    %add3A_26 = arith.addf %mul3A_24, %add3A_25 : vector<512x1024xf32>
    %get3A_27 = arith.constant 0 : index
    %get3A_28 = arith.constant 0 : index
    %get3A_29 = vector.load %arg5[%get3A_27, %get3A_28] : memref<1024x256xf32, #tpu.memory_space<vmem>>, vector<1024x256xf32>
    %dot_general3A = arith.constant dense<0.000000e+00> : vector<512x256xf32>
    %dot_general3A_30 = tpu.matmul %add3A_26, %get3A_29, %dot_general3A {dimension_numbers = #tpu.dot_dimension_numbers<[1], [0], [0], [1], [0, 0, 1, 1], [], []>, transpose_lhs_hint = false} : vector<512x1024xf32>, vector<1024x256xf32>, vector<512x256xf32> -> vector<512x256xf32>
    %get3A_31 = arith.constant 0 : index
    %get3A_32 = arith.constant 0 : index
    %get3A_33 = vector.load %arg6[%get3A_31, %get3A_32] : memref<1x256xf32, #tpu.memory_space<vmem>>, vector<1x256xf32>
    %add3A_34 = vector.broadcast %get3A_33 : vector<1x256xf32> to vector<512x256xf32>
    %add3A_35 = arith.addf %dot_general3A_30, %add3A_34 : vector<512x256xf32>
    %max3A = arith.constant 0.000000e+00 : f32
    %max3A_36 = vector.broadcast %max3A : f32 to vector<512x256xf32>
    %max3A_37 = arith.maximumf %add3A_35, %max3A_36 : vector<512x256xf32>
    %reduce_sum3A = arith.constant dense<0.000000e+00> : vector<256xf32>
    %reduce_sum3A_38 = vector.multi_reduction <add>, %max3A_37, %reduce_sum3A [0] : vector<512x256xf32> to vector<256xf32>
    %broadcast_in_dim3A = vector.shape_cast %reduce_sum3A_38 : vector<256xf32> to vector<1x256xf32>
    %mul3A_39 = arith.mulf %max3A_37, %max3A_37 : vector<512x256xf32>
    %reduce_sum3A_40 = arith.constant dense<0.000000e+00> : vector<256xf32>
    %reduce_sum3A_41 = vector.multi_reduction <add>, %mul3A_39, %reduce_sum3A_40 [0] : vector<512x256xf32> to vector<256xf32>
    %broadcast_in_dim3A_42 = vector.shape_cast %reduce_sum3A_41 : vector<256xf32> to vector<1x256xf32>
    %concatenate3A = tpu.concatenate %broadcast_in_dim3A, %broadcast_in_dim3A_42 in 0 : vector<1x256xf32>, vector<1x256xf32> -> vector<2x256xf32>
    %eq3A = arith.constant 0 : i32
    %eq3A_43 = arith.cmpi eq, %arg0, %eq3A : i32
    %convert_element_type3A = arith.extui %eq3A_43 : i1 to i32
    %cond3A = arith.constant 0 : i32
    %cond3A_44 = arith.cmpi ne, %convert_element_type3A, %cond3A : i32
    scf.if %cond3A_44 {
      %broadcast_in_dim3A_54 = arith.constant 0.000000e+00 : f32
      %broadcast_in_dim3A_55 = vector.broadcast %broadcast_in_dim3A_54 : f32 to vector<2x256xf32>
      %swap3A_56 = arith.constant 0 : index
      %swap3A_57 = arith.constant 0 : index
      %swap3A_58 = vector.load %arg8[%swap3A_56, %swap3A_57] : memref<2x256xf32, #tpu.memory_space<vmem>>, vector<2x256xf32>
      tpu.vector_store %arg8[%swap3A_56, %swap3A_57], %broadcast_in_dim3A_55 {strides = array<i32>} : memref<2x256xf32, #tpu.memory_space<vmem>>, vector<2x256xf32>,
    } else {
    }
    %get3A_45 = arith.constant 0 : index
    %get3A_46 = arith.constant 0 : index
    %get3A_47 = vector.load %arg8[%get3A_45, %get3A_46] : memref<2x256xf32, #tpu.memory_space<vmem>>, vector<2x256xf32>
    %add3A_48 = arith.addf %get3A_47, %concatenate3A : vector<2x256xf32>
    %swap3A = arith.constant 0 : index
    %swap3A_49 = arith.constant 0 : index
    %swap3A_50 = vector.load %arg8[%swap3A, %swap3A_49] : memref<2x256xf32, #tpu.memory_space<vmem>>, vector<2x256xf32>
    tpu.vector_store %arg8[%swap3A, %swap3A_49], %add3A_48 {strides = array<i32>} : memref<2x256xf32, #tpu.memory_space<vmem>>, vector<2x256xf32>,
    %swap3A_51 = arith.constant 0 : index
    %swap3A_52 = arith.constant 0 : index
    %swap3A_53 = vector.load %arg7[%swap3A_51, %swap3A_52] : memref<512x256xf32, #tpu.memory_space<vmem>>, vector<512x256xf32>
    tpu.vector_store %arg7[%swap3A_51, %swap3A_52], %max3A_37 {strides = array<i32>} : memref<512x256xf32, #tpu.memory_space<vmem>>, vector<512x256xf32>,
    return
  }
  func.func @transform_0(%arg0: i32) -> (i32, i32) {
    %c0_i32 = arith.constant 0 : i32
    %c0_i32_0 = arith.constant 0 : i32
    return %arg0, %c0_i32 : i32, i32
  }
  func.func @transform_1(%arg0: i32) -> (i32, i32) {
    %c0_i32 = arith.constant 0 : i32
    %c0_i32_0 = arith.constant 0 : i32
    %c0_i32_1 = arith.constant 0 : i32
    return %c0_i32, %c0_i32_0 : i32, i32
  }
  func.func @transform_2(%arg0: i32) -> (i32, i32) {
    %c0_i32 = arith.constant 0 : i32
    %c0_i32_0 = arith.constant 0 : i32
    %c0_i32_1 = arith.constant 0 : i32
    return %c0_i32, %c0_i32_0 : i32, i32
  }
  func.func @transform_3(%arg0: i32) -> (i32, i32) {
    %c0_i32 = arith.constant 0 : i32
    %c0_i32_0 = arith.constant 0 : i32
    %c0_i32_1 = arith.constant 0 : i32
    return %c0_i32, %c0_i32_0 : i32, i32
  }
  func.func @transform_4(%arg0: i32) -> (i32, i32) {
    %c0_i32 = arith.constant 0 : i32
    %c0_i32_0 = arith.constant 0 : i32
    %c0_i32_1 = arith.constant 0 : i32
    return %c0_i32, %c0_i32_0 : i32, i32
  }
  func.func @transform_5(%arg0: i32) -> (i32, i32) {
    %c0_i32 = arith.constant 0 : i32
    %c0_i32_0 = arith.constant 0 : i32
    %c0_i32_1 = arith.constant 0 : i32
    return %c0_i32, %c0_i32_0 : i32, i32
  }
  func.func @transform_6(%arg0: i32) -> (i32, i32) {
    %c0_i32 = arith.constant 0 : i32
    %c0_i32_0 = arith.constant 0 : i32
    return %arg0, %c0_i32 : i32, i32
  }
  func.func @transform_7(%arg0: i32) -> (i32, i32) {
    %c0_i32 = arith.constant 0 : i32
    %c0_i32_0 = arith.constant 0 : i32
    %c0_i32_1 = arith.constant 0 : i32
    return %c0_i32, %c0_i32_0 : i32, i32
  }
}

module attributes {stable_mosaic.version = 14 : i64} {
  func.func @_mid_body(%arg0: i32, %arg1: memref<512x256xf32, #tpu.memory_space<vmem>>, %arg2: memref<2x256xf32, #tpu.memory_space<vmem>>, %arg3: memref<1x256xf32, #tpu.memory_space<vmem>>, %arg4: memref<1x256xf32, #tpu.memory_space<vmem>>, %arg5: memref<256x128xf32, #tpu.memory_space<vmem>>, %arg6: memref<1x128xf32, #tpu.memory_space<vmem>>, %arg7: memref<512x128xf32, #tpu.memory_space<vmem>>, %arg8: memref<2x128xf32, #tpu.memory_space<vmem>>) attributes {dimension_semantics = [#tpu.dimension_semantics<arbitrary>], iteration_bounds = array<i64: 8>, scalar_prefetch = 0 : i64, scratch_operands = 0 : i64, tpu.core_type = #tpu.core_type<tc>, window_params = [{transform_indices = @transform_0, window_bounds = array<i64: 512, 256>}, {pipeline_mode = #tpu.pipeline_mode<synchronous>, transform_indices = @transform_1, window_bounds = array<i64: 2, 256>}, {pipeline_mode = #tpu.pipeline_mode<synchronous>, transform_indices = @transform_2, window_bounds = array<i64: 1, 256>}, {pipeline_mode = #tpu.pipeline_mode<synchronous>, transform_indices = @transform_3, window_bounds = array<i64: 1, 256>}, {pipeline_mode = #tpu.pipeline_mode<synchronous>, transform_indices = @transform_4, window_bounds = array<i64: 256, 128>}, {pipeline_mode = #tpu.pipeline_mode<synchronous>, transform_indices = @transform_5, window_bounds = array<i64: 1, 128>}, {transform_indices = @transform_6, window_bounds = array<i64: 512, 128>}, {pipeline_mode = #tpu.pipeline_mode<synchronous>, transform_indices = @transform_7, window_bounds = array<i64: 2, 128>}]} {
    %get3A = arith.constant 0 : index
    %get3A_0 = arith.constant 0 : index
    %get3A_1 = vector.load %arg1[%get3A, %get3A_0] : memref<512x256xf32, #tpu.memory_space<vmem>>, vector<512x256xf32>
    %get3A_2 = arith.constant 0 : index
    %get3A_3 = arith.constant 0 : index
    %get3A_4 = vector.load %arg2[%get3A_2, %get3A_3] : memref<2x256xf32, #tpu.memory_space<vmem>>, vector<2x256xf32>
    %get3A_5 = arith.constant 0 : index
    %get3A_6 = arith.constant 0 : index
    %get3A_7 = vector.load %arg3[%get3A_5, %get3A_6] : memref<1x256xf32, #tpu.memory_space<vmem>>, vector<1x256xf32>
    %get3A_8 = arith.constant 0 : index
    %get3A_9 = arith.constant 0 : index
    %get3A_10 = vector.load %arg4[%get3A_8, %get3A_9] : memref<1x256xf32, #tpu.memory_space<vmem>>, vector<1x256xf32>
    %slice3A = vector.extract_strided_slice %get3A_4 {offsets = [0, 0], sizes = [1, 256], strides = [1, 1]} : vector<2x256xf32> to vector<1x256xf32>
    %mul3A = arith.constant 2.44140625E-4 : f32
    %mul3A_11 = vector.broadcast %mul3A : f32 to vector<1x256xf32>
    %mul3A_12 = arith.mulf %slice3A, %mul3A_11 : vector<1x256xf32>
    %slice3A_13 = vector.extract_strided_slice %get3A_4 {offsets = [1, 0], sizes = [1, 256], strides = [1, 1]} : vector<2x256xf32> to vector<1x256xf32>
    %mul3A_14 = arith.constant 2.44140625E-4 : f32
    %mul3A_15 = vector.broadcast %mul3A_14 : f32 to vector<1x256xf32>
    %mul3A_16 = arith.mulf %slice3A_13, %mul3A_15 : vector<1x256xf32>
    %mul3A_17 = arith.mulf %mul3A_12, %mul3A_12 : vector<1x256xf32>
    %sub3A = arith.subf %mul3A_16, %mul3A_17 : vector<1x256xf32>
    %sub3A_18 = vector.broadcast %mul3A_12 : vector<1x256xf32> to vector<512x256xf32>
    %sub3A_19 = arith.subf %get3A_1, %sub3A_18 : vector<512x256xf32>
    %add3A = arith.constant 9.99999974E-6 : f32
    %add3A_20 = vector.broadcast %add3A : f32 to vector<1x256xf32>
    %add3A_21 = arith.addf %sub3A, %add3A_20 : vector<1x256xf32>
    %sqrt3A = math.sqrt %add3A_21 : vector<1x256xf32>
    %div3A = vector.broadcast %sqrt3A : vector<1x256xf32> to vector<512x256xf32>
    %div3A_22 = arith.divf %sub3A_19, %div3A : vector<512x256xf32>
    %mul3A_23 = vector.broadcast %get3A_7 : vector<1x256xf32> to vector<512x256xf32>
    %mul3A_24 = arith.mulf %div3A_22, %mul3A_23 : vector<512x256xf32>
    %add3A_25 = vector.broadcast %get3A_10 : vector<1x256xf32> to vector<512x256xf32>
    %add3A_26 = arith.addf %mul3A_24, %add3A_25 : vector<512x256xf32>
    %get3A_27 = arith.constant 0 : index
    %get3A_28 = arith.constant 0 : index
    %get3A_29 = vector.load %arg5[%get3A_27, %get3A_28] : memref<256x128xf32, #tpu.memory_space<vmem>>, vector<256x128xf32>
    %dot_general3A = arith.constant dense<0.000000e+00> : vector<512x128xf32>
    %dot_general3A_30 = tpu.matmul %add3A_26, %get3A_29, %dot_general3A {dimension_numbers = #tpu.dot_dimension_numbers<[1], [0], [0], [1], [0, 0, 1, 1], [], []>, transpose_lhs_hint = false} : vector<512x256xf32>, vector<256x128xf32>, vector<512x128xf32> -> vector<512x128xf32>
    %get3A_31 = arith.constant 0 : index
    %get3A_32 = arith.constant 0 : index
    %get3A_33 = vector.load %arg6[%get3A_31, %get3A_32] : memref<1x128xf32, #tpu.memory_space<vmem>>, vector<1x128xf32>
    %add3A_34 = vector.broadcast %get3A_33 : vector<1x128xf32> to vector<512x128xf32>
    %add3A_35 = arith.addf %dot_general3A_30, %add3A_34 : vector<512x128xf32>
    %max3A = arith.constant 0.000000e+00 : f32
    %max3A_36 = vector.broadcast %max3A : f32 to vector<512x128xf32>
    %max3A_37 = arith.maximumf %add3A_35, %max3A_36 : vector<512x128xf32>
    %reduce_sum3A = arith.constant dense<0.000000e+00> : vector<128xf32>
    %reduce_sum3A_38 = vector.multi_reduction <add>, %max3A_37, %reduce_sum3A [0] : vector<512x128xf32> to vector<128xf32>
    %broadcast_in_dim3A = vector.shape_cast %reduce_sum3A_38 : vector<128xf32> to vector<1x128xf32>
    %mul3A_39 = arith.mulf %max3A_37, %max3A_37 : vector<512x128xf32>
    %reduce_sum3A_40 = arith.constant dense<0.000000e+00> : vector<128xf32>
    %reduce_sum3A_41 = vector.multi_reduction <add>, %mul3A_39, %reduce_sum3A_40 [0] : vector<512x128xf32> to vector<128xf32>
    %broadcast_in_dim3A_42 = vector.shape_cast %reduce_sum3A_41 : vector<128xf32> to vector<1x128xf32>
    %concatenate3A = tpu.concatenate %broadcast_in_dim3A, %broadcast_in_dim3A_42 in 0 : vector<1x128xf32>, vector<1x128xf32> -> vector<2x128xf32>
    %eq3A = arith.constant 0 : i32
    %eq3A_43 = arith.cmpi eq, %arg0, %eq3A : i32
    %convert_element_type3A = arith.extui %eq3A_43 : i1 to i32
    %cond3A = arith.constant 0 : i32
    %cond3A_44 = arith.cmpi ne, %convert_element_type3A, %cond3A : i32
    scf.if %cond3A_44 {
      %broadcast_in_dim3A_54 = arith.constant 0.000000e+00 : f32
      %broadcast_in_dim3A_55 = vector.broadcast %broadcast_in_dim3A_54 : f32 to vector<2x128xf32>
      %swap3A_56 = arith.constant 0 : index
      %swap3A_57 = arith.constant 0 : index
      %swap3A_58 = vector.load %arg8[%swap3A_56, %swap3A_57] : memref<2x128xf32, #tpu.memory_space<vmem>>, vector<2x128xf32>
      tpu.vector_store %arg8[%swap3A_56, %swap3A_57], %broadcast_in_dim3A_55 {strides = array<i32>} : memref<2x128xf32, #tpu.memory_space<vmem>>, vector<2x128xf32>,
    } else {
    }
    %get3A_45 = arith.constant 0 : index
    %get3A_46 = arith.constant 0 : index
    %get3A_47 = vector.load %arg8[%get3A_45, %get3A_46] : memref<2x128xf32, #tpu.memory_space<vmem>>, vector<2x128xf32>
    %add3A_48 = arith.addf %get3A_47, %concatenate3A : vector<2x128xf32>
    %swap3A = arith.constant 0 : index
    %swap3A_49 = arith.constant 0 : index
    %swap3A_50 = vector.load %arg8[%swap3A, %swap3A_49] : memref<2x128xf32, #tpu.memory_space<vmem>>, vector<2x128xf32>
    tpu.vector_store %arg8[%swap3A, %swap3A_49], %add3A_48 {strides = array<i32>} : memref<2x128xf32, #tpu.memory_space<vmem>>, vector<2x128xf32>,
    %swap3A_51 = arith.constant 0 : index
    %swap3A_52 = arith.constant 0 : index
    %swap3A_53 = vector.load %arg7[%swap3A_51, %swap3A_52] : memref<512x128xf32, #tpu.memory_space<vmem>>, vector<512x128xf32>
    tpu.vector_store %arg7[%swap3A_51, %swap3A_52], %max3A_37 {strides = array<i32>} : memref<512x128xf32, #tpu.memory_space<vmem>>, vector<512x128xf32>,
    return
  }
  func.func @transform_0(%arg0: i32) -> (i32, i32) {
    %c0_i32 = arith.constant 0 : i32
    %c0_i32_0 = arith.constant 0 : i32
    return %arg0, %c0_i32 : i32, i32
  }
  func.func @transform_1(%arg0: i32) -> (i32, i32) {
    %c0_i32 = arith.constant 0 : i32
    %c0_i32_0 = arith.constant 0 : i32
    %c0_i32_1 = arith.constant 0 : i32
    return %c0_i32, %c0_i32_0 : i32, i32
  }
  func.func @transform_2(%arg0: i32) -> (i32, i32) {
    %c0_i32 = arith.constant 0 : i32
    %c0_i32_0 = arith.constant 0 : i32
    %c0_i32_1 = arith.constant 0 : i32
    return %c0_i32, %c0_i32_0 : i32, i32
  }
  func.func @transform_3(%arg0: i32) -> (i32, i32) {
    %c0_i32 = arith.constant 0 : i32
    %c0_i32_0 = arith.constant 0 : i32
    %c0_i32_1 = arith.constant 0 : i32
    return %c0_i32, %c0_i32_0 : i32, i32
  }
  func.func @transform_4(%arg0: i32) -> (i32, i32) {
    %c0_i32 = arith.constant 0 : i32
    %c0_i32_0 = arith.constant 0 : i32
    %c0_i32_1 = arith.constant 0 : i32
    return %c0_i32, %c0_i32_0 : i32, i32
  }
  func.func @transform_5(%arg0: i32) -> (i32, i32) {
    %c0_i32 = arith.constant 0 : i32
    %c0_i32_0 = arith.constant 0 : i32
    %c0_i32_1 = arith.constant 0 : i32
    return %c0_i32, %c0_i32_0 : i32, i32
  }
  func.func @transform_6(%arg0: i32) -> (i32, i32) {
    %c0_i32 = arith.constant 0 : i32
    %c0_i32_0 = arith.constant 0 : i32
    return %arg0, %c0_i32 : i32, i32
  }
  func.func @transform_7(%arg0: i32) -> (i32, i32) {
    %c0_i32 = arith.constant 0 : i32
    %c0_i32_0 = arith.constant 0 : i32
    %c0_i32_1 = arith.constant 0 : i32
    return %c0_i32, %c0_i32_0 : i32, i32
  }
}

module attributes {stable_mosaic.version = 14 : i64} {
  func.func @_out_body(%arg0: memref<4096x128xf32, #tpu.memory_space<vmem>>, %arg1: memref<2x128xf32, #tpu.memory_space<vmem>>, %arg2: memref<1x128xf32, #tpu.memory_space<vmem>>, %arg3: memref<1x128xf32, #tpu.memory_space<vmem>>, %arg4: memref<128x40xf32, #tpu.memory_space<vmem>>, %arg5: memref<1x40xf32, #tpu.memory_space<vmem>>, %arg6: memref<4096x40xf32, #tpu.memory_space<vmem>>) attributes {dimension_semantics = [], scalar_prefetch = 0 : i64, scratch_operands = 0 : i64, tpu.core_type = #tpu.core_type<tc>} {
    %get3A = arith.constant 0 : index
    %get3A_0 = arith.constant 0 : index
    %get3A_1 = vector.load %arg0[%get3A, %get3A_0] : memref<4096x128xf32, #tpu.memory_space<vmem>>, vector<4096x128xf32>
    %get3A_2 = arith.constant 0 : index
    %get3A_3 = arith.constant 0 : index
    %get3A_4 = vector.load %arg1[%get3A_2, %get3A_3] : memref<2x128xf32, #tpu.memory_space<vmem>>, vector<2x128xf32>
    %get3A_5 = arith.constant 0 : index
    %get3A_6 = arith.constant 0 : index
    %get3A_7 = vector.load %arg2[%get3A_5, %get3A_6] : memref<1x128xf32, #tpu.memory_space<vmem>>, vector<1x128xf32>
    %get3A_8 = arith.constant 0 : index
    %get3A_9 = arith.constant 0 : index
    %get3A_10 = vector.load %arg3[%get3A_8, %get3A_9] : memref<1x128xf32, #tpu.memory_space<vmem>>, vector<1x128xf32>
    %slice3A = vector.extract_strided_slice %get3A_4 {offsets = [0, 0], sizes = [1, 128], strides = [1, 1]} : vector<2x128xf32> to vector<1x128xf32>
    %mul3A = arith.constant 2.44140625E-4 : f32
    %mul3A_11 = vector.broadcast %mul3A : f32 to vector<1x128xf32>
    %mul3A_12 = arith.mulf %slice3A, %mul3A_11 : vector<1x128xf32>
    %slice3A_13 = vector.extract_strided_slice %get3A_4 {offsets = [1, 0], sizes = [1, 128], strides = [1, 1]} : vector<2x128xf32> to vector<1x128xf32>
    %mul3A_14 = arith.constant 2.44140625E-4 : f32
    %mul3A_15 = vector.broadcast %mul3A_14 : f32 to vector<1x128xf32>
    %mul3A_16 = arith.mulf %slice3A_13, %mul3A_15 : vector<1x128xf32>
    %mul3A_17 = arith.mulf %mul3A_12, %mul3A_12 : vector<1x128xf32>
    %sub3A = arith.subf %mul3A_16, %mul3A_17 : vector<1x128xf32>
    %sub3A_18 = vector.broadcast %mul3A_12 : vector<1x128xf32> to vector<4096x128xf32>
    %sub3A_19 = arith.subf %get3A_1, %sub3A_18 : vector<4096x128xf32>
    %add3A = arith.constant 9.99999974E-6 : f32
    %add3A_20 = vector.broadcast %add3A : f32 to vector<1x128xf32>
    %add3A_21 = arith.addf %sub3A, %add3A_20 : vector<1x128xf32>
    %sqrt3A = math.sqrt %add3A_21 : vector<1x128xf32>
    %div3A = vector.broadcast %sqrt3A : vector<1x128xf32> to vector<4096x128xf32>
    %div3A_22 = arith.divf %sub3A_19, %div3A : vector<4096x128xf32>
    %mul3A_23 = vector.broadcast %get3A_7 : vector<1x128xf32> to vector<4096x128xf32>
    %mul3A_24 = arith.mulf %div3A_22, %mul3A_23 : vector<4096x128xf32>
    %add3A_25 = vector.broadcast %get3A_10 : vector<1x128xf32> to vector<4096x128xf32>
    %add3A_26 = arith.addf %mul3A_24, %add3A_25 : vector<4096x128xf32>
    %get3A_27 = arith.constant 0 : index
    %get3A_28 = arith.constant 0 : index
    %get3A_29 = vector.load %arg4[%get3A_27, %get3A_28] : memref<128x40xf32, #tpu.memory_space<vmem>>, vector<128x40xf32>
    %dot_general3A = arith.constant dense<0.000000e+00> : vector<4096x40xf32>
    %dot_general3A_30 = tpu.matmul %add3A_26, %get3A_29, %dot_general3A {dimension_numbers = #tpu.dot_dimension_numbers<[1], [0], [0], [1], [0, 0, 1, 1], [], []>, transpose_lhs_hint = false} : vector<4096x128xf32>, vector<128x40xf32>, vector<4096x40xf32> -> vector<4096x40xf32>
    %get3A_31 = arith.constant 0 : index
    %get3A_32 = arith.constant 0 : index
    %get3A_33 = vector.load %arg5[%get3A_31, %get3A_32] : memref<1x40xf32, #tpu.memory_space<vmem>>, vector<1x40xf32>
    %add3A_34 = vector.broadcast %get3A_33 : vector<1x40xf32> to vector<4096x40xf32>
    %add3A_35 = arith.addf %dot_general3A_30, %add3A_34 : vector<4096x40xf32>
    %reduce_max3A = arith.constant dense<0xFF800000> : vector<4096xf32>
    %reduce_max3A_36 = vector.multi_reduction <maximumf>, %add3A_35, %reduce_max3A [1] : vector<4096x40xf32> to vector<4096xf32>
    %broadcast_in_dim3A = vector.shape_cast %reduce_max3A_36 : vector<4096xf32> to vector<4096x1xf32>
    %sub3A_37 = vector.broadcast %broadcast_in_dim3A : vector<4096x1xf32> to vector<4096x40xf32>
    %sub3A_38 = arith.subf %add3A_35, %sub3A_37 : vector<4096x40xf32>
    %exp3A = math.exp %sub3A_38 : vector<4096x40xf32>
    %reduce_sum3A = arith.constant dense<0.000000e+00> : vector<4096xf32>
    %reduce_sum3A_39 = vector.multi_reduction <add>, %exp3A, %reduce_sum3A [1] : vector<4096x40xf32> to vector<4096xf32>
    %broadcast_in_dim3A_40 = vector.shape_cast %reduce_sum3A_39 : vector<4096xf32> to vector<4096x1xf32>
    %log3A = math.log %broadcast_in_dim3A_40 : vector<4096x1xf32>
    %sub3A_41 = vector.broadcast %broadcast_in_dim3A : vector<4096x1xf32> to vector<4096x40xf32>
    %sub3A_42 = arith.subf %add3A_35, %sub3A_41 : vector<4096x40xf32>
    %sub3A_43 = vector.broadcast %log3A : vector<4096x1xf32> to vector<4096x40xf32>
    %sub3A_44 = arith.subf %sub3A_42, %sub3A_43 : vector<4096x40xf32>
    %swap3A = arith.constant 0 : index
    %swap3A_45 = arith.constant 0 : index
    %swap3A_46 = vector.load %arg6[%swap3A, %swap3A_45] : memref<4096x40xf32, #tpu.memory_space<vmem>>, vector<4096x40xf32>
    tpu.vector_store %arg6[%swap3A, %swap3A_45], %sub3A_44 {strides = array<i32>} : memref<4096x40xf32, #tpu.memory_space<vmem>>, vector<4096x40xf32>,
    return
  }
}

</mosaic_0001>

<sc_bundles>
// kernel: kernel.22.cloned.1.call-start
scs
__scs_entry_jumppad:
0x0: {  	(pc) =	sbr.rel $0x88, $3  }
0x1: {  	(tag) =	ssettag $0x0;
	lr =	simm.s32 $0x1  }
0x2: {  	[smem:$0x3F78] =	sst lr;
	_ =	strace $0xD0000000  }
0x3: {  	_ = 	snop  }
0x4: {  	_ = 	snop  }
0x5: {  	_ = 	snop  }
0x6: {  	_ = 	snop  }
0x7: {  	_ = 	snop  }
__scs_overlays_trampoline_lowered:
0x8: {  	[smem:$0x3F87] =	sst s0  }
0x9: {  	[smem:$0x3F88] =	sst s1  }
0xa: {  	[smem:$0x3F89] =	sst s2  }
0xb: {  	[smem:$0x3F8A] =	sst s3  }
0xc: {  	[smem:$0x3F8B] =	sst s4  }
0xd: {  	[smem:$0x3F8C] =	sst s5  }
0xe: {  	[smem:$0x3F8D] =	sst s6  }
0xf: {  	[smem:$0x3F8E] =	sst s7  }
0x10: {  	[smem:$0x3F8F] =	sst s8  }
0x11: {  	[smem:$0x3F90] =	sst s9;
	s0 =	simm.s32 @!p0 $0x0  }
0x12: {  	s1 =	sld [smem:$0x3F76];
	s0 =	simm.s32 @p0 $0x1  }
0x13: {  	[smem:$0x3F91] =	sst s0;
	s0 =	simm.s32 @!p1 $0x0  }
0x14: {  	s2 =	sld [smem:$0x3F75];
	s0 =	simm.s32 @p1 $0x1  }
0x15: {  	[smem:$0x3F92] =	sst s0;
	s0 =	simm.s32 @!p2 $0x0  }
0x16: {  	s3 =	sld [smem:$0x3FDB];
	s0 =	simm.s32 @p2 $0x1  }
0x17: {  	s4 =	simm.s32 $0x1BF5;
	[smem:$0x3F94] =	sst s0  }
0x18: {  	s0 =	sld [smem:$0x3F77];
	_ =	swait.ge [sflag:s4], $0x0  }
0x19: {  	s7 =	sld [smem:$0x3F78]  }
0x1a: {  	s8 =	sadd.s32 $0xFFFFE003, lr  }
0x1b: {  	s9 =	sadd.s32 $0xFFFFFEF7, lr;
	s5 =	simm.s32 $0xFFFFFFFF;
	p2 =	slt.u32 s8, $0xFFFFF086  }
0x1c: {  	p1 =	slt.u32 s9, $0xF7A;
	s5 =	simm.s32 @!p2 $0x0  }
0x1d: {  	s5 =	simm.s32 @p1 $0x1;
	p0 =	seq.s32 s7, s2  }
0x1e: {  	s7 =	smul.u32 @!p0 $0xF7A, s2;
	p2 =	seq.s32 @!p0 s5, $0x0  }
0x1f: {  	s9 =	smul.u32 $0xF7A, s1;
	s8 =	simm.s32 @!p0 $0x1BF5;
	p2 =	por !p2, p0  }
0x20: {  	[sflag:s8] =	ssyncset.s32 @!p0 $0xFFFFF086;
	s6 =	sadd.s32 @!p0 s3, s7;
	s7 =	simm.s32 @!p0 $0x108  }
0x21: {  	s3 =	sadd.s32 s3, s9;
	s6 =	sadd.s32 @!p0 $0x88, s6;
	s7 =	simm.s32 @p2 $0x1082  }
0x22: {  	[simem:s7], [sflag:s8] =	dma.local @!p0 [hbm:s6], $0xF7A  }
0x23: {  	s9 =	sor.u32 $0xD0000000, s2;
	s6 =	simm.s32 $0x108;
	_ =	swait.ge @!p0 [sflag:s8], $0x0  }
0x24: {  	s3 =	sadd.s32 $0x88, s3;
	s6 =	simm.s32 @!p1 $0x1082;
	[sflag:s4] =	ssyncset.s32 $0xFFFFF086  }
0x25: {  	[simem:s6], [sflag:s4] =	dma.local [hbm:s3], $0xF7A  }
0x26: {  	[smem:$0x3F78] =	sst s1;
	(tag) =	ssettag s2;
	_ =	strace s9  }
0x27: {  	s1 =	sld [smem:$0x3F88]  }
0x28: {  	s2 =	sld [smem:$0x3F89]  }
0x29: {  	s4 =	sld [smem:$0x3F8B]  }
0x2a: {  	p0 =	seq.s32 s5, $0x0;
	s5 =	sld [smem:$0x3F8C]  }
0x2b: {  	s6 =	sld [smem:$0x3F8D]  }
0x2c: {  	s7 =	sld [smem:$0x3F8E]  }
0x2d: {  	s3 =	simm.s32 $0x108;
	s8 =	sld [smem:$0x3F8F]  }
0x2e: {  	s3 =	simm.s32 @!p0 $0x1082;
	s9 =	sld [smem:$0x3F90]  }
0x2f: {  	lr =	sadd.s32 s0, s3;
	s0 =	sld [smem:$0x3F87]  }
0x30: {  	s3 =	sld [smem:$0x3F8A]  }
0x31: {  	[smem:$0x3F93] =	sst s10  }
0x32: {  	s10 =	sld [smem:$0x3F91];
	_ =	sdelay $0x3  }
0x33: {  	p0 =	seq.s32 s10, $0x1;
	s10 =	sld [smem:$0x3F93];
	_ =	sdelay $0x3  }
0x34: {  	[smem:$0x3F93] =	sst s10  }
0x35: {  	s10 =	sld [smem:$0x3F92];
	_ =	sdelay $0x3  }
0x36: {  	p1 =	seq.s32 s10, $0x1;
	s10 =	sld [smem:$0x3F93];
	_ =	sdelay $0x3  }
0x37: {  	[smem:$0x3F93] =	sst s10  }
0x38: {  	s10 =	sld [smem:$0x3F94]  }
0x39: {  	_ = 	snop;
	(pc) =	sbr.ind lr, $3  }
0x3a: {  	_ = 	snop  }
0x3b: {  	_ = 	snop  }
0x3c: {  	p2 =	seq.s32 s10, $0x1;
	s10 =	sld [smem:$0x3F93]  }
0x3d: {  	_ =	shalt  }
0x3e: {  	_ =	shalt  }
0x3f: {  	_ =	shalt  }
0x40: {  	_ =	shalt  }
0x41: {  	_ =	shalt  }
0x42: {  	_ =	shalt  }
0x43: {  	_ =	shalt  }
0x44: {  	_ =	shalt  }
0x45: {  	_ =	shalt  }
0x46: {  	_ =	shalt  }
0x47: {  	_ =	shalt  }
0x48: {  	_ =	shalt  }
0x49: {  	_ =	shalt  }
0x4a: {  	_ =	shalt  }
0x4b: {  	_ =	shalt  }
0x4c: {  	_ =	shalt  }
0x4d: {  	_ =	shalt  }
0x4e: {  	_ =	shalt  }
0x4f: {  	_ =	shalt  }
0x50: {  	_ =	shalt  }
0x51: {  	_ =	shalt  }
0x52: {  	_ =	shalt  }
0x53: {  	_ =	shalt  }
0x54: {  	_ =	shalt  }
0x55: {  	_ =	shalt  }
0x56: {  	_ =	shalt  }
0x57: {  	_ =	shalt  }
0x58: {  	_ =	shalt  }
0x59: {  	_ =	shalt  }
0x5a: {  	_ =	shalt  }
0x5b: {  	_ =	shalt  }
0x5c: {  	_ =	shalt  }
0x5d: {  	_ =	shalt  }
0x5e: {  	_ =	shalt  }
0x5f: {  	_ =	shalt  }
0x60: {  	_ =	shalt  }
0x61: {  	_ =	shalt  }
0x62: {  	_ =	shalt  }
0x63: {  	_ =	shalt  }
0x64: {  	_ =	shalt  }
0x65: {  	_ =	shalt  }
0x66: {  	_ =	shalt  }
0x67: {  	_ =	shalt  }
0x68: {  	_ =	shalt  }
0x69: {  	_ =	shalt  }
0x6a: {  	_ =	shalt  }
0x6b: {  	_ =	shalt  }
0x6c: {  	_ =	shalt  }
0x6d: {  	_ =	shalt  }
0x6e: {  	_ =	shalt  }
0x6f: {  	_ =	shalt  }
0x70: {  	_ =	shalt  }
0x71: {  	_ =	shalt  }
0x72: {  	_ =	shalt  }
0x73: {  	_ =	shalt  }
0x74: {  	_ =	shalt  }
0x75: {  	_ =	shalt  }
0x76: {  	_ =	shalt  }
0x77: {  	_ =	shalt  }
0x78: {  	_ =	shalt  }
0x79: {  	_ =	shalt  }
0x7a: {  	_ =	shalt  }
0x7b: {  	_ =	shalt  }
0x7c: {  	_ =	shalt  }
0x7d: {  	_ =	shalt  }
0x7e: {  	_ =	shalt  }
0x7f: {  	_ =	shalt  }
0x80: {  	_ =	shalt  }
0x81: {  	_ =	shalt  }
0x82: {  	_ =	shalt  }
0x83: {  	_ =	shalt  }
0x84: {  	_ =	shalt  }
0x85: {  	_ =	shalt  }
0x86: {  	_ =	shalt  }
0x87: {  	_ =	shalt  }
.Lfunc_end0:
.L_simem_size_0:
called_computation_lowered:
.L_overlay_start_0:
0x88: {  	s2 =	sld [smem:$0x3FD9]  }
0x89: {  	s3 =	sld [smem:$0x3FFE];
	_ =	sdelay $0x1  }
0x8a: {  	s1 =	srdreg.scid  }
0x8b: {  	s0 =	sand.u32 $0x1, s1  }
0x8c: {  	s17 =	sshll.u32 s0, $0xA;
	s2 =	sadd.s32 s3, s2  }
0x8d: {  	s2 =	sadd.s32 s2, s17  }
0x8e: {  	[smem:$0x3F9F] =	sst s2  }
0x8f: {  	_ = 	snop  }
0x90: {  	s2 =	sld [smem:$0x3FD0];
	(tm) =	ssettm $0x1  }
0x91: {  	s18 =	sld [smem:$0x3FFB];
	_ =	sdelay $0x3  }
0x92: {  	_ =	strace s18  }
0x93: {  	s3 =	sld [smem:$0x3FFC];
	_ =	sdelay $0x3  }
0x94: {  	_ =	strace s3  }
0x95: {  	s3 =	sld [smem:$0x3FFD];
	_ =	sdelay $0x3  }
0x96: {  	_ =	strace s3  }
0x97: {  	_ =	strace $0x8FFFFFFF  }
0x98: {  	s19 =	sld [smem:$0x3FDB];
	_ =	sdelay $0x1  }
0x99: {  	s4 =	simm.s32 $_scs_section_size  }
0x9a: {  	s5 =	simm.s32 $_size__tile_overlayer_lowered;
	s6 =	simm.s32 $_tile_overlayer_lowered  }
0x9b: {  	s22 =	simm.s32 $0x1BFF;
	s21 =	sshll.u32 s6, $0x1;
	s3 =	sadd.s32 s4, s19  }
0x9c: {  	s7 =	simm.s32 $0x0;
	s20 =	sshll.u32 s5, $0x1;
	s5 =	sadd.s32 s21, s3  }
0x9d: {  	[timem:s7], [sflag:s22] =	dma.local [hbm:s5], s20  }
0x9e: {  	_ =	swait.ge [sflag:s22], s20  }
0x9f: {  	s4 =	ssub.s32 $0x0, s20;
	[sflag:s22] =	ssyncset.done $0x0  }
0xa0: {  	[sflag:s22] =	ssyncadd.s32 s4;
	_ =	sdelay $0x1  }
0xa1: {  	s23 =	simm.s32 $0x1B8B  }
0xa2: {  	_ =	swait.ge [sflag:s23], $0x1  }
0xa3: {  	[sflag:s23] =	ssyncset.done $0x0  }
0xa4: {  	s25 =	simm.s32 $0x1B8E;
	s24 =	sld [smem:$0x3FFE];
	[sflag:s23] =	ssyncadd.s32 $0xFFFFFFFF  }
0xa5: {  	s26 =	simm.s32 $execute0_lowered;
	[smem:$0x3FD2] =	sst s25  }
0xa6: {  	s5 =	sshll.u32 s26, $0x1;
	_ =	strace $0x80000046;
	[dreg:$0x1] =	wrdreg $0xFFFFFFFF  }
0xa7: {  	s28 =	simm.s32 $_size_execute0_lowered;
	s3 =	sadd.s32 s3, s5;
	[dreg:$0x0] =	wrdreg $0x0  }
0xa8: {  	s5 =	sshll.u32 s28, $0x1;
	[dreg:$0x2] =	wrdreg s3  }
0xa9: {  	[dreg:$0x3] =	wrdreg s5  }
0xaa: {  	[dreg:$0x4] =	wrdreg $0xC0  }
0xab: {  	_ =	task [dreg:s7], $0x5FFFF  }
0xac: {  	[dreg:$0x1] =	wrdreg $0xFFFFFFFF  }
0xad: {  	[dreg:$0x0] =	wrdreg $0x60  }
0xae: {  	[dreg:$0x2] =	wrdreg s24  }
0xaf: {  	[dreg:$0x3] =	wrdreg s2  }
0xb0: {  	[dreg:$0x4] =	wrdreg $0x9  }
0xb1: {  	_ =	task.clear_ibuf [dreg:s7], $0x5FFFF;
	_ =	strace $0x90000046  }
0xb2: {  	s29 =	simm.s32 $0x9;
	_ =	strace $0x80000048  }
0xb3: {  	_ =	swait.ge [sflag:s29], $0x1  }
0xb4: {  	[sflag:s29] =	ssyncadd.s32 $0xFFFFFFFF  }
0xb5: {  	_ =	strace $0x90000048  }
0xb6: {  	_ =	sfence  }
0xb7: {  	s30 =	sld [smem:$0x0];
	_ =	sdelay $0x2  }
0xb8: {  	s31 =	sshll.u32 s1, $0xD;
	s1 =	sshrl.u32 s1, $0x2  }
0xb9: {  	s3 =	sand.u32 $0x4000, s31;
	s1 =	sadd.s32 s1, s30  }
0xba: {  	s0 =	sor.u32 s3, s0;
	s1 =	sshll.u32 s1, $0x11  }
0xbb: {  	s0 =	sor.u32 s1, s0  }
0xbc: {  	s0 =	sadd.s32 $0x8F2B, s0  }
0xbd: {  	[sflag:s0] =	ssyncadd.remote.s32 $0x1  }
0xbe: {  	_ =	sfence.sel $0xFFFF  }
0xbf: {  	[dreg:$0x0] =	wrdreg $0xFFFFFFFF;
	(pc) =	sbr.abs _section_cstart, $3  }
0xc0: {  	[dreg:$0x1] =	wrdreg $0xFFFFFFFF  }
0xc1: {  	_ =	task.clear_ibuf [dreg:s7], $0x2FFFF;
	_ =	strace $0x9FFFFFFF  }
0xc2: {  	(tm) =	ssettm $0x7FFFFFFF  }
0xc3: {  	_ =	shalt  }
tec
execute0_lowered:
.L_overlay_start_1:
0x0: {  	(tag) =	ssettag $0x1  }
0x1: {  	s1 =	srdreg.scid;
	s0 =	stileid.u32  }
0x2: {  	s4 =	rddreg [dreg:$0x0];
	s1 =	sand.u32 $0x1, s1;
	s5 =	sshll.u32 s0, $0x1  }
0x3: {  	s3 =	rddreg [dreg:$0x1];
	s5 =	sor.u32 s1, s5  }
0x4: {  	s2 =	simm.s32 $0x0;
	s6 =	sshll.u32 s5, $0xE;
	s5 =	sshll.u32 s5, $0x8  }
0x5: {  	[smem:$0x7FF] =	sst s2;
	s31 =	sadd.s32 s6, s4;
	s3 =	sadd.s32 s3, s5  }
0x6: {  	_ =	strace $0x80000047;
	[dreg:$0x3] =	wrdreg s3;
	s18 =	sadd.s32 $0xE800, s31  }
0x7: {  	s19 =	sadd.s32 $0xEC00, s31;
	[dreg:$0x4] =	wrdreg s18  }
0x8: {  	s20 =	sadd.s32 $0xF000, s31;
	[dreg:$0x5] =	wrdreg s19  }
0x9: {  	s21 =	sadd.s32 $0xF400, s31;
	[dreg:$0x6] =	wrdreg s20  }
0xa: {  	s22 =	sadd.s32 $0xF800, s31;
	[dreg:$0x7] =	wrdreg s21  }
0xb: {  	[dreg:$0x8] =	wrdreg s22  }
0xc: {  	s23 =	sadd.s32 $0xFC00, s31;
	s24 =	rddreg [dreg:$0x3]  }
0xd: {  	s25 =	sadd.s32 $0x10000, s31;
	[dreg:$0x9] =	wrdreg s23  }
0xe: {  	s3 =	simm.s32 $0x2;
	[dreg:$0xa] =	wrdreg s25  }
0xf: {  	[tilespmem:s2], [sflag:$0x2] =	stream.linear.gather [hbm4b:s24+s2], $0x800, $0x38;
	[tilespmem:$0x2800] =	vst v63  }
0x10: {  	_ =	swait.ge [sflag:s3], $0x800  }
0x11: {  	s7 =	simm.s32 $0x1;
	s4 =	sadd.s32 $0x6800, s4;
	[sflag:s3] =	ssyncset.done $0x0  }
0x12: {  	s5 =	simm.s32 $0x80;
	s6 =	simm.s32 $0x800;
	[sflag:s3] =	ssyncadd.s32 $0xFFFFF800  }
0x13: {  	[tilespmem:s6], [sflag:$0x1] =	stream.indirect.gather [hbm4b:s4+s5], $0x40, s2, s5, $0xb8;
	[tilespmem:$0x2800] =	vst v63  }
0x14: {  	_ =	swait.ge [sflag:s7], $0x2000  }
0x15: {  	[sflag:s7] =	ssyncset.done $0x0  }
0x16: {  	s8 =	rddreg [dreg:$0x4];
	[sflag:s7] =	ssyncadd.s32 $0xFFFFE000  }
0x17: {  	[hbm4b:s8+s2] =	stream.linear.scatter [tilespmem:s6], [sflag:$0x2], $0x2000, $0x38;
	[tilespmem:$0x2800] =	vst v63  }
0x18: {  	_ =	swait.ge [sflag:s3], $0x2000  }
0x19: {  	[sflag:s3] =	ssyncset.done $0x0  }
0x1a: {  	[sflag:s3] =	ssyncadd.s32 $0xFFFFE000  }
0x1b: {  	[tilespmem:s6], [sflag:$0x1] =	stream.indirect.gather [hbm4b:s4+s5], $0x40, s5, s5, $0xb8;
	[tilespmem:$0x2800] =	vst v63  }
0x1c: {  	_ =	swait.ge [sflag:s7], $0x2000  }
0x1d: {  	[sflag:s7] =	ssyncset.done $0x0  }
0x1e: {  	s26 =	rddreg [dreg:$0x5];
	[sflag:s7] =	ssyncadd.s32 $0xFFFFE000  }
0x1f: {  	[hbm4b:s26+s2] =	stream.linear.scatter [tilespmem:s6], [sflag:$0x2], $0x2000, $0x38;
	[tilespmem:$0x2800] =	vst v63  }
0x20: {  	_ =	swait.ge [sflag:s3], $0x2000  }
0x21: {  	[sflag:s3] =	ssyncset.done $0x0  }
0x22: {  	s8 =	simm.s32 $0x100;
	[sflag:s3] =	ssyncadd.s32 $0xFFFFE000  }
0x23: {  	[tilespmem:s6], [sflag:$0x1] =	stream.indirect.gather [hbm4b:s4+s5], $0x40, s8, s5, $0xb8;
	[tilespmem:$0x2800] =	vst v63  }
0x24: {  	_ =	swait.ge [sflag:s7], $0x2000  }
0x25: {  	[sflag:s7] =	ssyncset.done $0x0  }
0x26: {  	s9 =	rddreg [dreg:$0x6];
	[sflag:s7] =	ssyncadd.s32 $0xFFFFE000  }
0x27: {  	[hbm4b:s9+s2] =	stream.linear.scatter [tilespmem:s6], [sflag:$0x2], $0x2000, $0x38;
	[tilespmem:$0x2800] =	vst v63  }
0x28: {  	_ =	swait.ge [sflag:s3], $0x2000  }
0x29: {  	[sflag:s3] =	ssyncset.done $0x0  }
0x2a: {  	s9 =	simm.s32 $0x180;
	[sflag:s3] =	ssyncadd.s32 $0xFFFFE000  }
0x2b: {  	[tilespmem:s6], [sflag:$0x1] =	stream.indirect.gather [hbm4b:s4+s5], $0x40, s9, s5, $0xb8;
	[tilespmem:$0x2800] =	vst v63  }
0x2c: {  	_ =	swait.ge [sflag:s7], $0x2000  }
0x2d: {  	[sflag:s7] =	ssyncset.done $0x0  }
0x2e: {  	s10 =	rddreg [dreg:$0x7];
	[sflag:s7] =	ssyncadd.s32 $0xFFFFE000  }
0x2f: {  	[hbm4b:s10+s2] =	stream.linear.scatter [tilespmem:s6], [sflag:$0x2], $0x2000, $0x38;
	[tilespmem:$0x2800] =	vst v63  }
0x30: {  	_ =	swait.ge [sflag:s3], $0x2000  }
0x31: {  	[sflag:s3] =	ssyncset.done $0x0  }
0x32: {  	s10 =	simm.s32 $0x200;
	[sflag:s3] =	ssyncadd.s32 $0xFFFFE000  }
0x33: {  	[tilespmem:s6], [sflag:$0x1] =	stream.indirect.gather [hbm4b:s4+s5], $0x40, s10, s5, $0xb8;
	[tilespmem:$0x2800] =	vst v63  }
0x34: {  	_ =	swait.ge [sflag:s7], $0x2000  }
0x35: {  	[sflag:s7] =	ssyncset.done $0x0  }
0x36: {  	s11 =	rddreg [dreg:$0x8];
	[sflag:s7] =	ssyncadd.s32 $0xFFFFE000  }
0x37: {  	[hbm4b:s11+s2] =	stream.linear.scatter [tilespmem:s6], [sflag:$0x2], $0x2000, $0x38;
	[tilespmem:$0x2800] =	vst v63  }
0x38: {  	_ =	swait.ge [sflag:s3], $0x2000  }
0x39: {  	[sflag:s3] =	ssyncset.done $0x0  }
0x3a: {  	s11 =	simm.s32 $0x280;
	[sflag:s3] =	ssyncadd.s32 $0xFFFFE000  }
0x3b: {  	[tilespmem:s6], [sflag:$0x1] =	stream.indirect.gather [hbm4b:s4+s5], $0x40, s11, s5, $0xb8;
	[tilespmem:$0x2800] =	vst v63  }
0x3c: {  	_ =	swait.ge [sflag:s7], $0x2000  }
0x3d: {  	[sflag:s7] =	ssyncset.done $0x0  }
0x3e: {  	s12 =	rddreg [dreg:$0x9];
	[sflag:s7] =	ssyncadd.s32 $0xFFFFE000  }
0x3f: {  	[hbm4b:s12+s2] =	stream.linear.scatter [tilespmem:s6], [sflag:$0x2], $0x2000, $0x38;
	[tilespmem:$0x2800] =	vst v63  }
0x40: {  	_ =	swait.ge [sflag:s3], $0x2000  }
0x41: {  	[sflag:s3] =	ssyncset.done $0x0  }
0x42: {  	s12 =	simm.s32 $0x300;
	[sflag:s3] =	ssyncadd.s32 $0xFFFFE000  }
0x43: {  	[tilespmem:s6], [sflag:$0x1] =	stream.indirect.gather [hbm4b:s4+s5], $0x40, s12, s5, $0xb8;
	[tilespmem:$0x2800] =	vst v63  }
0x44: {  	_ =	swait.ge [sflag:s7], $0x2000  }
0x45: {  	[sflag:s7] =	ssyncset.done $0x0  }
0x46: {  	s13 =	rddreg [dreg:$0xa];
	[sflag:s7] =	ssyncadd.s32 $0xFFFFE000  }
0x47: {  	[hbm4b:s13+s2] =	stream.linear.scatter [tilespmem:s6], [sflag:$0x2], $0x2000, $0x38;
	[tilespmem:$0x2800] =	vst v63  }
0x48: {  	_ =	swait.ge [sflag:s3], $0x2000  }
0x49: {  	[sflag:s3] =	ssyncset.done $0x0  }
0x4a: {  	s13 =	simm.s32 $0x380;
	[sflag:s3] =	ssyncadd.s32 $0xFFFFE000  }
0x4b: {  	[tilespmem:s6], [sflag:$0x1] =	stream.indirect.gather [hbm4b:s4+s5], $0x40, s13, s5, $0xb8;
	[tilespmem:$0x2800] =	vst v63  }
0x4c: {  	_ =	swait.ge [sflag:s7], $0x2000  }
0x4d: {  	[sflag:s7] =	ssyncset.done $0x0  }
0x4e: {  	s14 =	sadd.s32 $0x10400, s31;
	[sflag:s7] =	ssyncadd.s32 $0xFFFFE000  }
0x4f: {  	[hbm4b:s14+s2] =	stream.linear.scatter [tilespmem:s6], [sflag:$0x2], $0x2000, $0x38;
	[tilespmem:$0x2800] =	vst v63  }
0x50: {  	_ =	swait.ge [sflag:s3], $0x2000  }
0x51: {  	[sflag:s3] =	ssyncset.done $0x0  }
0x52: {  	s15 =	simm.s32 $0x400;
	[sflag:s3] =	ssyncadd.s32 $0xFFFFE000  }
0x53: {  	[tilespmem:s6], [sflag:$0x1] =	stream.indirect.gather [hbm4b:s4+s5], $0x40, s15, s5, $0xb8;
	[tilespmem:$0x2800] =	vst v63  }
0x54: {  	_ =	swait.ge [sflag:s7], $0x2000  }
0x55: {  	[sflag:s7] =	ssyncset.done $0x0  }
0x56: {  	s16 =	sadd.s32 $0x10800, s31;
	[sflag:s7] =	ssyncadd.s32 $0xFFFFE000  }
0x57: {  	[hbm4b:s16+s2] =	stream.linear.scatter [tilespmem:s6], [sflag:$0x2], $0x2000, $0x38;
	[tilespmem:$0x2800] =	vst v63  }
0x58: {  	_ =	swait.ge [sflag:s3], $0x2000  }
0x59: {  	[sflag:s3] =	ssyncset.done $0x0  }
0x5a: {  	s17 =	simm.s32 $0x480;
	[sflag:s3] =	ssyncadd.s32 $0xFFFFE000  }
0x5b: {  	[tilespmem:s6], [sflag:$0x1] =	stream.indirect.gather [hbm4b:s4+s5], $0x40, s17, s5, $0xb8;
	[tilespmem:$0x2800] =	vst v63  }
0x5c: {  	_ =	swait.ge [sflag:s7], $0x2000  }
0x5d: {  	[sflag:s7] =	ssyncset.done $0x0  }
0x5e: {  	s18 =	sadd.s32 $0x10C00, s31;
	[sflag:s7] =	ssyncadd.s32 $0xFFFFE000  }
0x5f: {  	[hbm4b:s18+s2] =	stream.linear.scatter [tilespmem:s6], [sflag:$0x2], $0x2000, $0x38;
	[tilespmem:$0x2800] =	vst v63  }
0x60: {  	_ =	swait.ge [sflag:s3], $0x2000  }
0x61: {  	[sflag:s3] =	ssyncset.done $0x0  }
0x62: {  	s19 =	simm.s32 $0x500;
	[sflag:s3] =	ssyncadd.s32 $0xFFFFE000  }
0x63: {  	[tilespmem:s6], [sflag:$0x1] =	stream.indirect.gather [hbm4b:s4+s5], $0x40, s19, s5, $0xb8;
	[tilespmem:$0x2800] =	vst v63  }
0x64: {  	_ =	swait.ge [sflag:s7], $0x2000  }
0x65: {  	[sflag:s7] =	ssyncset.done $0x0  }
0x66: {  	s20 =	sadd.s32 $0x11000, s31;
	[sflag:s7] =	ssyncadd.s32 $0xFFFFE000  }
0x67: {  	[hbm4b:s20+s2] =	stream.linear.scatter [tilespmem:s6], [sflag:$0x2], $0x2000, $0x38;
	[tilespmem:$0x2800] =	vst v63  }
0x68: {  	_ =	swait.ge [sflag:s3], $0x2000  }
0x69: {  	[sflag:s3] =	ssyncset.done $0x0  }
0x6a: {  	s21 =	simm.s32 $0x580;
	[sflag:s3] =	ssyncadd.s32 $0xFFFFE000  }
0x6b: {  	[tilespmem:s6], [sflag:$0x1] =	stream.indirect.gather [hbm4b:s4+s5], $0x40, s21, s5, $0xb8;
	[tilespmem:$0x2800] =	vst v63  }
0x6c: {  	_ =	swait.ge [sflag:s7], $0x2000  }
0x6d: {  	[sflag:s7] =	ssyncset.done $0x0  }
0x6e: {  	s22 =	sadd.s32 $0x11400, s31;
	[sflag:s7] =	ssyncadd.s32 $0xFFFFE000  }
0x6f: {  	[hbm4b:s22+s2] =	stream.linear.scatter [tilespmem:s6], [sflag:$0x2], $0x2000, $0x38;
	[tilespmem:$0x2800] =	vst v63  }
0x70: {  	_ =	swait.ge [sflag:s3], $0x2000  }
0x71: {  	[sflag:s3] =	ssyncset.done $0x0  }
0x72: {  	s23 =	simm.s32 $0x600;
	[sflag:s3] =	ssyncadd.s32 $0xFFFFE000  }
0x73: {  	[tilespmem:s6], [sflag:$0x1] =	stream.indirect.gather [hbm4b:s4+s5], $0x40, s23, s5, $0xb8;
	[tilespmem:$0x2800] =	vst v63  }
0x74: {  	_ =	swait.ge [sflag:s7], $0x2000  }
0x75: {  	[sflag:s7] =	ssyncset.done $0x0  }
0x76: {  	s24 =	sadd.s32 $0x11800, s31;
	[sflag:s7] =	ssyncadd.s32 $0xFFFFE000  }
0x77: {  	[hbm4b:s24+s2] =	stream.linear.scatter [tilespmem:s6], [sflag:$0x2], $0x2000, $0x38;
	[tilespmem:$0x2800] =	vst v63  }
0x78: {  	_ =	swait.ge [sflag:s3], $0x2000  }
0x79: {  	[sflag:s3] =	ssyncset.done $0x0  }
0x7a: {  	s25 =	simm.s32 $0x680;
	[sflag:s3] =	ssyncadd.s32 $0xFFFFE000  }
0x7b: {  	[tilespmem:s6], [sflag:$0x1] =	stream.indirect.gather [hbm4b:s4+s5], $0x40, s25, s5, $0xb8;
	[tilespmem:$0x2800] =	vst v63  }
0x7c: {  	_ =	swait.ge [sflag:s7], $0x2000  }
0x7d: {  	[sflag:s7] =	ssyncset.done $0x0  }
0x7e: {  	s26 =	sadd.s32 $0x11C00, s31;
	[sflag:s7] =	ssyncadd.s32 $0xFFFFE000  }
0x7f: {  	[hbm4b:s26+s2] =	stream.linear.scatter [tilespmem:s6], [sflag:$0x2], $0x2000, $0x38;
	[tilespmem:$0x2800] =	vst v63  }
0x80: {  	_ =	swait.ge [sflag:s3], $0x2000  }
0x81: {  	[sflag:s3] =	ssyncset.done $0x0  }
0x82: {  	s28 =	simm.s32 $0x700;
	[sflag:s3] =	ssyncadd.s32 $0xFFFFE000  }
0x83: {  	[tilespmem:s6], [sflag:$0x1] =	stream.indirect.gather [hbm4b:s4+s5], $0x40, s28, s5, $0xb8;
	[tilespmem:$0x2800] =	vst v63  }
0x84: {  	_ =	swait.ge [sflag:s7], $0x2000  }
0x85: {  	s1 =	ssub.s32 $0x2, s1;
	[sflag:s7] =	ssyncset.done $0x0  }
0x86: {  	s0 =	sshrl.u32 s1, $0x1;
	s29 =	sadd.s32 $0x12000, s31;
	[sflag:s7] =	ssyncadd.s32 $0xFFFFE000  }
0x87: {  	[hbm4b:s29+s2] =	stream.linear.scatter [tilespmem:s6], [sflag:$0x2], $0x2000, $0x38;
	[tilespmem:$0x2800] =	vst v63  }
0x88: {  	s0 =	ssub.s32 s1, s0;
	_ =	swait.ge [sflag:s3], $0x2000  }
0x89: {  	s0 =	smax.u32 s0, $0x1;
	[sflag:s3] =	ssyncset.done $0x0  }
0x8a: {  	s30 =	simm.s32 $0x780;
	p0 =	sne.s32 s0, $0x1;
	[sflag:s3] =	ssyncadd.s32 $0xFFFFE000  }
0x8b: {  	[tilespmem:s6], [sflag:$0x1] =	stream.indirect.gather [hbm4b:s4+s5], $0x40, s30, s5, $0xb8;
	[tilespmem:$0x2800] =	vst v63  }
.Ltmp0:
0x8c: {  	_ =	swait.ge [sflag:s7], $0x2000;
	(pc) =	sbr.rel @!p0 .LBB2_2-.Ltmp0, $4  }
0x8d: {  	[sflag:s7] =	ssyncset.done $0x0  }
0x8e: {  	s31 =	sadd.s32 $0x12400, s31;
	[sflag:s7] =	ssyncadd.s32 $0xFFFFE000  }
0x8f: {  	[hbm4b:s31+s2] =	stream.linear.scatter [tilespmem:s6], [sflag:$0x2], $0x2000, $0x38;
	[tilespmem:$0x2800] =	vst v63  }
0x90: {  	s1 =	sadd.s32 $0xFFFFFFFF, s0;
	_ =	swait.ge [sflag:s3], $0x2000  }
.LBB2_1:
0x91: {  	[sflag:s3] =	ssyncset.done $0x0  }
0x92: {  	s0 =	rddreg [dreg:$0x3];
	[sflag:s3] =	ssyncadd.s32 $0xFFFFE000  }
0x93: {  	[tilespmem:s2], [sflag:$0x2] =	stream.linear.gather [hbm4b:s0+s2], $0x800, $0x38;
	[tilespmem:$0x2800] =	vst v63  }
0x94: {  	_ =	swait.ge [sflag:s3], $0x800  }
0x95: {  	[sflag:s3] =	ssyncset.done $0x0  }
0x96: {  	[sflag:s3] =	ssyncadd.s32 $0xFFFFF800  }
0x97: {  	[tilespmem:s6], [sflag:$0x1] =	stream.indirect.gather [hbm4b:s4+s5], $0x40, s2, s5, $0xb8;
	[tilespmem:$0x2800] =	vst v63  }
0x98: {  	_ =	swait.ge [sflag:s7], $0x2000  }
0x99: {  	[sflag:s7] =	ssyncset.done $0x0  }
0x9a: {  	s0 =	rddreg [dreg:$0x4];
	[sflag:s7] =	ssyncadd.s32 $0xFFFFE000  }
0x9b: {  	[hbm4b:s0+s2] =	stream.linear.scatter [tilespmem:s6], [sflag:$0x2], $0x2000, $0x38;
	[tilespmem:$0x2800] =	vst v63  }
0x9c: {  	_ =	swait.ge [sflag:s3], $0x2000  }
0x9d: {  	[sflag:s3] =	ssyncset.done $0x0  }
0x9e: {  	[sflag:s3] =	ssyncadd.s32 $0xFFFFE000  }
0x9f: {  	[tilespmem:s6], [sflag:$0x1] =	stream.indirect.gather [hbm4b:s4+s5], $0x40, s5, s5, $0xb8;
	[tilespmem:$0x2800] =	vst v63  }
0xa0: {  	_ =	swait.ge [sflag:s7], $0x2000  }
0xa1: {  	[sflag:s7] =	ssyncset.done $0x0  }
0xa2: {  	s0 =	rddreg [dreg:$0x5];
	[sflag:s7] =	ssyncadd.s32 $0xFFFFE000  }
0xa3: {  	[hbm4b:s0+s2] =	stream.linear.scatter [tilespmem:s6], [sflag:$0x2], $0x2000, $0x38;
	[tilespmem:$0x2800] =	vst v63  }
0xa4: {  	_ =	swait.ge [sflag:s3], $0x2000  }
0xa5: {  	[sflag:s3] =	ssyncset.done $0x0  }
0xa6: {  	[sflag:s3] =	ssyncadd.s32 $0xFFFFE000  }
0xa7: {  	[tilespmem:s6], [sflag:$0x1] =	stream.indirect.gather [hbm4b:s4+s5], $0x40, s8, s5, $0xb8;
	[tilespmem:$0x2800] =	vst v63  }
0xa8: {  	_ =	swait.ge [sflag:s7], $0x2000  }
0xa9: {  	[sflag:s7] =	ssyncset.done $0x0  }
0xaa: {  	s0 =	rddreg [dreg:$0x6];
	[sflag:s7] =	ssyncadd.s32 $0xFFFFE000  }
0xab: {  	[hbm4b:s0+s2] =	stream.linear.scatter [tilespmem:s6], [sflag:$0x2], $0x2000, $0x38;
	[tilespmem:$0x2800] =	vst v63  }
0xac: {  	_ =	swait.ge [sflag:s3], $0x2000  }
0xad: {  	[sflag:s3] =	ssyncset.done $0x0  }
0xae: {  	[sflag:s3] =	ssyncadd.s32 $0xFFFFE000  }
0xaf: {  	[tilespmem:s6], [sflag:$0x1] =	stream.indirect.gather [hbm4b:s4+s5], $0x40, s9, s5, $0xb8;
	[tilespmem:$0x2800] =	vst v63  }
0xb0: {  	_ =	swait.ge [sflag:s7], $0x2000  }
0xb1: {  	[sflag:s7] =	ssyncset.done $0x0  }
0xb2: {  	s0 =	rddreg [dreg:$0x7];
	[sflag:s7] =	ssyncadd.s32 $0xFFFFE000  }
0xb3: {  	[hbm4b:s0+s2] =	stream.linear.scatter [tilespmem:s6], [sflag:$0x2], $0x2000, $0x38;
	[tilespmem:$0x2800] =	vst v63  }
0xb4: {  	_ =	swait.ge [sflag:s3], $0x2000  }
0xb5: {  	[sflag:s3] =	ssyncset.done $0x0  }
0xb6: {  	[sflag:s3] =	ssyncadd.s32 $0xFFFFE000  }
0xb7: {  	[tilespmem:s6], [sflag:$0x1] =	stream.indirect.gather [hbm4b:s4+s5], $0x40, s10, s5, $0xb8;
	[tilespmem:$0x2800] =	vst v63  }
0xb8: {  	_ =	swait.ge [sflag:s7], $0x2000  }
0xb9: {  	[sflag:s7] =	ssyncset.done $0x0  }
0xba: {  	s0 =	rddreg [dreg:$0x8];
	[sflag:s7] =	ssyncadd.s32 $0xFFFFE000  }
0xbb: {  	[hbm4b:s0+s2] =	stream.linear.scatter [tilespmem:s6], [sflag:$0x2], $0x2000, $0x38;
	[tilespmem:$0x2800] =	vst v63  }
0xbc: {  	_ =	swait.ge [sflag:s3], $0x2000  }
0xbd: {  	[sflag:s3] =	ssyncset.done $0x0  }
0xbe: {  	[sflag:s3] =	ssyncadd.s32 $0xFFFFE000  }
0xbf: {  	[tilespmem:s6], [sflag:$0x1] =	stream.indirect.gather [hbm4b:s4+s5], $0x40, s11, s5, $0xb8;
	[tilespmem:$0x2800] =	vst v63  }
0xc0: {  	_ =	swait.ge [sflag:s7], $0x2000  }
0xc1: {  	[sflag:s7] =	ssyncset.done $0x0  }
0xc2: {  	s0 =	rddreg [dreg:$0x9];
	[sflag:s7] =	ssyncadd.s32 $0xFFFFE000  }
0xc3: {  	[hbm4b:s0+s2] =	stream.linear.scatter [tilespmem:s6], [sflag:$0x2], $0x2000, $0x38;
	[tilespmem:$0x2800] =	vst v63  }
0xc4: {  	_ =	swait.ge [sflag:s3], $0x2000  }
0xc5: {  	[sflag:s3] =	ssyncset.done $0x0  }
0xc6: {  	[sflag:s3] =	ssyncadd.s32 $0xFFFFE000  }
0xc7: {  	[tilespmem:s6], [sflag:$0x1] =	stream.indirect.gather [hbm4b:s4+s5], $0x40, s12, s5, $0xb8;
	[tilespmem:$0x2800] =	vst v63  }
0xc8: {  	_ =	swait.ge [sflag:s7], $0x2000  }
0xc9: {  	[sflag:s7] =	ssyncset.done $0x0  }
0xca: {  	s0 =	rddreg [dreg:$0xa];
	[sflag:s7] =	ssyncadd.s32 $0xFFFFE000  }
0xcb: {  	[hbm4b:s0+s2] =	stream.linear.scatter [tilespmem:s6], [sflag:$0x2], $0x2000, $0x38;
	[tilespmem:$0x2800] =	vst v63  }
0xcc: {  	_ =	swait.ge [sflag:s3], $0x2000  }
0xcd: {  	[sflag:s3] =	ssyncset.done $0x0  }
0xce: {  	[sflag:s3] =	ssyncadd.s32 $0xFFFFE000  }
0xcf: {  	[tilespmem:s6], [sflag:$0x1] =	stream.indirect.gather [hbm4b:s4+s5], $0x40, s13, s5, $0xb8;
	[tilespmem:$0x2800] =	vst v63  }
0xd0: {  	_ =	swait.ge [sflag:s7], $0x2000  }
0xd1: {  	[sflag:s7] =	ssyncset.done $0x0  }
0xd2: {  	[sflag:s7] =	ssyncadd.s32 $0xFFFFE000  }
0xd3: {  	[hbm4b:s14+s2] =	stream.linear.scatter [tilespmem:s6], [sflag:$0x2], $0x2000, $0x38;
	[tilespmem:$0x2800] =	vst v63  }
0xd4: {  	_ =	swait.ge [sflag:s3], $0x2000  }
0xd5: {  	[sflag:s3] =	ssyncset.done $0x0  }
0xd6: {  	[sflag:s3] =	ssyncadd.s32 $0xFFFFE000  }
0xd7: {  	[tilespmem:s6], [sflag:$0x1] =	stream.indirect.gather [hbm4b:s4+s5], $0x40, s15, s5, $0xb8;
	[tilespmem:$0x2800] =	vst v63  }
0xd8: {  	_ =	swait.ge [sflag:s7], $0x2000  }
0xd9: {  	[sflag:s7] =	ssyncset.done $0x0  }
0xda: {  	[sflag:s7] =	ssyncadd.s32 $0xFFFFE000  }
0xdb: {  	[hbm4b:s16+s2] =	stream.linear.scatter [tilespmem:s6], [sflag:$0x2], $0x2000, $0x38;
	[tilespmem:$0x2800] =	vst v63  }
0xdc: {  	_ =	swait.ge [sflag:s3], $0x2000  }
0xdd: {  	[sflag:s3] =	ssyncset.done $0x0  }
0xde: {  	[sflag:s3] =	ssyncadd.s32 $0xFFFFE000  }
0xdf: {  	[tilespmem:s6], [sflag:$0x1] =	stream.indirect.gather [hbm4b:s4+s5], $0x40, s17, s5, $0xb8;
	[tilespmem:$0x2800] =	vst v63  }
0xe0: {  	_ =	swait.ge [sflag:s7], $0x2000  }
0xe1: {  	[sflag:s7] =	ssyncset.done $0x0  }
0xe2: {  	[sflag:s7] =	ssyncadd.s32 $0xFFFFE000  }
0xe3: {  	[hbm4b:s18+s2] =	stream.linear.scatter [tilespmem:s6], [sflag:$0x2], $0x2000, $0x38;
	[tilespmem:$0x2800] =	vst v63  }
0xe4: {  	_ =	swait.ge [sflag:s3], $0x2000  }
0xe5: {  	[sflag:s3] =	ssyncset.done $0x0  }
0xe6: {  	[sflag:s3] =	ssyncadd.s32 $0xFFFFE000  }
0xe7: {  	[tilespmem:s6], [sflag:$0x1] =	stream.indirect.gather [hbm4b:s4+s5], $0x40, s19, s5, $0xb8;
	[tilespmem:$0x2800] =	vst v63  }
0xe8: {  	_ =	swait.ge [sflag:s7], $0x2000  }
0xe9: {  	[sflag:s7] =	ssyncset.done $0x0  }
0xea: {  	[sflag:s7] =	ssyncadd.s32 $0xFFFFE000  }
0xeb: {  	[hbm4b:s20+s2] =	stream.linear.scatter [tilespmem:s6], [sflag:$0x2], $0x2000, $0x38;
	[tilespmem:$0x2800] =	vst v63  }
0xec: {  	_ =	swait.ge [sflag:s3], $0x2000  }
0xed: {  	[sflag:s3] =	ssyncset.done $0x0  }
0xee: {  	[sflag:s3] =	ssyncadd.s32 $0xFFFFE000  }
0xef: {  	[tilespmem:s6], [sflag:$0x1] =	stream.indirect.gather [hbm4b:s4+s5], $0x40, s21, s5, $0xb8;
	[tilespmem:$0x2800] =	vst v63  }
0xf0: {  	_ =	swait.ge [sflag:s7], $0x2000  }
0xf1: {  	[sflag:s7] =	ssyncset.done $0x0  }
0xf2: {  	[sflag:s7] =	ssyncadd.s32 $0xFFFFE000  }
0xf3: {  	[hbm4b:s22+s2] =	stream.linear.scatter [tilespmem:s6], [sflag:$0x2], $0x2000, $0x38;
	[tilespmem:$0x2800] =	vst v63  }
0xf4: {  	_ =	swait.ge [sflag:s3], $0x2000  }
0xf5: {  	[sflag:s3] =	ssyncset.done $0x0  }
0xf6: {  	[sflag:s3] =	ssyncadd.s32 $0xFFFFE000  }
0xf7: {  	[tilespmem:s6], [sflag:$0x1] =	stream.indirect.gather [hbm4b:s4+s5], $0x40, s23, s5, $0xb8;
	[tilespmem:$0x2800] =	vst v63  }
0xf8: {  	_ =	swait.ge [sflag:s7], $0x2000  }
0xf9: {  	[sflag:s7] =	ssyncset.done $0x0  }
0xfa: {  	[sflag:s7] =	ssyncadd.s32 $0xFFFFE000  }
0xfb: {  	[hbm4b:s24+s2] =	stream.linear.scatter [tilespmem:s6], [sflag:$0x2], $0x2000, $0x38;
	[tilespmem:$0x2800] =	vst v63  }
0xfc: {  	_ =	swait.ge [sflag:s3], $0x2000  }
0xfd: {  	[sflag:s3] =	ssyncset.done $0x0  }
0xfe: {  	[sflag:s3] =	ssyncadd.s32 $0xFFFFE000  }
0xff: {  	[tilespmem:s6], [sflag:$0x1] =	stream.indirect.gather [hbm4b:s4+s5], $0x40, s25, s5, $0xb8;
	[tilespmem:$0x2800] =	vst v63  }
0x100: {  	_ =	swait.ge [sflag:s7], $0x2000  }
0x101: {  	[sflag:s7] =	ssyncset.done $0x0  }
0x102: {  	[sflag:s7] =	ssyncadd.s32 $0xFFFFE000  }
0x103: {  	[hbm4b:s26+s2] =	stream.linear.scatter [tilespmem:s6], [sflag:$0x2], $0x2000, $0x38;
	[tilespmem:$0x2800] =	vst v63  }
0x104: {  	_ =	swait.ge [sflag:s3], $0x2000  }
0x105: {  	[sflag:s3] =	ssyncset.done $0x0  }
0x106: {  	[sflag:s3] =	ssyncadd.s32 $0xFFFFE000  }
0x107: {  	[tilespmem:s6], [sflag:$0x1] =	stream.indirect.gather [hbm4b:s4+s5], $0x40, s28, s5, $0xb8;
	[tilespmem:$0x2800] =	vst v63  }
0x108: {  	_ =	swait.ge [sflag:s7], $0x2000  }
0x109: {  	[sflag:s7] =	ssyncset.done $0x0  }
0x10a: {  	[sflag:s7] =	ssyncadd.s32 $0xFFFFE000  }
0x10b: {  	[hbm4b:s29+s2] =	stream.linear.scatter [tilespmem:s6], [sflag:$0x2], $0x2000, $0x38;
	[tilespmem:$0x2800] =	vst v63  }
0x10c: {  	_ =	swait.ge [sflag:s3], $0x2000  }
0x10d: {  	[sflag:s3] =	ssyncset.done $0x0  }
0x10e: {  	p0 =	sne.s32 s1, $0x1;
	[sflag:s3] =	ssyncadd.s32 $0xFFFFE000  }
0x10f: {  	[tilespmem:s6], [sflag:$0x1] =	stream.indirect.gather [hbm4b:s4+s5], $0x40, s30, s5, $0xb8;
	[tilespmem:$0x2800] =	vst v63  }
.Ltmp1:
0x110: {  	_ =	swait.ge [sflag:s7], $0x2000;
	(pc) =	sbr.rel @p0 .LBB2_1-.Ltmp1, $4  }
0x111: {  	[sflag:s7] =	ssyncset.done $0x0  }
0x112: {  	[sflag:s7] =	ssyncadd.s32 $0xFFFFE000  }
0x113: {  	[hbm4b:s31+s2] =	stream.linear.scatter [tilespmem:s6], [sflag:$0x2], $0x2000, $0x38;
	[tilespmem:$0x2800] =	vst v63  }
0x114: {  	s1 =	sadd.s32 $0xFFFFFFFF, s1;
	_ =	swait.ge [sflag:s3], $0x2000  }
.LBB2_2:
0x115: {  	[sflag:s3] =	ssyncset.done $0x0  }
0x116: {  	[sflag:s3] =	ssyncadd.s32 $0xFFFFE000  }
0x117: {  	_ =	sfence.sel $0x180000  }
0x118: {  	[bflag:$0x0] =	sbarrier.arrive $0xFFFF  }
0x119: {  	_ =	strace $0x90000047  }
0x11a: {  	s0 =	stileid.u32;
	[bflag:$0x2] =	sbarrier.arrive $0xFFFF  }
0x11b: {  	p0 =	sne.s32 s0, $0x0;
	s0 =	rddreg [dreg:$0x2]  }
0x11c: {  	s0 =	sadd.s32 @!p0 $0x100000, s0  }
0x11d: {  	[sflag:s0] =	ssyncadd.tile.s32 @!p0 $0x1;
	_ =	shalt  }
.Lfunc_end2:
_tile_overlayer_lowered:
.L_overlay_start_2:
0x11e: {  	(tag) =	ssettag $0x2  }
0x11f: {  	s0 =	rddreg [dreg:$0x0];
	s2 =	stileid.u32  }
0x120: {  	s1 =	rddreg [dreg:$0x1];
	p0 =	sne.s32 s2, $0x0  }
0x121: {  	s3 =	rddreg [dreg:$0x2];
	[bflag:$0x3] =	sbarrier.arrive $0xFFFF;
	s2 =	simm.s32 @!p0 $0x1C02  }
0x122: {  	[timem:s3], [sflag:s2] =	dma.local @!p0 [hbm:s0], s1  }
0x123: {  	s0 =	simm.s32 @!p0 $0x2  }
0x124: {  	_ =	swait.ge @!p0 [sflag:s0], s1  }
0x125: {  	s1 =	ssub.s32 @!p0 $0x0, s1;
	[sflag:s0] =	ssyncset.done @!p0 $0x0  }
0x126: {  	[sflag:s0] =	ssyncadd.s32 @!p0 s1  }
0x127: {  	[bflag:$0x3] =	sbarrier.arrive $0xFFFF  }
0x128: {  	_ =	shalt  }

// kernel: kernel.25.cloned.1.call-start
scs
__scs_entry_jumppad:
0x0: {  	(pc) =	sbr.rel $0x88, $3  }
0x1: {  	(tag) =	ssettag $0x0;
	lr =	simm.s32 $0x1  }
0x2: {  	[smem:$0x3F78] =	sst lr;
	_ =	strace $0xD0000000  }
0x3: {  	_ = 	snop  }
0x4: {  	_ = 	snop  }
0x5: {  	_ = 	snop  }
0x6: {  	_ = 	snop  }
0x7: {  	_ = 	snop  }
__scs_overlays_trampoline_lowered:
0x8: {  	[smem:$0x3F87] =	sst s0  }
0x9: {  	[smem:$0x3F88] =	sst s1  }
0xa: {  	[smem:$0x3F89] =	sst s2  }
0xb: {  	[smem:$0x3F8A] =	sst s3  }
0xc: {  	[smem:$0x3F8B] =	sst s4  }
0xd: {  	[smem:$0x3F8C] =	sst s5  }
0xe: {  	[smem:$0x3F8D] =	sst s6  }
0xf: {  	[smem:$0x3F8E] =	sst s7  }
0x10: {  	[smem:$0x3F8F] =	sst s8  }
0x11: {  	[smem:$0x3F90] =	sst s9;
	s0 =	simm.s32 @!p0 $0x0  }
0x12: {  	s1 =	sld [smem:$0x3F76];
	s0 =	simm.s32 @p0 $0x1  }
0x13: {  	[smem:$0x3F91] =	sst s0;
	s0 =	simm.s32 @!p1 $0x0  }
0x14: {  	s2 =	sld [smem:$0x3F75];
	s0 =	simm.s32 @p1 $0x1  }
0x15: {  	[smem:$0x3F92] =	sst s0;
	s0 =	simm.s32 @!p2 $0x0  }
0x16: {  	s3 =	sld [smem:$0x3FDB];
	s0 =	simm.s32 @p2 $0x1  }
0x17: {  	s4 =	simm.s32 $0x1BF5;
	[smem:$0x3F94] =	sst s0  }
0x18: {  	s0 =	sld [smem:$0x3F77];
	_ =	swait.ge [sflag:s4], $0x0  }
0x19: {  	s7 =	sld [smem:$0x3F78]  }
0x1a: {  	s8 =	sadd.s32 $0xFFFFE003, lr  }
0x1b: {  	s9 =	sadd.s32 $0xFFFFFEF7, lr;
	s5 =	simm.s32 $0xFFFFFFFF;
	p2 =	slt.u32 s8, $0xFFFFF086  }
0x1c: {  	p1 =	slt.u32 s9, $0xF7A;
	s5 =	simm.s32 @!p2 $0x0  }
0x1d: {  	s5 =	simm.s32 @p1 $0x1;
	p0 =	seq.s32 s7, s2  }
0x1e: {  	s7 =	smul.u32 @!p0 $0xF7A, s2;
	p2 =	seq.s32 @!p0 s5, $0x0  }
0x1f: {  	s9 =	smul.u32 $0xF7A, s1;
	s8 =	simm.s32 @!p0 $0x1BF5;
	p2 =	por !p2, p0  }
0x20: {  	[sflag:s8] =	ssyncset.s32 @!p0 $0xFFFFF086;
	s6 =	sadd.s32 @!p0 s3, s7;
	s7 =	simm.s32 @!p0 $0x108  }
0x21: {  	s3 =	sadd.s32 s3, s9;
	s6 =	sadd.s32 @!p0 $0x88, s6;
	s7 =	simm.s32 @p2 $0x1082  }
0x22: {  	[simem:s7], [sflag:s8] =	dma.local @!p0 [hbm:s6], $0xF7A  }
0x23: {  	s9 =	sor.u32 $0xD0000000, s2;
	s6 =	simm.s32 $0x108;
	_ =	swait.ge @!p0 [sflag:s8], $0x0  }
0x24: {  	s3 =	sadd.s32 $0x88, s3;
	s6 =	simm.s32 @!p1 $0x1082;
	[sflag:s4] =	ssyncset.s32 $0xFFFFF086  }
0x25: {  	[simem:s6], [sflag:s4] =	dma.local [hbm:s3], $0xF7A  }
0x26: {  	[smem:$0x3F78] =	sst s1;
	(tag) =	ssettag s2;
	_ =	strace s9  }
0x27: {  	s1 =	sld [smem:$0x3F88]  }
0x28: {  	s2 =	sld [smem:$0x3F89]  }
0x29: {  	s4 =	sld [smem:$0x3F8B]  }
0x2a: {  	p0 =	seq.s32 s5, $0x0;
	s5 =	sld [smem:$0x3F8C]  }
0x2b: {  	s6 =	sld [smem:$0x3F8D]  }
0x2c: {  	s7 =	sld [smem:$0x3F8E]  }
0x2d: {  	s3 =	simm.s32 $0x108;
	s8 =	sld [smem:$0x3F8F]  }
0x2e: {  	s3 =	simm.s32 @!p0 $0x1082;
	s9 =	sld [smem:$0x3F90]  }
0x2f: {  	lr =	sadd.s32 s0, s3;
	s0 =	sld [smem:$0x3F87]  }
0x30: {  	s3 =	sld [smem:$0x3F8A]  }
0x31: {  	[smem:$0x3F93] =	sst s10  }
0x32: {  	s10 =	sld [smem:$0x3F91];
	_ =	sdelay $0x3  }
0x33: {  	p0 =	seq.s32 s10, $0x1;
	s10 =	sld [smem:$0x3F93];
	_ =	sdelay $0x3  }
0x34: {  	[smem:$0x3F93] =	sst s10  }
0x35: {  	s10 =	sld [smem:$0x3F92];
	_ =	sdelay $0x3  }
0x36: {  	p1 =	seq.s32 s10, $0x1;
	s10 =	sld [smem:$0x3F93];
	_ =	sdelay $0x3  }
0x37: {  	[smem:$0x3F93] =	sst s10  }
0x38: {  	s10 =	sld [smem:$0x3F94]  }
0x39: {  	_ = 	snop;
	(pc) =	sbr.ind lr, $3  }
0x3a: {  	_ = 	snop  }
0x3b: {  	_ = 	snop  }
0x3c: {  	p2 =	seq.s32 s10, $0x1;
	s10 =	sld [smem:$0x3F93]  }
0x3d: {  	_ =	shalt  }
0x3e: {  	_ =	shalt  }
0x3f: {  	_ =	shalt  }
0x40: {  	_ =	shalt  }
0x41: {  	_ =	shalt  }
0x42: {  	_ =	shalt  }
0x43: {  	_ =	shalt  }
0x44: {  	_ =	shalt  }
0x45: {  	_ =	shalt  }
0x46: {  	_ =	shalt  }
0x47: {  	_ =	shalt  }
0x48: {  	_ =	shalt  }
0x49: {  	_ =	shalt  }
0x4a: {  	_ =	shalt  }
0x4b: {  	_ =	shalt  }
0x4c: {  	_ =	shalt  }
0x4d: {  	_ =	shalt  }
0x4e: {  	_ =	shalt  }
0x4f: {  	_ =	shalt  }
0x50: {  	_ =	shalt  }
0x51: {  	_ =	shalt  }
0x52: {  	_ =	shalt  }
0x53: {  	_ =	shalt  }
0x54: {  	_ =	shalt  }
0x55: {  	_ =	shalt  }
0x56: {  	_ =	shalt  }
0x57: {  	_ =	shalt  }
0x58: {  	_ =	shalt  }
0x59: {  	_ =	shalt  }
0x5a: {  	_ =	shalt  }
0x5b: {  	_ =	shalt  }
0x5c: {  	_ =	shalt  }
0x5d: {  	_ =	shalt  }
0x5e: {  	_ =	shalt  }
0x5f: {  	_ =	shalt  }
0x60: {  	_ =	shalt  }
0x61: {  	_ =	shalt  }
0x62: {  	_ =	shalt  }
0x63: {  	_ =	shalt  }
0x64: {  	_ =	shalt  }
0x65: {  	_ =	shalt  }
0x66: {  	_ =	shalt  }
0x67: {  	_ =	shalt  }
0x68: {  	_ =	shalt  }
0x69: {  	_ =	shalt  }
0x6a: {  	_ =	shalt  }
0x6b: {  	_ =	shalt  }
0x6c: {  	_ =	shalt  }
0x6d: {  	_ =	shalt  }
0x6e: {  	_ =	shalt  }
0x6f: {  	_ =	shalt  }
0x70: {  	_ =	shalt  }
0x71: {  	_ =	shalt  }
0x72: {  	_ =	shalt  }
0x73: {  	_ =	shalt  }
0x74: {  	_ =	shalt  }
0x75: {  	_ =	shalt  }
0x76: {  	_ =	shalt  }
0x77: {  	_ =	shalt  }
0x78: {  	_ =	shalt  }
0x79: {  	_ =	shalt  }
0x7a: {  	_ =	shalt  }
0x7b: {  	_ =	shalt  }
0x7c: {  	_ =	shalt  }
0x7d: {  	_ =	shalt  }
0x7e: {  	_ =	shalt  }
0x7f: {  	_ =	shalt  }
0x80: {  	_ =	shalt  }
0x81: {  	_ =	shalt  }
0x82: {  	_ =	shalt  }
0x83: {  	_ =	shalt  }
0x84: {  	_ =	shalt  }
0x85: {  	_ =	shalt  }
0x86: {  	_ =	shalt  }
0x87: {  	_ =	shalt  }
.Lfunc_end0:
.L_simem_size_0:
called_computation.1_lowered:
.L_overlay_start_0:
0x88: {  	s2 =	sld [smem:$0x3FD9]  }
0x89: {  	s3 =	sld [smem:$0x3FFE];
	_ =	sdelay $0x1  }
0x8a: {  	s1 =	srdreg.scid  }
0x8b: {  	s0 =	sand.u32 $0x1, s1  }
0x8c: {  	s17 =	sshll.u32 s0, $0xA;
	s2 =	sadd.s32 s3, s2  }
0x8d: {  	s2 =	sadd.s32 s2, s17  }
0x8e: {  	[smem:$0x3F9F] =	sst s2  }
0x8f: {  	_ = 	snop  }
0x90: {  	s2 =	sld [smem:$0x3FD0];
	(tm) =	ssettm $0x1  }
0x91: {  	s18 =	sld [smem:$0x3FFB];
	_ =	sdelay $0x3  }
0x92: {  	_ =	strace s18  }
0x93: {  	s3 =	sld [smem:$0x3FFC];
	_ =	sdelay $0x3  }
0x94: {  	_ =	strace s3  }
0x95: {  	s3 =	sld [smem:$0x3FFD];
	_ =	sdelay $0x3  }
0x96: {  	_ =	strace s3  }
0x97: {  	_ =	strace $0x8FFFFFFF  }
0x98: {  	s19 =	sld [smem:$0x3FDB];
	_ =	sdelay $0x1  }
0x99: {  	s4 =	simm.s32 $_scs_section_size  }
0x9a: {  	s5 =	simm.s32 $_size__tile_overlayer_lowered;
	s6 =	simm.s32 $_tile_overlayer_lowered  }
0x9b: {  	s22 =	simm.s32 $0x1BFF;
	s21 =	sshll.u32 s6, $0x1;
	s3 =	sadd.s32 s4, s19  }
0x9c: {  	s7 =	simm.s32 $0x0;
	s20 =	sshll.u32 s5, $0x1;
	s5 =	sadd.s32 s21, s3  }
0x9d: {  	[timem:s7], [sflag:s22] =	dma.local [hbm:s5], s20  }
0x9e: {  	_ =	swait.ge [sflag:s22], s20  }
0x9f: {  	s4 =	ssub.s32 $0x0, s20;
	[sflag:s22] =	ssyncset.done $0x0  }
0xa0: {  	[sflag:s22] =	ssyncadd.s32 s4;
	_ =	sdelay $0x1  }
0xa1: {  	s23 =	simm.s32 $0x1B8B  }
0xa2: {  	_ =	swait.ge [sflag:s23], $0x1  }
0xa3: {  	[sflag:s23] =	ssyncset.done $0x0  }
0xa4: {  	s25 =	simm.s32 $0x1B8E;
	s24 =	sld [smem:$0x3FFE];
	[sflag:s23] =	ssyncadd.s32 $0xFFFFFFFF  }
0xa5: {  	s26 =	simm.s32 $execute0_lowered;
	[smem:$0x3FD2] =	sst s25  }
0xa6: {  	s5 =	sshll.u32 s26, $0x1;
	_ =	strace $0x80000049;
	[dreg:$0x1] =	wrdreg $0xFFFFFFFF  }
0xa7: {  	s28 =	simm.s32 $_size_execute0_lowered;
	s3 =	sadd.s32 s3, s5;
	[dreg:$0x0] =	wrdreg $0x0  }
0xa8: {  	s5 =	sshll.u32 s28, $0x1;
	[dreg:$0x2] =	wrdreg s3  }
0xa9: {  	[dreg:$0x3] =	wrdreg s5  }
0xaa: {  	[dreg:$0x4] =	wrdreg $0xC0  }
0xab: {  	_ =	task [dreg:s7], $0x5FFFF  }
0xac: {  	[dreg:$0x1] =	wrdreg $0xFFFFFFFF  }
0xad: {  	[dreg:$0x0] =	wrdreg $0x60  }
0xae: {  	[dreg:$0x2] =	wrdreg s24  }
0xaf: {  	[dreg:$0x3] =	wrdreg s2  }
0xb0: {  	[dreg:$0x4] =	wrdreg $0x9  }
0xb1: {  	_ =	task.clear_ibuf [dreg:s7], $0x5FFFF;
	_ =	strace $0x90000049  }
0xb2: {  	s29 =	simm.s32 $0x9;
	_ =	strace $0x8000004B  }
0xb3: {  	_ =	swait.ge [sflag:s29], $0x1  }
0xb4: {  	[sflag:s29] =	ssyncadd.s32 $0xFFFFFFFF  }
0xb5: {  	_ =	strace $0x9000004B  }
0xb6: {  	_ =	sfence  }
0xb7: {  	s30 =	sld [smem:$0x0];
	_ =	sdelay $0x2  }
0xb8: {  	s31 =	sshll.u32 s1, $0xD;
	s1 =	sshrl.u32 s1, $0x2  }
0xb9: {  	s3 =	sand.u32 $0x4000, s31;
	s1 =	sadd.s32 s1, s30  }
0xba: {  	s0 =	sor.u32 s3, s0;
	s1 =	sshll.u32 s1, $0x11  }
0xbb: {  	s0 =	sor.u32 s1, s0  }
0xbc: {  	s0 =	sadd.s32 $0x8F2B, s0  }
0xbd: {  	[sflag:s0] =	ssyncadd.remote.s32 $0x1  }
0xbe: {  	_ =	sfence.sel $0xFFFF  }
0xbf: {  	[dreg:$0x0] =	wrdreg $0xFFFFFFFF;
	(pc) =	sbr.abs _section_cstart, $3  }
0xc0: {  	[dreg:$0x1] =	wrdreg $0xFFFFFFFF  }
0xc1: {  	_ =	task.clear_ibuf [dreg:s7], $0x2FFFF;
	_ =	strace $0x9FFFFFFF  }
0xc2: {  	(tm) =	ssettm $0x7FFFFFFF  }
0xc3: {  	_ =	shalt  }
tec
execute0_lowered:
.L_overlay_start_1:
0x0: {  	(tag) =	ssettag $0x1  }
0x1: {  	s1 =	srdreg.scid;
	s0 =	stileid.u32  }
0x2: {  	s4 =	rddreg [dreg:$0x0];
	s1 =	sand.u32 $0x1, s1;
	s5 =	sshll.u32 s0, $0x1  }
0x3: {  	s3 =	rddreg [dreg:$0x1];
	s5 =	sor.u32 s1, s5  }
0x4: {  	s2 =	simm.s32 $0x0;
	s6 =	sshll.u32 s5, $0xE;
	s5 =	sshll.u32 s5, $0x8  }
0x5: {  	[smem:$0x7FF] =	sst s2;
	s31 =	sadd.s32 s6, s4;
	s3 =	sadd.s32 s3, s5  }
0x6: {  	_ =	strace $0x8000004A;
	[dreg:$0x3] =	wrdreg s3;
	s18 =	sadd.s32 $0xE800, s31  }
0x7: {  	s19 =	sadd.s32 $0xEC00, s31;
	[dreg:$0x4] =	wrdreg s18  }
0x8: {  	s20 =	sadd.s32 $0xF000, s31;
	[dreg:$0x5] =	wrdreg s19  }
0x9: {  	s21 =	sadd.s32 $0xF400, s31;
	[dreg:$0x6] =	wrdreg s20  }
0xa: {  	s22 =	sadd.s32 $0xF800, s31;
	[dreg:$0x7] =	wrdreg s21  }
0xb: {  	[dreg:$0x8] =	wrdreg s22  }
0xc: {  	s23 =	sadd.s32 $0xFC00, s31;
	s24 =	rddreg [dreg:$0x3]  }
0xd: {  	s25 =	sadd.s32 $0x10000, s31;
	[dreg:$0x9] =	wrdreg s23  }
0xe: {  	s3 =	simm.s32 $0x2;
	[dreg:$0xa] =	wrdreg s25  }
0xf: {  	[tilespmem:s2], [sflag:$0x2] =	stream.linear.gather [hbm4b:s24+s2], $0x800, $0x38;
	[tilespmem:$0x2800] =	vst v63  }
0x10: {  	_ =	swait.ge [sflag:s3], $0x800  }
0x11: {  	s7 =	simm.s32 $0x1;
	s4 =	sadd.s32 $0x6800, s4;
	[sflag:s3] =	ssyncset.done $0x0  }
0x12: {  	s5 =	simm.s32 $0x80;
	s6 =	simm.s32 $0x800;
	[sflag:s3] =	ssyncadd.s32 $0xFFFFF800  }
0x13: {  	[tilespmem:s6], [sflag:$0x1] =	stream.indirect.gather [hbm4b:s4+s5], $0x40, s2, s5, $0xb8;
	[tilespmem:$0x2800] =	vst v63  }
0x14: {  	_ =	swait.ge [sflag:s7], $0x2000  }
0x15: {  	[sflag:s7] =	ssyncset.done $0x0  }
0x16: {  	s8 =	rddreg [dreg:$0x4];
	[sflag:s7] =	ssyncadd.s32 $0xFFFFE000  }
0x17: {  	[hbm4b:s8+s2] =	stream.linear.scatter [tilespmem:s6], [sflag:$0x2], $0x2000, $0x38;
	[tilespmem:$0x2800] =	vst v63  }
0x18: {  	_ =	swait.ge [sflag:s3], $0x2000  }
0x19: {  	[sflag:s3] =	ssyncset.done $0x0  }
0x1a: {  	[sflag:s3] =	ssyncadd.s32 $0xFFFFE000  }
0x1b: {  	[tilespmem:s6], [sflag:$0x1] =	stream.indirect.gather [hbm4b:s4+s5], $0x40, s5, s5, $0xb8;
	[tilespmem:$0x2800] =	vst v63  }
0x1c: {  	_ =	swait.ge [sflag:s7], $0x2000  }
0x1d: {  	[sflag:s7] =	ssyncset.done $0x0  }
0x1e: {  	s26 =	rddreg [dreg:$0x5];
	[sflag:s7] =	ssyncadd.s32 $0xFFFFE000  }
0x1f: {  	[hbm4b:s26+s2] =	stream.linear.scatter [tilespmem:s6], [sflag:$0x2], $0x2000, $0x38;
	[tilespmem:$0x2800] =	vst v63  }
0x20: {  	_ =	swait.ge [sflag:s3], $0x2000  }
0x21: {  	[sflag:s3] =	ssyncset.done $0x0  }
0x22: {  	s8 =	simm.s32 $0x100;
	[sflag:s3] =	ssyncadd.s32 $0xFFFFE000  }
0x23: {  	[tilespmem:s6], [sflag:$0x1] =	stream.indirect.gather [hbm4b:s4+s5], $0x40, s8, s5, $0xb8;
	[tilespmem:$0x2800] =	vst v63  }
0x24: {  	_ =	swait.ge [sflag:s7], $0x2000  }
0x25: {  	[sflag:s7] =	ssyncset.done $0x0  }
0x26: {  	s9 =	rddreg [dreg:$0x6];
	[sflag:s7] =	ssyncadd.s32 $0xFFFFE000  }
0x27: {  	[hbm4b:s9+s2] =	stream.linear.scatter [tilespmem:s6], [sflag:$0x2], $0x2000, $0x38;
	[tilespmem:$0x2800] =	vst v63  }
0x28: {  	_ =	swait.ge [sflag:s3], $0x2000  }
0x29: {  	[sflag:s3] =	ssyncset.done $0x0  }
0x2a: {  	s9 =	simm.s32 $0x180;
	[sflag:s3] =	ssyncadd.s32 $0xFFFFE000  }
0x2b: {  	[tilespmem:s6], [sflag:$0x1] =	stream.indirect.gather [hbm4b:s4+s5], $0x40, s9, s5, $0xb8;
	[tilespmem:$0x2800] =	vst v63  }
0x2c: {  	_ =	swait.ge [sflag:s7], $0x2000  }
0x2d: {  	[sflag:s7] =	ssyncset.done $0x0  }
0x2e: {  	s10 =	rddreg [dreg:$0x7];
	[sflag:s7] =	ssyncadd.s32 $0xFFFFE000  }
0x2f: {  	[hbm4b:s10+s2] =	stream.linear.scatter [tilespmem:s6], [sflag:$0x2], $0x2000, $0x38;
	[tilespmem:$0x2800] =	vst v63  }
0x30: {  	_ =	swait.ge [sflag:s3], $0x2000  }
0x31: {  	[sflag:s3] =	ssyncset.done $0x0  }
0x32: {  	s10 =	simm.s32 $0x200;
	[sflag:s3] =	ssyncadd.s32 $0xFFFFE000  }
0x33: {  	[tilespmem:s6], [sflag:$0x1] =	stream.indirect.gather [hbm4b:s4+s5], $0x40, s10, s5, $0xb8;
	[tilespmem:$0x2800] =	vst v63  }
0x34: {  	_ =	swait.ge [sflag:s7], $0x2000  }
0x35: {  	[sflag:s7] =	ssyncset.done $0x0  }
0x36: {  	s11 =	rddreg [dreg:$0x8];
	[sflag:s7] =	ssyncadd.s32 $0xFFFFE000  }
0x37: {  	[hbm4b:s11+s2] =	stream.linear.scatter [tilespmem:s6], [sflag:$0x2], $0x2000, $0x38;
	[tilespmem:$0x2800] =	vst v63  }
0x38: {  	_ =	swait.ge [sflag:s3], $0x2000  }
0x39: {  	[sflag:s3] =	ssyncset.done $0x0  }
0x3a: {  	s11 =	simm.s32 $0x280;
	[sflag:s3] =	ssyncadd.s32 $0xFFFFE000  }
0x3b: {  	[tilespmem:s6], [sflag:$0x1] =	stream.indirect.gather [hbm4b:s4+s5], $0x40, s11, s5, $0xb8;
	[tilespmem:$0x2800] =	vst v63  }
0x3c: {  	_ =	swait.ge [sflag:s7], $0x2000  }
0x3d: {  	[sflag:s7] =	ssyncset.done $0x0  }
0x3e: {  	s12 =	rddreg [dreg:$0x9];
	[sflag:s7] =	ssyncadd.s32 $0xFFFFE000  }
0x3f: {  	[hbm4b:s12+s2] =	stream.linear.scatter [tilespmem:s6], [sflag:$0x2], $0x2000, $0x38;
	[tilespmem:$0x2800] =	vst v63  }
0x40: {  	_ =	swait.ge [sflag:s3], $0x2000  }
0x41: {  	[sflag:s3] =	ssyncset.done $0x0  }
0x42: {  	s12 =	simm.s32 $0x300;
	[sflag:s3] =	ssyncadd.s32 $0xFFFFE000  }
0x43: {  	[tilespmem:s6], [sflag:$0x1] =	stream.indirect.gather [hbm4b:s4+s5], $0x40, s12, s5, $0xb8;
	[tilespmem:$0x2800] =	vst v63  }
0x44: {  	_ =	swait.ge [sflag:s7], $0x2000  }
0x45: {  	[sflag:s7] =	ssyncset.done $0x0  }
0x46: {  	s13 =	rddreg [dreg:$0xa];
	[sflag:s7] =	ssyncadd.s32 $0xFFFFE000  }
0x47: {  	[hbm4b:s13+s2] =	stream.linear.scatter [tilespmem:s6], [sflag:$0x2], $0x2000, $0x38;
	[tilespmem:$0x2800] =	vst v63  }
0x48: {  	_ =	swait.ge [sflag:s3], $0x2000  }
0x49: {  	[sflag:s3] =	ssyncset.done $0x0  }
0x4a: {  	s13 =	simm.s32 $0x380;
	[sflag:s3] =	ssyncadd.s32 $0xFFFFE000  }
0x4b: {  	[tilespmem:s6], [sflag:$0x1] =	stream.indirect.gather [hbm4b:s4+s5], $0x40, s13, s5, $0xb8;
	[tilespmem:$0x2800] =	vst v63  }
0x4c: {  	_ =	swait.ge [sflag:s7], $0x2000  }
0x4d: {  	[sflag:s7] =	ssyncset.done $0x0  }
0x4e: {  	s14 =	sadd.s32 $0x10400, s31;
	[sflag:s7] =	ssyncadd.s32 $0xFFFFE000  }
0x4f: {  	[hbm4b:s14+s2] =	stream.linear.scatter [tilespmem:s6], [sflag:$0x2], $0x2000, $0x38;
	[tilespmem:$0x2800] =	vst v63  }
0x50: {  	_ =	swait.ge [sflag:s3], $0x2000  }
0x51: {  	[sflag:s3] =	ssyncset.done $0x0  }
0x52: {  	s15 =	simm.s32 $0x400;
	[sflag:s3] =	ssyncadd.s32 $0xFFFFE000  }
0x53: {  	[tilespmem:s6], [sflag:$0x1] =	stream.indirect.gather [hbm4b:s4+s5], $0x40, s15, s5, $0xb8;
	[tilespmem:$0x2800] =	vst v63  }
0x54: {  	_ =	swait.ge [sflag:s7], $0x2000  }
0x55: {  	[sflag:s7] =	ssyncset.done $0x0  }
0x56: {  	s16 =	sadd.s32 $0x10800, s31;
	[sflag:s7] =	ssyncadd.s32 $0xFFFFE000  }
0x57: {  	[hbm4b:s16+s2] =	stream.linear.scatter [tilespmem:s6], [sflag:$0x2], $0x2000, $0x38;
	[tilespmem:$0x2800] =	vst v63  }
0x58: {  	_ =	swait.ge [sflag:s3], $0x2000  }
0x59: {  	[sflag:s3] =	ssyncset.done $0x0  }
0x5a: {  	s17 =	simm.s32 $0x480;
	[sflag:s3] =	ssyncadd.s32 $0xFFFFE000  }
0x5b: {  	[tilespmem:s6], [sflag:$0x1] =	stream.indirect.gather [hbm4b:s4+s5], $0x40, s17, s5, $0xb8;
	[tilespmem:$0x2800] =	vst v63  }
0x5c: {  	_ =	swait.ge [sflag:s7], $0x2000  }
0x5d: {  	[sflag:s7] =	ssyncset.done $0x0  }
0x5e: {  	s18 =	sadd.s32 $0x10C00, s31;
	[sflag:s7] =	ssyncadd.s32 $0xFFFFE000  }
0x5f: {  	[hbm4b:s18+s2] =	stream.linear.scatter [tilespmem:s6], [sflag:$0x2], $0x2000, $0x38;
	[tilespmem:$0x2800] =	vst v63  }
0x60: {  	_ =	swait.ge [sflag:s3], $0x2000  }
0x61: {  	[sflag:s3] =	ssyncset.done $0x0  }
0x62: {  	s19 =	simm.s32 $0x500;
	[sflag:s3] =	ssyncadd.s32 $0xFFFFE000  }
0x63: {  	[tilespmem:s6], [sflag:$0x1] =	stream.indirect.gather [hbm4b:s4+s5], $0x40, s19, s5, $0xb8;
	[tilespmem:$0x2800] =	vst v63  }
0x64: {  	_ =	swait.ge [sflag:s7], $0x2000  }
0x65: {  	[sflag:s7] =	ssyncset.done $0x0  }
0x66: {  	s20 =	sadd.s32 $0x11000, s31;
	[sflag:s7] =	ssyncadd.s32 $0xFFFFE000  }
0x67: {  	[hbm4b:s20+s2] =	stream.linear.scatter [tilespmem:s6], [sflag:$0x2], $0x2000, $0x38;
	[tilespmem:$0x2800] =	vst v63  }
0x68: {  	_ =	swait.ge [sflag:s3], $0x2000  }
0x69: {  	[sflag:s3] =	ssyncset.done $0x0  }
0x6a: {  	s21 =	simm.s32 $0x580;
	[sflag:s3] =	ssyncadd.s32 $0xFFFFE000  }
0x6b: {  	[tilespmem:s6], [sflag:$0x1] =	stream.indirect.gather [hbm4b:s4+s5], $0x40, s21, s5, $0xb8;
	[tilespmem:$0x2800] =	vst v63  }
0x6c: {  	_ =	swait.ge [sflag:s7], $0x2000  }
0x6d: {  	[sflag:s7] =	ssyncset.done $0x0  }
0x6e: {  	s22 =	sadd.s32 $0x11400, s31;
	[sflag:s7] =	ssyncadd.s32 $0xFFFFE000  }
0x6f: {  	[hbm4b:s22+s2] =	stream.linear.scatter [tilespmem:s6], [sflag:$0x2], $0x2000, $0x38;
	[tilespmem:$0x2800] =	vst v63  }
0x70: {  	_ =	swait.ge [sflag:s3], $0x2000  }
0x71: {  	[sflag:s3] =	ssyncset.done $0x0  }
0x72: {  	s23 =	simm.s32 $0x600;
	[sflag:s3] =	ssyncadd.s32 $0xFFFFE000  }
0x73: {  	[tilespmem:s6], [sflag:$0x1] =	stream.indirect.gather [hbm4b:s4+s5], $0x40, s23, s5, $0xb8;
	[tilespmem:$0x2800] =	vst v63  }
0x74: {  	_ =	swait.ge [sflag:s7], $0x2000  }
0x75: {  	[sflag:s7] =	ssyncset.done $0x0  }
0x76: {  	s24 =	sadd.s32 $0x11800, s31;
	[sflag:s7] =	ssyncadd.s32 $0xFFFFE000  }
0x77: {  	[hbm4b:s24+s2] =	stream.linear.scatter [tilespmem:s6], [sflag:$0x2], $0x2000, $0x38;
	[tilespmem:$0x2800] =	vst v63  }
0x78: {  	_ =	swait.ge [sflag:s3], $0x2000  }
0x79: {  	[sflag:s3] =	ssyncset.done $0x0  }
0x7a: {  	s25 =	simm.s32 $0x680;
	[sflag:s3] =	ssyncadd.s32 $0xFFFFE000  }
0x7b: {  	[tilespmem:s6], [sflag:$0x1] =	stream.indirect.gather [hbm4b:s4+s5], $0x40, s25, s5, $0xb8;
	[tilespmem:$0x2800] =	vst v63  }
0x7c: {  	_ =	swait.ge [sflag:s7], $0x2000  }
0x7d: {  	[sflag:s7] =	ssyncset.done $0x0  }
0x7e: {  	s26 =	sadd.s32 $0x11C00, s31;
	[sflag:s7] =	ssyncadd.s32 $0xFFFFE000  }
0x7f: {  	[hbm4b:s26+s2] =	stream.linear.scatter [tilespmem:s6], [sflag:$0x2], $0x2000, $0x38;
	[tilespmem:$0x2800] =	vst v63  }
0x80: {  	_ =	swait.ge [sflag:s3], $0x2000  }
0x81: {  	[sflag:s3] =	ssyncset.done $0x0  }
0x82: {  	s28 =	simm.s32 $0x700;
	[sflag:s3] =	ssyncadd.s32 $0xFFFFE000  }
0x83: {  	[tilespmem:s6], [sflag:$0x1] =	stream.indirect.gather [hbm4b:s4+s5], $0x40, s28, s5, $0xb8;
	[tilespmem:$0x2800] =	vst v63  }
0x84: {  	_ =	swait.ge [sflag:s7], $0x2000  }
0x85: {  	s1 =	ssub.s32 $0x2, s1;
	[sflag:s7] =	ssyncset.done $0x0  }
0x86: {  	s0 =	sshrl.u32 s1, $0x1;
	s29 =	sadd.s32 $0x12000, s31;
	[sflag:s7] =	ssyncadd.s32 $0xFFFFE000  }
0x87: {  	[hbm4b:s29+s2] =	stream.linear.scatter [tilespmem:s6], [sflag:$0x2], $0x2000, $0x38;
	[tilespmem:$0x2800] =	vst v63  }
0x88: {  	s0 =	ssub.s32 s1, s0;
	_ =	swait.ge [sflag:s3], $0x2000  }
0x89: {  	s0 =	smax.u32 s0, $0x1;
	[sflag:s3] =	ssyncset.done $0x0  }
0x8a: {  	s30 =	simm.s32 $0x780;
	p0 =	sne.s32 s0, $0x1;
	[sflag:s3] =	ssyncadd.s32 $0xFFFFE000  }
0x8b: {  	[tilespmem:s6], [sflag:$0x1] =	stream.indirect.gather [hbm4b:s4+s5], $0x40, s30, s5, $0xb8;
	[tilespmem:$0x2800] =	vst v63  }
.Ltmp0:
0x8c: {  	_ =	swait.ge [sflag:s7], $0x2000;
	(pc) =	sbr.rel @!p0 .LBB2_2-.Ltmp0, $4  }
0x8d: {  	[sflag:s7] =	ssyncset.done $0x0  }
0x8e: {  	s31 =	sadd.s32 $0x12400, s31;
	[sflag:s7] =	ssyncadd.s32 $0xFFFFE000  }
0x8f: {  	[hbm4b:s31+s2] =	stream.linear.scatter [tilespmem:s6], [sflag:$0x2], $0x2000, $0x38;
	[tilespmem:$0x2800] =	vst v63  }
0x90: {  	s1 =	sadd.s32 $0xFFFFFFFF, s0;
	_ =	swait.ge [sflag:s3], $0x2000  }
.LBB2_1:
0x91: {  	[sflag:s3] =	ssyncset.done $0x0  }
0x92: {  	s0 =	rddreg [dreg:$0x3];
	[sflag:s3] =	ssyncadd.s32 $0xFFFFE000  }
0x93: {  	[tilespmem:s2], [sflag:$0x2] =	stream.linear.gather [hbm4b:s0+s2], $0x800, $0x38;
	[tilespmem:$0x2800] =	vst v63  }
0x94: {  	_ =	swait.ge [sflag:s3], $0x800  }
0x95: {  	[sflag:s3] =	ssyncset.done $0x0  }
0x96: {  	[sflag:s3] =	ssyncadd.s32 $0xFFFFF800  }
0x97: {  	[tilespmem:s6], [sflag:$0x1] =	stream.indirect.gather [hbm4b:s4+s5], $0x40, s2, s5, $0xb8;
	[tilespmem:$0x2800] =	vst v63  }
0x98: {  	_ =	swait.ge [sflag:s7], $0x2000  }
0x99: {  	[sflag:s7] =	ssyncset.done $0x0  }
0x9a: {  	s0 =	rddreg [dreg:$0x4];
	[sflag:s7] =	ssyncadd.s32 $0xFFFFE000  }
0x9b: {  	[hbm4b:s0+s2] =	stream.linear.scatter [tilespmem:s6], [sflag:$0x2], $0x2000, $0x38;
	[tilespmem:$0x2800] =	vst v63  }
0x9c: {  	_ =	swait.ge [sflag:s3], $0x2000  }
0x9d: {  	[sflag:s3] =	ssyncset.done $0x0  }
0x9e: {  	[sflag:s3] =	ssyncadd.s32 $0xFFFFE000  }
0x9f: {  	[tilespmem:s6], [sflag:$0x1] =	stream.indirect.gather [hbm4b:s4+s5], $0x40, s5, s5, $0xb8;
	[tilespmem:$0x2800] =	vst v63  }
0xa0: {  	_ =	swait.ge [sflag:s7], $0x2000  }
0xa1: {  	[sflag:s7] =	ssyncset.done $0x0  }
0xa2: {  	s0 =	rddreg [dreg:$0x5];
	[sflag:s7] =	ssyncadd.s32 $0xFFFFE000  }
0xa3: {  	[hbm4b:s0+s2] =	stream.linear.scatter [tilespmem:s6], [sflag:$0x2], $0x2000, $0x38;
	[tilespmem:$0x2800] =	vst v63  }
0xa4: {  	_ =	swait.ge [sflag:s3], $0x2000  }
0xa5: {  	[sflag:s3] =	ssyncset.done $0x0  }
0xa6: {  	[sflag:s3] =	ssyncadd.s32 $0xFFFFE000  }
0xa7: {  	[tilespmem:s6], [sflag:$0x1] =	stream.indirect.gather [hbm4b:s4+s5], $0x40, s8, s5, $0xb8;
	[tilespmem:$0x2800] =	vst v63  }
0xa8: {  	_ =	swait.ge [sflag:s7], $0x2000  }
0xa9: {  	[sflag:s7] =	ssyncset.done $0x0  }
0xaa: {  	s0 =	rddreg [dreg:$0x6];
	[sflag:s7] =	ssyncadd.s32 $0xFFFFE000  }
0xab: {  	[hbm4b:s0+s2] =	stream.linear.scatter [tilespmem:s6], [sflag:$0x2], $0x2000, $0x38;
	[tilespmem:$0x2800] =	vst v63  }
0xac: {  	_ =	swait.ge [sflag:s3], $0x2000  }
0xad: {  	[sflag:s3] =	ssyncset.done $0x0  }
0xae: {  	[sflag:s3] =	ssyncadd.s32 $0xFFFFE000  }
0xaf: {  	[tilespmem:s6], [sflag:$0x1] =	stream.indirect.gather [hbm4b:s4+s5], $0x40, s9, s5, $0xb8;
	[tilespmem:$0x2800] =	vst v63  }
0xb0: {  	_ =	swait.ge [sflag:s7], $0x2000  }
0xb1: {  	[sflag:s7] =	ssyncset.done $0x0  }
0xb2: {  	s0 =	rddreg [dreg:$0x7];
	[sflag:s7] =	ssyncadd.s32 $0xFFFFE000  }
0xb3: {  	[hbm4b:s0+s2] =	stream.linear.scatter [tilespmem:s6], [sflag:$0x2], $0x2000, $0x38;
	[tilespmem:$0x2800] =	vst v63  }
0xb4: {  	_ =	swait.ge [sflag:s3], $0x2000  }
0xb5: {  	[sflag:s3] =	ssyncset.done $0x0  }
0xb6: {  	[sflag:s3] =	ssyncadd.s32 $0xFFFFE000  }
0xb7: {  	[tilespmem:s6], [sflag:$0x1] =	stream.indirect.gather [hbm4b:s4+s5], $0x40, s10, s5, $0xb8;
	[tilespmem:$0x2800] =	vst v63  }
0xb8: {  	_ =	swait.ge [sflag:s7], $0x2000  }
0xb9: {  	[sflag:s7] =	ssyncset.done $0x0  }
0xba: {  	s0 =	rddreg [dreg:$0x8];
	[sflag:s7] =	ssyncadd.s32 $0xFFFFE000  }
0xbb: {  	[hbm4b:s0+s2] =	stream.linear.scatter [tilespmem:s6], [sflag:$0x2], $0x2000, $0x38;
	[tilespmem:$0x2800] =	vst v63  }
0xbc: {  	_ =	swait.ge [sflag:s3], $0x2000  }
0xbd: {  	[sflag:s3] =	ssyncset.done $0x0  }
0xbe: {  	[sflag:s3] =	ssyncadd.s32 $0xFFFFE000  }
0xbf: {  	[tilespmem:s6], [sflag:$0x1] =	stream.indirect.gather [hbm4b:s4+s5], $0x40, s11, s5, $0xb8;
	[tilespmem:$0x2800] =	vst v63  }
0xc0: {  	_ =	swait.ge [sflag:s7], $0x2000  }
0xc1: {  	[sflag:s7] =	ssyncset.done $0x0  }
0xc2: {  	s0 =	rddreg [dreg:$0x9];
	[sflag:s7] =	ssyncadd.s32 $0xFFFFE000  }
0xc3: {  	[hbm4b:s0+s2] =	stream.linear.scatter [tilespmem:s6], [sflag:$0x2], $0x2000, $0x38;
	[tilespmem:$0x2800] =	vst v63  }
0xc4: {  	_ =	swait.ge [sflag:s3], $0x2000  }
0xc5: {  	[sflag:s3] =	ssyncset.done $0x0  }
0xc6: {  	[sflag:s3] =	ssyncadd.s32 $0xFFFFE000  }
0xc7: {  	[tilespmem:s6], [sflag:$0x1] =	stream.indirect.gather [hbm4b:s4+s5], $0x40, s12, s5, $0xb8;
	[tilespmem:$0x2800] =	vst v63  }
0xc8: {  	_ =	swait.ge [sflag:s7], $0x2000  }
0xc9: {  	[sflag:s7] =	ssyncset.done $0x0  }
0xca: {  	s0 =	rddreg [dreg:$0xa];
	[sflag:s7] =	ssyncadd.s32 $0xFFFFE000  }
0xcb: {  	[hbm4b:s0+s2] =	stream.linear.scatter [tilespmem:s6], [sflag:$0x2], $0x2000, $0x38;
	[tilespmem:$0x2800] =	vst v63  }
0xcc: {  	_ =	swait.ge [sflag:s3], $0x2000  }
0xcd: {  	[sflag:s3] =	ssyncset.done $0x0  }
0xce: {  	[sflag:s3] =	ssyncadd.s32 $0xFFFFE000  }
0xcf: {  	[tilespmem:s6], [sflag:$0x1] =	stream.indirect.gather [hbm4b:s4+s5], $0x40, s13, s5, $0xb8;
	[tilespmem:$0x2800] =	vst v63  }
0xd0: {  	_ =	swait.ge [sflag:s7], $0x2000  }
0xd1: {  	[sflag:s7] =	ssyncset.done $0x0  }
0xd2: {  	[sflag:s7] =	ssyncadd.s32 $0xFFFFE000  }
0xd3: {  	[hbm4b:s14+s2] =	stream.linear.scatter [tilespmem:s6], [sflag:$0x2], $0x2000, $0x38;
	[tilespmem:$0x2800] =	vst v63  }
0xd4: {  	_ =	swait.ge [sflag:s3], $0x2000  }
0xd5: {  	[sflag:s3] =	ssyncset.done $0x0  }
0xd6: {  	[sflag:s3] =	ssyncadd.s32 $0xFFFFE000  }
0xd7: {  	[tilespmem:s6], [sflag:$0x1] =	stream.indirect.gather [hbm4b:s4+s5], $0x40, s15, s5, $0xb8;
	[tilespmem:$0x2800] =	vst v63  }
0xd8: {  	_ =	swait.ge [sflag:s7], $0x2000  }
0xd9: {  	[sflag:s7] =	ssyncset.done $0x0  }
0xda: {  	[sflag:s7] =	ssyncadd.s32 $0xFFFFE000  }
0xdb: {  	[hbm4b:s16+s2] =	stream.linear.scatter [tilespmem:s6], [sflag:$0x2], $0x2000, $0x38;
	[tilespmem:$0x2800] =	vst v63  }
0xdc: {  	_ =	swait.ge [sflag:s3], $0x2000  }
0xdd: {  	[sflag:s3] =	ssyncset.done $0x0  }
0xde: {  	[sflag:s3] =	ssyncadd.s32 $0xFFFFE000  }
0xdf: {  	[tilespmem:s6], [sflag:$0x1] =	stream.indirect.gather [hbm4b:s4+s5], $0x40, s17, s5, $0xb8;
	[tilespmem:$0x2800] =	vst v63  }
0xe0: {  	_ =	swait.ge [sflag:s7], $0x2000  }
0xe1: {  	[sflag:s7] =	ssyncset.done $0x0  }
0xe2: {  	[sflag:s7] =	ssyncadd.s32 $0xFFFFE000  }
0xe3: {  	[hbm4b:s18+s2] =	stream.linear.scatter [tilespmem:s6], [sflag:$0x2], $0x2000, $0x38;
	[tilespmem:$0x2800] =	vst v63  }
0xe4: {  	_ =	swait.ge [sflag:s3], $0x2000  }
0xe5: {  	[sflag:s3] =	ssyncset.done $0x0  }
0xe6: {  	[sflag:s3] =	ssyncadd.s32 $0xFFFFE000  }
0xe7: {  	[tilespmem:s6], [sflag:$0x1] =	stream.indirect.gather [hbm4b:s4+s5], $0x40, s19, s5, $0xb8;
	[tilespmem:$0x2800] =	vst v63  }
0xe8: {  	_ =	swait.ge [sflag:s7], $0x2000  }
0xe9: {  	[sflag:s7] =	ssyncset.done $0x0  }
0xea: {  	[sflag:s7] =	ssyncadd.s32 $0xFFFFE000  }
0xeb: {  	[hbm4b:s20+s2] =	stream.linear.scatter [tilespmem:s6], [sflag:$0x2], $0x2000, $0x38;
	[tilespmem:$0x2800] =	vst v63  }
0xec: {  	_ =	swait.ge [sflag:s3], $0x2000  }
0xed: {  	[sflag:s3] =	ssyncset.done $0x0  }
0xee: {  	[sflag:s3] =	ssyncadd.s32 $0xFFFFE000  }
0xef: {  	[tilespmem:s6], [sflag:$0x1] =	stream.indirect.gather [hbm4b:s4+s5], $0x40, s21, s5, $0xb8;
	[tilespmem:$0x2800] =	vst v63  }
0xf0: {  	_ =	swait.ge [sflag:s7], $0x2000  }
0xf1: {  	[sflag:s7] =	ssyncset.done $0x0  }
0xf2: {  	[sflag:s7] =	ssyncadd.s32 $0xFFFFE000  }
0xf3: {  	[hbm4b:s22+s2] =	stream.linear.scatter [tilespmem:s6], [sflag:$0x2], $0x2000, $0x38;
	[tilespmem:$0x2800] =	vst v63  }
0xf4: {  	_ =	swait.ge [sflag:s3], $0x2000  }
0xf5: {  	[sflag:s3] =	ssyncset.done $0x0  }
0xf6: {  	[sflag:s3] =	ssyncadd.s32 $0xFFFFE000  }
0xf7: {  	[tilespmem:s6], [sflag:$0x1] =	stream.indirect.gather [hbm4b:s4+s5], $0x40, s23, s5, $0xb8;
	[tilespmem:$0x2800] =	vst v63  }
0xf8: {  	_ =	swait.ge [sflag:s7], $0x2000  }
0xf9: {  	[sflag:s7] =	ssyncset.done $0x0  }
0xfa: {  	[sflag:s7] =	ssyncadd.s32 $0xFFFFE000  }
0xfb: {  	[hbm4b:s24+s2] =	stream.linear.scatter [tilespmem:s6], [sflag:$0x2], $0x2000, $0x38;
	[tilespmem:$0x2800] =	vst v63  }
0xfc: {  	_ =	swait.ge [sflag:s3], $0x2000  }
0xfd: {  	[sflag:s3] =	ssyncset.done $0x0  }
0xfe: {  	[sflag:s3] =	ssyncadd.s32 $0xFFFFE000  }
0xff: {  	[tilespmem:s6], [sflag:$0x1] =	stream.indirect.gather [hbm4b:s4+s5], $0x40, s25, s5, $0xb8;
	[tilespmem:$0x2800] =	vst v63  }
0x100: {  	_ =	swait.ge [sflag:s7], $0x2000  }
0x101: {  	[sflag:s7] =	ssyncset.done $0x0  }
0x102: {  	[sflag:s7] =	ssyncadd.s32 $0xFFFFE000  }
0x103: {  	[hbm4b:s26+s2] =	stream.linear.scatter [tilespmem:s6], [sflag:$0x2], $0x2000, $0x38;
	[tilespmem:$0x2800] =	vst v63  }
0x104: {  	_ =	swait.ge [sflag:s3], $0x2000  }
0x105: {  	[sflag:s3] =	ssyncset.done $0x0  }
0x106: {  	[sflag:s3] =	ssyncadd.s32 $0xFFFFE000  }
0x107: {  	[tilespmem:s6], [sflag:$0x1] =	stream.indirect.gather [hbm4b:s4+s5], $0x40, s28, s5, $0xb8;
	[tilespmem:$0x2800] =	vst v63  }
0x108: {  	_ =	swait.ge [sflag:s7], $0x2000  }
0x109: {  	[sflag:s7] =	ssyncset.done $0x0  }
0x10a: {  	[sflag:s7] =	ssyncadd.s32 $0xFFFFE000  }
0x10b: {  	[hbm4b:s29+s2] =	stream.linear.scatter [tilespmem:s6], [sflag:$0x2], $0x2000, $0x38;
	[tilespmem:$0x2800] =	vst v63  }
0x10c: {  	_ =	swait.ge [sflag:s3], $0x2000  }
0x10d: {  	[sflag:s3] =	ssyncset.done $0x0  }
0x10e: {  	p0 =	sne.s32 s1, $0x1;
	[sflag:s3] =	ssyncadd.s32 $0xFFFFE000  }
0x10f: {  	[tilespmem:s6], [sflag:$0x1] =	stream.indirect.gather [hbm4b:s4+s5], $0x40, s30, s5, $0xb8;
	[tilespmem:$0x2800] =	vst v63  }
.Ltmp1:
0x110: {  	_ =	swait.ge [sflag:s7], $0x2000;
	(pc) =	sbr.rel @p0 .LBB2_1-.Ltmp1, $4  }
0x111: {  	[sflag:s7] =	ssyncset.done $0x0  }
0x112: {  	[sflag:s7] =	ssyncadd.s32 $0xFFFFE000  }
0x113: {  	[hbm4b:s31+s2] =	stream.linear.scatter [tilespmem:s6], [sflag:$0x2], $0x2000, $0x38;
	[tilespmem:$0x2800] =	vst v63  }
0x114: {  	s1 =	sadd.s32 $0xFFFFFFFF, s1;
	_ =	swait.ge [sflag:s3], $0x2000  }
.LBB2_2:
0x115: {  	[sflag:s3] =	ssyncset.done $0x0  }
0x116: {  	[sflag:s3] =	ssyncadd.s32 $0xFFFFE000  }
0x117: {  	_ =	sfence.sel $0x180000  }
0x118: {  	[bflag:$0x0] =	sbarrier.arrive $0xFFFF  }
0x119: {  	_ =	strace $0x9000004A  }
0x11a: {  	s0 =	stileid.u32;
	[bflag:$0x2] =	sbarrier.arrive $0xFFFF  }
0x11b: {  	p0 =	sne.s32 s0, $0x0;
	s0 =	rddreg [dreg:$0x2]  }
0x11c: {  	s0 =	sadd.s32 @!p0 $0x100000, s0  }
0x11d: {  	[sflag:s0] =	ssyncadd.tile.s32 @!p0 $0x1;
	_ =	shalt  }
.Lfunc_end2:
_tile_overlayer_lowered:
.L_overlay_start_2:
0x11e: {  	(tag) =	ssettag $0x2  }
0x11f: {  	s0 =	rddreg [dreg:$0x0];
	s2 =	stileid.u32  }
0x120: {  	s1 =	rddreg [dreg:$0x1];
	p0 =	sne.s32 s2, $0x0  }
0x121: {  	s3 =	rddreg [dreg:$0x2];
	[bflag:$0x3] =	sbarrier.arrive $0xFFFF;
	s2 =	simm.s32 @!p0 $0x1C02  }
0x122: {  	[timem:s3], [sflag:s2] =	dma.local @!p0 [hbm:s0], s1  }
0x123: {  	s0 =	simm.s32 @!p0 $0x2  }
0x124: {  	_ =	swait.ge @!p0 [sflag:s0], s1  }
0x125: {  	s1 =	ssub.s32 @!p0 $0x0, s1;
	[sflag:s0] =	ssyncset.done @!p0 $0x0  }
0x126: {  	[sflag:s0] =	ssyncadd.s32 @!p0 s1  }
0x127: {  	[bflag:$0x3] =	sbarrier.arrive $0xFFFF  }
0x128: {  	_ =	shalt  }

// kernel: kernel.28.cloned.1.call-start
scs
__scs_entry_jumppad:
0x0: {  	(pc) =	sbr.rel $0x88, $3  }
0x1: {  	(tag) =	ssettag $0x0;
	lr =	simm.s32 $0x1  }
0x2: {  	[smem:$0x3F78] =	sst lr;
	_ =	strace $0xD0000000  }
0x3: {  	_ = 	snop  }
0x4: {  	_ = 	snop  }
0x5: {  	_ = 	snop  }
0x6: {  	_ = 	snop  }
0x7: {  	_ = 	snop  }
__scs_overlays_trampoline_lowered:
0x8: {  	[smem:$0x3F87] =	sst s0  }
0x9: {  	[smem:$0x3F88] =	sst s1  }
0xa: {  	[smem:$0x3F89] =	sst s2  }
0xb: {  	[smem:$0x3F8A] =	sst s3  }
0xc: {  	[smem:$0x3F8B] =	sst s4  }
0xd: {  	[smem:$0x3F8C] =	sst s5  }
0xe: {  	[smem:$0x3F8D] =	sst s6  }
0xf: {  	[smem:$0x3F8E] =	sst s7  }
0x10: {  	[smem:$0x3F8F] =	sst s8  }
0x11: {  	[smem:$0x3F90] =	sst s9;
	s0 =	simm.s32 @!p0 $0x0  }
0x12: {  	s1 =	sld [smem:$0x3F76];
	s0 =	simm.s32 @p0 $0x1  }
0x13: {  	[smem:$0x3F91] =	sst s0;
	s0 =	simm.s32 @!p1 $0x0  }
0x14: {  	s2 =	sld [smem:$0x3F75];
	s0 =	simm.s32 @p1 $0x1  }
0x15: {  	[smem:$0x3F92] =	sst s0;
	s0 =	simm.s32 @!p2 $0x0  }
0x16: {  	s3 =	sld [smem:$0x3FDB];
	s0 =	simm.s32 @p2 $0x1  }
0x17: {  	s4 =	simm.s32 $0x1BF5;
	[smem:$0x3F94] =	sst s0  }
0x18: {  	s0 =	sld [smem:$0x3F77];
	_ =	swait.ge [sflag:s4], $0x0  }
0x19: {  	s7 =	sld [smem:$0x3F78]  }
0x1a: {  	s8 =	sadd.s32 $0xFFFFE003, lr  }
0x1b: {  	s9 =	sadd.s32 $0xFFFFFEF7, lr;
	s5 =	simm.s32 $0xFFFFFFFF;
	p2 =	slt.u32 s8, $0xFFFFF086  }
0x1c: {  	p1 =	slt.u32 s9, $0xF7A;
	s5 =	simm.s32 @!p2 $0x0  }
0x1d: {  	s5 =	simm.s32 @p1 $0x1;
	p0 =	seq.s32 s7, s2  }
0x1e: {  	s7 =	smul.u32 @!p0 $0xF7A, s2;
	p2 =	seq.s32 @!p0 s5, $0x0  }
0x1f: {  	s9 =	smul.u32 $0xF7A, s1;
	s8 =	simm.s32 @!p0 $0x1BF5;
	p2 =	por !p2, p0  }
0x20: {  	[sflag:s8] =	ssyncset.s32 @!p0 $0xFFFFF086;
	s6 =	sadd.s32 @!p0 s3, s7;
	s7 =	simm.s32 @!p0 $0x108  }
0x21: {  	s3 =	sadd.s32 s3, s9;
	s6 =	sadd.s32 @!p0 $0x88, s6;
	s7 =	simm.s32 @p2 $0x1082  }
0x22: {  	[simem:s7], [sflag:s8] =	dma.local @!p0 [hbm:s6], $0xF7A  }
0x23: {  	s9 =	sor.u32 $0xD0000000, s2;
	s6 =	simm.s32 $0x108;
	_ =	swait.ge @!p0 [sflag:s8], $0x0  }
0x24: {  	s3 =	sadd.s32 $0x88, s3;
	s6 =	simm.s32 @!p1 $0x1082;
	[sflag:s4] =	ssyncset.s32 $0xFFFFF086  }
0x25: {  	[simem:s6], [sflag:s4] =	dma.local [hbm:s3], $0xF7A  }
0x26: {  	[smem:$0x3F78] =	sst s1;
	(tag) =	ssettag s2;
	_ =	strace s9  }
0x27: {  	s1 =	sld [smem:$0x3F88]  }
0x28: {  	s2 =	sld [smem:$0x3F89]  }
0x29: {  	s4 =	sld [smem:$0x3F8B]  }
0x2a: {  	p0 =	seq.s32 s5, $0x0;
	s5 =	sld [smem:$0x3F8C]  }
0x2b: {  	s6 =	sld [smem:$0x3F8D]  }
0x2c: {  	s7 =	sld [smem:$0x3F8E]  }
0x2d: {  	s3 =	simm.s32 $0x108;
	s8 =	sld [smem:$0x3F8F]  }
0x2e: {  	s3 =	simm.s32 @!p0 $0x1082;
	s9 =	sld [smem:$0x3F90]  }
0x2f: {  	lr =	sadd.s32 s0, s3;
	s0 =	sld [smem:$0x3F87]  }
0x30: {  	s3 =	sld [smem:$0x3F8A]  }
0x31: {  	[smem:$0x3F93] =	sst s10  }
0x32: {  	s10 =	sld [smem:$0x3F91];
	_ =	sdelay $0x3  }
0x33: {  	p0 =	seq.s32 s10, $0x1;
	s10 =	sld [smem:$0x3F93];
	_ =	sdelay $0x3  }
0x34: {  	[smem:$0x3F93] =	sst s10  }
0x35: {  	s10 =	sld [smem:$0x3F92];
	_ =	sdelay $0x3  }
0x36: {  	p1 =	seq.s32 s10, $0x1;
	s10 =	sld [smem:$0x3F93];
	_ =	sdelay $0x3  }
0x37: {  	[smem:$0x3F93] =	sst s10  }
0x38: {  	s10 =	sld [smem:$0x3F94]  }
0x39: {  	_ = 	snop;
	(pc) =	sbr.ind lr, $3  }
0x3a: {  	_ = 	snop  }
0x3b: {  	_ = 	snop  }
0x3c: {  	p2 =	seq.s32 s10, $0x1;
	s10 =	sld [smem:$0x3F93]  }
0x3d: {  	_ =	shalt  }
0x3e: {  	_ =	shalt  }
0x3f: {  	_ =	shalt  }
0x40: {  	_ =	shalt  }
0x41: {  	_ =	shalt  }
0x42: {  	_ =	shalt  }
0x43: {  	_ =	shalt  }
0x44: {  	_ =	shalt  }
0x45: {  	_ =	shalt  }
0x46: {  	_ =	shalt  }
0x47: {  	_ =	shalt  }
0x48: {  	_ =	shalt  }
0x49: {  	_ =	shalt  }
0x4a: {  	_ =	shalt  }
0x4b: {  	_ =	shalt  }
0x4c: {  	_ =	shalt  }
0x4d: {  	_ =	shalt  }
0x4e: {  	_ =	shalt  }
0x4f: {  	_ =	shalt  }
0x50: {  	_ =	shalt  }
0x51: {  	_ =	shalt  }
0x52: {  	_ =	shalt  }
0x53: {  	_ =	shalt  }
0x54: {  	_ =	shalt  }
0x55: {  	_ =	shalt  }
0x56: {  	_ =	shalt  }
0x57: {  	_ =	shalt  }
0x58: {  	_ =	shalt  }
0x59: {  	_ =	shalt  }
0x5a: {  	_ =	shalt  }
0x5b: {  	_ =	shalt  }
0x5c: {  	_ =	shalt  }
0x5d: {  	_ =	shalt  }
0x5e: {  	_ =	shalt  }
0x5f: {  	_ =	shalt  }
0x60: {  	_ =	shalt  }
0x61: {  	_ =	shalt  }
0x62: {  	_ =	shalt  }
0x63: {  	_ =	shalt  }
0x64: {  	_ =	shalt  }
0x65: {  	_ =	shalt  }
0x66: {  	_ =	shalt  }
0x67: {  	_ =	shalt  }
0x68: {  	_ =	shalt  }
0x69: {  	_ =	shalt  }
0x6a: {  	_ =	shalt  }
0x6b: {  	_ =	shalt  }
0x6c: {  	_ =	shalt  }
0x6d: {  	_ =	shalt  }
0x6e: {  	_ =	shalt  }
0x6f: {  	_ =	shalt  }
0x70: {  	_ =	shalt  }
0x71: {  	_ =	shalt  }
0x72: {  	_ =	shalt  }
0x73: {  	_ =	shalt  }
0x74: {  	_ =	shalt  }
0x75: {  	_ =	shalt  }
0x76: {  	_ =	shalt  }
0x77: {  	_ =	shalt  }
0x78: {  	_ =	shalt  }
0x79: {  	_ =	shalt  }
0x7a: {  	_ =	shalt  }
0x7b: {  	_ =	shalt  }
0x7c: {  	_ =	shalt  }
0x7d: {  	_ =	shalt  }
0x7e: {  	_ =	shalt  }
0x7f: {  	_ =	shalt  }
0x80: {  	_ =	shalt  }
0x81: {  	_ =	shalt  }
0x82: {  	_ =	shalt  }
0x83: {  	_ =	shalt  }
0x84: {  	_ =	shalt  }
0x85: {  	_ =	shalt  }
0x86: {  	_ =	shalt  }
0x87: {  	_ =	shalt  }
.Lfunc_end0:
.L_simem_size_0:
called_computation.2_lowered:
.L_overlay_start_0:
0x88: {  	s2 =	sld [smem:$0x3FD9]  }
0x89: {  	s3 =	sld [smem:$0x3FFE];
	_ =	sdelay $0x1  }
0x8a: {  	s1 =	srdreg.scid  }
0x8b: {  	s0 =	sand.u32 $0x1, s1  }
0x8c: {  	s17 =	sshll.u32 s0, $0xA;
	s2 =	sadd.s32 s3, s2  }
0x8d: {  	s2 =	sadd.s32 s2, s17  }
0x8e: {  	[smem:$0x3F9F] =	sst s2  }
0x8f: {  	_ = 	snop  }
0x90: {  	s2 =	sld [smem:$0x3FD0];
	(tm) =	ssettm $0x1  }
0x91: {  	s18 =	sld [smem:$0x3FFB];
	_ =	sdelay $0x3  }
0x92: {  	_ =	strace s18  }
0x93: {  	s3 =	sld [smem:$0x3FFC];
	_ =	sdelay $0x3  }
0x94: {  	_ =	strace s3  }
0x95: {  	s3 =	sld [smem:$0x3FFD];
	_ =	sdelay $0x3  }
0x96: {  	_ =	strace s3  }
0x97: {  	_ =	strace $0x8FFFFFFF  }
0x98: {  	s19 =	sld [smem:$0x3FDB];
	_ =	sdelay $0x1  }
0x99: {  	s4 =	simm.s32 $_scs_section_size  }
0x9a: {  	s5 =	simm.s32 $_size__tile_overlayer_lowered;
	s6 =	simm.s32 $_tile_overlayer_lowered  }
0x9b: {  	s22 =	simm.s32 $0x1BFF;
	s21 =	sshll.u32 s6, $0x1;
	s3 =	sadd.s32 s4, s19  }
0x9c: {  	s7 =	simm.s32 $0x0;
	s20 =	sshll.u32 s5, $0x1;
	s5 =	sadd.s32 s21, s3  }
0x9d: {  	[timem:s7], [sflag:s22] =	dma.local [hbm:s5], s20  }
0x9e: {  	_ =	swait.ge [sflag:s22], s20  }
0x9f: {  	s4 =	ssub.s32 $0x0, s20;
	[sflag:s22] =	ssyncset.done $0x0  }
0xa0: {  	[sflag:s22] =	ssyncadd.s32 s4;
	_ =	sdelay $0x1  }
0xa1: {  	s23 =	simm.s32 $0x1B8B  }
0xa2: {  	_ =	swait.ge [sflag:s23], $0x1  }
0xa3: {  	[sflag:s23] =	ssyncset.done $0x0  }
0xa4: {  	s25 =	simm.s32 $0x1B8E;
	s24 =	sld [smem:$0x3FFE];
	[sflag:s23] =	ssyncadd.s32 $0xFFFFFFFF  }
0xa5: {  	s26 =	simm.s32 $execute0_lowered;
	[smem:$0x3FD2] =	sst s25  }
0xa6: {  	s5 =	sshll.u32 s26, $0x1;
	_ =	strace $0x8000004C;
	[dreg:$0x1] =	wrdreg $0xFFFFFFFF  }
0xa7: {  	s28 =	simm.s32 $_size_execute0_lowered;
	s3 =	sadd.s32 s3, s5;
	[dreg:$0x0] =	wrdreg $0x0  }
0xa8: {  	s5 =	sshll.u32 s28, $0x1;
	[dreg:$0x2] =	wrdreg s3  }
0xa9: {  	[dreg:$0x3] =	wrdreg s5  }
0xaa: {  	[dreg:$0x4] =	wrdreg $0xC0  }
0xab: {  	_ =	task [dreg:s7], $0x5FFFF  }
0xac: {  	[dreg:$0x1] =	wrdreg $0xFFFFFFFF  }
0xad: {  	[dreg:$0x0] =	wrdreg $0x60  }
0xae: {  	[dreg:$0x2] =	wrdreg s24  }
0xaf: {  	[dreg:$0x3] =	wrdreg s2  }
0xb0: {  	[dreg:$0x4] =	wrdreg $0x9  }
0xb1: {  	_ =	task.clear_ibuf [dreg:s7], $0x5FFFF;
	_ =	strace $0x9000004C  }
0xb2: {  	s29 =	simm.s32 $0x9;
	_ =	strace $0x8000004E  }
0xb3: {  	_ =	swait.ge [sflag:s29], $0x1  }
0xb4: {  	[sflag:s29] =	ssyncadd.s32 $0xFFFFFFFF  }
0xb5: {  	_ =	strace $0x9000004E  }
0xb6: {  	_ =	sfence  }
0xb7: {  	s30 =	sld [smem:$0x0];
	_ =	sdelay $0x2  }
0xb8: {  	s31 =	sshll.u32 s1, $0xD;
	s1 =	sshrl.u32 s1, $0x2  }
0xb9: {  	s3 =	sand.u32 $0x4000, s31;
	s1 =	sadd.s32 s1, s30  }
0xba: {  	s0 =	sor.u32 s3, s0;
	s1 =	sshll.u32 s1, $0x11  }
0xbb: {  	s0 =	sor.u32 s1, s0  }
0xbc: {  	s0 =	sadd.s32 $0x8F2B, s0  }
0xbd: {  	[sflag:s0] =	ssyncadd.remote.s32 $0x1  }
0xbe: {  	_ =	sfence.sel $0xFFFF  }
0xbf: {  	[dreg:$0x0] =	wrdreg $0xFFFFFFFF;
	(pc) =	sbr.abs _section_cstart, $3  }
0xc0: {  	[dreg:$0x1] =	wrdreg $0xFFFFFFFF  }
0xc1: {  	_ =	task.clear_ibuf [dreg:s7], $0x2FFFF;
	_ =	strace $0x9FFFFFFF  }
0xc2: {  	(tm) =	ssettm $0x7FFFFFFF  }
0xc3: {  	_ =	shalt  }
tec
execute0_lowered:
.L_overlay_start_1:
0x0: {  	(tag) =	ssettag $0x1  }
0x1: {  	s1 =	srdreg.scid;
	s0 =	stileid.u32  }
0x2: {  	s4 =	rddreg [dreg:$0x0];
	s1 =	sand.u32 $0x1, s1;
	s5 =	sshll.u32 s0, $0x1  }
0x3: {  	s3 =	rddreg [dreg:$0x1];
	s5 =	sor.u32 s1, s5  }
0x4: {  	s2 =	simm.s32 $0x0;
	s6 =	sshll.u32 s5, $0xE;
	s5 =	sshll.u32 s5, $0x8  }
0x5: {  	[smem:$0x7FF] =	sst s2;
	s31 =	sadd.s32 s6, s4;
	s3 =	sadd.s32 s3, s5  }
0x6: {  	_ =	strace $0x8000004D;
	[dreg:$0x3] =	wrdreg s3;
	s18 =	sadd.s32 $0xE800, s31  }
0x7: {  	s19 =	sadd.s32 $0xEC00, s31;
	[dreg:$0x4] =	wrdreg s18  }
0x8: {  	s20 =	sadd.s32 $0xF000, s31;
	[dreg:$0x5] =	wrdreg s19  }
0x9: {  	s21 =	sadd.s32 $0xF400, s31;
	[dreg:$0x6] =	wrdreg s20  }
0xa: {  	s22 =	sadd.s32 $0xF800, s31;
	[dreg:$0x7] =	wrdreg s21  }
0xb: {  	[dreg:$0x8] =	wrdreg s22  }
0xc: {  	s23 =	sadd.s32 $0xFC00, s31;
	s24 =	rddreg [dreg:$0x3]  }
0xd: {  	s25 =	sadd.s32 $0x10000, s31;
	[dreg:$0x9] =	wrdreg s23  }
0xe: {  	s3 =	simm.s32 $0x2;
	[dreg:$0xa] =	wrdreg s25  }
0xf: {  	[tilespmem:s2], [sflag:$0x2] =	stream.linear.gather [hbm4b:s24+s2], $0x800, $0x38;
	[tilespmem:$0x2800] =	vst v63  }
0x10: {  	_ =	swait.ge [sflag:s3], $0x800  }
0x11: {  	s7 =	simm.s32 $0x1;
	s4 =	sadd.s32 $0x6800, s4;
	[sflag:s3] =	ssyncset.done $0x0  }
0x12: {  	s5 =	simm.s32 $0x80;
	s6 =	simm.s32 $0x800;
	[sflag:s3] =	ssyncadd.s32 $0xFFFFF800  }
0x13: {  	[tilespmem:s6], [sflag:$0x1] =	stream.indirect.gather [hbm4b:s4+s5], $0x40, s2, s5, $0xb8;
	[tilespmem:$0x2800] =	vst v63  }
0x14: {  	_ =	swait.ge [sflag:s7], $0x2000  }
0x15: {  	[sflag:s7] =	ssyncset.done $0x0  }
0x16: {  	s8 =	rddreg [dreg:$0x4];
	[sflag:s7] =	ssyncadd.s32 $0xFFFFE000  }
0x17: {  	[hbm4b:s8+s2] =	stream.linear.scatter [tilespmem:s6], [sflag:$0x2], $0x2000, $0x38;
	[tilespmem:$0x2800] =	vst v63  }
0x18: {  	_ =	swait.ge [sflag:s3], $0x2000  }
0x19: {  	[sflag:s3] =	ssyncset.done $0x0  }
0x1a: {  	[sflag:s3] =	ssyncadd.s32 $0xFFFFE000  }
0x1b: {  	[tilespmem:s6], [sflag:$0x1] =	stream.indirect.gather [hbm4b:s4+s5], $0x40, s5, s5, $0xb8;
	[tilespmem:$0x2800] =	vst v63  }
0x1c: {  	_ =	swait.ge [sflag:s7], $0x2000  }
0x1d: {  	[sflag:s7] =	ssyncset.done $0x0  }
0x1e: {  	s26 =	rddreg [dreg:$0x5];
	[sflag:s7] =	ssyncadd.s32 $0xFFFFE000  }
0x1f: {  	[hbm4b:s26+s2] =	stream.linear.scatter [tilespmem:s6], [sflag:$0x2], $0x2000, $0x38;
	[tilespmem:$0x2800] =	vst v63  }
0x20: {  	_ =	swait.ge [sflag:s3], $0x2000  }
0x21: {  	[sflag:s3] =	ssyncset.done $0x0  }
0x22: {  	s8 =	simm.s32 $0x100;
	[sflag:s3] =	ssyncadd.s32 $0xFFFFE000  }
0x23: {  	[tilespmem:s6], [sflag:$0x1] =	stream.indirect.gather [hbm4b:s4+s5], $0x40, s8, s5, $0xb8;
	[tilespmem:$0x2800] =	vst v63  }
0x24: {  	_ =	swait.ge [sflag:s7], $0x2000  }
0x25: {  	[sflag:s7] =	ssyncset.done $0x0  }
0x26: {  	s9 =	rddreg [dreg:$0x6];
	[sflag:s7] =	ssyncadd.s32 $0xFFFFE000  }
0x27: {  	[hbm4b:s9+s2] =	stream.linear.scatter [tilespmem:s6], [sflag:$0x2], $0x2000, $0x38;
	[tilespmem:$0x2800] =	vst v63  }
0x28: {  	_ =	swait.ge [sflag:s3], $0x2000  }
0x29: {  	[sflag:s3] =	ssyncset.done $0x0  }
0x2a: {  	s9 =	simm.s32 $0x180;
	[sflag:s3] =	ssyncadd.s32 $0xFFFFE000  }
0x2b: {  	[tilespmem:s6], [sflag:$0x1] =	stream.indirect.gather [hbm4b:s4+s5], $0x40, s9, s5, $0xb8;
	[tilespmem:$0x2800] =	vst v63  }
0x2c: {  	_ =	swait.ge [sflag:s7], $0x2000  }
0x2d: {  	[sflag:s7] =	ssyncset.done $0x0  }
0x2e: {  	s10 =	rddreg [dreg:$0x7];
	[sflag:s7] =	ssyncadd.s32 $0xFFFFE000  }
0x2f: {  	[hbm4b:s10+s2] =	stream.linear.scatter [tilespmem:s6], [sflag:$0x2], $0x2000, $0x38;
	[tilespmem:$0x2800] =	vst v63  }
0x30: {  	_ =	swait.ge [sflag:s3], $0x2000  }
0x31: {  	[sflag:s3] =	ssyncset.done $0x0  }
0x32: {  	s10 =	simm.s32 $0x200;
	[sflag:s3] =	ssyncadd.s32 $0xFFFFE000  }
0x33: {  	[tilespmem:s6], [sflag:$0x1] =	stream.indirect.gather [hbm4b:s4+s5], $0x40, s10, s5, $0xb8;
	[tilespmem:$0x2800] =	vst v63  }
0x34: {  	_ =	swait.ge [sflag:s7], $0x2000  }
0x35: {  	[sflag:s7] =	ssyncset.done $0x0  }
0x36: {  	s11 =	rddreg [dreg:$0x8];
	[sflag:s7] =	ssyncadd.s32 $0xFFFFE000  }
0x37: {  	[hbm4b:s11+s2] =	stream.linear.scatter [tilespmem:s6], [sflag:$0x2], $0x2000, $0x38;
	[tilespmem:$0x2800] =	vst v63  }
0x38: {  	_ =	swait.ge [sflag:s3], $0x2000  }
0x39: {  	[sflag:s3] =	ssyncset.done $0x0  }
0x3a: {  	s11 =	simm.s32 $0x280;
	[sflag:s3] =	ssyncadd.s32 $0xFFFFE000  }
0x3b: {  	[tilespmem:s6], [sflag:$0x1] =	stream.indirect.gather [hbm4b:s4+s5], $0x40, s11, s5, $0xb8;
	[tilespmem:$0x2800] =	vst v63  }
0x3c: {  	_ =	swait.ge [sflag:s7], $0x2000  }
0x3d: {  	[sflag:s7] =	ssyncset.done $0x0  }
0x3e: {  	s12 =	rddreg [dreg:$0x9];
	[sflag:s7] =	ssyncadd.s32 $0xFFFFE000  }
0x3f: {  	[hbm4b:s12+s2] =	stream.linear.scatter [tilespmem:s6], [sflag:$0x2], $0x2000, $0x38;
	[tilespmem:$0x2800] =	vst v63  }
0x40: {  	_ =	swait.ge [sflag:s3], $0x2000  }
0x41: {  	[sflag:s3] =	ssyncset.done $0x0  }
0x42: {  	s12 =	simm.s32 $0x300;
	[sflag:s3] =	ssyncadd.s32 $0xFFFFE000  }
0x43: {  	[tilespmem:s6], [sflag:$0x1] =	stream.indirect.gather [hbm4b:s4+s5], $0x40, s12, s5, $0xb8;
	[tilespmem:$0x2800] =	vst v63  }
0x44: {  	_ =	swait.ge [sflag:s7], $0x2000  }
0x45: {  	[sflag:s7] =	ssyncset.done $0x0  }
0x46: {  	s13 =	rddreg [dreg:$0xa];
	[sflag:s7] =	ssyncadd.s32 $0xFFFFE000  }
0x47: {  	[hbm4b:s13+s2] =	stream.linear.scatter [tilespmem:s6], [sflag:$0x2], $0x2000, $0x38;
	[tilespmem:$0x2800] =	vst v63  }
0x48: {  	_ =	swait.ge [sflag:s3], $0x2000  }
0x49: {  	[sflag:s3] =	ssyncset.done $0x0  }
0x4a: {  	s13 =	simm.s32 $0x380;
	[sflag:s3] =	ssyncadd.s32 $0xFFFFE000  }
0x4b: {  	[tilespmem:s6], [sflag:$0x1] =	stream.indirect.gather [hbm4b:s4+s5], $0x40, s13, s5, $0xb8;
	[tilespmem:$0x2800] =	vst v63  }
0x4c: {  	_ =	swait.ge [sflag:s7], $0x2000  }
0x4d: {  	[sflag:s7] =	ssyncset.done $0x0  }
0x4e: {  	s14 =	sadd.s32 $0x10400, s31;
	[sflag:s7] =	ssyncadd.s32 $0xFFFFE000  }
0x4f: {  	[hbm4b:s14+s2] =	stream.linear.scatter [tilespmem:s6], [sflag:$0x2], $0x2000, $0x38;
	[tilespmem:$0x2800] =	vst v63  }
0x50: {  	_ =	swait.ge [sflag:s3], $0x2000  }
0x51: {  	[sflag:s3] =	ssyncset.done $0x0  }
0x52: {  	s15 =	simm.s32 $0x400;
	[sflag:s3] =	ssyncadd.s32 $0xFFFFE000  }
0x53: {  	[tilespmem:s6], [sflag:$0x1] =	stream.indirect.gather [hbm4b:s4+s5], $0x40, s15, s5, $0xb8;
	[tilespmem:$0x2800] =	vst v63  }
0x54: {  	_ =	swait.ge [sflag:s7], $0x2000  }
0x55: {  	[sflag:s7] =	ssyncset.done $0x0  }
0x56: {  	s16 =	sadd.s32 $0x10800, s31;
	[sflag:s7] =	ssyncadd.s32 $0xFFFFE000  }
0x57: {  	[hbm4b:s16+s2] =	stream.linear.scatter [tilespmem:s6], [sflag:$0x2], $0x2000, $0x38;
	[tilespmem:$0x2800] =	vst v63  }
0x58: {  	_ =	swait.ge [sflag:s3], $0x2000  }
0x59: {  	[sflag:s3] =	ssyncset.done $0x0  }
0x5a: {  	s17 =	simm.s32 $0x480;
	[sflag:s3] =	ssyncadd.s32 $0xFFFFE000  }
0x5b: {  	[tilespmem:s6], [sflag:$0x1] =	stream.indirect.gather [hbm4b:s4+s5], $0x40, s17, s5, $0xb8;
	[tilespmem:$0x2800] =	vst v63  }
0x5c: {  	_ =	swait.ge [sflag:s7], $0x2000  }
0x5d: {  	[sflag:s7] =	ssyncset.done $0x0  }
0x5e: {  	s18 =	sadd.s32 $0x10C00, s31;
	[sflag:s7] =	ssyncadd.s32 $0xFFFFE000  }
0x5f: {  	[hbm4b:s18+s2] =	stream.linear.scatter [tilespmem:s6], [sflag:$0x2], $0x2000, $0x38;
	[tilespmem:$0x2800] =	vst v63  }
0x60: {  	_ =	swait.ge [sflag:s3], $0x2000  }
0x61: {  	[sflag:s3] =	ssyncset.done $0x0  }
0x62: {  	s19 =	simm.s32 $0x500;
	[sflag:s3] =	ssyncadd.s32 $0xFFFFE000  }
0x63: {  	[tilespmem:s6], [sflag:$0x1] =	stream.indirect.gather [hbm4b:s4+s5], $0x40, s19, s5, $0xb8;
	[tilespmem:$0x2800] =	vst v63  }
0x64: {  	_ =	swait.ge [sflag:s7], $0x2000  }
0x65: {  	[sflag:s7] =	ssyncset.done $0x0  }
0x66: {  	s20 =	sadd.s32 $0x11000, s31;
	[sflag:s7] =	ssyncadd.s32 $0xFFFFE000  }
0x67: {  	[hbm4b:s20+s2] =	stream.linear.scatter [tilespmem:s6], [sflag:$0x2], $0x2000, $0x38;
	[tilespmem:$0x2800] =	vst v63  }
0x68: {  	_ =	swait.ge [sflag:s3], $0x2000  }
0x69: {  	[sflag:s3] =	ssyncset.done $0x0  }
0x6a: {  	s21 =	simm.s32 $0x580;
	[sflag:s3] =	ssyncadd.s32 $0xFFFFE000  }
0x6b: {  	[tilespmem:s6], [sflag:$0x1] =	stream.indirect.gather [hbm4b:s4+s5], $0x40, s21, s5, $0xb8;
	[tilespmem:$0x2800] =	vst v63  }
0x6c: {  	_ =	swait.ge [sflag:s7], $0x2000  }
0x6d: {  	[sflag:s7] =	ssyncset.done $0x0  }
0x6e: {  	s22 =	sadd.s32 $0x11400, s31;
	[sflag:s7] =	ssyncadd.s32 $0xFFFFE000  }
0x6f: {  	[hbm4b:s22+s2] =	stream.linear.scatter [tilespmem:s6], [sflag:$0x2], $0x2000, $0x38;
	[tilespmem:$0x2800] =	vst v63  }
0x70: {  	_ =	swait.ge [sflag:s3], $0x2000  }
0x71: {  	[sflag:s3] =	ssyncset.done $0x0  }
0x72: {  	s23 =	simm.s32 $0x600;
	[sflag:s3] =	ssyncadd.s32 $0xFFFFE000  }
0x73: {  	[tilespmem:s6], [sflag:$0x1] =	stream.indirect.gather [hbm4b:s4+s5], $0x40, s23, s5, $0xb8;
	[tilespmem:$0x2800] =	vst v63  }
0x74: {  	_ =	swait.ge [sflag:s7], $0x2000  }
0x75: {  	[sflag:s7] =	ssyncset.done $0x0  }
0x76: {  	s24 =	sadd.s32 $0x11800, s31;
	[sflag:s7] =	ssyncadd.s32 $0xFFFFE000  }
0x77: {  	[hbm4b:s24+s2] =	stream.linear.scatter [tilespmem:s6], [sflag:$0x2], $0x2000, $0x38;
	[tilespmem:$0x2800] =	vst v63  }
0x78: {  	_ =	swait.ge [sflag:s3], $0x2000  }
0x79: {  	[sflag:s3] =	ssyncset.done $0x0  }
0x7a: {  	s25 =	simm.s32 $0x680;
	[sflag:s3] =	ssyncadd.s32 $0xFFFFE000  }
0x7b: {  	[tilespmem:s6], [sflag:$0x1] =	stream.indirect.gather [hbm4b:s4+s5], $0x40, s25, s5, $0xb8;
	[tilespmem:$0x2800] =	vst v63  }
0x7c: {  	_ =	swait.ge [sflag:s7], $0x2000  }
0x7d: {  	[sflag:s7] =	ssyncset.done $0x0  }
0x7e: {  	s26 =	sadd.s32 $0x11C00, s31;
	[sflag:s7] =	ssyncadd.s32 $0xFFFFE000  }
0x7f: {  	[hbm4b:s26+s2] =	stream.linear.scatter [tilespmem:s6], [sflag:$0x2], $0x2000, $0x38;
	[tilespmem:$0x2800] =	vst v63  }
0x80: {  	_ =	swait.ge [sflag:s3], $0x2000  }
0x81: {  	[sflag:s3] =	ssyncset.done $0x0  }
0x82: {  	s28 =	simm.s32 $0x700;
	[sflag:s3] =	ssyncadd.s32 $0xFFFFE000  }
0x83: {  	[tilespmem:s6], [sflag:$0x1] =	stream.indirect.gather [hbm4b:s4+s5], $0x40, s28, s5, $0xb8;
	[tilespmem:$0x2800] =	vst v63  }
0x84: {  	_ =	swait.ge [sflag:s7], $0x2000  }
0x85: {  	s1 =	ssub.s32 $0x2, s1;
	[sflag:s7] =	ssyncset.done $0x0  }
0x86: {  	s0 =	sshrl.u32 s1, $0x1;
	s29 =	sadd.s32 $0x12000, s31;
	[sflag:s7] =	ssyncadd.s32 $0xFFFFE000  }
0x87: {  	[hbm4b:s29+s2] =	stream.linear.scatter [tilespmem:s6], [sflag:$0x2], $0x2000, $0x38;
	[tilespmem:$0x2800] =	vst v63  }
0x88: {  	s0 =	ssub.s32 s1, s0;
	_ =	swait.ge [sflag:s3], $0x2000  }
0x89: {  	s0 =	smax.u32 s0, $0x1;
	[sflag:s3] =	ssyncset.done $0x0  }
0x8a: {  	s30 =	simm.s32 $0x780;
	p0 =	sne.s32 s0, $0x1;
	[sflag:s3] =	ssyncadd.s32 $0xFFFFE000  }
0x8b: {  	[tilespmem:s6], [sflag:$0x1] =	stream.indirect.gather [hbm4b:s4+s5], $0x40, s30, s5, $0xb8;
	[tilespmem:$0x2800] =	vst v63  }
.Ltmp0:
0x8c: {  	_ =	swait.ge [sflag:s7], $0x2000;
	(pc) =	sbr.rel @!p0 .LBB2_2-.Ltmp0, $4  }
0x8d: {  	[sflag:s7] =	ssyncset.done $0x0  }
0x8e: {  	s31 =	sadd.s32 $0x12400, s31;
	[sflag:s7] =	ssyncadd.s32 $0xFFFFE000  }
0x8f: {  	[hbm4b:s31+s2] =	stream.linear.scatter [tilespmem:s6], [sflag:$0x2], $0x2000, $0x38;
	[tilespmem:$0x2800] =	vst v63  }
0x90: {  	s1 =	sadd.s32 $0xFFFFFFFF, s0;
	_ =	swait.ge [sflag:s3], $0x2000  }
.LBB2_1:
0x91: {  	[sflag:s3] =	ssyncset.done $0x0  }
0x92: {  	s0 =	rddreg [dreg:$0x3];
	[sflag:s3] =	ssyncadd.s32 $0xFFFFE000  }
0x93: {  	[tilespmem:s2], [sflag:$0x2] =	stream.linear.gather [hbm4b:s0+s2], $0x800, $0x38;
	[tilespmem:$0x2800] =	vst v63  }
0x94: {  	_ =	swait.ge [sflag:s3], $0x800  }
0x95: {  	[sflag:s3] =	ssyncset.done $0x0  }
0x96: {  	[sflag:s3] =	ssyncadd.s32 $0xFFFFF800  }
0x97: {  	[tilespmem:s6], [sflag:$0x1] =	stream.indirect.gather [hbm4b:s4+s5], $0x40, s2, s5, $0xb8;
	[tilespmem:$0x2800] =	vst v63  }
0x98: {  	_ =	swait.ge [sflag:s7], $0x2000  }
0x99: {  	[sflag:s7] =	ssyncset.done $0x0  }
0x9a: {  	s0 =	rddreg [dreg:$0x4];
	[sflag:s7] =	ssyncadd.s32 $0xFFFFE000  }
0x9b: {  	[hbm4b:s0+s2] =	stream.linear.scatter [tilespmem:s6], [sflag:$0x2], $0x2000, $0x38;
	[tilespmem:$0x2800] =	vst v63  }
0x9c: {  	_ =	swait.ge [sflag:s3], $0x2000  }
0x9d: {  	[sflag:s3] =	ssyncset.done $0x0  }
0x9e: {  	[sflag:s3] =	ssyncadd.s32 $0xFFFFE000  }
0x9f: {  	[tilespmem:s6], [sflag:$0x1] =	stream.indirect.gather [hbm4b:s4+s5], $0x40, s5, s5, $0xb8;
	[tilespmem:$0x2800] =	vst v63  }
0xa0: {  	_ =	swait.ge [sflag:s7], $0x2000  }
0xa1: {  	[sflag:s7] =	ssyncset.done $0x0  }
0xa2: {  	s0 =	rddreg [dreg:$0x5];
	[sflag:s7] =	ssyncadd.s32 $0xFFFFE000  }
0xa3: {  	[hbm4b:s0+s2] =	stream.linear.scatter [tilespmem:s6], [sflag:$0x2], $0x2000, $0x38;
	[tilespmem:$0x2800] =	vst v63  }
0xa4: {  	_ =	swait.ge [sflag:s3], $0x2000  }
0xa5: {  	[sflag:s3] =	ssyncset.done $0x0  }
0xa6: {  	[sflag:s3] =	ssyncadd.s32 $0xFFFFE000  }
0xa7: {  	[tilespmem:s6], [sflag:$0x1] =	stream.indirect.gather [hbm4b:s4+s5], $0x40, s8, s5, $0xb8;
	[tilespmem:$0x2800] =	vst v63  }
0xa8: {  	_ =	swait.ge [sflag:s7], $0x2000  }
0xa9: {  	[sflag:s7] =	ssyncset.done $0x0  }
0xaa: {  	s0 =	rddreg [dreg:$0x6];
	[sflag:s7] =	ssyncadd.s32 $0xFFFFE000  }
0xab: {  	[hbm4b:s0+s2] =	stream.linear.scatter [tilespmem:s6], [sflag:$0x2], $0x2000, $0x38;
	[tilespmem:$0x2800] =	vst v63  }
0xac: {  	_ =	swait.ge [sflag:s3], $0x2000  }
0xad: {  	[sflag:s3] =	ssyncset.done $0x0  }
0xae: {  	[sflag:s3] =	ssyncadd.s32 $0xFFFFE000  }
0xaf: {  	[tilespmem:s6], [sflag:$0x1] =	stream.indirect.gather [hbm4b:s4+s5], $0x40, s9, s5, $0xb8;
	[tilespmem:$0x2800] =	vst v63  }
0xb0: {  	_ =	swait.ge [sflag:s7], $0x2000  }
0xb1: {  	[sflag:s7] =	ssyncset.done $0x0  }
0xb2: {  	s0 =	rddreg [dreg:$0x7];
	[sflag:s7] =	ssyncadd.s32 $0xFFFFE000  }
0xb3: {  	[hbm4b:s0+s2] =	stream.linear.scatter [tilespmem:s6], [sflag:$0x2], $0x2000, $0x38;
	[tilespmem:$0x2800] =	vst v63  }
0xb4: {  	_ =	swait.ge [sflag:s3], $0x2000  }
0xb5: {  	[sflag:s3] =	ssyncset.done $0x0  }
0xb6: {  	[sflag:s3] =	ssyncadd.s32 $0xFFFFE000  }
0xb7: {  	[tilespmem:s6], [sflag:$0x1] =	stream.indirect.gather [hbm4b:s4+s5], $0x40, s10, s5, $0xb8;
	[tilespmem:$0x2800] =	vst v63  }
0xb8: {  	_ =	swait.ge [sflag:s7], $0x2000  }
0xb9: {  	[sflag:s7] =	ssyncset.done $0x0  }
0xba: {  	s0 =	rddreg [dreg:$0x8];
	[sflag:s7] =	ssyncadd.s32 $0xFFFFE000  }
0xbb: {  	[hbm4b:s0+s2] =	stream.linear.scatter [tilespmem:s6], [sflag:$0x2], $0x2000, $0x38;
	[tilespmem:$0x2800] =	vst v63  }
0xbc: {  	_ =	swait.ge [sflag:s3], $0x2000  }
0xbd: {  	[sflag:s3] =	ssyncset.done $0x0  }
0xbe: {  	[sflag:s3] =	ssyncadd.s32 $0xFFFFE000  }
0xbf: {  	[tilespmem:s6], [sflag:$0x1] =	stream.indirect.gather [hbm4b:s4+s5], $0x40, s11, s5, $0xb8;
	[tilespmem:$0x2800] =	vst v63  }
0xc0: {  	_ =	swait.ge [sflag:s7], $0x2000  }
0xc1: {  	[sflag:s7] =	ssyncset.done $0x0  }
0xc2: {  	s0 =	rddreg [dreg:$0x9];
	[sflag:s7] =	ssyncadd.s32 $0xFFFFE000  }
0xc3: {  	[hbm4b:s0+s2] =	stream.linear.scatter [tilespmem:s6], [sflag:$0x2], $0x2000, $0x38;
	[tilespmem:$0x2800] =	vst v63  }
0xc4: {  	_ =	swait.ge [sflag:s3], $0x2000  }
0xc5: {  	[sflag:s3] =	ssyncset.done $0x0  }
0xc6: {  	[sflag:s3] =	ssyncadd.s32 $0xFFFFE000  }
0xc7: {  	[tilespmem:s6], [sflag:$0x1] =	stream.indirect.gather [hbm4b:s4+s5], $0x40, s12, s5, $0xb8;
	[tilespmem:$0x2800] =	vst v63  }
0xc8: {  	_ =	swait.ge [sflag:s7], $0x2000  }
0xc9: {  	[sflag:s7] =	ssyncset.done $0x0  }
0xca: {  	s0 =	rddreg [dreg:$0xa];
	[sflag:s7] =	ssyncadd.s32 $0xFFFFE000  }
0xcb: {  	[hbm4b:s0+s2] =	stream.linear.scatter [tilespmem:s6], [sflag:$0x2], $0x2000, $0x38;
	[tilespmem:$0x2800] =	vst v63  }
0xcc: {  	_ =	swait.ge [sflag:s3], $0x2000  }
0xcd: {  	[sflag:s3] =	ssyncset.done $0x0  }
0xce: {  	[sflag:s3] =	ssyncadd.s32 $0xFFFFE000  }
0xcf: {  	[tilespmem:s6], [sflag:$0x1] =	stream.indirect.gather [hbm4b:s4+s5], $0x40, s13, s5, $0xb8;
	[tilespmem:$0x2800] =	vst v63  }
0xd0: {  	_ =	swait.ge [sflag:s7], $0x2000  }
0xd1: {  	[sflag:s7] =	ssyncset.done $0x0  }
0xd2: {  	[sflag:s7] =	ssyncadd.s32 $0xFFFFE000  }
0xd3: {  	[hbm4b:s14+s2] =	stream.linear.scatter [tilespmem:s6], [sflag:$0x2], $0x2000, $0x38;
	[tilespmem:$0x2800] =	vst v63  }
0xd4: {  	_ =	swait.ge [sflag:s3], $0x2000  }
0xd5: {  	[sflag:s3] =	ssyncset.done $0x0  }
0xd6: {  	[sflag:s3] =	ssyncadd.s32 $0xFFFFE000  }
0xd7: {  	[tilespmem:s6], [sflag:$0x1] =	stream.indirect.gather [hbm4b:s4+s5], $0x40, s15, s5, $0xb8;
	[tilespmem:$0x2800] =	vst v63  }
0xd8: {  	_ =	swait.ge [sflag:s7], $0x2000  }
0xd9: {  	[sflag:s7] =	ssyncset.done $0x0  }
0xda: {  	[sflag:s7] =	ssyncadd.s32 $0xFFFFE000  }
0xdb: {  	[hbm4b:s16+s2] =	stream.linear.scatter [tilespmem:s6], [sflag:$0x2], $0x2000, $0x38;
	[tilespmem:$0x2800] =	vst v63  }
0xdc: {  	_ =	swait.ge [sflag:s3], $0x2000  }
0xdd: {  	[sflag:s3] =	ssyncset.done $0x0  }
0xde: {  	[sflag:s3] =	ssyncadd.s32 $0xFFFFE000  }
0xdf: {  	[tilespmem:s6], [sflag:$0x1] =	stream.indirect.gather [hbm4b:s4+s5], $0x40, s17, s5, $0xb8;
	[tilespmem:$0x2800] =	vst v63  }
0xe0: {  	_ =	swait.ge [sflag:s7], $0x2000  }
0xe1: {  	[sflag:s7] =	ssyncset.done $0x0  }
0xe2: {  	[sflag:s7] =	ssyncadd.s32 $0xFFFFE000  }
0xe3: {  	[hbm4b:s18+s2] =	stream.linear.scatter [tilespmem:s6], [sflag:$0x2], $0x2000, $0x38;
	[tilespmem:$0x2800] =	vst v63  }
0xe4: {  	_ =	swait.ge [sflag:s3], $0x2000  }
0xe5: {  	[sflag:s3] =	ssyncset.done $0x0  }
0xe6: {  	[sflag:s3] =	ssyncadd.s32 $0xFFFFE000  }
0xe7: {  	[tilespmem:s6], [sflag:$0x1] =	stream.indirect.gather [hbm4b:s4+s5], $0x40, s19, s5, $0xb8;
	[tilespmem:$0x2800] =	vst v63  }
0xe8: {  	_ =	swait.ge [sflag:s7], $0x2000  }
0xe9: {  	[sflag:s7] =	ssyncset.done $0x0  }
0xea: {  	[sflag:s7] =	ssyncadd.s32 $0xFFFFE000  }
0xeb: {  	[hbm4b:s20+s2] =	stream.linear.scatter [tilespmem:s6], [sflag:$0x2], $0x2000, $0x38;
	[tilespmem:$0x2800] =	vst v63  }
0xec: {  	_ =	swait.ge [sflag:s3], $0x2000  }
0xed: {  	[sflag:s3] =	ssyncset.done $0x0  }
0xee: {  	[sflag:s3] =	ssyncadd.s32 $0xFFFFE000  }
0xef: {  	[tilespmem:s6], [sflag:$0x1] =	stream.indirect.gather [hbm4b:s4+s5], $0x40, s21, s5, $0xb8;
	[tilespmem:$0x2800] =	vst v63  }
0xf0: {  	_ =	swait.ge [sflag:s7], $0x2000  }
0xf1: {  	[sflag:s7] =	ssyncset.done $0x0  }
0xf2: {  	[sflag:s7] =	ssyncadd.s32 $0xFFFFE000  }
0xf3: {  	[hbm4b:s22+s2] =	stream.linear.scatter [tilespmem:s6], [sflag:$0x2], $0x2000, $0x38;
	[tilespmem:$0x2800] =	vst v63  }
0xf4: {  	_ =	swait.ge [sflag:s3], $0x2000  }
0xf5: {  	[sflag:s3] =	ssyncset.done $0x0  }
0xf6: {  	[sflag:s3] =	ssyncadd.s32 $0xFFFFE000  }
0xf7: {  	[tilespmem:s6], [sflag:$0x1] =	stream.indirect.gather [hbm4b:s4+s5], $0x40, s23, s5, $0xb8;
	[tilespmem:$0x2800] =	vst v63  }
0xf8: {  	_ =	swait.ge [sflag:s7], $0x2000  }
0xf9: {  	[sflag:s7] =	ssyncset.done $0x0  }
0xfa: {  	[sflag:s7] =	ssyncadd.s32 $0xFFFFE000  }
0xfb: {  	[hbm4b:s24+s2] =	stream.linear.scatter [tilespmem:s6], [sflag:$0x2], $0x2000, $0x38;
	[tilespmem:$0x2800] =	vst v63  }
0xfc: {  	_ =	swait.ge [sflag:s3], $0x2000  }
0xfd: {  	[sflag:s3] =	ssyncset.done $0x0  }
0xfe: {  	[sflag:s3] =	ssyncadd.s32 $0xFFFFE000  }
0xff: {  	[tilespmem:s6], [sflag:$0x1] =	stream.indirect.gather [hbm4b:s4+s5], $0x40, s25, s5, $0xb8;
	[tilespmem:$0x2800] =	vst v63  }
0x100: {  	_ =	swait.ge [sflag:s7], $0x2000  }
0x101: {  	[sflag:s7] =	ssyncset.done $0x0  }
0x102: {  	[sflag:s7] =	ssyncadd.s32 $0xFFFFE000  }
0x103: {  	[hbm4b:s26+s2] =	stream.linear.scatter [tilespmem:s6], [sflag:$0x2], $0x2000, $0x38;
	[tilespmem:$0x2800] =	vst v63  }
0x104: {  	_ =	swait.ge [sflag:s3], $0x2000  }
0x105: {  	[sflag:s3] =	ssyncset.done $0x0  }
0x106: {  	[sflag:s3] =	ssyncadd.s32 $0xFFFFE000  }
0x107: {  	[tilespmem:s6], [sflag:$0x1] =	stream.indirect.gather [hbm4b:s4+s5], $0x40, s28, s5, $0xb8;
	[tilespmem:$0x2800] =	vst v63  }
0x108: {  	_ =	swait.ge [sflag:s7], $0x2000  }
0x109: {  	[sflag:s7] =	ssyncset.done $0x0  }
0x10a: {  	[sflag:s7] =	ssyncadd.s32 $0xFFFFE000  }
0x10b: {  	[hbm4b:s29+s2] =	stream.linear.scatter [tilespmem:s6], [sflag:$0x2], $0x2000, $0x38;
	[tilespmem:$0x2800] =	vst v63  }
0x10c: {  	_ =	swait.ge [sflag:s3], $0x2000  }
0x10d: {  	[sflag:s3] =	ssyncset.done $0x0  }
0x10e: {  	p0 =	sne.s32 s1, $0x1;
	[sflag:s3] =	ssyncadd.s32 $0xFFFFE000  }
0x10f: {  	[tilespmem:s6], [sflag:$0x1] =	stream.indirect.gather [hbm4b:s4+s5], $0x40, s30, s5, $0xb8;
	[tilespmem:$0x2800] =	vst v63  }
.Ltmp1:
0x110: {  	_ =	swait.ge [sflag:s7], $0x2000;
	(pc) =	sbr.rel @p0 .LBB2_1-.Ltmp1, $4  }
0x111: {  	[sflag:s7] =	ssyncset.done $0x0  }
0x112: {  	[sflag:s7] =	ssyncadd.s32 $0xFFFFE000  }
0x113: {  	[hbm4b:s31+s2] =	stream.linear.scatter [tilespmem:s6], [sflag:$0x2], $0x2000, $0x38;
	[tilespmem:$0x2800] =	vst v63  }
0x114: {  	s1 =	sadd.s32 $0xFFFFFFFF, s1;
	_ =	swait.ge [sflag:s3], $0x2000  }
.LBB2_2:
0x115: {  	[sflag:s3] =	ssyncset.done $0x0  }
0x116: {  	[sflag:s3] =	ssyncadd.s32 $0xFFFFE000  }
0x117: {  	_ =	sfence.sel $0x180000  }
0x118: {  	[bflag:$0x0] =	sbarrier.arrive $0xFFFF  }
0x119: {  	_ =	strace $0x9000004D  }
0x11a: {  	s0 =	stileid.u32;
	[bflag:$0x2] =	sbarrier.arrive $0xFFFF  }
0x11b: {  	p0 =	sne.s32 s0, $0x0;
	s0 =	rddreg [dreg:$0x2]  }
0x11c: {  	s0 =	sadd.s32 @!p0 $0x100000, s0  }
0x11d: {  	[sflag:s0] =	ssyncadd.tile.s32 @!p0 $0x1;
	_ =	shalt  }
.Lfunc_end2:
_tile_overlayer_lowered:
.L_overlay_start_2:
0x11e: {  	(tag) =	ssettag $0x2  }
0x11f: {  	s0 =	rddreg [dreg:$0x0];
	s2 =	stileid.u32  }
0x120: {  	s1 =	rddreg [dreg:$0x1];
	p0 =	sne.s32 s2, $0x0  }
0x121: {  	s3 =	rddreg [dreg:$0x2];
	[bflag:$0x3] =	sbarrier.arrive $0xFFFF;
	s2 =	simm.s32 @!p0 $0x1C02  }
0x122: {  	[timem:s3], [sflag:s2] =	dma.local @!p0 [hbm:s0], s1  }
0x123: {  	s0 =	simm.s32 @!p0 $0x2  }
0x124: {  	_ =	swait.ge @!p0 [sflag:s0], s1  }
0x125: {  	s1 =	ssub.s32 @!p0 $0x0, s1;
	[sflag:s0] =	ssyncset.done @!p0 $0x0  }
0x126: {  	[sflag:s0] =	ssyncadd.s32 @!p0 s1  }
0x127: {  	[bflag:$0x3] =	sbarrier.arrive $0xFFFF  }
0x128: {  	_ =	shalt  }

</sc_bundles>
